<compile_context>
chip_gen: v7x
topology: tpu7x:2x2x1
jax: 0.10.2.dev20260603
libtpu: 0.0.44.dev20260713+nightly
codegen_flags: <defaults>
</compile_context>

<pallas_src>
import functools

import jax
import jax.numpy as jnp
from jax import lax
from jax.experimental import pallas as pl
from jax.experimental.pallas import tpu as pltpu
from jax.experimental.pallas import tpu_sc as plsc

V = 100000
D = 64
NB = 781
TAIL0 = NB * 128
TAILW = V - TAIL0
P = V // 2
NC = 2
NS = 16
NW = NC * NS
NBIG = NB - NW * (NB // NW)
CP = pltpu.CompilerParams(use_tc_tiling_on_sc=True, needs_layout_passes=False)


def _worker_range(wid):
    n = jnp.where(wid < NBIG, NB // NW + 1, NB // NW)
    start = jnp.where(
        wid < NBIG, (NB // NW + 1) * wid, NB // NW * wid + NBIG
    )
    return start, n


def _iota16():
    return lax.iota(jnp.int32, 16)


def _diag_vecs():
    io = _iota16()
    return io, io ^ 1, io // 2, io % 2


@functools.cache
def _ka():
    mesh = plsc.VectorSubcoreMesh(core_axis_name="c", subcore_axis_name="s")

    @functools.partial(
        pl.kernel,
        mesh=mesh,
        out_type=jax.ShapeDtypeStruct((P, 128), jnp.float32),
        scratch_types=[
            pltpu.VMEM((D, 128), jnp.float32),
            pltpu.VMEM((D, 128), jnp.float32),
            pltpu.VMEM((D, 128), jnp.float32),
            pltpu.VMEM((D, 128), jnp.float32),
            pltpu.VMEM((D, TAILW), jnp.float32),
            pltpu.VMEM((TAILW // 2, 128), jnp.float32),
            pltpu.SemaphoreType.DMA,
            pltpu.SemaphoreType.DMA,
            pltpu.SemaphoreType.DMA,
            pltpu.SemaphoreType.DMA,
        ],
        compiler_params=CP,
    )
    def transpose_kernel(
        wt_hbm, pairs_hbm, a0, a1, b0, b1, atail, btail, g0, g1, w0, w1
    ):
        wid = lax.axis_index("s") * NC + lax.axis_index("c")
        start, n = _worker_range(wid)
        ablk = (a0, a1)
        bblk = (b0, b1)
        gsem = (g0, g1)
        wsem = (w0, w1)
        io, ix, i2, m2 = _diag_vecs()

        def in_dma(k, par):
            return pltpu.async_copy(
                wt_hbm.at[:, pl.ds((start + k) * 128, 128)], ablk[par], gsem[par]
            )

        def out_dma(k, par):
            return pltpu.async_copy(
                bblk[par], pairs_hbm.at[pl.ds((start + k) * 64, 64)], wsem[par]
            )

        def permute(src, dst, q0, qmask):
            qv = (q0 + i2) & qmask
            cv = 2 * qv + m2
            for t in range(4):
                for rv in (16 * t + io, 16 * t + ix):
                    wv = rv + 64 * m2
                    vals = plsc.load_gather(src, [rv, cv])
                    plsc.store_scatter(dst, [qv, wv], vals)

        in_dma(0, 0)

        @pl.when(n > 1)
        def _():
            in_dma(1, 1)

        def body(i, carry):
            for par in range(2):
                k = 2 * i + par

                @pl.when(k < n)
                def _():
                    pltpu.make_async_copy(
                        wt_hbm.at[:, pl.ds(0, 128)], ablk[par], gsem[par]
                    ).wait()

                    @pl.when(k >= 2)
                    def _():
                        pltpu.make_async_copy(
                            bblk[par], pairs_hbm.at[pl.ds(0, 64)], wsem[par]
                        ).wait()

                    @plsc.parallel_loop(0, D, unroll=2)
                    def _(q0):
                        permute(ablk[par], bblk[par], q0, 63)

                    out_dma(k, par)

                    @pl.when(k + 2 < n)
                    def _():
                        in_dma(k + 2, par)

            return carry

        lax.fori_loop(0, 13, body, 0)
        for par in range(2):

            @pl.when(n > par)
            def _():
                pltpu.make_async_copy(
                    bblk[par], pairs_hbm.at[pl.ds(0, 64)], wsem[par]
                ).wait()

        @pl.when(wid == NW - 1)
        def _():
            pltpu.sync_copy(wt_hbm.at[:, pl.ds(TAIL0, TAILW)], atail)

            @plsc.parallel_loop(0, TAILW // 2, unroll=2)
            def _(q0):
                permute(atail, btail, q0, TAILW // 2 - 1)

            pltpu.sync_copy(btail, pairs_hbm.at[pl.ds(P - TAILW // 2, TAILW // 2)])

    return transpose_kernel


@functools.cache
def _kb():
    mesh = plsc.VectorSubcoreMesh(core_axis_name="c", subcore_axis_name="s")

    @functools.partial(
        pl.kernel,
        mesh=mesh,
        out_type=jax.ShapeDtypeStruct((D, V), jnp.float32),
        scratch_types=[
            pltpu.VMEM((3200,), jnp.int32),
            pltpu.VMEM((128,), jnp.int32),
            pltpu.VMEM((128,), jnp.int32),
            pltpu.VMEM((128,), jnp.int32),
            pltpu.VMEM((128, 128), jnp.float32),
            pltpu.VMEM((128, 128), jnp.float32),
            pltpu.VMEM((128, 128), jnp.float32),
            pltpu.VMEM((D, 128), jnp.float32),
            pltpu.VMEM((D, 128), jnp.float32),
            pltpu.VMEM((TAILW,), jnp.int32),
            pltpu.VMEM((TAILW,), jnp.int32),
            pltpu.VMEM((TAILW, 128), jnp.float32),
            pltpu.VMEM((D, TAILW), jnp.float32),
            pltpu.SemaphoreType.DMA,
            pltpu.SemaphoreType.DMA,
            pltpu.SemaphoreType.DMA,
            pltpu.SemaphoreType.DMA,
            pltpu.SemaphoreType.DMA,
            pltpu.SemaphoreType.DMA,
        ],
        compiler_params=CP,
    )
    def gather_kernel(
        pairs_hbm,
        idx_hbm,
        out_hbm,
        cidx,
        p0,
        p1,
        p2,
        gb0,
        gb1,
        gb2,
        ob0,
        ob1,
        cidxt,
        pidxt,
        gtail,
        otail,
        g0,
        g1,
        g2,
        w0,
        w1,
        tsem,
    ):
        wid = lax.axis_index("s") * NC + lax.axis_index("c")
        start, n = _worker_range(wid)
        bufst = jnp.minimum(start, NB - 25)
        lo = start - bufst
        pidx = (p0, p1, p2)
        gblk = (gb0, gb1, gb2)
        oblk = (ob0, ob1)
        gsem = (g0, g1, g2)
        wsem = (w0, w1)
        io = _iota16()

        pltpu.sync_copy(idx_hbm.at[pl.ds(bufst * 128, 3200)], cidx)

        def compute_pidx_and_fire(k, par):
            base = (lo + k) * 128
            for g in range(8):
                pidx[par][pl.ds(16 * g, 16)] = (
                    cidx[pl.ds(base + 16 * g, 16)] >> 1
                )
            pltpu.async_copy(pairs_hbm.at[pidx[par]], gblk[par], gsem[par])

        compute_pidx_and_fire(0, 0)

        @pl.when(n > 1)
        def _():
            compute_pidx_and_fire(1, 1)

        @pl.when(n > 2)
        def _():
            compute_pidx_and_fire(2, 2)

        def body(i, carry):
            for j in range(6):
                k = 6 * i + j
                p3 = j % 3
                pr = j % 2

                @pl.when(k < n)
                def _():
                    pltpu.make_async_copy(
                        pairs_hbm.at[pidx[p3]], gblk[p3], gsem[p3]
                    ).wait()

                    @pl.when(k >= 2)
                    def _():
                        pltpu.make_async_copy(
                            oblk[pr], out_hbm.at[:, pl.ds(0, 128)], wsem[pr]
                        ).wait()

                    base = (lo + k) * 128
                    h64 = tuple(
                        (cidx[pl.ds(base + 16 * g, 16)] & 1) << 6
                        for g in range(8)
                    )

                    @plsc.parallel_loop(0, D, unroll=2)
                    def _(f0):
                        fv = (f0 + io) & 63
                        for g in range(8):
                            vals = plsc.load_gather(
                                gblk[p3], [16 * g + io, h64[g] + fv]
                            )
                            plsc.store_scatter(
                                oblk[pr], [fv, 16 * g + io], vals
                            )
                    pltpu.async_copy(
                        oblk[pr],
                        out_hbm.at[:, pl.ds((start + k) * 128, 128)],
                        wsem[pr],
                    )

                    @pl.when(k + 3 < n)
                    def _():
                        compute_pidx_and_fire(k + 3, p3)

            return carry

        lax.fori_loop(0, 5, body, 0)
        for par in range(2):

            @pl.when(n > par)
            def _():
                pltpu.make_async_copy(
                    oblk[par], out_hbm.at[:, pl.ds(0, 128)], wsem[par]
                ).wait()

        @pl.when(wid == NW - 1)
        def _():
            pltpu.sync_copy(idx_hbm.at[pl.ds(TAIL0, TAILW)], cidxt)
            for g in range(2):
                pidxt[pl.ds(16 * g, 16)] = cidxt[pl.ds(16 * g, 16)] >> 1
            pltpu.async_copy(pairs_hbm.at[pidxt], gtail, tsem).wait()
            h64t = tuple(
                (cidxt[pl.ds(16 * g, 16)] & 1) << 6 for g in range(2)
            )

            @plsc.parallel_loop(0, D, unroll=2)
            def _(f0):
                fv = (f0 + io) & 63
                for g in range(2):
                    vals = plsc.load_gather(
                        gtail, [16 * g + io, h64t[g] + fv]
                    )
                    plsc.store_scatter(otail, [fv, 16 * g + io], vals)
            pltpu.sync_copy(otail, out_hbm.at[:, pl.ds(TAIL0, TAILW)])

    return gather_kernel


def kernel(x, emb_weight):
    idx = x[:, 0].astype(jnp.int32)
    wt = emb_weight.T
    pairs = _ka()(wt)
    out_t = _kb()(pairs, idx)
    return out_t.T

# --- scband reference (transcript-rebuilt; emitter-appended) ---
"""Pipeline reference for scband-integer-feature-encoder-21887153340953 (READ-ONLY COPY).

The authoritative reference and input builder live on the scoring server;
editing this copy changes nothing except your own understanding.
"""

import jax, jax.numpy as jnp
import numpy as np

EMB_DIM = 64
NUM_CLASSES = 100000
N = 100000

def setup_inputs(seed: int = 0) -> dict:
    key = jax.random.key(seed)
    k1, k2 = jax.random.split(key)
    x = jax.random.randint(k1, (N, 2), 0, NUM_CLASSES, dtype=jnp.int64) if jax.config.jax_enable_x64 else jax.random.randint(k1, (N, 2), 0, NUM_CLASSES, dtype=jnp.int32)
    # Xavier uniform init for embedding table [num_classes, emb_dim]
    bound = float(np.sqrt(6.0 / (NUM_CLASSES + EMB_DIM)))
    emb_weight = jax.random.uniform(k2, (NUM_CLASSES, EMB_DIM), dtype=jnp.float32, minval=-bound, maxval=bound)
    return {"x": x, "emb_weight": emb_weight}

def reference(x, emb_weight):
    # forward: embedding lookup on first column of x
    idx = x[:, 0].astype(jnp.int32)
    return jnp.take(emb_weight, idx, axis=0)

if __name__ == "__main__":
    import jax
    _d = setup_inputs()
    print(jax.jit(kernel)(*tuple(_d.values())))

</pallas_src>

<mosaic_0001>
#map = affine_map<(d0, d1) -> (0, 0)>
module attributes {stable_mosaic.version = 14 : i64} {
  func.func @transpose_kernel(%arg0: i32, %arg1: i32, %arg2: memref<64x100000xf32, #tpu.memory_space<hbm>>, %arg3: memref<50000x128xf32, #tpu.memory_space<hbm>>, %arg4: memref<64x128xf32, #tpu.memory_space<vmem>>, %arg5: memref<64x128xf32, #tpu.memory_space<vmem>>, %arg6: memref<64x128xf32, #tpu.memory_space<vmem>>, %arg7: memref<64x128xf32, #tpu.memory_space<vmem>>, %arg8: memref<64x32xf32, #tpu.memory_space<vmem>>, %arg9: memref<16x128xf32, #tpu.memory_space<vmem>>, %arg10: memref<!tpu.dma_semaphore, #tpu.memory_space<semaphore_mem>>, %arg11: memref<!tpu.dma_semaphore, #tpu.memory_space<semaphore_mem>>, %arg12: memref<!tpu.dma_semaphore, #tpu.memory_space<semaphore_mem>>, %arg13: memref<!tpu.dma_semaphore, #tpu.memory_space<semaphore_mem>>) attributes {dimension_semantics = [#tpu.dimension_semantics<core_parallel>, #tpu.dimension_semantics<subcore_parallel>], iteration_bounds = array<i64: 2, 16>, scalar_prefetch = 0 : i64, scratch_operands = 10 : i64, tpu.core_type = #tpu.core_type<sc_vector_subcore>, window_params = [{transform_indices = #map}, {transform_indices = #map}]} {
    %mul3A = arith.constant 2 : i32
    %mul3A_0 = arith.muli %arg1, %mul3A : i32
    %add3A = arith.addi %mul3A_0, %arg0 : i32
    %lt3A = arith.constant 13 : i32
    %lt3A_1 = arith.cmpi slt, %add3A, %lt3A : i32
    %jit3A = arith.constant 25 : i32
    %jit3A_2 = arith.constant 24 : i32
    %select_n3A = arith.select %lt3A_1, %jit3A, %jit3A_2 : i32
    %lt3A_3 = arith.constant 13 : i32
    %lt3A_4 = arith.cmpi slt, %add3A, %lt3A_3 : i32
    %mul3A_5 = arith.constant 25 : i32
    %mul3A_6 = arith.muli %mul3A_5, %add3A : i32
    %mul3A_7 = arith.constant 24 : i32
    %mul3A_8 = arith.muli %mul3A_7, %add3A : i32
    %add3A_9 = arith.constant 13 : i32
    %add3A_10 = arith.addi %mul3A_8, %add3A_9 : i32
    %select_n3A_11 = arith.select %lt3A_4, %mul3A_6, %add3A_10 : i32
    %iota3A = tpu.iota {dimensions = array<i32: 0>} : vector<16xi32>
    %xor3A = arith.constant 1 : i32
    %xor3A_12 = vector.broadcast %xor3A : i32 to vector<16xi32>
    %xor3A_13 = arith.xori %iota3A, %xor3A_12 : vector<16xi32>
    %jit3A_14 = arith.constant 2 : i32
    %div3A = vector.broadcast %jit3A_14 : i32 to vector<16xi32>
    %div3A_15 = arith.divsi %iota3A, %div3A : vector<16xi32>
    %sign3A = arith.constant 0 : i32
    %sign3A_16 = vector.broadcast %sign3A : i32 to vector<16xi32>
    %sign3A_17 = arith.cmpi sgt, %iota3A, %sign3A_16 : vector<16xi32>
    %sign3A_18 = arith.extui %sign3A_17 : vector<16xi1> to vector<16xi32>
    %sign3A_19 = arith.constant 0 : i32
    %sign3A_20 = vector.broadcast %sign3A_19 : i32 to vector<16xi32>
    %sign3A_21 = arith.cmpi slt, %iota3A, %sign3A_20 : vector<16xi32>
    %sign3A_22 = arith.extui %sign3A_21 : vector<16xi1> to vector<16xi32>
    %sign3A_23 = arith.subi %sign3A_18, %sign3A_22 : vector<16xi32>
    %sign3A_24 = arith.constant 0 : i32
    %sign3A_25 = arith.cmpi sgt, %jit3A_14, %sign3A_24 : i32
    %sign3A_26 = arith.extui %sign3A_25 : i1 to i32
    %sign3A_27 = arith.constant 0 : i32
    %sign3A_28 = arith.cmpi slt, %jit3A_14, %sign3A_27 : i32
    %sign3A_29 = arith.extui %sign3A_28 : i1 to i32
    %sign3A_30 = arith.subi %sign3A_26, %sign3A_29 : i32
    %ne3A = vector.broadcast %sign3A_30 : i32 to vector<16xi32>
    %ne3A_31 = arith.cmpi ne, %sign3A_23, %ne3A : vector<16xi32>
    %rem3A = vector.broadcast %jit3A_14 : i32 to vector<16xi32>
    %rem3A_32 = arith.remsi %iota3A, %rem3A : vector<16xi32>
    %ne3A_33 = arith.constant 0 : i32
    %ne3A_34 = vector.broadcast %ne3A_33 : i32 to vector<16xi32>
    %ne3A_35 = arith.cmpi ne, %rem3A_32, %ne3A_34 : vector<16xi32>
    %and3A = arith.andi %ne3A_31, %ne3A_35 : vector<16xi1>
    %sub3A = arith.constant 1 : i32
    %sub3A_36 = vector.broadcast %sub3A : i32 to vector<16xi32>
    %sub3A_37 = arith.subi %div3A_15, %sub3A_36 : vector<16xi32>
    %select_n3A_38 = arith.select %and3A, %sub3A_37, %div3A_15 : vector<16xi1>, vector<16xi32>
    %jit3A_39 = arith.constant 2 : i32
    %eq3A = arith.constant 0 : i32
    %eq3A_40 = arith.cmpi eq, %jit3A_39, %eq3A : i32
    %jit3A_41 = arith.constant 1 : i32
    %select_n3A_42 = arith.select %eq3A_40, %jit3A_41, %jit3A_39 : i32
    %rem3A_43 = vector.broadcast %select_n3A_42 : i32 to vector<16xi32>
    %rem3A_44 = arith.remsi %iota3A, %rem3A_43 : vector<16xi32>
    %ne3A_45 = arith.constant 0 : i32
    %ne3A_46 = vector.broadcast %ne3A_45 : i32 to vector<16xi32>
    %ne3A_47 = arith.cmpi ne, %rem3A_44, %ne3A_46 : vector<16xi32>
    %lt3A_48 = arith.constant 0 : i32
    %lt3A_49 = vector.broadcast %lt3A_48 : i32 to vector<16xi32>
    %lt3A_50 = arith.cmpi slt, %rem3A_44, %lt3A_49 : vector<16xi32>
    %lt3A_51 = arith.constant 0 : i32
    %lt3A_52 = arith.cmpi slt, %select_n3A_42, %lt3A_51 : i32
    %ne3A_53 = vector.broadcast %lt3A_52 : i1 to vector<16xi1>
    %ne3A_54 = vector.broadcast %ne3A_53 : vector<16xi1> to vector<16xi1>
    %ne3A_55 = arith.xori %lt3A_50, %ne3A_54 : vector<16xi1>
    %and3A_56 = arith.andi %ne3A_55, %ne3A_47 : vector<16xi1>
    %add3A_57 = vector.broadcast %select_n3A_42 : i32 to vector<16xi32>
    %add3A_58 = arith.addi %rem3A_44, %add3A_57 : vector<16xi32>
    %select_n3A_59 = arith.select %and3A_56, %add3A_58, %rem3A_44 : vector<16xi1>, vector<16xi32>
    %add3A_60 = arith.constant 0 : i32
    %add3A_61 = arith.addi %select_n3A_11, %add3A_60 : i32
    %mul3A_62 = arith.constant 128 : i32
    %mul3A_63 = arith.muli %add3A_61, %mul3A_62 : i32
    %dma_start3A = arith.constant 0 : i32
    %dma_start3A_64 = tpu.memref_slice %arg2[%dma_start3A, %mul3A_63] : memref<64x100000xf32, #tpu.memory_space<hbm>> -> memref<64x128xf32, #tpu.memory_space<hbm>>
    %dma_start3A_65 = arith.constant 0 : i32
    %dma_start3A_66 = tpu.memref_slice %arg2[%dma_start3A_65, %mul3A_63] : memref<64x100000xf32, #tpu.memory_space<hbm>> -> memref<64x128xf32, #tpu.memory_space<hbm>>
    tpu.enqueue_dma source(%dma_start3A_66 : memref<64x128xf32, #tpu.memory_space<hbm>>) target(%arg4 : memref<64x128xf32, #tpu.memory_space<vmem>>) target_semaphore(%arg10 : memref<!tpu.dma_semaphore, #tpu.memory_space<semaphore_mem>>)
    %gt3A = arith.constant 1 : i32
    %gt3A_67 = arith.cmpi sgt, %select_n3A, %gt3A : i32
    %convert_element_type3A = arith.extui %gt3A_67 : i1 to i32
    %cond3A = arith.constant 0 : i32
    %cond3A_68 = arith.cmpi ne, %convert_element_type3A, %cond3A : i32
    scf.if %cond3A_68 {
      %add3A_89 = arith.constant 1 : i32
      %add3A_90 = arith.addi %select_n3A_11, %add3A_89 : i32
      %mul3A_91 = arith.constant 128 : i32
      %mul3A_92 = arith.muli %add3A_90, %mul3A_91 : i32
      %dma_start3A_93 = arith.constant 0 : i32
      %dma_start3A_94 = tpu.memref_slice %arg2[%dma_start3A_93, %mul3A_92] : memref<64x100000xf32, #tpu.memory_space<hbm>> -> memref<64x128xf32, #tpu.memory_space<hbm>>
      %dma_start3A_95 = arith.constant 0 : i32
      %dma_start3A_96 = tpu.memref_slice %arg2[%dma_start3A_95, %mul3A_92] : memref<64x100000xf32, #tpu.memory_space<hbm>> -> memref<64x128xf32, #tpu.memory_space<hbm>>
      tpu.enqueue_dma source(%dma_start3A_96 : memref<64x128xf32, #tpu.memory_space<hbm>>) target(%arg5 : memref<64x128xf32, #tpu.memory_space<vmem>>) target_semaphore(%arg11 : memref<!tpu.dma_semaphore, #tpu.memory_space<semaphore_mem>>)
    } else {
    }
    %scan3A = arith.constant 0 : i32
    %scan3A_69 = arith.constant 0 : i32
    %scan3A_70 = arith.constant 13 : i32
    %scan3A_71 = arith.addi %scan3A_69, %scan3A_70 : i32
    %scan3A_72 = arith.constant 1 : i32
    scf.for %scan3A_89 = %scan3A_69 to %scan3A_71 step %scan3A_72  : i32 {
      %mul3A_90 = arith.constant 2 : i32
      %mul3A_91 = arith.muli %mul3A_90, %scan3A_89 : i32
      %add3A_92 = arith.constant 0 : i32
      %add3A_93 = arith.addi %mul3A_91, %add3A_92 : i32
      %lt3A_94 = arith.cmpi slt, %add3A_93, %select_n3A : i32
      %convert_element_type3A_95 = arith.extui %lt3A_94 : i1 to i32
      %cond3A_96 = arith.constant 0 : i32
      %cond3A_97 = arith.cmpi ne, %convert_element_type3A_95, %cond3A_96 : i32
      scf.if %cond3A_97 {
        %dma_wait3A = arith.constant 0 : i32
        %dma_wait3A_106 = arith.constant 0 : i32
        %dma_wait3A_107 = tpu.memref_slice %arg2[%dma_wait3A, %dma_wait3A_106] : memref<64x100000xf32, #tpu.memory_space<hbm>> -> memref<64x128xf32, #tpu.memory_space<hbm>>
        %dma_wait3A_108 = arith.constant 0 : i32
        %dma_wait3A_109 = arith.constant 0 : i32
        %dma_wait3A_110 = tpu.memref_slice %arg2[%dma_wait3A_108, %dma_wait3A_109] : memref<64x100000xf32, #tpu.memory_space<hbm>> -> memref<64x128xf32, #tpu.memory_space<hbm>>
        tpu.wait_dma2 semaphore(%arg10 : memref<!tpu.dma_semaphore, #tpu.memory_space<semaphore_mem>>) src(%dma_wait3A_110 : memref<64x128xf32, #tpu.memory_space<hbm>>) dst(%arg4 : memref<64x128xf32, #tpu.memory_space<vmem>>)
        %ge3A = arith.constant 2 : i32
        %ge3A_111 = arith.cmpi sge, %add3A_93, %ge3A : i32
        %convert_element_type3A_112 = arith.extui %ge3A_111 : i1 to i32
        %cond3A_113 = arith.constant 0 : i32
        %cond3A_114 = arith.cmpi ne, %convert_element_type3A_112, %cond3A_113 : i32
        scf.if %cond3A_114 {
          %dma_wait3A_130 = arith.constant 0 : i32
          %dma_wait3A_131 = arith.constant 0 : i32
          %dma_wait3A_132 = tpu.memref_slice %arg3[%dma_wait3A_130, %dma_wait3A_131] : memref<50000x128xf32, #tpu.memory_space<hbm>> -> memref<64x128xf32, #tpu.memory_space<hbm>>
          %dma_wait3A_133 = arith.constant 0 : i32
          %dma_wait3A_134 = arith.constant 0 : i32
          %dma_wait3A_135 = tpu.memref_slice %arg3[%dma_wait3A_133, %dma_wait3A_134] : memref<50000x128xf32, #tpu.memory_space<hbm>> -> memref<64x128xf32, #tpu.memory_space<hbm>>
          tpu.wait_dma2 semaphore(%arg12 : memref<!tpu.dma_semaphore, #tpu.memory_space<semaphore_mem>>) src(%arg6 : memref<64x128xf32, #tpu.memory_space<vmem>>) dst(%dma_wait3A_135 : memref<64x128xf32, #tpu.memory_space<hbm>>)
        } else {
        }
        %parallel_loop3A = arith.constant 0 : i32
        %parallel_loop3A_115 = arith.constant 64 : i32
        %parallel_loop3A_116 = arith.constant 1 : i32
        scf.for %parallel_loop3A_130 = %parallel_loop3A to %parallel_loop3A_115 step %parallel_loop3A_116  : i32 {
          %parallel_loop3A_131 = vector.broadcast %parallel_loop3A_130 : i32 to vector<16xi32>
          %parallel_loop3A_132 = arith.addi %parallel_loop3A_131, %select_n3A_38 : vector<16xi32>
          %parallel_loop3A_133 = arith.constant 63 : i32
          %parallel_loop3A_134 = vector.broadcast %parallel_loop3A_133 : i32 to vector<16xi32>
          %parallel_loop3A_135 = arith.andi %parallel_loop3A_132, %parallel_loop3A_134 : vector<16xi32>
          %parallel_loop3A_136 = arith.constant 2 : i32
          %parallel_loop3A_137 = vector.broadcast %parallel_loop3A_136 : i32 to vector<16xi32>
          %parallel_loop3A_138 = arith.muli %parallel_loop3A_137, %parallel_loop3A_135 : vector<16xi32>
          %parallel_loop3A_139 = arith.addi %parallel_loop3A_138, %select_n3A_59 : vector<16xi32>
          %parallel_loop3A_140 = arith.constant 0 : i32
          %parallel_loop3A_141 = vector.broadcast %parallel_loop3A_140 : i32 to vector<16xi32>
          %parallel_loop3A_142 = arith.addi %parallel_loop3A_141, %iota3A : vector<16xi32>
          %parallel_loop3A_143 = arith.constant 0 : i32
          %parallel_loop3A_144 = vector.broadcast %parallel_loop3A_143 : i32 to vector<16xi32>
          %parallel_loop3A_145 = arith.addi %parallel_loop3A_144, %xor3A_13 : vector<16xi32>
          %parallel_loop3A_146 = arith.constant 64 : i32
          %parallel_loop3A_147 = vector.broadcast %parallel_loop3A_146 : i32 to vector<16xi32>
          %parallel_loop3A_148 = arith.muli %parallel_loop3A_147, %select_n3A_59 : vector<16xi32>
          %parallel_loop3A_149 = arith.addi %parallel_loop3A_142, %parallel_loop3A_148 : vector<16xi32>
          %parallel_loop3A_150 = tpu.vector_load_idx %arg4[%parallel_loop3A_142, %parallel_loop3A_139] : memref<64x128xf32, #tpu.memory_space<vmem>>[vector<16xi32>, vector<16xi32>], vector<16xf32>,
          tpu.vector_store_idx %arg6[%parallel_loop3A_135, %parallel_loop3A_149], %parallel_loop3A_150 : memref<64x128xf32, #tpu.memory_space<vmem>>[vector<16xi32>, vector<16xi32>], vector<16xf32>,
          %parallel_loop3A_151 = arith.constant 64 : i32
          %parallel_loop3A_152 = vector.broadcast %parallel_loop3A_151 : i32 to vector<16xi32>
          %parallel_loop3A_153 = arith.muli %parallel_loop3A_152, %select_n3A_59 : vector<16xi32>
          %parallel_loop3A_154 = arith.addi %parallel_loop3A_145, %parallel_loop3A_153 : vector<16xi32>
          %parallel_loop3A_155 = tpu.vector_load_idx %arg4[%parallel_loop3A_145, %parallel_loop3A_139] : memref<64x128xf32, #tpu.memory_space<vmem>>[vector<16xi32>, vector<16xi32>], vector<16xf32>,
          tpu.vector_store_idx %arg6[%parallel_loop3A_135, %parallel_loop3A_154], %parallel_loop3A_155 : memref<64x128xf32, #tpu.memory_space<vmem>>[vector<16xi32>, vector<16xi32>], vector<16xf32>,
          %parallel_loop3A_156 = arith.constant 16 : i32
          %parallel_loop3A_157 = vector.broadcast %parallel_loop3A_156 : i32 to vector<16xi32>
          %parallel_loop3A_158 = arith.addi %parallel_loop3A_157, %iota3A : vector<16xi32>
          %parallel_loop3A_159 = arith.constant 16 : i32
          %parallel_loop3A_160 = vector.broadcast %parallel_loop3A_159 : i32 to vector<16xi32>
          %parallel_loop3A_161 = arith.addi %parallel_loop3A_160, %xor3A_13 : vector<16xi32>
          %parallel_loop3A_162 = arith.constant 64 : i32
          %parallel_loop3A_163 = vector.broadcast %parallel_loop3A_162 : i32 to vector<16xi32>
          %parallel_loop3A_164 = arith.muli %parallel_loop3A_163, %select_n3A_59 : vector<16xi32>
          %parallel_loop3A_165 = arith.addi %parallel_loop3A_158, %parallel_loop3A_164 : vector<16xi32>
          %parallel_loop3A_166 = tpu.vector_load_idx %arg4[%parallel_loop3A_158, %parallel_loop3A_139] : memref<64x128xf32, #tpu.memory_space<vmem>>[vector<16xi32>, vector<16xi32>], vector<16xf32>,
          tpu.vector_store_idx %arg6[%parallel_loop3A_135, %parallel_loop3A_165], %parallel_loop3A_166 : memref<64x128xf32, #tpu.memory_space<vmem>>[vector<16xi32>, vector<16xi32>], vector<16xf32>,
          %parallel_loop3A_167 = arith.constant 64 : i32
          %parallel_loop3A_168 = vector.broadcast %parallel_loop3A_167 : i32 to vector<16xi32>
          %parallel_loop3A_169 = arith.muli %parallel_loop3A_168, %select_n3A_59 : vector<16xi32>
          %parallel_loop3A_170 = arith.addi %parallel_loop3A_161, %parallel_loop3A_169 : vector<16xi32>
          %parallel_loop3A_171 = tpu.vector_load_idx %arg4[%parallel_loop3A_161, %parallel_loop3A_139] : memref<64x128xf32, #tpu.memory_space<vmem>>[vector<16xi32>, vector<16xi32>], vector<16xf32>,
          tpu.vector_store_idx %arg6[%parallel_loop3A_135, %parallel_loop3A_170], %parallel_loop3A_171 : memref<64x128xf32, #tpu.memory_space<vmem>>[vector<16xi32>, vector<16xi32>], vector<16xf32>,
          %parallel_loop3A_172 = arith.constant 32 : i32
          %parallel_loop3A_173 = vector.broadcast %parallel_loop3A_172 : i32 to vector<16xi32>
          %parallel_loop3A_174 = arith.addi %parallel_loop3A_173, %iota3A : vector<16xi32>
          %parallel_loop3A_175 = arith.constant 32 : i32
          %parallel_loop3A_176 = vector.broadcast %parallel_loop3A_175 : i32 to vector<16xi32>
          %parallel_loop3A_177 = arith.addi %parallel_loop3A_176, %xor3A_13 : vector<16xi32>
          %parallel_loop3A_178 = arith.constant 64 : i32
          %parallel_loop3A_179 = vector.broadcast %parallel_loop3A_178 : i32 to vector<16xi32>
          %parallel_loop3A_180 = arith.muli %parallel_loop3A_179, %select_n3A_59 : vector<16xi32>
          %parallel_loop3A_181 = arith.addi %parallel_loop3A_174, %parallel_loop3A_180 : vector<16xi32>
          %parallel_loop3A_182 = tpu.vector_load_idx %arg4[%parallel_loop3A_174, %parallel_loop3A_139] : memref<64x128xf32, #tpu.memory_space<vmem>>[vector<16xi32>, vector<16xi32>], vector<16xf32>,
          tpu.vector_store_idx %arg6[%parallel_loop3A_135, %parallel_loop3A_181], %parallel_loop3A_182 : memref<64x128xf32, #tpu.memory_space<vmem>>[vector<16xi32>, vector<16xi32>], vector<16xf32>,
          %parallel_loop3A_183 = arith.constant 64 : i32
          %parallel_loop3A_184 = vector.broadcast %parallel_loop3A_183 : i32 to vector<16xi32>
          %parallel_loop3A_185 = arith.muli %parallel_loop3A_184, %select_n3A_59 : vector<16xi32>
          %parallel_loop3A_186 = arith.addi %parallel_loop3A_177, %parallel_loop3A_185 : vector<16xi32>
          %parallel_loop3A_187 = tpu.vector_load_idx %arg4[%parallel_loop3A_177, %parallel_loop3A_139] : memref<64x128xf32, #tpu.memory_space<vmem>>[vector<16xi32>, vector<16xi32>], vector<16xf32>,
          tpu.vector_store_idx %arg6[%parallel_loop3A_135, %parallel_loop3A_186], %parallel_loop3A_187 : memref<64x128xf32, #tpu.memory_space<vmem>>[vector<16xi32>, vector<16xi32>], vector<16xf32>,
          %parallel_loop3A_188 = arith.constant 48 : i32
          %parallel_loop3A_189 = vector.broadcast %parallel_loop3A_188 : i32 to vector<16xi32>
          %parallel_loop3A_190 = arith.addi %parallel_loop3A_189, %iota3A : vector<16xi32>
          %parallel_loop3A_191 = arith.constant 48 : i32
          %parallel_loop3A_192 = vector.broadcast %parallel_loop3A_191 : i32 to vector<16xi32>
          %parallel_loop3A_193 = arith.addi %parallel_loop3A_192, %xor3A_13 : vector<16xi32>
          %parallel_loop3A_194 = arith.constant 64 : i32
          %parallel_loop3A_195 = vector.broadcast %parallel_loop3A_194 : i32 to vector<16xi32>
          %parallel_loop3A_196 = arith.muli %parallel_loop3A_195, %select_n3A_59 : vector<16xi32>
          %parallel_loop3A_197 = arith.addi %parallel_loop3A_190, %parallel_loop3A_196 : vector<16xi32>
          %parallel_loop3A_198 = tpu.vector_load_idx %arg4[%parallel_loop3A_190, %parallel_loop3A_139] : memref<64x128xf32, #tpu.memory_space<vmem>>[vector<16xi32>, vector<16xi32>], vector<16xf32>,
          tpu.vector_store_idx %arg6[%parallel_loop3A_135, %parallel_loop3A_197], %parallel_loop3A_198 : memref<64x128xf32, #tpu.memory_space<vmem>>[vector<16xi32>, vector<16xi32>], vector<16xf32>,
          %parallel_loop3A_199 = arith.constant 64 : i32
          %parallel_loop3A_200 = vector.broadcast %parallel_loop3A_199 : i32 to vector<16xi32>
          %parallel_loop3A_201 = arith.muli %parallel_loop3A_200, %select_n3A_59 : vector<16xi32>
          %parallel_loop3A_202 = arith.addi %parallel_loop3A_193, %parallel_loop3A_201 : vector<16xi32>
          %parallel_loop3A_203 = tpu.vector_load_idx %arg4[%parallel_loop3A_193, %parallel_loop3A_139] : memref<64x128xf32, #tpu.memory_space<vmem>>[vector<16xi32>, vector<16xi32>], vector<16xf32>,
          tpu.vector_store_idx %arg6[%parallel_loop3A_135, %parallel_loop3A_202], %parallel_loop3A_203 : memref<64x128xf32, #tpu.memory_space<vmem>>[vector<16xi32>, vector<16xi32>], vector<16xf32>,
        } {sc.loop_unroll_factor = 2 : i64, sc.parallel_access}
        %add3A_117 = arith.addi %select_n3A_11, %add3A_93 : i32
        %mul3A_118 = arith.constant 64 : i32
        %mul3A_119 = arith.muli %add3A_117, %mul3A_118 : i32
        %dma_start3A_120 = arith.constant 0 : i32
        %dma_start3A_121 = tpu.memref_slice %arg3[%mul3A_119, %dma_start3A_120] : memref<50000x128xf32, #tpu.memory_space<hbm>> -> memref<64x128xf32, #tpu.memory_space<hbm>>
        %dma_start3A_122 = arith.constant 0 : i32
        %dma_start3A_123 = tpu.memref_slice %arg3[%mul3A_119, %dma_start3A_122] : memref<50000x128xf32, #tpu.memory_space<hbm>> -> memref<64x128xf32, #tpu.memory_space<hbm>>
        tpu.enqueue_dma source(%arg6 : memref<64x128xf32, #tpu.memory_space<vmem>>) target(%dma_start3A_123 : memref<64x128xf32, #tpu.memory_space<hbm>>) target_semaphore(%arg12 : memref<!tpu.dma_semaphore, #tpu.memory_space<semaphore_mem>>)
        %add3A_124 = arith.constant 2 : i32
        %add3A_125 = arith.addi %add3A_93, %add3A_124 : i32
        %lt3A_126 = arith.cmpi slt, %add3A_125, %select_n3A : i32
        %convert_element_type3A_127 = arith.extui %lt3A_126 : i1 to i32
        %cond3A_128 = arith.constant 0 : i32
        %cond3A_129 = arith.cmpi ne, %convert_element_type3A_127, %cond3A_128 : i32
        scf.if %cond3A_129 {
          %add3A_130 = arith.constant 2 : i32
          %add3A_131 = arith.addi %add3A_93, %add3A_130 : i32
          %add3A_132 = arith.addi %select_n3A_11, %add3A_131 : i32
          %mul3A_133 = arith.constant 128 : i32
          %mul3A_134 = arith.muli %add3A_132, %mul3A_133 : i32
          %dma_start3A_135 = arith.constant 0 : i32
          %dma_start3A_136 = tpu.memref_slice %arg2[%dma_start3A_135, %mul3A_134] : memref<64x100000xf32, #tpu.memory_space<hbm>> -> memref<64x128xf32, #tpu.memory_space<hbm>>
          %dma_start3A_137 = arith.constant 0 : i32
          %dma_start3A_138 = tpu.memref_slice %arg2[%dma_start3A_137, %mul3A_134] : memref<64x100000xf32, #tpu.memory_space<hbm>> -> memref<64x128xf32, #tpu.memory_space<hbm>>
          tpu.enqueue_dma source(%dma_start3A_138 : memref<64x128xf32, #tpu.memory_space<hbm>>) target(%arg4 : memref<64x128xf32, #tpu.memory_space<vmem>>) target_semaphore(%arg10 : memref<!tpu.dma_semaphore, #tpu.memory_space<semaphore_mem>>)
        } else {
        }
      } else {
      }
      %mul3A_98 = arith.constant 2 : i32
      %mul3A_99 = arith.muli %mul3A_98, %scan3A_89 : i32
      %add3A_100 = arith.constant 1 : i32
      %add3A_101 = arith.addi %mul3A_99, %add3A_100 : i32
      %lt3A_102 = arith.cmpi slt, %add3A_101, %select_n3A : i32
      %convert_element_type3A_103 = arith.extui %lt3A_102 : i1 to i32
      %cond3A_104 = arith.constant 0 : i32
      %cond3A_105 = arith.cmpi ne, %convert_element_type3A_103, %cond3A_104 : i32
      scf.if %cond3A_105 {
        %dma_wait3A = arith.constant 0 : i32
        %dma_wait3A_106 = arith.constant 0 : i32
        %dma_wait3A_107 = tpu.memref_slice %arg2[%dma_wait3A, %dma_wait3A_106] : memref<64x100000xf32, #tpu.memory_space<hbm>> -> memref<64x128xf32, #tpu.memory_space<hbm>>
        %dma_wait3A_108 = arith.constant 0 : i32
        %dma_wait3A_109 = arith.constant 0 : i32
        %dma_wait3A_110 = tpu.memref_slice %arg2[%dma_wait3A_108, %dma_wait3A_109] : memref<64x100000xf32, #tpu.memory_space<hbm>> -> memref<64x128xf32, #tpu.memory_space<hbm>>
        tpu.wait_dma2 semaphore(%arg11 : memref<!tpu.dma_semaphore, #tpu.memory_space<semaphore_mem>>) src(%dma_wait3A_110 : memref<64x128xf32, #tpu.memory_space<hbm>>) dst(%arg5 : memref<64x128xf32, #tpu.memory_space<vmem>>)
        %ge3A = arith.constant 2 : i32
        %ge3A_111 = arith.cmpi sge, %add3A_101, %ge3A : i32
        %convert_element_type3A_112 = arith.extui %ge3A_111 : i1 to i32
        %cond3A_113 = arith.constant 0 : i32
        %cond3A_114 = arith.cmpi ne, %convert_element_type3A_112, %cond3A_113 : i32
        scf.if %cond3A_114 {
          %dma_wait3A_130 = arith.constant 0 : i32
          %dma_wait3A_131 = arith.constant 0 : i32
          %dma_wait3A_132 = tpu.memref_slice %arg3[%dma_wait3A_130, %dma_wait3A_131] : memref<50000x128xf32, #tpu.memory_space<hbm>> -> memref<64x128xf32, #tpu.memory_space<hbm>>
          %dma_wait3A_133 = arith.constant 0 : i32
          %dma_wait3A_134 = arith.constant 0 : i32
          %dma_wait3A_135 = tpu.memref_slice %arg3[%dma_wait3A_133, %dma_wait3A_134] : memref<50000x128xf32, #tpu.memory_space<hbm>> -> memref<64x128xf32, #tpu.memory_space<hbm>>
          tpu.wait_dma2 semaphore(%arg13 : memref<!tpu.dma_semaphore, #tpu.memory_space<semaphore_mem>>) src(%arg7 : memref<64x128xf32, #tpu.memory_space<vmem>>) dst(%dma_wait3A_135 : memref<64x128xf32, #tpu.memory_space<hbm>>)
        } else {
        }
        %parallel_loop3A = arith.constant 0 : i32
        %parallel_loop3A_115 = arith.constant 64 : i32
        %parallel_loop3A_116 = arith.constant 1 : i32
        scf.for %parallel_loop3A_130 = %parallel_loop3A to %parallel_loop3A_115 step %parallel_loop3A_116  : i32 {
          %parallel_loop3A_131 = vector.broadcast %parallel_loop3A_130 : i32 to vector<16xi32>
          %parallel_loop3A_132 = arith.addi %parallel_loop3A_131, %select_n3A_38 : vector<16xi32>
          %parallel_loop3A_133 = arith.constant 63 : i32
          %parallel_loop3A_134 = vector.broadcast %parallel_loop3A_133 : i32 to vector<16xi32>
          %parallel_loop3A_135 = arith.andi %parallel_loop3A_132, %parallel_loop3A_134 : vector<16xi32>
          %parallel_loop3A_136 = arith.constant 2 : i32
          %parallel_loop3A_137 = vector.broadcast %parallel_loop3A_136 : i32 to vector<16xi32>
          %parallel_loop3A_138 = arith.muli %parallel_loop3A_137, %parallel_loop3A_135 : vector<16xi32>
          %parallel_loop3A_139 = arith.addi %parallel_loop3A_138, %select_n3A_59 : vector<16xi32>
          %parallel_loop3A_140 = arith.constant 0 : i32
          %parallel_loop3A_141 = vector.broadcast %parallel_loop3A_140 : i32 to vector<16xi32>
          %parallel_loop3A_142 = arith.addi %parallel_loop3A_141, %iota3A : vector<16xi32>
          %parallel_loop3A_143 = arith.constant 0 : i32
          %parallel_loop3A_144 = vector.broadcast %parallel_loop3A_143 : i32 to vector<16xi32>
          %parallel_loop3A_145 = arith.addi %parallel_loop3A_144, %xor3A_13 : vector<16xi32>
          %parallel_loop3A_146 = arith.constant 64 : i32
          %parallel_loop3A_147 = vector.broadcast %parallel_loop3A_146 : i32 to vector<16xi32>
          %parallel_loop3A_148 = arith.muli %parallel_loop3A_147, %select_n3A_59 : vector<16xi32>
          %parallel_loop3A_149 = arith.addi %parallel_loop3A_142, %parallel_loop3A_148 : vector<16xi32>
          %parallel_loop3A_150 = tpu.vector_load_idx %arg5[%parallel_loop3A_142, %parallel_loop3A_139] : memref<64x128xf32, #tpu.memory_space<vmem>>[vector<16xi32>, vector<16xi32>], vector<16xf32>,
          tpu.vector_store_idx %arg7[%parallel_loop3A_135, %parallel_loop3A_149], %parallel_loop3A_150 : memref<64x128xf32, #tpu.memory_space<vmem>>[vector<16xi32>, vector<16xi32>], vector<16xf32>,
          %parallel_loop3A_151 = arith.constant 64 : i32
          %parallel_loop3A_152 = vector.broadcast %parallel_loop3A_151 : i32 to vector<16xi32>
          %parallel_loop3A_153 = arith.muli %parallel_loop3A_152, %select_n3A_59 : vector<16xi32>
          %parallel_loop3A_154 = arith.addi %parallel_loop3A_145, %parallel_loop3A_153 : vector<16xi32>
          %parallel_loop3A_155 = tpu.vector_load_idx %arg5[%parallel_loop3A_145, %parallel_loop3A_139] : memref<64x128xf32, #tpu.memory_space<vmem>>[vector<16xi32>, vector<16xi32>], vector<16xf32>,
          tpu.vector_store_idx %arg7[%parallel_loop3A_135, %parallel_loop3A_154], %parallel_loop3A_155 : memref<64x128xf32, #tpu.memory_space<vmem>>[vector<16xi32>, vector<16xi32>], vector<16xf32>,
          %parallel_loop3A_156 = arith.constant 16 : i32
          %parallel_loop3A_157 = vector.broadcast %parallel_loop3A_156 : i32 to vector<16xi32>
          %parallel_loop3A_158 = arith.addi %parallel_loop3A_157, %iota3A : vector<16xi32>
          %parallel_loop3A_159 = arith.constant 16 : i32
          %parallel_loop3A_160 = vector.broadcast %parallel_loop3A_159 : i32 to vector<16xi32>
          %parallel_loop3A_161 = arith.addi %parallel_loop3A_160, %xor3A_13 : vector<16xi32>
          %parallel_loop3A_162 = arith.constant 64 : i32
          %parallel_loop3A_163 = vector.broadcast %parallel_loop3A_162 : i32 to vector<16xi32>
          %parallel_loop3A_164 = arith.muli %parallel_loop3A_163, %select_n3A_59 : vector<16xi32>
          %parallel_loop3A_165 = arith.addi %parallel_loop3A_158, %parallel_loop3A_164 : vector<16xi32>
          %parallel_loop3A_166 = tpu.vector_load_idx %arg5[%parallel_loop3A_158, %parallel_loop3A_139] : memref<64x128xf32, #tpu.memory_space<vmem>>[vector<16xi32>, vector<16xi32>], vector<16xf32>,
          tpu.vector_store_idx %arg7[%parallel_loop3A_135, %parallel_loop3A_165], %parallel_loop3A_166 : memref<64x128xf32, #tpu.memory_space<vmem>>[vector<16xi32>, vector<16xi32>], vector<16xf32>,
          %parallel_loop3A_167 = arith.constant 64 : i32
          %parallel_loop3A_168 = vector.broadcast %parallel_loop3A_167 : i32 to vector<16xi32>
          %parallel_loop3A_169 = arith.muli %parallel_loop3A_168, %select_n3A_59 : vector<16xi32>
          %parallel_loop3A_170 = arith.addi %parallel_loop3A_161, %parallel_loop3A_169 : vector<16xi32>
          %parallel_loop3A_171 = tpu.vector_load_idx %arg5[%parallel_loop3A_161, %parallel_loop3A_139] : memref<64x128xf32, #tpu.memory_space<vmem>>[vector<16xi32>, vector<16xi32>], vector<16xf32>,
          tpu.vector_store_idx %arg7[%parallel_loop3A_135, %parallel_loop3A_170], %parallel_loop3A_171 : memref<64x128xf32, #tpu.memory_space<vmem>>[vector<16xi32>, vector<16xi32>], vector<16xf32>,
          %parallel_loop3A_172 = arith.constant 32 : i32
          %parallel_loop3A_173 = vector.broadcast %parallel_loop3A_172 : i32 to vector<16xi32>
          %parallel_loop3A_174 = arith.addi %parallel_loop3A_173, %iota3A : vector<16xi32>
          %parallel_loop3A_175 = arith.constant 32 : i32
          %parallel_loop3A_176 = vector.broadcast %parallel_loop3A_175 : i32 to vector<16xi32>
          %parallel_loop3A_177 = arith.addi %parallel_loop3A_176, %xor3A_13 : vector<16xi32>
          %parallel_loop3A_178 = arith.constant 64 : i32
          %parallel_loop3A_179 = vector.broadcast %parallel_loop3A_178 : i32 to vector<16xi32>
          %parallel_loop3A_180 = arith.muli %parallel_loop3A_179, %select_n3A_59 : vector<16xi32>
          %parallel_loop3A_181 = arith.addi %parallel_loop3A_174, %parallel_loop3A_180 : vector<16xi32>
          %parallel_loop3A_182 = tpu.vector_load_idx %arg5[%parallel_loop3A_174, %parallel_loop3A_139] : memref<64x128xf32, #tpu.memory_space<vmem>>[vector<16xi32>, vector<16xi32>], vector<16xf32>,
          tpu.vector_store_idx %arg7[%parallel_loop3A_135, %parallel_loop3A_181], %parallel_loop3A_182 : memref<64x128xf32, #tpu.memory_space<vmem>>[vector<16xi32>, vector<16xi32>], vector<16xf32>,
          %parallel_loop3A_183 = arith.constant 64 : i32
          %parallel_loop3A_184 = vector.broadcast %parallel_loop3A_183 : i32 to vector<16xi32>
          %parallel_loop3A_185 = arith.muli %parallel_loop3A_184, %select_n3A_59 : vector<16xi32>
          %parallel_loop3A_186 = arith.addi %parallel_loop3A_177, %parallel_loop3A_185 : vector<16xi32>
          %parallel_loop3A_187 = tpu.vector_load_idx %arg5[%parallel_loop3A_177, %parallel_loop3A_139] : memref<64x128xf32, #tpu.memory_space<vmem>>[vector<16xi32>, vector<16xi32>], vector<16xf32>,
          tpu.vector_store_idx %arg7[%parallel_loop3A_135, %parallel_loop3A_186], %parallel_loop3A_187 : memref<64x128xf32, #tpu.memory_space<vmem>>[vector<16xi32>, vector<16xi32>], vector<16xf32>,
          %parallel_loop3A_188 = arith.constant 48 : i32
          %parallel_loop3A_189 = vector.broadcast %parallel_loop3A_188 : i32 to vector<16xi32>
          %parallel_loop3A_190 = arith.addi %parallel_loop3A_189, %iota3A : vector<16xi32>
          %parallel_loop3A_191 = arith.constant 48 : i32
          %parallel_loop3A_192 = vector.broadcast %parallel_loop3A_191 : i32 to vector<16xi32>
          %parallel_loop3A_193 = arith.addi %parallel_loop3A_192, %xor3A_13 : vector<16xi32>
          %parallel_loop3A_194 = arith.constant 64 : i32
          %parallel_loop3A_195 = vector.broadcast %parallel_loop3A_194 : i32 to vector<16xi32>
          %parallel_loop3A_196 = arith.muli %parallel_loop3A_195, %select_n3A_59 : vector<16xi32>
          %parallel_loop3A_197 = arith.addi %parallel_loop3A_190, %parallel_loop3A_196 : vector<16xi32>
          %parallel_loop3A_198 = tpu.vector_load_idx %arg5[%parallel_loop3A_190, %parallel_loop3A_139] : memref<64x128xf32, #tpu.memory_space<vmem>>[vector<16xi32>, vector<16xi32>], vector<16xf32>,
          tpu.vector_store_idx %arg7[%parallel_loop3A_135, %parallel_loop3A_197], %parallel_loop3A_198 : memref<64x128xf32, #tpu.memory_space<vmem>>[vector<16xi32>, vector<16xi32>], vector<16xf32>,
          %parallel_loop3A_199 = arith.constant 64 : i32
          %parallel_loop3A_200 = vector.broadcast %parallel_loop3A_199 : i32 to vector<16xi32>
          %parallel_loop3A_201 = arith.muli %parallel_loop3A_200, %select_n3A_59 : vector<16xi32>
          %parallel_loop3A_202 = arith.addi %parallel_loop3A_193, %parallel_loop3A_201 : vector<16xi32>
          %parallel_loop3A_203 = tpu.vector_load_idx %arg5[%parallel_loop3A_193, %parallel_loop3A_139] : memref<64x128xf32, #tpu.memory_space<vmem>>[vector<16xi32>, vector<16xi32>], vector<16xf32>,
          tpu.vector_store_idx %arg7[%parallel_loop3A_135, %parallel_loop3A_202], %parallel_loop3A_203 : memref<64x128xf32, #tpu.memory_space<vmem>>[vector<16xi32>, vector<16xi32>], vector<16xf32>,
        } {sc.loop_unroll_factor = 2 : i64, sc.parallel_access}
        %add3A_117 = arith.addi %select_n3A_11, %add3A_101 : i32
        %mul3A_118 = arith.constant 64 : i32
        %mul3A_119 = arith.muli %add3A_117, %mul3A_118 : i32
        %dma_start3A_120 = arith.constant 0 : i32
        %dma_start3A_121 = tpu.memref_slice %arg3[%mul3A_119, %dma_start3A_120] : memref<50000x128xf32, #tpu.memory_space<hbm>> -> memref<64x128xf32, #tpu.memory_space<hbm>>
        %dma_start3A_122 = arith.constant 0 : i32
        %dma_start3A_123 = tpu.memref_slice %arg3[%mul3A_119, %dma_start3A_122] : memref<50000x128xf32, #tpu.memory_space<hbm>> -> memref<64x128xf32, #tpu.memory_space<hbm>>
        tpu.enqueue_dma source(%arg7 : memref<64x128xf32, #tpu.memory_space<vmem>>) target(%dma_start3A_123 : memref<64x128xf32, #tpu.memory_space<hbm>>) target_semaphore(%arg13 : memref<!tpu.dma_semaphore, #tpu.memory_space<semaphore_mem>>)
        %add3A_124 = arith.constant 2 : i32
        %add3A_125 = arith.addi %add3A_101, %add3A_124 : i32
        %lt3A_126 = arith.cmpi slt, %add3A_125, %select_n3A : i32
        %convert_element_type3A_127 = arith.extui %lt3A_126 : i1 to i32
        %cond3A_128 = arith.constant 0 : i32
        %cond3A_129 = arith.cmpi ne, %convert_element_type3A_127, %cond3A_128 : i32
        scf.if %cond3A_129 {
          %add3A_130 = arith.constant 2 : i32
          %add3A_131 = arith.addi %add3A_101, %add3A_130 : i32
          %add3A_132 = arith.addi %select_n3A_11, %add3A_131 : i32
          %mul3A_133 = arith.constant 128 : i32
          %mul3A_134 = arith.muli %add3A_132, %mul3A_133 : i32
          %dma_start3A_135 = arith.constant 0 : i32
          %dma_start3A_136 = tpu.memref_slice %arg2[%dma_start3A_135, %mul3A_134] : memref<64x100000xf32, #tpu.memory_space<hbm>> -> memref<64x128xf32, #tpu.memory_space<hbm>>
          %dma_start3A_137 = arith.constant 0 : i32
          %dma_start3A_138 = tpu.memref_slice %arg2[%dma_start3A_137, %mul3A_134] : memref<64x100000xf32, #tpu.memory_space<hbm>> -> memref<64x128xf32, #tpu.memory_space<hbm>>
          tpu.enqueue_dma source(%dma_start3A_138 : memref<64x128xf32, #tpu.memory_space<hbm>>) target(%arg5 : memref<64x128xf32, #tpu.memory_space<vmem>>) target_semaphore(%arg11 : memref<!tpu.dma_semaphore, #tpu.memory_space<semaphore_mem>>)
        } else {
        }
      } else {
      }
    }
    %scan3A_73 = arith.constant 13 : i32
    %gt3A_74 = arith.constant 0 : i32
    %gt3A_75 = arith.cmpi sgt, %select_n3A, %gt3A_74 : i32
    %convert_element_type3A_76 = arith.extui %gt3A_75 : i1 to i32
    %cond3A_77 = arith.constant 0 : i32
    %cond3A_78 = arith.cmpi ne, %convert_element_type3A_76, %cond3A_77 : i32
    scf.if %cond3A_78 {
      %dma_wait3A = arith.constant 0 : i32
      %dma_wait3A_89 = arith.constant 0 : i32
      %dma_wait3A_90 = tpu.memref_slice %arg3[%dma_wait3A, %dma_wait3A_89] : memref<50000x128xf32, #tpu.memory_space<hbm>> -> memref<64x128xf32, #tpu.memory_space<hbm>>
      %dma_wait3A_91 = arith.constant 0 : i32
      %dma_wait3A_92 = arith.constant 0 : i32
      %dma_wait3A_93 = tpu.memref_slice %arg3[%dma_wait3A_91, %dma_wait3A_92] : memref<50000x128xf32, #tpu.memory_space<hbm>> -> memref<64x128xf32, #tpu.memory_space<hbm>>
      tpu.wait_dma2 semaphore(%arg12 : memref<!tpu.dma_semaphore, #tpu.memory_space<semaphore_mem>>) src(%arg6 : memref<64x128xf32, #tpu.memory_space<vmem>>) dst(%dma_wait3A_93 : memref<64x128xf32, #tpu.memory_space<hbm>>)
    } else {
    }
    %gt3A_79 = arith.constant 1 : i32
    %gt3A_80 = arith.cmpi sgt, %select_n3A, %gt3A_79 : i32
    %convert_element_type3A_81 = arith.extui %gt3A_80 : i1 to i32
    %cond3A_82 = arith.constant 0 : i32
    %cond3A_83 = arith.cmpi ne, %convert_element_type3A_81, %cond3A_82 : i32
    scf.if %cond3A_83 {
      %dma_wait3A = arith.constant 0 : i32
      %dma_wait3A_89 = arith.constant 0 : i32
      %dma_wait3A_90 = tpu.memref_slice %arg3[%dma_wait3A, %dma_wait3A_89] : memref<50000x128xf32, #tpu.memory_space<hbm>> -> memref<64x128xf32, #tpu.memory_space<hbm>>
      %dma_wait3A_91 = arith.constant 0 : i32
      %dma_wait3A_92 = arith.constant 0 : i32
      %dma_wait3A_93 = tpu.memref_slice %arg3[%dma_wait3A_91, %dma_wait3A_92] : memref<50000x128xf32, #tpu.memory_space<hbm>> -> memref<64x128xf32, #tpu.memory_space<hbm>>
      tpu.wait_dma2 semaphore(%arg13 : memref<!tpu.dma_semaphore, #tpu.memory_space<semaphore_mem>>) src(%arg7 : memref<64x128xf32, #tpu.memory_space<vmem>>) dst(%dma_wait3A_93 : memref<64x128xf32, #tpu.memory_space<hbm>>)
    } else {
    }
    %eq3A_84 = arith.constant 31 : i32
    %eq3A_85 = arith.cmpi eq, %add3A, %eq3A_84 : i32
    %convert_element_type3A_86 = arith.extui %eq3A_85 : i1 to i32
    %cond3A_87 = arith.constant 0 : i32
    %cond3A_88 = arith.cmpi ne, %convert_element_type3A_86, %cond3A_87 : i32
    scf.if %cond3A_88 {
      "tpu.region"() ({
        %run_scoped3A = tpu.sem_alloc : memref<!tpu.dma_semaphore, #tpu.memory_space<semaphore_mem>>
        %dma_start3A_91 = arith.constant 0 : i32
        %dma_start3A_92 = arith.constant 99968 : i32
        %dma_start3A_93 = tpu.memref_slice %arg2[%dma_start3A_91, %dma_start3A_92] : memref<64x100000xf32, #tpu.memory_space<hbm>> -> memref<64x32xf32, #tpu.memory_space<hbm>>
        %dma_start3A_94 = arith.constant 0 : i32
        %dma_start3A_95 = arith.constant 99968 : i32
        %dma_start3A_96 = tpu.memref_slice %arg2[%dma_start3A_94, %dma_start3A_95] : memref<64x100000xf32, #tpu.memory_space<hbm>> -> memref<64x32xf32, #tpu.memory_space<hbm>>
        tpu.enqueue_dma source(%dma_start3A_96 : memref<64x32xf32, #tpu.memory_space<hbm>>) target(%arg8 : memref<64x32xf32, #tpu.memory_space<vmem>>) target_semaphore(%run_scoped3A : memref<!tpu.dma_semaphore, #tpu.memory_space<semaphore_mem>>)
        %dma_wait3A = arith.constant 0 : i32
        %dma_wait3A_97 = arith.constant 99968 : i32
        %dma_wait3A_98 = tpu.memref_slice %arg2[%dma_wait3A, %dma_wait3A_97] : memref<64x100000xf32, #tpu.memory_space<hbm>> -> memref<64x32xf32, #tpu.memory_space<hbm>>
        %dma_wait3A_99 = arith.constant 0 : i32
        %dma_wait3A_100 = arith.constant 99968 : i32
        %dma_wait3A_101 = tpu.memref_slice %arg2[%dma_wait3A_99, %dma_wait3A_100] : memref<64x100000xf32, #tpu.memory_space<hbm>> -> memref<64x32xf32, #tpu.memory_space<hbm>>
        tpu.wait_dma2 semaphore(%run_scoped3A : memref<!tpu.dma_semaphore, #tpu.memory_space<semaphore_mem>>) src(%dma_wait3A_101 : memref<64x32xf32, #tpu.memory_space<hbm>>) dst(%arg8 : memref<64x32xf32, #tpu.memory_space<vmem>>)
        tpu.yield
      }) : () -> ()
      %parallel_loop3A = arith.constant 0 : i32
      %parallel_loop3A_89 = arith.constant 16 : i32
      %parallel_loop3A_90 = arith.constant 1 : i32
      scf.for %parallel_loop3A_91 = %parallel_loop3A to %parallel_loop3A_89 step %parallel_loop3A_90  : i32 {
        %parallel_loop3A_92 = vector.broadcast %parallel_loop3A_91 : i32 to vector<16xi32>
        %parallel_loop3A_93 = arith.addi %parallel_loop3A_92, %select_n3A_38 : vector<16xi32>
        %parallel_loop3A_94 = arith.constant 15 : i32
        %parallel_loop3A_95 = vector.broadcast %parallel_loop3A_94 : i32 to vector<16xi32>
        %parallel_loop3A_96 = arith.andi %parallel_loop3A_93, %parallel_loop3A_95 : vector<16xi32>
        %parallel_loop3A_97 = arith.constant 2 : i32
        %parallel_loop3A_98 = vector.broadcast %parallel_loop3A_97 : i32 to vector<16xi32>
        %parallel_loop3A_99 = arith.muli %parallel_loop3A_98, %parallel_loop3A_96 : vector<16xi32>
        %parallel_loop3A_100 = arith.addi %parallel_loop3A_99, %select_n3A_59 : vector<16xi32>
        %parallel_loop3A_101 = arith.constant 0 : i32
        %parallel_loop3A_102 = vector.broadcast %parallel_loop3A_101 : i32 to vector<16xi32>
        %parallel_loop3A_103 = arith.addi %parallel_loop3A_102, %iota3A : vector<16xi32>
        %parallel_loop3A_104 = arith.constant 0 : i32
        %parallel_loop3A_105 = vector.broadcast %parallel_loop3A_104 : i32 to vector<16xi32>
        %parallel_loop3A_106 = arith.addi %parallel_loop3A_105, %xor3A_13 : vector<16xi32>
        %parallel_loop3A_107 = arith.constant 64 : i32
        %parallel_loop3A_108 = vector.broadcast %parallel_loop3A_107 : i32 to vector<16xi32>
        %parallel_loop3A_109 = arith.muli %parallel_loop3A_108, %select_n3A_59 : vector<16xi32>
        %parallel_loop3A_110 = arith.addi %parallel_loop3A_103, %parallel_loop3A_109 : vector<16xi32>
        %parallel_loop3A_111 = tpu.vector_load_idx %arg8[%parallel_loop3A_103, %parallel_loop3A_100] : memref<64x32xf32, #tpu.memory_space<vmem>>[vector<16xi32>, vector<16xi32>], vector<16xf32>,
        tpu.vector_store_idx %arg9[%parallel_loop3A_96, %parallel_loop3A_110], %parallel_loop3A_111 : memref<16x128xf32, #tpu.memory_space<vmem>>[vector<16xi32>, vector<16xi32>], vector<16xf32>,
        %parallel_loop3A_112 = arith.constant 64 : i32
        %parallel_loop3A_113 = vector.broadcast %parallel_loop3A_112 : i32 to vector<16xi32>
        %parallel_loop3A_114 = arith.muli %parallel_loop3A_113, %select_n3A_59 : vector<16xi32>
        %parallel_loop3A_115 = arith.addi %parallel_loop3A_106, %parallel_loop3A_114 : vector<16xi32>
        %parallel_loop3A_116 = tpu.vector_load_idx %arg8[%parallel_loop3A_106, %parallel_loop3A_100] : memref<64x32xf32, #tpu.memory_space<vmem>>[vector<16xi32>, vector<16xi32>], vector<16xf32>,
        tpu.vector_store_idx %arg9[%parallel_loop3A_96, %parallel_loop3A_115], %parallel_loop3A_116 : memref<16x128xf32, #tpu.memory_space<vmem>>[vector<16xi32>, vector<16xi32>], vector<16xf32>,
        %parallel_loop3A_117 = arith.constant 16 : i32
        %parallel_loop3A_118 = vector.broadcast %parallel_loop3A_117 : i32 to vector<16xi32>
        %parallel_loop3A_119 = arith.addi %parallel_loop3A_118, %iota3A : vector<16xi32>
        %parallel_loop3A_120 = arith.constant 16 : i32
        %parallel_loop3A_121 = vector.broadcast %parallel_loop3A_120 : i32 to vector<16xi32>
        %parallel_loop3A_122 = arith.addi %parallel_loop3A_121, %xor3A_13 : vector<16xi32>
        %parallel_loop3A_123 = arith.constant 64 : i32
        %parallel_loop3A_124 = vector.broadcast %parallel_loop3A_123 : i32 to vector<16xi32>
        %parallel_loop3A_125 = arith.muli %parallel_loop3A_124, %select_n3A_59 : vector<16xi32>
        %parallel_loop3A_126 = arith.addi %parallel_loop3A_119, %parallel_loop3A_125 : vector<16xi32>
        %parallel_loop3A_127 = tpu.vector_load_idx %arg8[%parallel_loop3A_119, %parallel_loop3A_100] : memref<64x32xf32, #tpu.memory_space<vmem>>[vector<16xi32>, vector<16xi32>], vector<16xf32>,
        tpu.vector_store_idx %arg9[%parallel_loop3A_96, %parallel_loop3A_126], %parallel_loop3A_127 : memref<16x128xf32, #tpu.memory_space<vmem>>[vector<16xi32>, vector<16xi32>], vector<16xf32>,
        %parallel_loop3A_128 = arith.constant 64 : i32
        %parallel_loop3A_129 = vector.broadcast %parallel_loop3A_128 : i32 to vector<16xi32>
        %parallel_loop3A_130 = arith.muli %parallel_loop3A_129, %select_n3A_59 : vector<16xi32>
        %parallel_loop3A_131 = arith.addi %parallel_loop3A_122, %parallel_loop3A_130 : vector<16xi32>
        %parallel_loop3A_132 = tpu.vector_load_idx %arg8[%parallel_loop3A_122, %parallel_loop3A_100] : memref<64x32xf32, #tpu.memory_space<vmem>>[vector<16xi32>, vector<16xi32>], vector<16xf32>,
        tpu.vector_store_idx %arg9[%parallel_loop3A_96, %parallel_loop3A_131], %parallel_loop3A_132 : memref<16x128xf32, #tpu.memory_space<vmem>>[vector<16xi32>, vector<16xi32>], vector<16xf32>,
        %parallel_loop3A_133 = arith.constant 32 : i32
        %parallel_loop3A_134 = vector.broadcast %parallel_loop3A_133 : i32 to vector<16xi32>
        %parallel_loop3A_135 = arith.addi %parallel_loop3A_134, %iota3A : vector<16xi32>
        %parallel_loop3A_136 = arith.constant 32 : i32
        %parallel_loop3A_137 = vector.broadcast %parallel_loop3A_136 : i32 to vector<16xi32>
        %parallel_loop3A_138 = arith.addi %parallel_loop3A_137, %xor3A_13 : vector<16xi32>
        %parallel_loop3A_139 = arith.constant 64 : i32
        %parallel_loop3A_140 = vector.broadcast %parallel_loop3A_139 : i32 to vector<16xi32>
        %parallel_loop3A_141 = arith.muli %parallel_loop3A_140, %select_n3A_59 : vector<16xi32>
        %parallel_loop3A_142 = arith.addi %parallel_loop3A_135, %parallel_loop3A_141 : vector<16xi32>
        %parallel_loop3A_143 = tpu.vector_load_idx %arg8[%parallel_loop3A_135, %parallel_loop3A_100] : memref<64x32xf32, #tpu.memory_space<vmem>>[vector<16xi32>, vector<16xi32>], vector<16xf32>,
        tpu.vector_store_idx %arg9[%parallel_loop3A_96, %parallel_loop3A_142], %parallel_loop3A_143 : memref<16x128xf32, #tpu.memory_space<vmem>>[vector<16xi32>, vector<16xi32>], vector<16xf32>,
        %parallel_loop3A_144 = arith.constant 64 : i32
        %parallel_loop3A_145 = vector.broadcast %parallel_loop3A_144 : i32 to vector<16xi32>
        %parallel_loop3A_146 = arith.muli %parallel_loop3A_145, %select_n3A_59 : vector<16xi32>
        %parallel_loop3A_147 = arith.addi %parallel_loop3A_138, %parallel_loop3A_146 : vector<16xi32>
        %parallel_loop3A_148 = tpu.vector_load_idx %arg8[%parallel_loop3A_138, %parallel_loop3A_100] : memref<64x32xf32, #tpu.memory_space<vmem>>[vector<16xi32>, vector<16xi32>], vector<16xf32>,
        tpu.vector_store_idx %arg9[%parallel_loop3A_96, %parallel_loop3A_147], %parallel_loop3A_148 : memref<16x128xf32, #tpu.memory_space<vmem>>[vector<16xi32>, vector<16xi32>], vector<16xf32>,
        %parallel_loop3A_149 = arith.constant 48 : i32
        %parallel_loop3A_150 = vector.broadcast %parallel_loop3A_149 : i32 to vector<16xi32>
        %parallel_loop3A_151 = arith.addi %parallel_loop3A_150, %iota3A : vector<16xi32>
        %parallel_loop3A_152 = arith.constant 48 : i32
        %parallel_loop3A_153 = vector.broadcast %parallel_loop3A_152 : i32 to vector<16xi32>
        %parallel_loop3A_154 = arith.addi %parallel_loop3A_153, %xor3A_13 : vector<16xi32>
        %parallel_loop3A_155 = arith.constant 64 : i32
        %parallel_loop3A_156 = vector.broadcast %parallel_loop3A_155 : i32 to vector<16xi32>
        %parallel_loop3A_157 = arith.muli %parallel_loop3A_156, %select_n3A_59 : vector<16xi32>
        %parallel_loop3A_158 = arith.addi %parallel_loop3A_151, %parallel_loop3A_157 : vector<16xi32>
        %parallel_loop3A_159 = tpu.vector_load_idx %arg8[%parallel_loop3A_151, %parallel_loop3A_100] : memref<64x32xf32, #tpu.memory_space<vmem>>[vector<16xi32>, vector<16xi32>], vector<16xf32>,
        tpu.vector_store_idx %arg9[%parallel_loop3A_96, %parallel_loop3A_158], %parallel_loop3A_159 : memref<16x128xf32, #tpu.memory_space<vmem>>[vector<16xi32>, vector<16xi32>], vector<16xf32>,
        %parallel_loop3A_160 = arith.constant 64 : i32
        %parallel_loop3A_161 = vector.broadcast %parallel_loop3A_160 : i32 to vector<16xi32>
        %parallel_loop3A_162 = arith.muli %parallel_loop3A_161, %select_n3A_59 : vector<16xi32>
        %parallel_loop3A_163 = arith.addi %parallel_loop3A_154, %parallel_loop3A_162 : vector<16xi32>
        %parallel_loop3A_164 = tpu.vector_load_idx %arg8[%parallel_loop3A_154, %parallel_loop3A_100] : memref<64x32xf32, #tpu.memory_space<vmem>>[vector<16xi32>, vector<16xi32>], vector<16xf32>,
        tpu.vector_store_idx %arg9[%parallel_loop3A_96, %parallel_loop3A_163], %parallel_loop3A_164 : memref<16x128xf32, #tpu.memory_space<vmem>>[vector<16xi32>, vector<16xi32>], vector<16xf32>,
      } {sc.loop_unroll_factor = 2 : i64, sc.parallel_access}
      "tpu.region"() ({
        %run_scoped3A = tpu.sem_alloc : memref<!tpu.dma_semaphore, #tpu.memory_space<semaphore_mem>>
        %dma_start3A_91 = arith.constant 49984 : i32
        %dma_start3A_92 = arith.constant 0 : i32
        %dma_start3A_93 = tpu.memref_slice %arg3[%dma_start3A_91, %dma_start3A_92] : memref<50000x128xf32, #tpu.memory_space<hbm>> -> memref<16x128xf32, #tpu.memory_space<hbm>>
        %dma_start3A_94 = arith.constant 49984 : i32
        %dma_start3A_95 = arith.constant 0 : i32
        %dma_start3A_96 = tpu.memref_slice %arg3[%dma_start3A_94, %dma_start3A_95] : memref<50000x128xf32, #tpu.memory_space<hbm>> -> memref<16x128xf32, #tpu.memory_space<hbm>>
        tpu.enqueue_dma source(%arg9 : memref<16x128xf32, #tpu.memory_space<vmem>>) target(%dma_start3A_96 : memref<16x128xf32, #tpu.memory_space<hbm>>) target_semaphore(%run_scoped3A : memref<!tpu.dma_semaphore, #tpu.memory_space<semaphore_mem>>)
        %dma_wait3A = arith.constant 49984 : i32
        %dma_wait3A_97 = arith.constant 0 : i32
        %dma_wait3A_98 = tpu.memref_slice %arg3[%dma_wait3A, %dma_wait3A_97] : memref<50000x128xf32, #tpu.memory_space<hbm>> -> memref<16x128xf32, #tpu.memory_space<hbm>>
        %dma_wait3A_99 = arith.constant 49984 : i32
        %dma_wait3A_100 = arith.constant 0 : i32
        %dma_wait3A_101 = tpu.memref_slice %arg3[%dma_wait3A_99, %dma_wait3A_100] : memref<50000x128xf32, #tpu.memory_space<hbm>> -> memref<16x128xf32, #tpu.memory_space<hbm>>
        tpu.wait_dma2 semaphore(%run_scoped3A : memref<!tpu.dma_semaphore, #tpu.memory_space<semaphore_mem>>) src(%arg9 : memref<16x128xf32, #tpu.memory_space<vmem>>) dst(%dma_wait3A_101 : memref<16x128xf32, #tpu.memory_space<hbm>>)
        tpu.yield
      }) : () -> ()
    } else {
    }
    return
  }
}

#map = affine_map<(d0, d1) -> (0, 0)>
#map1 = affine_map<(d0, d1) -> (0)>
module attributes {stable_mosaic.version = 14 : i64} {
  func.func @gather_kernel(%arg0: i32, %arg1: i32, %arg2: memref<50000x128xf32, #tpu.memory_space<hbm>>, %arg3: memref<100000xi32, #tpu.memory_space<hbm>>, %arg4: memref<64x100000xf32, #tpu.memory_space<hbm>>, %arg5: memref<3200xi32, #tpu.memory_space<vmem>>, %arg6: memref<128xi32, #tpu.memory_space<vmem>>, %arg7: memref<128xi32, #tpu.memory_space<vmem>>, %arg8: memref<128xi32, #tpu.memory_space<vmem>>, %arg9: memref<128x128xf32, #tpu.memory_space<vmem>>, %arg10: memref<128x128xf32, #tpu.memory_space<vmem>>, %arg11: memref<128x128xf32, #tpu.memory_space<vmem>>, %arg12: memref<64x128xf32, #tpu.memory_space<vmem>>, %arg13: memref<64x128xf32, #tpu.memory_space<vmem>>, %arg14: memref<32xi32, #tpu.memory_space<vmem>>, %arg15: memref<32xi32, #tpu.memory_space<vmem>>, %arg16: memref<32x128xf32, #tpu.memory_space<vmem>>, %arg17: memref<64x32xf32, #tpu.memory_space<vmem>>, %arg18: memref<!tpu.dma_semaphore, #tpu.memory_space<semaphore_mem>>, %arg19: memref<!tpu.dma_semaphore, #tpu.memory_space<semaphore_mem>>, %arg20: memref<!tpu.dma_semaphore, #tpu.memory_space<semaphore_mem>>, %arg21: memref<!tpu.dma_semaphore, #tpu.memory_space<semaphore_mem>>, %arg22: memref<!tpu.dma_semaphore, #tpu.memory_space<semaphore_mem>>, %arg23: memref<!tpu.dma_semaphore, #tpu.memory_space<semaphore_mem>>) attributes {dimension_semantics = [#tpu.dimension_semantics<core_parallel>, #tpu.dimension_semantics<subcore_parallel>], iteration_bounds = array<i64: 2, 16>, scalar_prefetch = 0 : i64, scratch_operands = 19 : i64, tpu.core_type = #tpu.core_type<sc_vector_subcore>, window_params = [{transform_indices = #map}, {transform_indices = #map1}, {transform_indices = #map}]} {
    %mul3A = arith.constant 2 : i32
    %mul3A_0 = arith.muli %arg1, %mul3A : i32
    %add3A = arith.addi %mul3A_0, %arg0 : i32
    %lt3A = arith.constant 13 : i32
    %lt3A_1 = arith.cmpi slt, %add3A, %lt3A : i32
    %jit3A = arith.constant 25 : i32
    %jit3A_2 = arith.constant 24 : i32
    %select_n3A = arith.select %lt3A_1, %jit3A, %jit3A_2 : i32
    %lt3A_3 = arith.constant 13 : i32
    %lt3A_4 = arith.cmpi slt, %add3A, %lt3A_3 : i32
    %mul3A_5 = arith.constant 25 : i32
    %mul3A_6 = arith.muli %mul3A_5, %add3A : i32
    %mul3A_7 = arith.constant 24 : i32
    %mul3A_8 = arith.muli %mul3A_7, %add3A : i32
    %add3A_9 = arith.constant 13 : i32
    %add3A_10 = arith.addi %mul3A_8, %add3A_9 : i32
    %select_n3A_11 = arith.select %lt3A_4, %mul3A_6, %add3A_10 : i32
    %min3A = arith.constant 756 : i32
    %min3A_12 = arith.minsi %select_n3A_11, %min3A : i32
    %sub3A = arith.subi %select_n3A_11, %min3A_12 : i32
    %iota3A = tpu.iota {dimensions = array<i32: 0>} : vector<16xi32>
    %mul3A_13 = arith.constant 128 : i32
    %mul3A_14 = arith.muli %min3A_12, %mul3A_13 : i32
    "tpu.region"() ({
      %run_scoped3A = tpu.sem_alloc : memref<!tpu.dma_semaphore, #tpu.memory_space<semaphore_mem>>
      %dma_start3A_116 = tpu.memref_slice %arg3[%mul3A_14] : memref<100000xi32, #tpu.memory_space<hbm>> -> memref<3200xi32, #tpu.memory_space<hbm>>
      %dma_start3A_117 = tpu.memref_slice %arg3[%mul3A_14] : memref<100000xi32, #tpu.memory_space<hbm>> -> memref<3200xi32, #tpu.memory_space<hbm>>
      tpu.enqueue_dma source(%dma_start3A_117 : memref<3200xi32, #tpu.memory_space<hbm>>) target(%arg5 : memref<3200xi32, #tpu.memory_space<vmem>>) target_semaphore(%run_scoped3A : memref<!tpu.dma_semaphore, #tpu.memory_space<semaphore_mem>>)
      %dma_wait3A = tpu.memref_slice %arg3[%mul3A_14] : memref<100000xi32, #tpu.memory_space<hbm>> -> memref<3200xi32, #tpu.memory_space<hbm>>
      %dma_wait3A_118 = tpu.memref_slice %arg3[%mul3A_14] : memref<100000xi32, #tpu.memory_space<hbm>> -> memref<3200xi32, #tpu.memory_space<hbm>>
      tpu.wait_dma2 semaphore(%run_scoped3A : memref<!tpu.dma_semaphore, #tpu.memory_space<semaphore_mem>>) src(%dma_wait3A_118 : memref<3200xi32, #tpu.memory_space<hbm>>) dst(%arg5 : memref<3200xi32, #tpu.memory_space<vmem>>)
      tpu.yield
    }) : () -> ()
    %add3A_15 = arith.constant 0 : i32
    %add3A_16 = arith.addi %sub3A, %add3A_15 : i32
    %mul3A_17 = arith.constant 128 : i32
    %mul3A_18 = arith.muli %add3A_16, %mul3A_17 : i32
    %add3A_19 = arith.constant 0 : i32
    %add3A_20 = arith.addi %mul3A_18, %add3A_19 : i32
    %get3A = arith.index_cast %add3A_20 : i32 to index
    %get3A_21 = tpu.vector_load %arg5[%get3A] {strides = array<i32>} : memref<3200xi32, #tpu.memory_space<vmem>>, vector<16xi32>,
    %shift_right_arithmetic3A = arith.constant 1 : i32
    %shift_right_arithmetic3A_22 = vector.broadcast %shift_right_arithmetic3A : i32 to vector<16xi32>
    %shift_right_arithmetic3A_23 = arith.shrsi %get3A_21, %shift_right_arithmetic3A_22 : vector<16xi32>
    %swap3A = arith.constant 0 : index
    %swap3A_24 = tpu.vector_load %arg6[%swap3A] {strides = array<i32>} : memref<128xi32, #tpu.memory_space<vmem>>, vector<16xi32>,
    tpu.vector_store %arg6[%swap3A], %shift_right_arithmetic3A_23 {strides = array<i32>} : memref<128xi32, #tpu.memory_space<vmem>>, vector<16xi32>,
    %add3A_25 = arith.constant 16 : i32
    %add3A_26 = arith.addi %mul3A_18, %add3A_25 : i32
    %get3A_27 = arith.index_cast %add3A_26 : i32 to index
    %get3A_28 = tpu.vector_load %arg5[%get3A_27] {strides = array<i32>} : memref<3200xi32, #tpu.memory_space<vmem>>, vector<16xi32>,
    %shift_right_arithmetic3A_29 = arith.constant 1 : i32
    %shift_right_arithmetic3A_30 = vector.broadcast %shift_right_arithmetic3A_29 : i32 to vector<16xi32>
    %shift_right_arithmetic3A_31 = arith.shrsi %get3A_28, %shift_right_arithmetic3A_30 : vector<16xi32>
    %swap3A_32 = arith.constant 16 : index
    %swap3A_33 = tpu.vector_load %arg6[%swap3A_32] {strides = array<i32>} : memref<128xi32, #tpu.memory_space<vmem>>, vector<16xi32>,
    tpu.vector_store %arg6[%swap3A_32], %shift_right_arithmetic3A_31 {strides = array<i32>} : memref<128xi32, #tpu.memory_space<vmem>>, vector<16xi32>,
    %add3A_34 = arith.constant 32 : i32
    %add3A_35 = arith.addi %mul3A_18, %add3A_34 : i32
    %get3A_36 = arith.index_cast %add3A_35 : i32 to index
    %get3A_37 = tpu.vector_load %arg5[%get3A_36] {strides = array<i32>} : memref<3200xi32, #tpu.memory_space<vmem>>, vector<16xi32>,
    %shift_right_arithmetic3A_38 = arith.constant 1 : i32
    %shift_right_arithmetic3A_39 = vector.broadcast %shift_right_arithmetic3A_38 : i32 to vector<16xi32>
    %shift_right_arithmetic3A_40 = arith.shrsi %get3A_37, %shift_right_arithmetic3A_39 : vector<16xi32>
    %swap3A_41 = arith.constant 32 : index
    %swap3A_42 = tpu.vector_load %arg6[%swap3A_41] {strides = array<i32>} : memref<128xi32, #tpu.memory_space<vmem>>, vector<16xi32>,
    tpu.vector_store %arg6[%swap3A_41], %shift_right_arithmetic3A_40 {strides = array<i32>} : memref<128xi32, #tpu.memory_space<vmem>>, vector<16xi32>,
    %add3A_43 = arith.constant 48 : i32
    %add3A_44 = arith.addi %mul3A_18, %add3A_43 : i32
    %get3A_45 = arith.index_cast %add3A_44 : i32 to index
    %get3A_46 = tpu.vector_load %arg5[%get3A_45] {strides = array<i32>} : memref<3200xi32, #tpu.memory_space<vmem>>, vector<16xi32>,
    %shift_right_arithmetic3A_47 = arith.constant 1 : i32
    %shift_right_arithmetic3A_48 = vector.broadcast %shift_right_arithmetic3A_47 : i32 to vector<16xi32>
    %shift_right_arithmetic3A_49 = arith.shrsi %get3A_46, %shift_right_arithmetic3A_48 : vector<16xi32>
    %swap3A_50 = arith.constant 48 : index
    %swap3A_51 = tpu.vector_load %arg6[%swap3A_50] {strides = array<i32>} : memref<128xi32, #tpu.memory_space<vmem>>, vector<16xi32>,
    tpu.vector_store %arg6[%swap3A_50], %shift_right_arithmetic3A_49 {strides = array<i32>} : memref<128xi32, #tpu.memory_space<vmem>>, vector<16xi32>,
    %add3A_52 = arith.constant 64 : i32
    %add3A_53 = arith.addi %mul3A_18, %add3A_52 : i32
    %get3A_54 = arith.index_cast %add3A_53 : i32 to index
    %get3A_55 = tpu.vector_load %arg5[%get3A_54] {strides = array<i32>} : memref<3200xi32, #tpu.memory_space<vmem>>, vector<16xi32>,
    %shift_right_arithmetic3A_56 = arith.constant 1 : i32
    %shift_right_arithmetic3A_57 = vector.broadcast %shift_right_arithmetic3A_56 : i32 to vector<16xi32>
    %shift_right_arithmetic3A_58 = arith.shrsi %get3A_55, %shift_right_arithmetic3A_57 : vector<16xi32>
    %swap3A_59 = arith.constant 64 : index
    %swap3A_60 = tpu.vector_load %arg6[%swap3A_59] {strides = array<i32>} : memref<128xi32, #tpu.memory_space<vmem>>, vector<16xi32>,
    tpu.vector_store %arg6[%swap3A_59], %shift_right_arithmetic3A_58 {strides = array<i32>} : memref<128xi32, #tpu.memory_space<vmem>>, vector<16xi32>,
    %add3A_61 = arith.constant 80 : i32
    %add3A_62 = arith.addi %mul3A_18, %add3A_61 : i32
    %get3A_63 = arith.index_cast %add3A_62 : i32 to index
    %get3A_64 = tpu.vector_load %arg5[%get3A_63] {strides = array<i32>} : memref<3200xi32, #tpu.memory_space<vmem>>, vector<16xi32>,
    %shift_right_arithmetic3A_65 = arith.constant 1 : i32
    %shift_right_arithmetic3A_66 = vector.broadcast %shift_right_arithmetic3A_65 : i32 to vector<16xi32>
    %shift_right_arithmetic3A_67 = arith.shrsi %get3A_64, %shift_right_arithmetic3A_66 : vector<16xi32>
    %swap3A_68 = arith.constant 80 : index
    %swap3A_69 = tpu.vector_load %arg6[%swap3A_68] {strides = array<i32>} : memref<128xi32, #tpu.memory_space<vmem>>, vector<16xi32>,
    tpu.vector_store %arg6[%swap3A_68], %shift_right_arithmetic3A_67 {strides = array<i32>} : memref<128xi32, #tpu.memory_space<vmem>>, vector<16xi32>,
    %add3A_70 = arith.constant 96 : i32
    %add3A_71 = arith.addi %mul3A_18, %add3A_70 : i32
    %get3A_72 = arith.index_cast %add3A_71 : i32 to index
    %get3A_73 = tpu.vector_load %arg5[%get3A_72] {strides = array<i32>} : memref<3200xi32, #tpu.memory_space<vmem>>, vector<16xi32>,
    %shift_right_arithmetic3A_74 = arith.constant 1 : i32
    %shift_right_arithmetic3A_75 = vector.broadcast %shift_right_arithmetic3A_74 : i32 to vector<16xi32>
    %shift_right_arithmetic3A_76 = arith.shrsi %get3A_73, %shift_right_arithmetic3A_75 : vector<16xi32>
    %swap3A_77 = arith.constant 96 : index
    %swap3A_78 = tpu.vector_load %arg6[%swap3A_77] {strides = array<i32>} : memref<128xi32, #tpu.memory_space<vmem>>, vector<16xi32>,
    tpu.vector_store %arg6[%swap3A_77], %shift_right_arithmetic3A_76 {strides = array<i32>} : memref<128xi32, #tpu.memory_space<vmem>>, vector<16xi32>,
    %add3A_79 = arith.constant 112 : i32
    %add3A_80 = arith.addi %mul3A_18, %add3A_79 : i32
    %get3A_81 = arith.index_cast %add3A_80 : i32 to index
    %get3A_82 = tpu.vector_load %arg5[%get3A_81] {strides = array<i32>} : memref<3200xi32, #tpu.memory_space<vmem>>, vector<16xi32>,
    %shift_right_arithmetic3A_83 = arith.constant 1 : i32
    %shift_right_arithmetic3A_84 = vector.broadcast %shift_right_arithmetic3A_83 : i32 to vector<16xi32>
    %shift_right_arithmetic3A_85 = arith.shrsi %get3A_82, %shift_right_arithmetic3A_84 : vector<16xi32>
    %swap3A_86 = arith.constant 112 : index
    %swap3A_87 = tpu.vector_load %arg6[%swap3A_86] {strides = array<i32>} : memref<128xi32, #tpu.memory_space<vmem>>, vector<16xi32>,
    tpu.vector_store %arg6[%swap3A_86], %shift_right_arithmetic3A_85 {strides = array<i32>} : memref<128xi32, #tpu.memory_space<vmem>>, vector<16xi32>,
    %dma_start3A = arith.constant 0 : i32
    %dma_start3A_88 = arith.constant 0 : i32
    %dma_start3A_89 = tpu.memref_slice %arg2[%dma_start3A, %dma_start3A_88] : memref<50000x128xf32, #tpu.memory_space<hbm>> -> memref<50000x128xf32, #tpu.memory_space<hbm>>
    tpu.enqueue_indirect_dma source(%dma_start3A_89 : memref<50000x128xf32, #tpu.memory_space<hbm>>) target(%arg9 : memref<128x128xf32, #tpu.memory_space<vmem>>) offsets(%arg6 : memref<128xi32, #tpu.memory_space<vmem>>) semaphore(%arg18 : memref<!tpu.dma_semaphore, #tpu.memory_space<semaphore_mem>>)
    %gt3A = arith.constant 1 : i32
    %gt3A_90 = arith.cmpi sgt, %select_n3A, %gt3A : i32
    %convert_element_type3A = arith.extui %gt3A_90 : i1 to i32
    %cond3A = arith.constant 0 : i32
    %cond3A_91 = arith.cmpi ne, %convert_element_type3A, %cond3A : i32
    scf.if %cond3A_91 {
      %add3A_116 = arith.constant 1 : i32
      %add3A_117 = arith.addi %sub3A, %add3A_116 : i32
      %mul3A_118 = arith.constant 128 : i32
      %mul3A_119 = arith.muli %add3A_117, %mul3A_118 : i32
      %add3A_120 = arith.constant 0 : i32
      %add3A_121 = arith.addi %mul3A_119, %add3A_120 : i32
      %get3A_122 = arith.index_cast %add3A_121 : i32 to index
      %get3A_123 = tpu.vector_load %arg5[%get3A_122] {strides = array<i32>} : memref<3200xi32, #tpu.memory_space<vmem>>, vector<16xi32>,
      %shift_right_arithmetic3A_124 = arith.constant 1 : i32
      %shift_right_arithmetic3A_125 = vector.broadcast %shift_right_arithmetic3A_124 : i32 to vector<16xi32>
      %shift_right_arithmetic3A_126 = arith.shrsi %get3A_123, %shift_right_arithmetic3A_125 : vector<16xi32>
      %swap3A_127 = arith.constant 0 : index
      %swap3A_128 = tpu.vector_load %arg7[%swap3A_127] {strides = array<i32>} : memref<128xi32, #tpu.memory_space<vmem>>, vector<16xi32>,
      tpu.vector_store %arg7[%swap3A_127], %shift_right_arithmetic3A_126 {strides = array<i32>} : memref<128xi32, #tpu.memory_space<vmem>>, vector<16xi32>,
      %add3A_129 = arith.constant 16 : i32
      %add3A_130 = arith.addi %mul3A_119, %add3A_129 : i32
      %get3A_131 = arith.index_cast %add3A_130 : i32 to index
      %get3A_132 = tpu.vector_load %arg5[%get3A_131] {strides = array<i32>} : memref<3200xi32, #tpu.memory_space<vmem>>, vector<16xi32>,
      %shift_right_arithmetic3A_133 = arith.constant 1 : i32
      %shift_right_arithmetic3A_134 = vector.broadcast %shift_right_arithmetic3A_133 : i32 to vector<16xi32>
      %shift_right_arithmetic3A_135 = arith.shrsi %get3A_132, %shift_right_arithmetic3A_134 : vector<16xi32>
      %swap3A_136 = arith.constant 16 : index
      %swap3A_137 = tpu.vector_load %arg7[%swap3A_136] {strides = array<i32>} : memref<128xi32, #tpu.memory_space<vmem>>, vector<16xi32>,
      tpu.vector_store %arg7[%swap3A_136], %shift_right_arithmetic3A_135 {strides = array<i32>} : memref<128xi32, #tpu.memory_space<vmem>>, vector<16xi32>,
      %add3A_138 = arith.constant 32 : i32
      %add3A_139 = arith.addi %mul3A_119, %add3A_138 : i32
      %get3A_140 = arith.index_cast %add3A_139 : i32 to index
      %get3A_141 = tpu.vector_load %arg5[%get3A_140] {strides = array<i32>} : memref<3200xi32, #tpu.memory_space<vmem>>, vector<16xi32>,
      %shift_right_arithmetic3A_142 = arith.constant 1 : i32
      %shift_right_arithmetic3A_143 = vector.broadcast %shift_right_arithmetic3A_142 : i32 to vector<16xi32>
      %shift_right_arithmetic3A_144 = arith.shrsi %get3A_141, %shift_right_arithmetic3A_143 : vector<16xi32>
      %swap3A_145 = arith.constant 32 : index
      %swap3A_146 = tpu.vector_load %arg7[%swap3A_145] {strides = array<i32>} : memref<128xi32, #tpu.memory_space<vmem>>, vector<16xi32>,
      tpu.vector_store %arg7[%swap3A_145], %shift_right_arithmetic3A_144 {strides = array<i32>} : memref<128xi32, #tpu.memory_space<vmem>>, vector<16xi32>,
      %add3A_147 = arith.constant 48 : i32
      %add3A_148 = arith.addi %mul3A_119, %add3A_147 : i32
      %get3A_149 = arith.index_cast %add3A_148 : i32 to index
      %get3A_150 = tpu.vector_load %arg5[%get3A_149] {strides = array<i32>} : memref<3200xi32, #tpu.memory_space<vmem>>, vector<16xi32>,
      %shift_right_arithmetic3A_151 = arith.constant 1 : i32
      %shift_right_arithmetic3A_152 = vector.broadcast %shift_right_arithmetic3A_151 : i32 to vector<16xi32>
      %shift_right_arithmetic3A_153 = arith.shrsi %get3A_150, %shift_right_arithmetic3A_152 : vector<16xi32>
      %swap3A_154 = arith.constant 48 : index
      %swap3A_155 = tpu.vector_load %arg7[%swap3A_154] {strides = array<i32>} : memref<128xi32, #tpu.memory_space<vmem>>, vector<16xi32>,
      tpu.vector_store %arg7[%swap3A_154], %shift_right_arithmetic3A_153 {strides = array<i32>} : memref<128xi32, #tpu.memory_space<vmem>>, vector<16xi32>,
      %add3A_156 = arith.constant 64 : i32
      %add3A_157 = arith.addi %mul3A_119, %add3A_156 : i32
      %get3A_158 = arith.index_cast %add3A_157 : i32 to index
      %get3A_159 = tpu.vector_load %arg5[%get3A_158] {strides = array<i32>} : memref<3200xi32, #tpu.memory_space<vmem>>, vector<16xi32>,
      %shift_right_arithmetic3A_160 = arith.constant 1 : i32
      %shift_right_arithmetic3A_161 = vector.broadcast %shift_right_arithmetic3A_160 : i32 to vector<16xi32>
      %shift_right_arithmetic3A_162 = arith.shrsi %get3A_159, %shift_right_arithmetic3A_161 : vector<16xi32>
      %swap3A_163 = arith.constant 64 : index
      %swap3A_164 = tpu.vector_load %arg7[%swap3A_163] {strides = array<i32>} : memref<128xi32, #tpu.memory_space<vmem>>, vector<16xi32>,
      tpu.vector_store %arg7[%swap3A_163], %shift_right_arithmetic3A_162 {strides = array<i32>} : memref<128xi32, #tpu.memory_space<vmem>>, vector<16xi32>,
      %add3A_165 = arith.constant 80 : i32
      %add3A_166 = arith.addi %mul3A_119, %add3A_165 : i32
      %get3A_167 = arith.index_cast %add3A_166 : i32 to index
      %get3A_168 = tpu.vector_load %arg5[%get3A_167] {strides = array<i32>} : memref<3200xi32, #tpu.memory_space<vmem>>, vector<16xi32>,
      %shift_right_arithmetic3A_169 = arith.constant 1 : i32
      %shift_right_arithmetic3A_170 = vector.broadcast %shift_right_arithmetic3A_169 : i32 to vector<16xi32>
      %shift_right_arithmetic3A_171 = arith.shrsi %get3A_168, %shift_right_arithmetic3A_170 : vector<16xi32>
      %swap3A_172 = arith.constant 80 : index
      %swap3A_173 = tpu.vector_load %arg7[%swap3A_172] {strides = array<i32>} : memref<128xi32, #tpu.memory_space<vmem>>, vector<16xi32>,
      tpu.vector_store %arg7[%swap3A_172], %shift_right_arithmetic3A_171 {strides = array<i32>} : memref<128xi32, #tpu.memory_space<vmem>>, vector<16xi32>,
      %add3A_174 = arith.constant 96 : i32
      %add3A_175 = arith.addi %mul3A_119, %add3A_174 : i32
      %get3A_176 = arith.index_cast %add3A_175 : i32 to index
      %get3A_177 = tpu.vector_load %arg5[%get3A_176] {strides = array<i32>} : memref<3200xi32, #tpu.memory_space<vmem>>, vector<16xi32>,
      %shift_right_arithmetic3A_178 = arith.constant 1 : i32
      %shift_right_arithmetic3A_179 = vector.broadcast %shift_right_arithmetic3A_178 : i32 to vector<16xi32>
      %shift_right_arithmetic3A_180 = arith.shrsi %get3A_177, %shift_right_arithmetic3A_179 : vector<16xi32>
      %swap3A_181 = arith.constant 96 : index
      %swap3A_182 = tpu.vector_load %arg7[%swap3A_181] {strides = array<i32>} : memref<128xi32, #tpu.memory_space<vmem>>, vector<16xi32>,
      tpu.vector_store %arg7[%swap3A_181], %shift_right_arithmetic3A_180 {strides = array<i32>} : memref<128xi32, #tpu.memory_space<vmem>>, vector<16xi32>,
      %add3A_183 = arith.constant 112 : i32
      %add3A_184 = arith.addi %mul3A_119, %add3A_183 : i32
      %get3A_185 = arith.index_cast %add3A_184 : i32 to index
      %get3A_186 = tpu.vector_load %arg5[%get3A_185] {strides = array<i32>} : memref<3200xi32, #tpu.memory_space<vmem>>, vector<16xi32>,
      %shift_right_arithmetic3A_187 = arith.constant 1 : i32
      %shift_right_arithmetic3A_188 = vector.broadcast %shift_right_arithmetic3A_187 : i32 to vector<16xi32>
      %shift_right_arithmetic3A_189 = arith.shrsi %get3A_186, %shift_right_arithmetic3A_188 : vector<16xi32>
      %swap3A_190 = arith.constant 112 : index
      %swap3A_191 = tpu.vector_load %arg7[%swap3A_190] {strides = array<i32>} : memref<128xi32, #tpu.memory_space<vmem>>, vector<16xi32>,
      tpu.vector_store %arg7[%swap3A_190], %shift_right_arithmetic3A_189 {strides = array<i32>} : memref<128xi32, #tpu.memory_space<vmem>>, vector<16xi32>,
      %dma_start3A_192 = arith.constant 0 : i32
      %dma_start3A_193 = arith.constant 0 : i32
      %dma_start3A_194 = tpu.memref_slice %arg2[%dma_start3A_192, %dma_start3A_193] : memref<50000x128xf32, #tpu.memory_space<hbm>> -> memref<50000x128xf32, #tpu.memory_space<hbm>>
      tpu.enqueue_indirect_dma source(%dma_start3A_194 : memref<50000x128xf32, #tpu.memory_space<hbm>>) target(%arg10 : memref<128x128xf32, #tpu.memory_space<vmem>>) offsets(%arg7 : memref<128xi32, #tpu.memory_space<vmem>>) semaphore(%arg19 : memref<!tpu.dma_semaphore, #tpu.memory_space<semaphore_mem>>)
    } else {
    }
    %gt3A_92 = arith.constant 2 : i32
    %gt3A_93 = arith.cmpi sgt, %select_n3A, %gt3A_92 : i32
    %convert_element_type3A_94 = arith.extui %gt3A_93 : i1 to i32
    %cond3A_95 = arith.constant 0 : i32
    %cond3A_96 = arith.cmpi ne, %convert_element_type3A_94, %cond3A_95 : i32
    scf.if %cond3A_96 {
      %add3A_116 = arith.constant 2 : i32
      %add3A_117 = arith.addi %sub3A, %add3A_116 : i32
      %mul3A_118 = arith.constant 128 : i32
      %mul3A_119 = arith.muli %add3A_117, %mul3A_118 : i32
      %add3A_120 = arith.constant 0 : i32
      %add3A_121 = arith.addi %mul3A_119, %add3A_120 : i32
      %get3A_122 = arith.index_cast %add3A_121 : i32 to index
      %get3A_123 = tpu.vector_load %arg5[%get3A_122] {strides = array<i32>} : memref<3200xi32, #tpu.memory_space<vmem>>, vector<16xi32>,
      %shift_right_arithmetic3A_124 = arith.constant 1 : i32
      %shift_right_arithmetic3A_125 = vector.broadcast %shift_right_arithmetic3A_124 : i32 to vector<16xi32>
      %shift_right_arithmetic3A_126 = arith.shrsi %get3A_123, %shift_right_arithmetic3A_125 : vector<16xi32>
      %swap3A_127 = arith.constant 0 : index
      %swap3A_128 = tpu.vector_load %arg8[%swap3A_127] {strides = array<i32>} : memref<128xi32, #tpu.memory_space<vmem>>, vector<16xi32>,
      tpu.vector_store %arg8[%swap3A_127], %shift_right_arithmetic3A_126 {strides = array<i32>} : memref<128xi32, #tpu.memory_space<vmem>>, vector<16xi32>,
      %add3A_129 = arith.constant 16 : i32
      %add3A_130 = arith.addi %mul3A_119, %add3A_129 : i32
      %get3A_131 = arith.index_cast %add3A_130 : i32 to index
      %get3A_132 = tpu.vector_load %arg5[%get3A_131] {strides = array<i32>} : memref<3200xi32, #tpu.memory_space<vmem>>, vector<16xi32>,
      %shift_right_arithmetic3A_133 = arith.constant 1 : i32
      %shift_right_arithmetic3A_134 = vector.broadcast %shift_right_arithmetic3A_133 : i32 to vector<16xi32>
      %shift_right_arithmetic3A_135 = arith.shrsi %get3A_132, %shift_right_arithmetic3A_134 : vector<16xi32>
      %swap3A_136 = arith.constant 16 : index
      %swap3A_137 = tpu.vector_load %arg8[%swap3A_136] {strides = array<i32>} : memref<128xi32, #tpu.memory_space<vmem>>, vector<16xi32>,
      tpu.vector_store %arg8[%swap3A_136], %shift_right_arithmetic3A_135 {strides = array<i32>} : memref<128xi32, #tpu.memory_space<vmem>>, vector<16xi32>,
      %add3A_138 = arith.constant 32 : i32
      %add3A_139 = arith.addi %mul3A_119, %add3A_138 : i32
      %get3A_140 = arith.index_cast %add3A_139 : i32 to index
      %get3A_141 = tpu.vector_load %arg5[%get3A_140] {strides = array<i32>} : memref<3200xi32, #tpu.memory_space<vmem>>, vector<16xi32>,
      %shift_right_arithmetic3A_142 = arith.constant 1 : i32
      %shift_right_arithmetic3A_143 = vector.broadcast %shift_right_arithmetic3A_142 : i32 to vector<16xi32>
      %shift_right_arithmetic3A_144 = arith.shrsi %get3A_141, %shift_right_arithmetic3A_143 : vector<16xi32>
      %swap3A_145 = arith.constant 32 : index
      %swap3A_146 = tpu.vector_load %arg8[%swap3A_145] {strides = array<i32>} : memref<128xi32, #tpu.memory_space<vmem>>, vector<16xi32>,
      tpu.vector_store %arg8[%swap3A_145], %shift_right_arithmetic3A_144 {strides = array<i32>} : memref<128xi32, #tpu.memory_space<vmem>>, vector<16xi32>,
      %add3A_147 = arith.constant 48 : i32
      %add3A_148 = arith.addi %mul3A_119, %add3A_147 : i32
      %get3A_149 = arith.index_cast %add3A_148 : i32 to index
      %get3A_150 = tpu.vector_load %arg5[%get3A_149] {strides = array<i32>} : memref<3200xi32, #tpu.memory_space<vmem>>, vector<16xi32>,
      %shift_right_arithmetic3A_151 = arith.constant 1 : i32
      %shift_right_arithmetic3A_152 = vector.broadcast %shift_right_arithmetic3A_151 : i32 to vector<16xi32>
      %shift_right_arithmetic3A_153 = arith.shrsi %get3A_150, %shift_right_arithmetic3A_152 : vector<16xi32>
      %swap3A_154 = arith.constant 48 : index
      %swap3A_155 = tpu.vector_load %arg8[%swap3A_154] {strides = array<i32>} : memref<128xi32, #tpu.memory_space<vmem>>, vector<16xi32>,
      tpu.vector_store %arg8[%swap3A_154], %shift_right_arithmetic3A_153 {strides = array<i32>} : memref<128xi32, #tpu.memory_space<vmem>>, vector<16xi32>,
      %add3A_156 = arith.constant 64 : i32
      %add3A_157 = arith.addi %mul3A_119, %add3A_156 : i32
      %get3A_158 = arith.index_cast %add3A_157 : i32 to index
      %get3A_159 = tpu.vector_load %arg5[%get3A_158] {strides = array<i32>} : memref<3200xi32, #tpu.memory_space<vmem>>, vector<16xi32>,
      %shift_right_arithmetic3A_160 = arith.constant 1 : i32
      %shift_right_arithmetic3A_161 = vector.broadcast %shift_right_arithmetic3A_160 : i32 to vector<16xi32>
      %shift_right_arithmetic3A_162 = arith.shrsi %get3A_159, %shift_right_arithmetic3A_161 : vector<16xi32>
      %swap3A_163 = arith.constant 64 : index
      %swap3A_164 = tpu.vector_load %arg8[%swap3A_163] {strides = array<i32>} : memref<128xi32, #tpu.memory_space<vmem>>, vector<16xi32>,
      tpu.vector_store %arg8[%swap3A_163], %shift_right_arithmetic3A_162 {strides = array<i32>} : memref<128xi32, #tpu.memory_space<vmem>>, vector<16xi32>,
      %add3A_165 = arith.constant 80 : i32
      %add3A_166 = arith.addi %mul3A_119, %add3A_165 : i32
      %get3A_167 = arith.index_cast %add3A_166 : i32 to index
      %get3A_168 = tpu.vector_load %arg5[%get3A_167] {strides = array<i32>} : memref<3200xi32, #tpu.memory_space<vmem>>, vector<16xi32>,
      %shift_right_arithmetic3A_169 = arith.constant 1 : i32
      %shift_right_arithmetic3A_170 = vector.broadcast %shift_right_arithmetic3A_169 : i32 to vector<16xi32>
      %shift_right_arithmetic3A_171 = arith.shrsi %get3A_168, %shift_right_arithmetic3A_170 : vector<16xi32>
      %swap3A_172 = arith.constant 80 : index
      %swap3A_173 = tpu.vector_load %arg8[%swap3A_172] {strides = array<i32>} : memref<128xi32, #tpu.memory_space<vmem>>, vector<16xi32>,
      tpu.vector_store %arg8[%swap3A_172], %shift_right_arithmetic3A_171 {strides = array<i32>} : memref<128xi32, #tpu.memory_space<vmem>>, vector<16xi32>,
      %add3A_174 = arith.constant 96 : i32
      %add3A_175 = arith.addi %mul3A_119, %add3A_174 : i32
      %get3A_176 = arith.index_cast %add3A_175 : i32 to index
      %get3A_177 = tpu.vector_load %arg5[%get3A_176] {strides = array<i32>} : memref<3200xi32, #tpu.memory_space<vmem>>, vector<16xi32>,
      %shift_right_arithmetic3A_178 = arith.constant 1 : i32
      %shift_right_arithmetic3A_179 = vector.broadcast %shift_right_arithmetic3A_178 : i32 to vector<16xi32>
      %shift_right_arithmetic3A_180 = arith.shrsi %get3A_177, %shift_right_arithmetic3A_179 : vector<16xi32>
      %swap3A_181 = arith.constant 96 : index
      %swap3A_182 = tpu.vector_load %arg8[%swap3A_181] {strides = array<i32>} : memref<128xi32, #tpu.memory_space<vmem>>, vector<16xi32>,
      tpu.vector_store %arg8[%swap3A_181], %shift_right_arithmetic3A_180 {strides = array<i32>} : memref<128xi32, #tpu.memory_space<vmem>>, vector<16xi32>,
      %add3A_183 = arith.constant 112 : i32
      %add3A_184 = arith.addi %mul3A_119, %add3A_183 : i32
      %get3A_185 = arith.index_cast %add3A_184 : i32 to index
      %get3A_186 = tpu.vector_load %arg5[%get3A_185] {strides = array<i32>} : memref<3200xi32, #tpu.memory_space<vmem>>, vector<16xi32>,
      %shift_right_arithmetic3A_187 = arith.constant 1 : i32
      %shift_right_arithmetic3A_188 = vector.broadcast %shift_right_arithmetic3A_187 : i32 to vector<16xi32>
      %shift_right_arithmetic3A_189 = arith.shrsi %get3A_186, %shift_right_arithmetic3A_188 : vector<16xi32>
      %swap3A_190 = arith.constant 112 : index
      %swap3A_191 = tpu.vector_load %arg8[%swap3A_190] {strides = array<i32>} : memref<128xi32, #tpu.memory_space<vmem>>, vector<16xi32>,
      tpu.vector_store %arg8[%swap3A_190], %shift_right_arithmetic3A_189 {strides = array<i32>} : memref<128xi32, #tpu.memory_space<vmem>>, vector<16xi32>,
      %dma_start3A_192 = arith.constant 0 : i32
      %dma_start3A_193 = arith.constant 0 : i32
      %dma_start3A_194 = tpu.memref_slice %arg2[%dma_start3A_192, %dma_start3A_193] : memref<50000x128xf32, #tpu.memory_space<hbm>> -> memref<50000x128xf32, #tpu.memory_space<hbm>>
      tpu.enqueue_indirect_dma source(%dma_start3A_194 : memref<50000x128xf32, #tpu.memory_space<hbm>>) target(%arg11 : memref<128x128xf32, #tpu.memory_space<vmem>>) offsets(%arg8 : memref<128xi32, #tpu.memory_space<vmem>>) semaphore(%arg20 : memref<!tpu.dma_semaphore, #tpu.memory_space<semaphore_mem>>)
    } else {
    }
    %scan3A = arith.constant 0 : i32
    %scan3A_97 = arith.constant 0 : i32
    %scan3A_98 = arith.constant 5 : i32
    %scan3A_99 = arith.addi %scan3A_97, %scan3A_98 : i32
    %scan3A_100 = arith.constant 1 : i32
    scf.for %scan3A_116 = %scan3A_97 to %scan3A_99 step %scan3A_100  : i32 {
      %mul3A_117 = arith.constant 6 : i32
      %mul3A_118 = arith.muli %mul3A_117, %scan3A_116 : i32
      %add3A_119 = arith.constant 0 : i32
      %add3A_120 = arith.addi %mul3A_118, %add3A_119 : i32
      %lt3A_121 = arith.cmpi slt, %add3A_120, %select_n3A : i32
      %convert_element_type3A_122 = arith.extui %lt3A_121 : i1 to i32
      %cond3A_123 = arith.constant 0 : i32
      %cond3A_124 = arith.cmpi ne, %convert_element_type3A_122, %cond3A_123 : i32
      scf.if %cond3A_124 {
        %dma_wait3A = arith.constant 0 : i32
        %dma_wait3A_165 = arith.constant 0 : i32
        %dma_wait3A_166 = tpu.memref_slice %arg2[%dma_wait3A, %dma_wait3A_165] : memref<50000x128xf32, #tpu.memory_space<hbm>> -> memref<50000x128xf32, #tpu.memory_space<hbm>>
        tpu.wait_indirect_dma semaphore(%arg18 : memref<!tpu.dma_semaphore, #tpu.memory_space<semaphore_mem>>) src(%dma_wait3A_166 : memref<50000x128xf32, #tpu.memory_space<hbm>>) dst(%arg9 : memref<128x128xf32, #tpu.memory_space<vmem>>)
        %ge3A = arith.constant 2 : i32
        %ge3A_167 = arith.cmpi sge, %add3A_120, %ge3A : i32
        %convert_element_type3A_168 = arith.extui %ge3A_167 : i1 to i32
        %cond3A_169 = arith.constant 0 : i32
        %cond3A_170 = arith.cmpi ne, %convert_element_type3A_168, %cond3A_169 : i32
        scf.if %cond3A_170 {
          %dma_wait3A_267 = arith.constant 0 : i32
          %dma_wait3A_268 = arith.constant 0 : i32
          %dma_wait3A_269 = tpu.memref_slice %arg4[%dma_wait3A_267, %dma_wait3A_268] : memref<64x100000xf32, #tpu.memory_space<hbm>> -> memref<64x128xf32, #tpu.memory_space<hbm>>
          %dma_wait3A_270 = arith.constant 0 : i32
          %dma_wait3A_271 = arith.constant 0 : i32
          %dma_wait3A_272 = tpu.memref_slice %arg4[%dma_wait3A_270, %dma_wait3A_271] : memref<64x100000xf32, #tpu.memory_space<hbm>> -> memref<64x128xf32, #tpu.memory_space<hbm>>
          tpu.wait_dma2 semaphore(%arg21 : memref<!tpu.dma_semaphore, #tpu.memory_space<semaphore_mem>>) src(%arg12 : memref<64x128xf32, #tpu.memory_space<vmem>>) dst(%dma_wait3A_272 : memref<64x128xf32, #tpu.memory_space<hbm>>)
        } else {
        }
        %add3A_171 = arith.addi %sub3A, %add3A_120 : i32
        %mul3A_172 = arith.constant 128 : i32
        %mul3A_173 = arith.muli %add3A_171, %mul3A_172 : i32
        %add3A_174 = arith.constant 0 : i32
        %add3A_175 = arith.addi %mul3A_173, %add3A_174 : i32
        %get3A_176 = arith.index_cast %add3A_175 : i32 to index
        %get3A_177 = tpu.vector_load %arg5[%get3A_176] {strides = array<i32>} : memref<3200xi32, #tpu.memory_space<vmem>>, vector<16xi32>,
        %and3A = arith.constant 1 : i32
        %and3A_178 = vector.broadcast %and3A : i32 to vector<16xi32>
        %and3A_179 = arith.andi %get3A_177, %and3A_178 : vector<16xi32>
        %shift_left3A = arith.constant 6 : i32
        %shift_left3A_180 = vector.broadcast %shift_left3A : i32 to vector<16xi32>
        %shift_left3A_181 = arith.shli %and3A_179, %shift_left3A_180 : vector<16xi32>
        %add3A_182 = arith.constant 16 : i32
        %add3A_183 = arith.addi %mul3A_173, %add3A_182 : i32
        %get3A_184 = arith.index_cast %add3A_183 : i32 to index
        %get3A_185 = tpu.vector_load %arg5[%get3A_184] {strides = array<i32>} : memref<3200xi32, #tpu.memory_space<vmem>>, vector<16xi32>,
        %and3A_186 = arith.constant 1 : i32
        %and3A_187 = vector.broadcast %and3A_186 : i32 to vector<16xi32>
        %and3A_188 = arith.andi %get3A_185, %and3A_187 : vector<16xi32>
        %shift_left3A_189 = arith.constant 6 : i32
        %shift_left3A_190 = vector.broadcast %shift_left3A_189 : i32 to vector<16xi32>
        %shift_left3A_191 = arith.shli %and3A_188, %shift_left3A_190 : vector<16xi32>
        %add3A_192 = arith.constant 32 : i32
        %add3A_193 = arith.addi %mul3A_173, %add3A_192 : i32
        %get3A_194 = arith.index_cast %add3A_193 : i32 to index
        %get3A_195 = tpu.vector_load %arg5[%get3A_194] {strides = array<i32>} : memref<3200xi32, #tpu.memory_space<vmem>>, vector<16xi32>,
        %and3A_196 = arith.constant 1 : i32
        %and3A_197 = vector.broadcast %and3A_196 : i32 to vector<16xi32>
        %and3A_198 = arith.andi %get3A_195, %and3A_197 : vector<16xi32>
        %shift_left3A_199 = arith.constant 6 : i32
        %shift_left3A_200 = vector.broadcast %shift_left3A_199 : i32 to vector<16xi32>
        %shift_left3A_201 = arith.shli %and3A_198, %shift_left3A_200 : vector<16xi32>
        %add3A_202 = arith.constant 48 : i32
        %add3A_203 = arith.addi %mul3A_173, %add3A_202 : i32
        %get3A_204 = arith.index_cast %add3A_203 : i32 to index
        %get3A_205 = tpu.vector_load %arg5[%get3A_204] {strides = array<i32>} : memref<3200xi32, #tpu.memory_space<vmem>>, vector<16xi32>,
        %and3A_206 = arith.constant 1 : i32
        %and3A_207 = vector.broadcast %and3A_206 : i32 to vector<16xi32>
        %and3A_208 = arith.andi %get3A_205, %and3A_207 : vector<16xi32>
        %shift_left3A_209 = arith.constant 6 : i32
        %shift_left3A_210 = vector.broadcast %shift_left3A_209 : i32 to vector<16xi32>
        %shift_left3A_211 = arith.shli %and3A_208, %shift_left3A_210 : vector<16xi32>
        %add3A_212 = arith.constant 64 : i32
        %add3A_213 = arith.addi %mul3A_173, %add3A_212 : i32
        %get3A_214 = arith.index_cast %add3A_213 : i32 to index
        %get3A_215 = tpu.vector_load %arg5[%get3A_214] {strides = array<i32>} : memref<3200xi32, #tpu.memory_space<vmem>>, vector<16xi32>,
        %and3A_216 = arith.constant 1 : i32
        %and3A_217 = vector.broadcast %and3A_216 : i32 to vector<16xi32>
        %and3A_218 = arith.andi %get3A_215, %and3A_217 : vector<16xi32>
        %shift_left3A_219 = arith.constant 6 : i32
        %shift_left3A_220 = vector.broadcast %shift_left3A_219 : i32 to vector<16xi32>
        %shift_left3A_221 = arith.shli %and3A_218, %shift_left3A_220 : vector<16xi32>
        %add3A_222 = arith.constant 80 : i32
        %add3A_223 = arith.addi %mul3A_173, %add3A_222 : i32
        %get3A_224 = arith.index_cast %add3A_223 : i32 to index
        %get3A_225 = tpu.vector_load %arg5[%get3A_224] {strides = array<i32>} : memref<3200xi32, #tpu.memory_space<vmem>>, vector<16xi32>,
        %and3A_226 = arith.constant 1 : i32
        %and3A_227 = vector.broadcast %and3A_226 : i32 to vector<16xi32>
        %and3A_228 = arith.andi %get3A_225, %and3A_227 : vector<16xi32>
        %shift_left3A_229 = arith.constant 6 : i32
        %shift_left3A_230 = vector.broadcast %shift_left3A_229 : i32 to vector<16xi32>
        %shift_left3A_231 = arith.shli %and3A_228, %shift_left3A_230 : vector<16xi32>
        %add3A_232 = arith.constant 96 : i32
        %add3A_233 = arith.addi %mul3A_173, %add3A_232 : i32
        %get3A_234 = arith.index_cast %add3A_233 : i32 to index
        %get3A_235 = tpu.vector_load %arg5[%get3A_234] {strides = array<i32>} : memref<3200xi32, #tpu.memory_space<vmem>>, vector<16xi32>,
        %and3A_236 = arith.constant 1 : i32
        %and3A_237 = vector.broadcast %and3A_236 : i32 to vector<16xi32>
        %and3A_238 = arith.andi %get3A_235, %and3A_237 : vector<16xi32>
        %shift_left3A_239 = arith.constant 6 : i32
        %shift_left3A_240 = vector.broadcast %shift_left3A_239 : i32 to vector<16xi32>
        %shift_left3A_241 = arith.shli %and3A_238, %shift_left3A_240 : vector<16xi32>
        %add3A_242 = arith.constant 112 : i32
        %add3A_243 = arith.addi %mul3A_173, %add3A_242 : i32
        %get3A_244 = arith.index_cast %add3A_243 : i32 to index
        %get3A_245 = tpu.vector_load %arg5[%get3A_244] {strides = array<i32>} : memref<3200xi32, #tpu.memory_space<vmem>>, vector<16xi32>,
        %and3A_246 = arith.constant 1 : i32
        %and3A_247 = vector.broadcast %and3A_246 : i32 to vector<16xi32>
        %and3A_248 = arith.andi %get3A_245, %and3A_247 : vector<16xi32>
        %shift_left3A_249 = arith.constant 6 : i32
        %shift_left3A_250 = vector.broadcast %shift_left3A_249 : i32 to vector<16xi32>
        %shift_left3A_251 = arith.shli %and3A_248, %shift_left3A_250 : vector<16xi32>
        %parallel_loop3A = arith.constant 0 : i32
        %parallel_loop3A_252 = arith.constant 64 : i32
        %parallel_loop3A_253 = arith.constant 1 : i32
        scf.for %parallel_loop3A_267 = %parallel_loop3A to %parallel_loop3A_252 step %parallel_loop3A_253  : i32 {
          %parallel_loop3A_268 = vector.broadcast %parallel_loop3A_267 : i32 to vector<16xi32>
          %parallel_loop3A_269 = arith.addi %parallel_loop3A_268, %iota3A : vector<16xi32>
          %parallel_loop3A_270 = arith.constant 63 : i32
          %parallel_loop3A_271 = vector.broadcast %parallel_loop3A_270 : i32 to vector<16xi32>
          %parallel_loop3A_272 = arith.andi %parallel_loop3A_269, %parallel_loop3A_271 : vector<16xi32>
          %parallel_loop3A_273 = arith.constant 0 : i32
          %parallel_loop3A_274 = vector.broadcast %parallel_loop3A_273 : i32 to vector<16xi32>
          %parallel_loop3A_275 = arith.addi %parallel_loop3A_274, %iota3A : vector<16xi32>
          %parallel_loop3A_276 = arith.addi %shift_left3A_181, %parallel_loop3A_272 : vector<16xi32>
          %parallel_loop3A_277 = tpu.vector_load_idx %arg9[%parallel_loop3A_275, %parallel_loop3A_276] : memref<128x128xf32, #tpu.memory_space<vmem>>[vector<16xi32>, vector<16xi32>], vector<16xf32>,
          %parallel_loop3A_278 = arith.constant 0 : i32
          %parallel_loop3A_279 = vector.broadcast %parallel_loop3A_278 : i32 to vector<16xi32>
          %parallel_loop3A_280 = arith.addi %parallel_loop3A_279, %iota3A : vector<16xi32>
          tpu.vector_store_idx %arg12[%parallel_loop3A_272, %parallel_loop3A_280], %parallel_loop3A_277 : memref<64x128xf32, #tpu.memory_space<vmem>>[vector<16xi32>, vector<16xi32>], vector<16xf32>,
          %parallel_loop3A_281 = arith.constant 16 : i32
          %parallel_loop3A_282 = vector.broadcast %parallel_loop3A_281 : i32 to vector<16xi32>
          %parallel_loop3A_283 = arith.addi %parallel_loop3A_282, %iota3A : vector<16xi32>
          %parallel_loop3A_284 = arith.addi %shift_left3A_191, %parallel_loop3A_272 : vector<16xi32>
          %parallel_loop3A_285 = tpu.vector_load_idx %arg9[%parallel_loop3A_283, %parallel_loop3A_284] : memref<128x128xf32, #tpu.memory_space<vmem>>[vector<16xi32>, vector<16xi32>], vector<16xf32>,
          %parallel_loop3A_286 = arith.constant 16 : i32
          %parallel_loop3A_287 = vector.broadcast %parallel_loop3A_286 : i32 to vector<16xi32>
          %parallel_loop3A_288 = arith.addi %parallel_loop3A_287, %iota3A : vector<16xi32>
          tpu.vector_store_idx %arg12[%parallel_loop3A_272, %parallel_loop3A_288], %parallel_loop3A_285 : memref<64x128xf32, #tpu.memory_space<vmem>>[vector<16xi32>, vector<16xi32>], vector<16xf32>,
          %parallel_loop3A_289 = arith.constant 32 : i32
          %parallel_loop3A_290 = vector.broadcast %parallel_loop3A_289 : i32 to vector<16xi32>
          %parallel_loop3A_291 = arith.addi %parallel_loop3A_290, %iota3A : vector<16xi32>
          %parallel_loop3A_292 = arith.addi %shift_left3A_201, %parallel_loop3A_272 : vector<16xi32>
          %parallel_loop3A_293 = tpu.vector_load_idx %arg9[%parallel_loop3A_291, %parallel_loop3A_292] : memref<128x128xf32, #tpu.memory_space<vmem>>[vector<16xi32>, vector<16xi32>], vector<16xf32>,
          %parallel_loop3A_294 = arith.constant 32 : i32
          %parallel_loop3A_295 = vector.broadcast %parallel_loop3A_294 : i32 to vector<16xi32>
          %parallel_loop3A_296 = arith.addi %parallel_loop3A_295, %iota3A : vector<16xi32>
          tpu.vector_store_idx %arg12[%parallel_loop3A_272, %parallel_loop3A_296], %parallel_loop3A_293 : memref<64x128xf32, #tpu.memory_space<vmem>>[vector<16xi32>, vector<16xi32>], vector<16xf32>,
          %parallel_loop3A_297 = arith.constant 48 : i32
          %parallel_loop3A_298 = vector.broadcast %parallel_loop3A_297 : i32 to vector<16xi32>
          %parallel_loop3A_299 = arith.addi %parallel_loop3A_298, %iota3A : vector<16xi32>
          %parallel_loop3A_300 = arith.addi %shift_left3A_211, %parallel_loop3A_272 : vector<16xi32>
          %parallel_loop3A_301 = tpu.vector_load_idx %arg9[%parallel_loop3A_299, %parallel_loop3A_300] : memref<128x128xf32, #tpu.memory_space<vmem>>[vector<16xi32>, vector<16xi32>], vector<16xf32>,
          %parallel_loop3A_302 = arith.constant 48 : i32
          %parallel_loop3A_303 = vector.broadcast %parallel_loop3A_302 : i32 to vector<16xi32>
          %parallel_loop3A_304 = arith.addi %parallel_loop3A_303, %iota3A : vector<16xi32>
          tpu.vector_store_idx %arg12[%parallel_loop3A_272, %parallel_loop3A_304], %parallel_loop3A_301 : memref<64x128xf32, #tpu.memory_space<vmem>>[vector<16xi32>, vector<16xi32>], vector<16xf32>,
          %parallel_loop3A_305 = arith.constant 64 : i32
          %parallel_loop3A_306 = vector.broadcast %parallel_loop3A_305 : i32 to vector<16xi32>
          %parallel_loop3A_307 = arith.addi %parallel_loop3A_306, %iota3A : vector<16xi32>
          %parallel_loop3A_308 = arith.addi %shift_left3A_221, %parallel_loop3A_272 : vector<16xi32>
          %parallel_loop3A_309 = tpu.vector_load_idx %arg9[%parallel_loop3A_307, %parallel_loop3A_308] : memref<128x128xf32, #tpu.memory_space<vmem>>[vector<16xi32>, vector<16xi32>], vector<16xf32>,
          %parallel_loop3A_310 = arith.constant 64 : i32
          %parallel_loop3A_311 = vector.broadcast %parallel_loop3A_310 : i32 to vector<16xi32>
          %parallel_loop3A_312 = arith.addi %parallel_loop3A_311, %iota3A : vector<16xi32>
          tpu.vector_store_idx %arg12[%parallel_loop3A_272, %parallel_loop3A_312], %parallel_loop3A_309 : memref<64x128xf32, #tpu.memory_space<vmem>>[vector<16xi32>, vector<16xi32>], vector<16xf32>,
          %parallel_loop3A_313 = arith.constant 80 : i32
          %parallel_loop3A_314 = vector.broadcast %parallel_loop3A_313 : i32 to vector<16xi32>
          %parallel_loop3A_315 = arith.addi %parallel_loop3A_314, %iota3A : vector<16xi32>
          %parallel_loop3A_316 = arith.addi %shift_left3A_231, %parallel_loop3A_272 : vector<16xi32>
          %parallel_loop3A_317 = tpu.vector_load_idx %arg9[%parallel_loop3A_315, %parallel_loop3A_316] : memref<128x128xf32, #tpu.memory_space<vmem>>[vector<16xi32>, vector<16xi32>], vector<16xf32>,
          %parallel_loop3A_318 = arith.constant 80 : i32
          %parallel_loop3A_319 = vector.broadcast %parallel_loop3A_318 : i32 to vector<16xi32>
          %parallel_loop3A_320 = arith.addi %parallel_loop3A_319, %iota3A : vector<16xi32>
          tpu.vector_store_idx %arg12[%parallel_loop3A_272, %parallel_loop3A_320], %parallel_loop3A_317 : memref<64x128xf32, #tpu.memory_space<vmem>>[vector<16xi32>, vector<16xi32>], vector<16xf32>,
          %parallel_loop3A_321 = arith.constant 96 : i32
          %parallel_loop3A_322 = vector.broadcast %parallel_loop3A_321 : i32 to vector<16xi32>
          %parallel_loop3A_323 = arith.addi %parallel_loop3A_322, %iota3A : vector<16xi32>
          %parallel_loop3A_324 = arith.addi %shift_left3A_241, %parallel_loop3A_272 : vector<16xi32>
          %parallel_loop3A_325 = tpu.vector_load_idx %arg9[%parallel_loop3A_323, %parallel_loop3A_324] : memref<128x128xf32, #tpu.memory_space<vmem>>[vector<16xi32>, vector<16xi32>], vector<16xf32>,
          %parallel_loop3A_326 = arith.constant 96 : i32
          %parallel_loop3A_327 = vector.broadcast %parallel_loop3A_326 : i32 to vector<16xi32>
          %parallel_loop3A_328 = arith.addi %parallel_loop3A_327, %iota3A : vector<16xi32>
          tpu.vector_store_idx %arg12[%parallel_loop3A_272, %parallel_loop3A_328], %parallel_loop3A_325 : memref<64x128xf32, #tpu.memory_space<vmem>>[vector<16xi32>, vector<16xi32>], vector<16xf32>,
          %parallel_loop3A_329 = arith.constant 112 : i32
          %parallel_loop3A_330 = vector.broadcast %parallel_loop3A_329 : i32 to vector<16xi32>
          %parallel_loop3A_331 = arith.addi %parallel_loop3A_330, %iota3A : vector<16xi32>
          %parallel_loop3A_332 = arith.addi %shift_left3A_251, %parallel_loop3A_272 : vector<16xi32>
          %parallel_loop3A_333 = tpu.vector_load_idx %arg9[%parallel_loop3A_331, %parallel_loop3A_332] : memref<128x128xf32, #tpu.memory_space<vmem>>[vector<16xi32>, vector<16xi32>], vector<16xf32>,
          %parallel_loop3A_334 = arith.constant 112 : i32
          %parallel_loop3A_335 = vector.broadcast %parallel_loop3A_334 : i32 to vector<16xi32>
          %parallel_loop3A_336 = arith.addi %parallel_loop3A_335, %iota3A : vector<16xi32>
          tpu.vector_store_idx %arg12[%parallel_loop3A_272, %parallel_loop3A_336], %parallel_loop3A_333 : memref<64x128xf32, #tpu.memory_space<vmem>>[vector<16xi32>, vector<16xi32>], vector<16xf32>,
        } {sc.loop_unroll_factor = 2 : i64, sc.parallel_access}
        %add3A_254 = arith.addi %select_n3A_11, %add3A_120 : i32
        %mul3A_255 = arith.constant 128 : i32
        %mul3A_256 = arith.muli %add3A_254, %mul3A_255 : i32
        %dma_start3A_257 = arith.constant 0 : i32
        %dma_start3A_258 = tpu.memref_slice %arg4[%dma_start3A_257, %mul3A_256] : memref<64x100000xf32, #tpu.memory_space<hbm>> -> memref<64x128xf32, #tpu.memory_space<hbm>>
        %dma_start3A_259 = arith.constant 0 : i32
        %dma_start3A_260 = tpu.memref_slice %arg4[%dma_start3A_259, %mul3A_256] : memref<64x100000xf32, #tpu.memory_space<hbm>> -> memref<64x128xf32, #tpu.memory_space<hbm>>
        tpu.enqueue_dma source(%arg12 : memref<64x128xf32, #tpu.memory_space<vmem>>) target(%dma_start3A_260 : memref<64x128xf32, #tpu.memory_space<hbm>>) target_semaphore(%arg21 : memref<!tpu.dma_semaphore, #tpu.memory_space<semaphore_mem>>)
        %add3A_261 = arith.constant 3 : i32
        %add3A_262 = arith.addi %add3A_120, %add3A_261 : i32
        %lt3A_263 = arith.cmpi slt, %add3A_262, %select_n3A : i32
        %convert_element_type3A_264 = arith.extui %lt3A_263 : i1 to i32
        %cond3A_265 = arith.constant 0 : i32
        %cond3A_266 = arith.cmpi ne, %convert_element_type3A_264, %cond3A_265 : i32
        scf.if %cond3A_266 {
          %add3A_267 = arith.constant 3 : i32
          %add3A_268 = arith.addi %add3A_120, %add3A_267 : i32
          %add3A_269 = arith.addi %sub3A, %add3A_268 : i32
          %mul3A_270 = arith.constant 128 : i32
          %mul3A_271 = arith.muli %add3A_269, %mul3A_270 : i32
          %add3A_272 = arith.constant 0 : i32
          %add3A_273 = arith.addi %mul3A_271, %add3A_272 : i32
          %get3A_274 = arith.index_cast %add3A_273 : i32 to index
          %get3A_275 = tpu.vector_load %arg5[%get3A_274] {strides = array<i32>} : memref<3200xi32, #tpu.memory_space<vmem>>, vector<16xi32>,
          %shift_right_arithmetic3A_276 = arith.constant 1 : i32
          %shift_right_arithmetic3A_277 = vector.broadcast %shift_right_arithmetic3A_276 : i32 to vector<16xi32>
          %shift_right_arithmetic3A_278 = arith.shrsi %get3A_275, %shift_right_arithmetic3A_277 : vector<16xi32>
          %swap3A_279 = arith.constant 0 : index
          %swap3A_280 = tpu.vector_load %arg6[%swap3A_279] {strides = array<i32>} : memref<128xi32, #tpu.memory_space<vmem>>, vector<16xi32>,
          tpu.vector_store %arg6[%swap3A_279], %shift_right_arithmetic3A_278 {strides = array<i32>} : memref<128xi32, #tpu.memory_space<vmem>>, vector<16xi32>,
          %add3A_281 = arith.constant 16 : i32
          %add3A_282 = arith.addi %mul3A_271, %add3A_281 : i32
          %get3A_283 = arith.index_cast %add3A_282 : i32 to index
          %get3A_284 = tpu.vector_load %arg5[%get3A_283] {strides = array<i32>} : memref<3200xi32, #tpu.memory_space<vmem>>, vector<16xi32>,
          %shift_right_arithmetic3A_285 = arith.constant 1 : i32
          %shift_right_arithmetic3A_286 = vector.broadcast %shift_right_arithmetic3A_285 : i32 to vector<16xi32>
          %shift_right_arithmetic3A_287 = arith.shrsi %get3A_284, %shift_right_arithmetic3A_286 : vector<16xi32>
          %swap3A_288 = arith.constant 16 : index
          %swap3A_289 = tpu.vector_load %arg6[%swap3A_288] {strides = array<i32>} : memref<128xi32, #tpu.memory_space<vmem>>, vector<16xi32>,
          tpu.vector_store %arg6[%swap3A_288], %shift_right_arithmetic3A_287 {strides = array<i32>} : memref<128xi32, #tpu.memory_space<vmem>>, vector<16xi32>,
          %add3A_290 = arith.constant 32 : i32
          %add3A_291 = arith.addi %mul3A_271, %add3A_290 : i32
          %get3A_292 = arith.index_cast %add3A_291 : i32 to index
          %get3A_293 = tpu.vector_load %arg5[%get3A_292] {strides = array<i32>} : memref<3200xi32, #tpu.memory_space<vmem>>, vector<16xi32>,
          %shift_right_arithmetic3A_294 = arith.constant 1 : i32
          %shift_right_arithmetic3A_295 = vector.broadcast %shift_right_arithmetic3A_294 : i32 to vector<16xi32>
          %shift_right_arithmetic3A_296 = arith.shrsi %get3A_293, %shift_right_arithmetic3A_295 : vector<16xi32>
          %swap3A_297 = arith.constant 32 : index
          %swap3A_298 = tpu.vector_load %arg6[%swap3A_297] {strides = array<i32>} : memref<128xi32, #tpu.memory_space<vmem>>, vector<16xi32>,
          tpu.vector_store %arg6[%swap3A_297], %shift_right_arithmetic3A_296 {strides = array<i32>} : memref<128xi32, #tpu.memory_space<vmem>>, vector<16xi32>,
          %add3A_299 = arith.constant 48 : i32
          %add3A_300 = arith.addi %mul3A_271, %add3A_299 : i32
          %get3A_301 = arith.index_cast %add3A_300 : i32 to index
          %get3A_302 = tpu.vector_load %arg5[%get3A_301] {strides = array<i32>} : memref<3200xi32, #tpu.memory_space<vmem>>, vector<16xi32>,
          %shift_right_arithmetic3A_303 = arith.constant 1 : i32
          %shift_right_arithmetic3A_304 = vector.broadcast %shift_right_arithmetic3A_303 : i32 to vector<16xi32>
          %shift_right_arithmetic3A_305 = arith.shrsi %get3A_302, %shift_right_arithmetic3A_304 : vector<16xi32>
          %swap3A_306 = arith.constant 48 : index
          %swap3A_307 = tpu.vector_load %arg6[%swap3A_306] {strides = array<i32>} : memref<128xi32, #tpu.memory_space<vmem>>, vector<16xi32>,
          tpu.vector_store %arg6[%swap3A_306], %shift_right_arithmetic3A_305 {strides = array<i32>} : memref<128xi32, #tpu.memory_space<vmem>>, vector<16xi32>,
          %add3A_308 = arith.constant 64 : i32
          %add3A_309 = arith.addi %mul3A_271, %add3A_308 : i32
          %get3A_310 = arith.index_cast %add3A_309 : i32 to index
          %get3A_311 = tpu.vector_load %arg5[%get3A_310] {strides = array<i32>} : memref<3200xi32, #tpu.memory_space<vmem>>, vector<16xi32>,
          %shift_right_arithmetic3A_312 = arith.constant 1 : i32
          %shift_right_arithmetic3A_313 = vector.broadcast %shift_right_arithmetic3A_312 : i32 to vector<16xi32>
          %shift_right_arithmetic3A_314 = arith.shrsi %get3A_311, %shift_right_arithmetic3A_313 : vector<16xi32>
          %swap3A_315 = arith.constant 64 : index
          %swap3A_316 = tpu.vector_load %arg6[%swap3A_315] {strides = array<i32>} : memref<128xi32, #tpu.memory_space<vmem>>, vector<16xi32>,
          tpu.vector_store %arg6[%swap3A_315], %shift_right_arithmetic3A_314 {strides = array<i32>} : memref<128xi32, #tpu.memory_space<vmem>>, vector<16xi32>,
          %add3A_317 = arith.constant 80 : i32
          %add3A_318 = arith.addi %mul3A_271, %add3A_317 : i32
          %get3A_319 = arith.index_cast %add3A_318 : i32 to index
          %get3A_320 = tpu.vector_load %arg5[%get3A_319] {strides = array<i32>} : memref<3200xi32, #tpu.memory_space<vmem>>, vector<16xi32>,
          %shift_right_arithmetic3A_321 = arith.constant 1 : i32
          %shift_right_arithmetic3A_322 = vector.broadcast %shift_right_arithmetic3A_321 : i32 to vector<16xi32>
          %shift_right_arithmetic3A_323 = arith.shrsi %get3A_320, %shift_right_arithmetic3A_322 : vector<16xi32>
          %swap3A_324 = arith.constant 80 : index
          %swap3A_325 = tpu.vector_load %arg6[%swap3A_324] {strides = array<i32>} : memref<128xi32, #tpu.memory_space<vmem>>, vector<16xi32>,
          tpu.vector_store %arg6[%swap3A_324], %shift_right_arithmetic3A_323 {strides = array<i32>} : memref<128xi32, #tpu.memory_space<vmem>>, vector<16xi32>,
          %add3A_326 = arith.constant 96 : i32
          %add3A_327 = arith.addi %mul3A_271, %add3A_326 : i32
          %get3A_328 = arith.index_cast %add3A_327 : i32 to index
          %get3A_329 = tpu.vector_load %arg5[%get3A_328] {strides = array<i32>} : memref<3200xi32, #tpu.memory_space<vmem>>, vector<16xi32>,
          %shift_right_arithmetic3A_330 = arith.constant 1 : i32
          %shift_right_arithmetic3A_331 = vector.broadcast %shift_right_arithmetic3A_330 : i32 to vector<16xi32>
          %shift_right_arithmetic3A_332 = arith.shrsi %get3A_329, %shift_right_arithmetic3A_331 : vector<16xi32>
          %swap3A_333 = arith.constant 96 : index
          %swap3A_334 = tpu.vector_load %arg6[%swap3A_333] {strides = array<i32>} : memref<128xi32, #tpu.memory_space<vmem>>, vector<16xi32>,
          tpu.vector_store %arg6[%swap3A_333], %shift_right_arithmetic3A_332 {strides = array<i32>} : memref<128xi32, #tpu.memory_space<vmem>>, vector<16xi32>,
          %add3A_335 = arith.constant 112 : i32
          %add3A_336 = arith.addi %mul3A_271, %add3A_335 : i32
          %get3A_337 = arith.index_cast %add3A_336 : i32 to index
          %get3A_338 = tpu.vector_load %arg5[%get3A_337] {strides = array<i32>} : memref<3200xi32, #tpu.memory_space<vmem>>, vector<16xi32>,
          %shift_right_arithmetic3A_339 = arith.constant 1 : i32
          %shift_right_arithmetic3A_340 = vector.broadcast %shift_right_arithmetic3A_339 : i32 to vector<16xi32>
          %shift_right_arithmetic3A_341 = arith.shrsi %get3A_338, %shift_right_arithmetic3A_340 : vector<16xi32>
          %swap3A_342 = arith.constant 112 : index
          %swap3A_343 = tpu.vector_load %arg6[%swap3A_342] {strides = array<i32>} : memref<128xi32, #tpu.memory_space<vmem>>, vector<16xi32>,
          tpu.vector_store %arg6[%swap3A_342], %shift_right_arithmetic3A_341 {strides = array<i32>} : memref<128xi32, #tpu.memory_space<vmem>>, vector<16xi32>,
          %dma_start3A_344 = arith.constant 0 : i32
          %dma_start3A_345 = arith.constant 0 : i32
          %dma_start3A_346 = tpu.memref_slice %arg2[%dma_start3A_344, %dma_start3A_345] : memref<50000x128xf32, #tpu.memory_space<hbm>> -> memref<50000x128xf32, #tpu.memory_space<hbm>>
          tpu.enqueue_indirect_dma source(%dma_start3A_346 : memref<50000x128xf32, #tpu.memory_space<hbm>>) target(%arg9 : memref<128x128xf32, #tpu.memory_space<vmem>>) offsets(%arg6 : memref<128xi32, #tpu.memory_space<vmem>>) semaphore(%arg18 : memref<!tpu.dma_semaphore, #tpu.memory_space<semaphore_mem>>)
        } else {
        }
      } else {
      }
      %mul3A_125 = arith.constant 6 : i32
      %mul3A_126 = arith.muli %mul3A_125, %scan3A_116 : i32
      %add3A_127 = arith.constant 1 : i32
      %add3A_128 = arith.addi %mul3A_126, %add3A_127 : i32
      %lt3A_129 = arith.cmpi slt, %add3A_128, %select_n3A : i32
      %convert_element_type3A_130 = arith.extui %lt3A_129 : i1 to i32
      %cond3A_131 = arith.constant 0 : i32
      %cond3A_132 = arith.cmpi ne, %convert_element_type3A_130, %cond3A_131 : i32
      scf.if %cond3A_132 {
        %dma_wait3A = arith.constant 0 : i32
        %dma_wait3A_165 = arith.constant 0 : i32
        %dma_wait3A_166 = tpu.memref_slice %arg2[%dma_wait3A, %dma_wait3A_165] : memref<50000x128xf32, #tpu.memory_space<hbm>> -> memref<50000x128xf32, #tpu.memory_space<hbm>>
        tpu.wait_indirect_dma semaphore(%arg19 : memref<!tpu.dma_semaphore, #tpu.memory_space<semaphore_mem>>) src(%dma_wait3A_166 : memref<50000x128xf32, #tpu.memory_space<hbm>>) dst(%arg10 : memref<128x128xf32, #tpu.memory_space<vmem>>)
        %ge3A = arith.constant 2 : i32
        %ge3A_167 = arith.cmpi sge, %add3A_128, %ge3A : i32
        %convert_element_type3A_168 = arith.extui %ge3A_167 : i1 to i32
        %cond3A_169 = arith.constant 0 : i32
        %cond3A_170 = arith.cmpi ne, %convert_element_type3A_168, %cond3A_169 : i32
        scf.if %cond3A_170 {
          %dma_wait3A_267 = arith.constant 0 : i32
          %dma_wait3A_268 = arith.constant 0 : i32
          %dma_wait3A_269 = tpu.memref_slice %arg4[%dma_wait3A_267, %dma_wait3A_268] : memref<64x100000xf32, #tpu.memory_space<hbm>> -> memref<64x128xf32, #tpu.memory_space<hbm>>
          %dma_wait3A_270 = arith.constant 0 : i32
          %dma_wait3A_271 = arith.constant 0 : i32
          %dma_wait3A_272 = tpu.memref_slice %arg4[%dma_wait3A_270, %dma_wait3A_271] : memref<64x100000xf32, #tpu.memory_space<hbm>> -> memref<64x128xf32, #tpu.memory_space<hbm>>
          tpu.wait_dma2 semaphore(%arg22 : memref<!tpu.dma_semaphore, #tpu.memory_space<semaphore_mem>>) src(%arg13 : memref<64x128xf32, #tpu.memory_space<vmem>>) dst(%dma_wait3A_272 : memref<64x128xf32, #tpu.memory_space<hbm>>)
        } else {
        }
        %add3A_171 = arith.addi %sub3A, %add3A_128 : i32
        %mul3A_172 = arith.constant 128 : i32
        %mul3A_173 = arith.muli %add3A_171, %mul3A_172 : i32
        %add3A_174 = arith.constant 0 : i32
        %add3A_175 = arith.addi %mul3A_173, %add3A_174 : i32
        %get3A_176 = arith.index_cast %add3A_175 : i32 to index
        %get3A_177 = tpu.vector_load %arg5[%get3A_176] {strides = array<i32>} : memref<3200xi32, #tpu.memory_space<vmem>>, vector<16xi32>,
        %and3A = arith.constant 1 : i32
        %and3A_178 = vector.broadcast %and3A : i32 to vector<16xi32>
        %and3A_179 = arith.andi %get3A_177, %and3A_178 : vector<16xi32>
        %shift_left3A = arith.constant 6 : i32
        %shift_left3A_180 = vector.broadcast %shift_left3A : i32 to vector<16xi32>
        %shift_left3A_181 = arith.shli %and3A_179, %shift_left3A_180 : vector<16xi32>
        %add3A_182 = arith.constant 16 : i32
        %add3A_183 = arith.addi %mul3A_173, %add3A_182 : i32
        %get3A_184 = arith.index_cast %add3A_183 : i32 to index
        %get3A_185 = tpu.vector_load %arg5[%get3A_184] {strides = array<i32>} : memref<3200xi32, #tpu.memory_space<vmem>>, vector<16xi32>,
        %and3A_186 = arith.constant 1 : i32
        %and3A_187 = vector.broadcast %and3A_186 : i32 to vector<16xi32>
        %and3A_188 = arith.andi %get3A_185, %and3A_187 : vector<16xi32>
        %shift_left3A_189 = arith.constant 6 : i32
        %shift_left3A_190 = vector.broadcast %shift_left3A_189 : i32 to vector<16xi32>
        %shift_left3A_191 = arith.shli %and3A_188, %shift_left3A_190 : vector<16xi32>
        %add3A_192 = arith.constant 32 : i32
        %add3A_193 = arith.addi %mul3A_173, %add3A_192 : i32
        %get3A_194 = arith.index_cast %add3A_193 : i32 to index
        %get3A_195 = tpu.vector_load %arg5[%get3A_194] {strides = array<i32>} : memref<3200xi32, #tpu.memory_space<vmem>>, vector<16xi32>,
        %and3A_196 = arith.constant 1 : i32
        %and3A_197 = vector.broadcast %and3A_196 : i32 to vector<16xi32>
        %and3A_198 = arith.andi %get3A_195, %and3A_197 : vector<16xi32>
        %shift_left3A_199 = arith.constant 6 : i32
        %shift_left3A_200 = vector.broadcast %shift_left3A_199 : i32 to vector<16xi32>
        %shift_left3A_201 = arith.shli %and3A_198, %shift_left3A_200 : vector<16xi32>
        %add3A_202 = arith.constant 48 : i32
        %add3A_203 = arith.addi %mul3A_173, %add3A_202 : i32
        %get3A_204 = arith.index_cast %add3A_203 : i32 to index
        %get3A_205 = tpu.vector_load %arg5[%get3A_204] {strides = array<i32>} : memref<3200xi32, #tpu.memory_space<vmem>>, vector<16xi32>,
        %and3A_206 = arith.constant 1 : i32
        %and3A_207 = vector.broadcast %and3A_206 : i32 to vector<16xi32>
        %and3A_208 = arith.andi %get3A_205, %and3A_207 : vector<16xi32>
        %shift_left3A_209 = arith.constant 6 : i32
        %shift_left3A_210 = vector.broadcast %shift_left3A_209 : i32 to vector<16xi32>
        %shift_left3A_211 = arith.shli %and3A_208, %shift_left3A_210 : vector<16xi32>
        %add3A_212 = arith.constant 64 : i32
        %add3A_213 = arith.addi %mul3A_173, %add3A_212 : i32
        %get3A_214 = arith.index_cast %add3A_213 : i32 to index
        %get3A_215 = tpu.vector_load %arg5[%get3A_214] {strides = array<i32>} : memref<3200xi32, #tpu.memory_space<vmem>>, vector<16xi32>,
        %and3A_216 = arith.constant 1 : i32
        %and3A_217 = vector.broadcast %and3A_216 : i32 to vector<16xi32>
        %and3A_218 = arith.andi %get3A_215, %and3A_217 : vector<16xi32>
        %shift_left3A_219 = arith.constant 6 : i32
        %shift_left3A_220 = vector.broadcast %shift_left3A_219 : i32 to vector<16xi32>
        %shift_left3A_221 = arith.shli %and3A_218, %shift_left3A_220 : vector<16xi32>
        %add3A_222 = arith.constant 80 : i32
        %add3A_223 = arith.addi %mul3A_173, %add3A_222 : i32
        %get3A_224 = arith.index_cast %add3A_223 : i32 to index
        %get3A_225 = tpu.vector_load %arg5[%get3A_224] {strides = array<i32>} : memref<3200xi32, #tpu.memory_space<vmem>>, vector<16xi32>,
        %and3A_226 = arith.constant 1 : i32
        %and3A_227 = vector.broadcast %and3A_226 : i32 to vector<16xi32>
        %and3A_228 = arith.andi %get3A_225, %and3A_227 : vector<16xi32>
        %shift_left3A_229 = arith.constant 6 : i32
        %shift_left3A_230 = vector.broadcast %shift_left3A_229 : i32 to vector<16xi32>
        %shift_left3A_231 = arith.shli %and3A_228, %shift_left3A_230 : vector<16xi32>
        %add3A_232 = arith.constant 96 : i32
        %add3A_233 = arith.addi %mul3A_173, %add3A_232 : i32
        %get3A_234 = arith.index_cast %add3A_233 : i32 to index
        %get3A_235 = tpu.vector_load %arg5[%get3A_234] {strides = array<i32>} : memref<3200xi32, #tpu.memory_space<vmem>>, vector<16xi32>,
        %and3A_236 = arith.constant 1 : i32
        %and3A_237 = vector.broadcast %and3A_236 : i32 to vector<16xi32>
        %and3A_238 = arith.andi %get3A_235, %and3A_237 : vector<16xi32>
        %shift_left3A_239 = arith.constant 6 : i32
        %shift_left3A_240 = vector.broadcast %shift_left3A_239 : i32 to vector<16xi32>
        %shift_left3A_241 = arith.shli %and3A_238, %shift_left3A_240 : vector<16xi32>
        %add3A_242 = arith.constant 112 : i32
        %add3A_243 = arith.addi %mul3A_173, %add3A_242 : i32
        %get3A_244 = arith.index_cast %add3A_243 : i32 to index
        %get3A_245 = tpu.vector_load %arg5[%get3A_244] {strides = array<i32>} : memref<3200xi32, #tpu.memory_space<vmem>>, vector<16xi32>,
        %and3A_246 = arith.constant 1 : i32
        %and3A_247 = vector.broadcast %and3A_246 : i32 to vector<16xi32>
        %and3A_248 = arith.andi %get3A_245, %and3A_247 : vector<16xi32>
        %shift_left3A_249 = arith.constant 6 : i32
        %shift_left3A_250 = vector.broadcast %shift_left3A_249 : i32 to vector<16xi32>
        %shift_left3A_251 = arith.shli %and3A_248, %shift_left3A_250 : vector<16xi32>
        %parallel_loop3A = arith.constant 0 : i32
        %parallel_loop3A_252 = arith.constant 64 : i32
        %parallel_loop3A_253 = arith.constant 1 : i32
        scf.for %parallel_loop3A_267 = %parallel_loop3A to %parallel_loop3A_252 step %parallel_loop3A_253  : i32 {
          %parallel_loop3A_268 = vector.broadcast %parallel_loop3A_267 : i32 to vector<16xi32>
          %parallel_loop3A_269 = arith.addi %parallel_loop3A_268, %iota3A : vector<16xi32>
          %parallel_loop3A_270 = arith.constant 63 : i32
          %parallel_loop3A_271 = vector.broadcast %parallel_loop3A_270 : i32 to vector<16xi32>
          %parallel_loop3A_272 = arith.andi %parallel_loop3A_269, %parallel_loop3A_271 : vector<16xi32>
          %parallel_loop3A_273 = arith.constant 0 : i32
          %parallel_loop3A_274 = vector.broadcast %parallel_loop3A_273 : i32 to vector<16xi32>
          %parallel_loop3A_275 = arith.addi %parallel_loop3A_274, %iota3A : vector<16xi32>
          %parallel_loop3A_276 = arith.addi %shift_left3A_181, %parallel_loop3A_272 : vector<16xi32>
          %parallel_loop3A_277 = tpu.vector_load_idx %arg10[%parallel_loop3A_275, %parallel_loop3A_276] : memref<128x128xf32, #tpu.memory_space<vmem>>[vector<16xi32>, vector<16xi32>], vector<16xf32>,
          %parallel_loop3A_278 = arith.constant 0 : i32
          %parallel_loop3A_279 = vector.broadcast %parallel_loop3A_278 : i32 to vector<16xi32>
          %parallel_loop3A_280 = arith.addi %parallel_loop3A_279, %iota3A : vector<16xi32>
          tpu.vector_store_idx %arg13[%parallel_loop3A_272, %parallel_loop3A_280], %parallel_loop3A_277 : memref<64x128xf32, #tpu.memory_space<vmem>>[vector<16xi32>, vector<16xi32>], vector<16xf32>,
          %parallel_loop3A_281 = arith.constant 16 : i32
          %parallel_loop3A_282 = vector.broadcast %parallel_loop3A_281 : i32 to vector<16xi32>
          %parallel_loop3A_283 = arith.addi %parallel_loop3A_282, %iota3A : vector<16xi32>
          %parallel_loop3A_284 = arith.addi %shift_left3A_191, %parallel_loop3A_272 : vector<16xi32>
          %parallel_loop3A_285 = tpu.vector_load_idx %arg10[%parallel_loop3A_283, %parallel_loop3A_284] : memref<128x128xf32, #tpu.memory_space<vmem>>[vector<16xi32>, vector<16xi32>], vector<16xf32>,
          %parallel_loop3A_286 = arith.constant 16 : i32
          %parallel_loop3A_287 = vector.broadcast %parallel_loop3A_286 : i32 to vector<16xi32>
          %parallel_loop3A_288 = arith.addi %parallel_loop3A_287, %iota3A : vector<16xi32>
          tpu.vector_store_idx %arg13[%parallel_loop3A_272, %parallel_loop3A_288], %parallel_loop3A_285 : memref<64x128xf32, #tpu.memory_space<vmem>>[vector<16xi32>, vector<16xi32>], vector<16xf32>,
          %parallel_loop3A_289 = arith.constant 32 : i32
          %parallel_loop3A_290 = vector.broadcast %parallel_loop3A_289 : i32 to vector<16xi32>
          %parallel_loop3A_291 = arith.addi %parallel_loop3A_290, %iota3A : vector<16xi32>
          %parallel_loop3A_292 = arith.addi %shift_left3A_201, %parallel_loop3A_272 : vector<16xi32>
          %parallel_loop3A_293 = tpu.vector_load_idx %arg10[%parallel_loop3A_291, %parallel_loop3A_292] : memref<128x128xf32, #tpu.memory_space<vmem>>[vector<16xi32>, vector<16xi32>], vector<16xf32>,
          %parallel_loop3A_294 = arith.constant 32 : i32
          %parallel_loop3A_295 = vector.broadcast %parallel_loop3A_294 : i32 to vector<16xi32>
          %parallel_loop3A_296 = arith.addi %parallel_loop3A_295, %iota3A : vector<16xi32>
          tpu.vector_store_idx %arg13[%parallel_loop3A_272, %parallel_loop3A_296], %parallel_loop3A_293 : memref<64x128xf32, #tpu.memory_space<vmem>>[vector<16xi32>, vector<16xi32>], vector<16xf32>,
          %parallel_loop3A_297 = arith.constant 48 : i32
          %parallel_loop3A_298 = vector.broadcast %parallel_loop3A_297 : i32 to vector<16xi32>
          %parallel_loop3A_299 = arith.addi %parallel_loop3A_298, %iota3A : vector<16xi32>
          %parallel_loop3A_300 = arith.addi %shift_left3A_211, %parallel_loop3A_272 : vector<16xi32>
          %parallel_loop3A_301 = tpu.vector_load_idx %arg10[%parallel_loop3A_299, %parallel_loop3A_300] : memref<128x128xf32, #tpu.memory_space<vmem>>[vector<16xi32>, vector<16xi32>], vector<16xf32>,
          %parallel_loop3A_302 = arith.constant 48 : i32
          %parallel_loop3A_303 = vector.broadcast %parallel_loop3A_302 : i32 to vector<16xi32>
          %parallel_loop3A_304 = arith.addi %parallel_loop3A_303, %iota3A : vector<16xi32>
          tpu.vector_store_idx %arg13[%parallel_loop3A_272, %parallel_loop3A_304], %parallel_loop3A_301 : memref<64x128xf32, #tpu.memory_space<vmem>>[vector<16xi32>, vector<16xi32>], vector<16xf32>,
          %parallel_loop3A_305 = arith.constant 64 : i32
          %parallel_loop3A_306 = vector.broadcast %parallel_loop3A_305 : i32 to vector<16xi32>
          %parallel_loop3A_307 = arith.addi %parallel_loop3A_306, %iota3A : vector<16xi32>
          %parallel_loop3A_308 = arith.addi %shift_left3A_221, %parallel_loop3A_272 : vector<16xi32>
          %parallel_loop3A_309 = tpu.vector_load_idx %arg10[%parallel_loop3A_307, %parallel_loop3A_308] : memref<128x128xf32, #tpu.memory_space<vmem>>[vector<16xi32>, vector<16xi32>], vector<16xf32>,
          %parallel_loop3A_310 = arith.constant 64 : i32
          %parallel_loop3A_311 = vector.broadcast %parallel_loop3A_310 : i32 to vector<16xi32>
          %parallel_loop3A_312 = arith.addi %parallel_loop3A_311, %iota3A : vector<16xi32>
          tpu.vector_store_idx %arg13[%parallel_loop3A_272, %parallel_loop3A_312], %parallel_loop3A_309 : memref<64x128xf32, #tpu.memory_space<vmem>>[vector<16xi32>, vector<16xi32>], vector<16xf32>,
          %parallel_loop3A_313 = arith.constant 80 : i32
          %parallel_loop3A_314 = vector.broadcast %parallel_loop3A_313 : i32 to vector<16xi32>
          %parallel_loop3A_315 = arith.addi %parallel_loop3A_314, %iota3A : vector<16xi32>
          %parallel_loop3A_316 = arith.addi %shift_left3A_231, %parallel_loop3A_272 : vector<16xi32>
          %parallel_loop3A_317 = tpu.vector_load_idx %arg10[%parallel_loop3A_315, %parallel_loop3A_316] : memref<128x128xf32, #tpu.memory_space<vmem>>[vector<16xi32>, vector<16xi32>], vector<16xf32>,
          %parallel_loop3A_318 = arith.constant 80 : i32
          %parallel_loop3A_319 = vector.broadcast %parallel_loop3A_318 : i32 to vector<16xi32>
          %parallel_loop3A_320 = arith.addi %parallel_loop3A_319, %iota3A : vector<16xi32>
          tpu.vector_store_idx %arg13[%parallel_loop3A_272, %parallel_loop3A_320], %parallel_loop3A_317 : memref<64x128xf32, #tpu.memory_space<vmem>>[vector<16xi32>, vector<16xi32>], vector<16xf32>,
          %parallel_loop3A_321 = arith.constant 96 : i32
          %parallel_loop3A_322 = vector.broadcast %parallel_loop3A_321 : i32 to vector<16xi32>
          %parallel_loop3A_323 = arith.addi %parallel_loop3A_322, %iota3A : vector<16xi32>
          %parallel_loop3A_324 = arith.addi %shift_left3A_241, %parallel_loop3A_272 : vector<16xi32>
          %parallel_loop3A_325 = tpu.vector_load_idx %arg10[%parallel_loop3A_323, %parallel_loop3A_324] : memref<128x128xf32, #tpu.memory_space<vmem>>[vector<16xi32>, vector<16xi32>], vector<16xf32>,
          %parallel_loop3A_326 = arith.constant 96 : i32
          %parallel_loop3A_327 = vector.broadcast %parallel_loop3A_326 : i32 to vector<16xi32>
          %parallel_loop3A_328 = arith.addi %parallel_loop3A_327, %iota3A : vector<16xi32>
          tpu.vector_store_idx %arg13[%parallel_loop3A_272, %parallel_loop3A_328], %parallel_loop3A_325 : memref<64x128xf32, #tpu.memory_space<vmem>>[vector<16xi32>, vector<16xi32>], vector<16xf32>,
          %parallel_loop3A_329 = arith.constant 112 : i32
          %parallel_loop3A_330 = vector.broadcast %parallel_loop3A_329 : i32 to vector<16xi32>
          %parallel_loop3A_331 = arith.addi %parallel_loop3A_330, %iota3A : vector<16xi32>
          %parallel_loop3A_332 = arith.addi %shift_left3A_251, %parallel_loop3A_272 : vector<16xi32>
          %parallel_loop3A_333 = tpu.vector_load_idx %arg10[%parallel_loop3A_331, %parallel_loop3A_332] : memref<128x128xf32, #tpu.memory_space<vmem>>[vector<16xi32>, vector<16xi32>], vector<16xf32>,
          %parallel_loop3A_334 = arith.constant 112 : i32
          %parallel_loop3A_335 = vector.broadcast %parallel_loop3A_334 : i32 to vector<16xi32>
          %parallel_loop3A_336 = arith.addi %parallel_loop3A_335, %iota3A : vector<16xi32>
          tpu.vector_store_idx %arg13[%parallel_loop3A_272, %parallel_loop3A_336], %parallel_loop3A_333 : memref<64x128xf32, #tpu.memory_space<vmem>>[vector<16xi32>, vector<16xi32>], vector<16xf32>,
        } {sc.loop_unroll_factor = 2 : i64, sc.parallel_access}
        %add3A_254 = arith.addi %select_n3A_11, %add3A_128 : i32
        %mul3A_255 = arith.constant 128 : i32
        %mul3A_256 = arith.muli %add3A_254, %mul3A_255 : i32
        %dma_start3A_257 = arith.constant 0 : i32
        %dma_start3A_258 = tpu.memref_slice %arg4[%dma_start3A_257, %mul3A_256] : memref<64x100000xf32, #tpu.memory_space<hbm>> -> memref<64x128xf32, #tpu.memory_space<hbm>>
        %dma_start3A_259 = arith.constant 0 : i32
        %dma_start3A_260 = tpu.memref_slice %arg4[%dma_start3A_259, %mul3A_256] : memref<64x100000xf32, #tpu.memory_space<hbm>> -> memref<64x128xf32, #tpu.memory_space<hbm>>
        tpu.enqueue_dma source(%arg13 : memref<64x128xf32, #tpu.memory_space<vmem>>) target(%dma_start3A_260 : memref<64x128xf32, #tpu.memory_space<hbm>>) target_semaphore(%arg22 : memref<!tpu.dma_semaphore, #tpu.memory_space<semaphore_mem>>)
        %add3A_261 = arith.constant 3 : i32
        %add3A_262 = arith.addi %add3A_128, %add3A_261 : i32
        %lt3A_263 = arith.cmpi slt, %add3A_262, %select_n3A : i32
        %convert_element_type3A_264 = arith.extui %lt3A_263 : i1 to i32
        %cond3A_265 = arith.constant 0 : i32
        %cond3A_266 = arith.cmpi ne, %convert_element_type3A_264, %cond3A_265 : i32
        scf.if %cond3A_266 {
          %add3A_267 = arith.constant 3 : i32
          %add3A_268 = arith.addi %add3A_128, %add3A_267 : i32
          %add3A_269 = arith.addi %sub3A, %add3A_268 : i32
          %mul3A_270 = arith.constant 128 : i32
          %mul3A_271 = arith.muli %add3A_269, %mul3A_270 : i32
          %add3A_272 = arith.constant 0 : i32
          %add3A_273 = arith.addi %mul3A_271, %add3A_272 : i32
          %get3A_274 = arith.index_cast %add3A_273 : i32 to index
          %get3A_275 = tpu.vector_load %arg5[%get3A_274] {strides = array<i32>} : memref<3200xi32, #tpu.memory_space<vmem>>, vector<16xi32>,
          %shift_right_arithmetic3A_276 = arith.constant 1 : i32
          %shift_right_arithmetic3A_277 = vector.broadcast %shift_right_arithmetic3A_276 : i32 to vector<16xi32>
          %shift_right_arithmetic3A_278 = arith.shrsi %get3A_275, %shift_right_arithmetic3A_277 : vector<16xi32>
          %swap3A_279 = arith.constant 0 : index
          %swap3A_280 = tpu.vector_load %arg7[%swap3A_279] {strides = array<i32>} : memref<128xi32, #tpu.memory_space<vmem>>, vector<16xi32>,
          tpu.vector_store %arg7[%swap3A_279], %shift_right_arithmetic3A_278 {strides = array<i32>} : memref<128xi32, #tpu.memory_space<vmem>>, vector<16xi32>,
          %add3A_281 = arith.constant 16 : i32
          %add3A_282 = arith.addi %mul3A_271, %add3A_281 : i32
          %get3A_283 = arith.index_cast %add3A_282 : i32 to index
          %get3A_284 = tpu.vector_load %arg5[%get3A_283] {strides = array<i32>} : memref<3200xi32, #tpu.memory_space<vmem>>, vector<16xi32>,
          %shift_right_arithmetic3A_285 = arith.constant 1 : i32
          %shift_right_arithmetic3A_286 = vector.broadcast %shift_right_arithmetic3A_285 : i32 to vector<16xi32>
          %shift_right_arithmetic3A_287 = arith.shrsi %get3A_284, %shift_right_arithmetic3A_286 : vector<16xi32>
          %swap3A_288 = arith.constant 16 : index
          %swap3A_289 = tpu.vector_load %arg7[%swap3A_288] {strides = array<i32>} : memref<128xi32, #tpu.memory_space<vmem>>, vector<16xi32>,
          tpu.vector_store %arg7[%swap3A_288], %shift_right_arithmetic3A_287 {strides = array<i32>} : memref<128xi32, #tpu.memory_space<vmem>>, vector<16xi32>,
          %add3A_290 = arith.constant 32 : i32
          %add3A_291 = arith.addi %mul3A_271, %add3A_290 : i32
          %get3A_292 = arith.index_cast %add3A_291 : i32 to index
          %get3A_293 = tpu.vector_load %arg5[%get3A_292] {strides = array<i32>} : memref<3200xi32, #tpu.memory_space<vmem>>, vector<16xi32>,
          %shift_right_arithmetic3A_294 = arith.constant 1 : i32
          %shift_right_arithmetic3A_295 = vector.broadcast %shift_right_arithmetic3A_294 : i32 to vector<16xi32>
          %shift_right_arithmetic3A_296 = arith.shrsi %get3A_293, %shift_right_arithmetic3A_295 : vector<16xi32>
          %swap3A_297 = arith.constant 32 : index
          %swap3A_298 = tpu.vector_load %arg7[%swap3A_297] {strides = array<i32>} : memref<128xi32, #tpu.memory_space<vmem>>, vector<16xi32>,
          tpu.vector_store %arg7[%swap3A_297], %shift_right_arithmetic3A_296 {strides = array<i32>} : memref<128xi32, #tpu.memory_space<vmem>>, vector<16xi32>,
          %add3A_299 = arith.constant 48 : i32
          %add3A_300 = arith.addi %mul3A_271, %add3A_299 : i32
          %get3A_301 = arith.index_cast %add3A_300 : i32 to index
          %get3A_302 = tpu.vector_load %arg5[%get3A_301] {strides = array<i32>} : memref<3200xi32, #tpu.memory_space<vmem>>, vector<16xi32>,
          %shift_right_arithmetic3A_303 = arith.constant 1 : i32
          %shift_right_arithmetic3A_304 = vector.broadcast %shift_right_arithmetic3A_303 : i32 to vector<16xi32>
          %shift_right_arithmetic3A_305 = arith.shrsi %get3A_302, %shift_right_arithmetic3A_304 : vector<16xi32>
          %swap3A_306 = arith.constant 48 : index
          %swap3A_307 = tpu.vector_load %arg7[%swap3A_306] {strides = array<i32>} : memref<128xi32, #tpu.memory_space<vmem>>, vector<16xi32>,
          tpu.vector_store %arg7[%swap3A_306], %shift_right_arithmetic3A_305 {strides = array<i32>} : memref<128xi32, #tpu.memory_space<vmem>>, vector<16xi32>,
          %add3A_308 = arith.constant 64 : i32
          %add3A_309 = arith.addi %mul3A_271, %add3A_308 : i32
          %get3A_310 = arith.index_cast %add3A_309 : i32 to index
          %get3A_311 = tpu.vector_load %arg5[%get3A_310] {strides = array<i32>} : memref<3200xi32, #tpu.memory_space<vmem>>, vector<16xi32>,
          %shift_right_arithmetic3A_312 = arith.constant 1 : i32
          %shift_right_arithmetic3A_313 = vector.broadcast %shift_right_arithmetic3A_312 : i32 to vector<16xi32>
          %shift_right_arithmetic3A_314 = arith.shrsi %get3A_311, %shift_right_arithmetic3A_313 : vector<16xi32>
          %swap3A_315 = arith.constant 64 : index
          %swap3A_316 = tpu.vector_load %arg7[%swap3A_315] {strides = array<i32>} : memref<128xi32, #tpu.memory_space<vmem>>, vector<16xi32>,
          tpu.vector_store %arg7[%swap3A_315], %shift_right_arithmetic3A_314 {strides = array<i32>} : memref<128xi32, #tpu.memory_space<vmem>>, vector<16xi32>,
          %add3A_317 = arith.constant 80 : i32
          %add3A_318 = arith.addi %mul3A_271, %add3A_317 : i32
          %get3A_319 = arith.index_cast %add3A_318 : i32 to index
          %get3A_320 = tpu.vector_load %arg5[%get3A_319] {strides = array<i32>} : memref<3200xi32, #tpu.memory_space<vmem>>, vector<16xi32>,
          %shift_right_arithmetic3A_321 = arith.constant 1 : i32
          %shift_right_arithmetic3A_322 = vector.broadcast %shift_right_arithmetic3A_321 : i32 to vector<16xi32>
          %shift_right_arithmetic3A_323 = arith.shrsi %get3A_320, %shift_right_arithmetic3A_322 : vector<16xi32>
          %swap3A_324 = arith.constant 80 : index
          %swap3A_325 = tpu.vector_load %arg7[%swap3A_324] {strides = array<i32>} : memref<128xi32, #tpu.memory_space<vmem>>, vector<16xi32>,
          tpu.vector_store %arg7[%swap3A_324], %shift_right_arithmetic3A_323 {strides = array<i32>} : memref<128xi32, #tpu.memory_space<vmem>>, vector<16xi32>,
          %add3A_326 = arith.constant 96 : i32
          %add3A_327 = arith.addi %mul3A_271, %add3A_326 : i32
          %get3A_328 = arith.index_cast %add3A_327 : i32 to index
          %get3A_329 = tpu.vector_load %arg5[%get3A_328] {strides = array<i32>} : memref<3200xi32, #tpu.memory_space<vmem>>, vector<16xi32>,
          %shift_right_arithmetic3A_330 = arith.constant 1 : i32
          %shift_right_arithmetic3A_331 = vector.broadcast %shift_right_arithmetic3A_330 : i32 to vector<16xi32>
          %shift_right_arithmetic3A_332 = arith.shrsi %get3A_329, %shift_right_arithmetic3A_331 : vector<16xi32>
          %swap3A_333 = arith.constant 96 : index
          %swap3A_334 = tpu.vector_load %arg7[%swap3A_333] {strides = array<i32>} : memref<128xi32, #tpu.memory_space<vmem>>, vector<16xi32>,
          tpu.vector_store %arg7[%swap3A_333], %shift_right_arithmetic3A_332 {strides = array<i32>} : memref<128xi32, #tpu.memory_space<vmem>>, vector<16xi32>,
          %add3A_335 = arith.constant 112 : i32
          %add3A_336 = arith.addi %mul3A_271, %add3A_335 : i32
          %get3A_337 = arith.index_cast %add3A_336 : i32 to index
          %get3A_338 = tpu.vector_load %arg5[%get3A_337] {strides = array<i32>} : memref<3200xi32, #tpu.memory_space<vmem>>, vector<16xi32>,
          %shift_right_arithmetic3A_339 = arith.constant 1 : i32
          %shift_right_arithmetic3A_340 = vector.broadcast %shift_right_arithmetic3A_339 : i32 to vector<16xi32>
          %shift_right_arithmetic3A_341 = arith.shrsi %get3A_338, %shift_right_arithmetic3A_340 : vector<16xi32>
          %swap3A_342 = arith.constant 112 : index
          %swap3A_343 = tpu.vector_load %arg7[%swap3A_342] {strides = array<i32>} : memref<128xi32, #tpu.memory_space<vmem>>, vector<16xi32>,
          tpu.vector_store %arg7[%swap3A_342], %shift_right_arithmetic3A_341 {strides = array<i32>} : memref<128xi32, #tpu.memory_space<vmem>>, vector<16xi32>,
          %dma_start3A_344 = arith.constant 0 : i32
          %dma_start3A_345 = arith.constant 0 : i32
          %dma_start3A_346 = tpu.memref_slice %arg2[%dma_start3A_344, %dma_start3A_345] : memref<50000x128xf32, #tpu.memory_space<hbm>> -> memref<50000x128xf32, #tpu.memory_space<hbm>>
          tpu.enqueue_indirect_dma source(%dma_start3A_346 : memref<50000x128xf32, #tpu.memory_space<hbm>>) target(%arg10 : memref<128x128xf32, #tpu.memory_space<vmem>>) offsets(%arg7 : memref<128xi32, #tpu.memory_space<vmem>>) semaphore(%arg19 : memref<!tpu.dma_semaphore, #tpu.memory_space<semaphore_mem>>)
        } else {
        }
      } else {
      }
      %mul3A_133 = arith.constant 6 : i32
      %mul3A_134 = arith.muli %mul3A_133, %scan3A_116 : i32
      %add3A_135 = arith.constant 2 : i32
      %add3A_136 = arith.addi %mul3A_134, %add3A_135 : i32
      %lt3A_137 = arith.cmpi slt, %add3A_136, %select_n3A : i32
      %convert_element_type3A_138 = arith.extui %lt3A_137 : i1 to i32
      %cond3A_139 = arith.constant 0 : i32
      %cond3A_140 = arith.cmpi ne, %convert_element_type3A_138, %cond3A_139 : i32
      scf.if %cond3A_140 {
        %dma_wait3A = arith.constant 0 : i32
        %dma_wait3A_165 = arith.constant 0 : i32
        %dma_wait3A_166 = tpu.memref_slice %arg2[%dma_wait3A, %dma_wait3A_165] : memref<50000x128xf32, #tpu.memory_space<hbm>> -> memref<50000x128xf32, #tpu.memory_space<hbm>>
        tpu.wait_indirect_dma semaphore(%arg20 : memref<!tpu.dma_semaphore, #tpu.memory_space<semaphore_mem>>) src(%dma_wait3A_166 : memref<50000x128xf32, #tpu.memory_space<hbm>>) dst(%arg11 : memref<128x128xf32, #tpu.memory_space<vmem>>)
        %ge3A = arith.constant 2 : i32
        %ge3A_167 = arith.cmpi sge, %add3A_136, %ge3A : i32
        %convert_element_type3A_168 = arith.extui %ge3A_167 : i1 to i32
        %cond3A_169 = arith.constant 0 : i32
        %cond3A_170 = arith.cmpi ne, %convert_element_type3A_168, %cond3A_169 : i32
        scf.if %cond3A_170 {
          %dma_wait3A_267 = arith.constant 0 : i32
          %dma_wait3A_268 = arith.constant 0 : i32
          %dma_wait3A_269 = tpu.memref_slice %arg4[%dma_wait3A_267, %dma_wait3A_268] : memref<64x100000xf32, #tpu.memory_space<hbm>> -> memref<64x128xf32, #tpu.memory_space<hbm>>
          %dma_wait3A_270 = arith.constant 0 : i32
          %dma_wait3A_271 = arith.constant 0 : i32
          %dma_wait3A_272 = tpu.memref_slice %arg4[%dma_wait3A_270, %dma_wait3A_271] : memref<64x100000xf32, #tpu.memory_space<hbm>> -> memref<64x128xf32, #tpu.memory_space<hbm>>
          tpu.wait_dma2 semaphore(%arg21 : memref<!tpu.dma_semaphore, #tpu.memory_space<semaphore_mem>>) src(%arg12 : memref<64x128xf32, #tpu.memory_space<vmem>>) dst(%dma_wait3A_272 : memref<64x128xf32, #tpu.memory_space<hbm>>)
        } else {
        }
        %add3A_171 = arith.addi %sub3A, %add3A_136 : i32
        %mul3A_172 = arith.constant 128 : i32
        %mul3A_173 = arith.muli %add3A_171, %mul3A_172 : i32
        %add3A_174 = arith.constant 0 : i32
        %add3A_175 = arith.addi %mul3A_173, %add3A_174 : i32
        %get3A_176 = arith.index_cast %add3A_175 : i32 to index
        %get3A_177 = tpu.vector_load %arg5[%get3A_176] {strides = array<i32>} : memref<3200xi32, #tpu.memory_space<vmem>>, vector<16xi32>,
        %and3A = arith.constant 1 : i32
        %and3A_178 = vector.broadcast %and3A : i32 to vector<16xi32>
        %and3A_179 = arith.andi %get3A_177, %and3A_178 : vector<16xi32>
        %shift_left3A = arith.constant 6 : i32
        %shift_left3A_180 = vector.broadcast %shift_left3A : i32 to vector<16xi32>
        %shift_left3A_181 = arith.shli %and3A_179, %shift_left3A_180 : vector<16xi32>
        %add3A_182 = arith.constant 16 : i32
        %add3A_183 = arith.addi %mul3A_173, %add3A_182 : i32
        %get3A_184 = arith.index_cast %add3A_183 : i32 to index
        %get3A_185 = tpu.vector_load %arg5[%get3A_184] {strides = array<i32>} : memref<3200xi32, #tpu.memory_space<vmem>>, vector<16xi32>,
        %and3A_186 = arith.constant 1 : i32
        %and3A_187 = vector.broadcast %and3A_186 : i32 to vector<16xi32>
        %and3A_188 = arith.andi %get3A_185, %and3A_187 : vector<16xi32>
        %shift_left3A_189 = arith.constant 6 : i32
        %shift_left3A_190 = vector.broadcast %shift_left3A_189 : i32 to vector<16xi32>
        %shift_left3A_191 = arith.shli %and3A_188, %shift_left3A_190 : vector<16xi32>
        %add3A_192 = arith.constant 32 : i32
        %add3A_193 = arith.addi %mul3A_173, %add3A_192 : i32
        %get3A_194 = arith.index_cast %add3A_193 : i32 to index
        %get3A_195 = tpu.vector_load %arg5[%get3A_194] {strides = array<i32>} : memref<3200xi32, #tpu.memory_space<vmem>>, vector<16xi32>,
        %and3A_196 = arith.constant 1 : i32
        %and3A_197 = vector.broadcast %and3A_196 : i32 to vector<16xi32>
        %and3A_198 = arith.andi %get3A_195, %and3A_197 : vector<16xi32>
        %shift_left3A_199 = arith.constant 6 : i32
        %shift_left3A_200 = vector.broadcast %shift_left3A_199 : i32 to vector<16xi32>
        %shift_left3A_201 = arith.shli %and3A_198, %shift_left3A_200 : vector<16xi32>
        %add3A_202 = arith.constant 48 : i32
        %add3A_203 = arith.addi %mul3A_173, %add3A_202 : i32
        %get3A_204 = arith.index_cast %add3A_203 : i32 to index
        %get3A_205 = tpu.vector_load %arg5[%get3A_204] {strides = array<i32>} : memref<3200xi32, #tpu.memory_space<vmem>>, vector<16xi32>,
        %and3A_206 = arith.constant 1 : i32
        %and3A_207 = vector.broadcast %and3A_206 : i32 to vector<16xi32>
        %and3A_208 = arith.andi %get3A_205, %and3A_207 : vector<16xi32>
        %shift_left3A_209 = arith.constant 6 : i32
        %shift_left3A_210 = vector.broadcast %shift_left3A_209 : i32 to vector<16xi32>
        %shift_left3A_211 = arith.shli %and3A_208, %shift_left3A_210 : vector<16xi32>
        %add3A_212 = arith.constant 64 : i32
        %add3A_213 = arith.addi %mul3A_173, %add3A_212 : i32
        %get3A_214 = arith.index_cast %add3A_213 : i32 to index
        %get3A_215 = tpu.vector_load %arg5[%get3A_214] {strides = array<i32>} : memref<3200xi32, #tpu.memory_space<vmem>>, vector<16xi32>,
        %and3A_216 = arith.constant 1 : i32
        %and3A_217 = vector.broadcast %and3A_216 : i32 to vector<16xi32>
        %and3A_218 = arith.andi %get3A_215, %and3A_217 : vector<16xi32>
        %shift_left3A_219 = arith.constant 6 : i32
        %shift_left3A_220 = vector.broadcast %shift_left3A_219 : i32 to vector<16xi32>
        %shift_left3A_221 = arith.shli %and3A_218, %shift_left3A_220 : vector<16xi32>
        %add3A_222 = arith.constant 80 : i32
        %add3A_223 = arith.addi %mul3A_173, %add3A_222 : i32
        %get3A_224 = arith.index_cast %add3A_223 : i32 to index
        %get3A_225 = tpu.vector_load %arg5[%get3A_224] {strides = array<i32>} : memref<3200xi32, #tpu.memory_space<vmem>>, vector<16xi32>,
        %and3A_226 = arith.constant 1 : i32
        %and3A_227 = vector.broadcast %and3A_226 : i32 to vector<16xi32>
        %and3A_228 = arith.andi %get3A_225, %and3A_227 : vector<16xi32>
        %shift_left3A_229 = arith.constant 6 : i32
        %shift_left3A_230 = vector.broadcast %shift_left3A_229 : i32 to vector<16xi32>
        %shift_left3A_231 = arith.shli %and3A_228, %shift_left3A_230 : vector<16xi32>
        %add3A_232 = arith.constant 96 : i32
        %add3A_233 = arith.addi %mul3A_173, %add3A_232 : i32
        %get3A_234 = arith.index_cast %add3A_233 : i32 to index
        %get3A_235 = tpu.vector_load %arg5[%get3A_234] {strides = array<i32>} : memref<3200xi32, #tpu.memory_space<vmem>>, vector<16xi32>,
        %and3A_236 = arith.constant 1 : i32
        %and3A_237 = vector.broadcast %and3A_236 : i32 to vector<16xi32>
        %and3A_238 = arith.andi %get3A_235, %and3A_237 : vector<16xi32>
        %shift_left3A_239 = arith.constant 6 : i32
        %shift_left3A_240 = vector.broadcast %shift_left3A_239 : i32 to vector<16xi32>
        %shift_left3A_241 = arith.shli %and3A_238, %shift_left3A_240 : vector<16xi32>
        %add3A_242 = arith.constant 112 : i32
        %add3A_243 = arith.addi %mul3A_173, %add3A_242 : i32
        %get3A_244 = arith.index_cast %add3A_243 : i32 to index
        %get3A_245 = tpu.vector_load %arg5[%get3A_244] {strides = array<i32>} : memref<3200xi32, #tpu.memory_space<vmem>>, vector<16xi32>,
        %and3A_246 = arith.constant 1 : i32
        %and3A_247 = vector.broadcast %and3A_246 : i32 to vector<16xi32>
        %and3A_248 = arith.andi %get3A_245, %and3A_247 : vector<16xi32>
        %shift_left3A_249 = arith.constant 6 : i32
        %shift_left3A_250 = vector.broadcast %shift_left3A_249 : i32 to vector<16xi32>
        %shift_left3A_251 = arith.shli %and3A_248, %shift_left3A_250 : vector<16xi32>
        %parallel_loop3A = arith.constant 0 : i32
        %parallel_loop3A_252 = arith.constant 64 : i32
        %parallel_loop3A_253 = arith.constant 1 : i32
        scf.for %parallel_loop3A_267 = %parallel_loop3A to %parallel_loop3A_252 step %parallel_loop3A_253  : i32 {
          %parallel_loop3A_268 = vector.broadcast %parallel_loop3A_267 : i32 to vector<16xi32>
          %parallel_loop3A_269 = arith.addi %parallel_loop3A_268, %iota3A : vector<16xi32>
          %parallel_loop3A_270 = arith.constant 63 : i32
          %parallel_loop3A_271 = vector.broadcast %parallel_loop3A_270 : i32 to vector<16xi32>
          %parallel_loop3A_272 = arith.andi %parallel_loop3A_269, %parallel_loop3A_271 : vector<16xi32>
          %parallel_loop3A_273 = arith.constant 0 : i32
          %parallel_loop3A_274 = vector.broadcast %parallel_loop3A_273 : i32 to vector<16xi32>
          %parallel_loop3A_275 = arith.addi %parallel_loop3A_274, %iota3A : vector<16xi32>
          %parallel_loop3A_276 = arith.addi %shift_left3A_181, %parallel_loop3A_272 : vector<16xi32>
          %parallel_loop3A_277 = tpu.vector_load_idx %arg11[%parallel_loop3A_275, %parallel_loop3A_276] : memref<128x128xf32, #tpu.memory_space<vmem>>[vector<16xi32>, vector<16xi32>], vector<16xf32>,
          %parallel_loop3A_278 = arith.constant 0 : i32
          %parallel_loop3A_279 = vector.broadcast %parallel_loop3A_278 : i32 to vector<16xi32>
          %parallel_loop3A_280 = arith.addi %parallel_loop3A_279, %iota3A : vector<16xi32>
          tpu.vector_store_idx %arg12[%parallel_loop3A_272, %parallel_loop3A_280], %parallel_loop3A_277 : memref<64x128xf32, #tpu.memory_space<vmem>>[vector<16xi32>, vector<16xi32>], vector<16xf32>,
          %parallel_loop3A_281 = arith.constant 16 : i32
          %parallel_loop3A_282 = vector.broadcast %parallel_loop3A_281 : i32 to vector<16xi32>
          %parallel_loop3A_283 = arith.addi %parallel_loop3A_282, %iota3A : vector<16xi32>
          %parallel_loop3A_284 = arith.addi %shift_left3A_191, %parallel_loop3A_272 : vector<16xi32>
          %parallel_loop3A_285 = tpu.vector_load_idx %arg11[%parallel_loop3A_283, %parallel_loop3A_284] : memref<128x128xf32, #tpu.memory_space<vmem>>[vector<16xi32>, vector<16xi32>], vector<16xf32>,
          %parallel_loop3A_286 = arith.constant 16 : i32
          %parallel_loop3A_287 = vector.broadcast %parallel_loop3A_286 : i32 to vector<16xi32>
          %parallel_loop3A_288 = arith.addi %parallel_loop3A_287, %iota3A : vector<16xi32>
          tpu.vector_store_idx %arg12[%parallel_loop3A_272, %parallel_loop3A_288], %parallel_loop3A_285 : memref<64x128xf32, #tpu.memory_space<vmem>>[vector<16xi32>, vector<16xi32>], vector<16xf32>,
          %parallel_loop3A_289 = arith.constant 32 : i32
          %parallel_loop3A_290 = vector.broadcast %parallel_loop3A_289 : i32 to vector<16xi32>
          %parallel_loop3A_291 = arith.addi %parallel_loop3A_290, %iota3A : vector<16xi32>
          %parallel_loop3A_292 = arith.addi %shift_left3A_201, %parallel_loop3A_272 : vector<16xi32>
          %parallel_loop3A_293 = tpu.vector_load_idx %arg11[%parallel_loop3A_291, %parallel_loop3A_292] : memref<128x128xf32, #tpu.memory_space<vmem>>[vector<16xi32>, vector<16xi32>], vector<16xf32>,
          %parallel_loop3A_294 = arith.constant 32 : i32
          %parallel_loop3A_295 = vector.broadcast %parallel_loop3A_294 : i32 to vector<16xi32>
          %parallel_loop3A_296 = arith.addi %parallel_loop3A_295, %iota3A : vector<16xi32>
          tpu.vector_store_idx %arg12[%parallel_loop3A_272, %parallel_loop3A_296], %parallel_loop3A_293 : memref<64x128xf32, #tpu.memory_space<vmem>>[vector<16xi32>, vector<16xi32>], vector<16xf32>,
          %parallel_loop3A_297 = arith.constant 48 : i32
          %parallel_loop3A_298 = vector.broadcast %parallel_loop3A_297 : i32 to vector<16xi32>
          %parallel_loop3A_299 = arith.addi %parallel_loop3A_298, %iota3A : vector<16xi32>
          %parallel_loop3A_300 = arith.addi %shift_left3A_211, %parallel_loop3A_272 : vector<16xi32>
          %parallel_loop3A_301 = tpu.vector_load_idx %arg11[%parallel_loop3A_299, %parallel_loop3A_300] : memref<128x128xf32, #tpu.memory_space<vmem>>[vector<16xi32>, vector<16xi32>], vector<16xf32>,
          %parallel_loop3A_302 = arith.constant 48 : i32
          %parallel_loop3A_303 = vector.broadcast %parallel_loop3A_302 : i32 to vector<16xi32>
          %parallel_loop3A_304 = arith.addi %parallel_loop3A_303, %iota3A : vector<16xi32>
          tpu.vector_store_idx %arg12[%parallel_loop3A_272, %parallel_loop3A_304], %parallel_loop3A_301 : memref<64x128xf32, #tpu.memory_space<vmem>>[vector<16xi32>, vector<16xi32>], vector<16xf32>,
          %parallel_loop3A_305 = arith.constant 64 : i32
          %parallel_loop3A_306 = vector.broadcast %parallel_loop3A_305 : i32 to vector<16xi32>
          %parallel_loop3A_307 = arith.addi %parallel_loop3A_306, %iota3A : vector<16xi32>
          %parallel_loop3A_308 = arith.addi %shift_left3A_221, %parallel_loop3A_272 : vector<16xi32>
          %parallel_loop3A_309 = tpu.vector_load_idx %arg11[%parallel_loop3A_307, %parallel_loop3A_308] : memref<128x128xf32, #tpu.memory_space<vmem>>[vector<16xi32>, vector<16xi32>], vector<16xf32>,
          %parallel_loop3A_310 = arith.constant 64 : i32
          %parallel_loop3A_311 = vector.broadcast %parallel_loop3A_310 : i32 to vector<16xi32>
          %parallel_loop3A_312 = arith.addi %parallel_loop3A_311, %iota3A : vector<16xi32>
          tpu.vector_store_idx %arg12[%parallel_loop3A_272, %parallel_loop3A_312], %parallel_loop3A_309 : memref<64x128xf32, #tpu.memory_space<vmem>>[vector<16xi32>, vector<16xi32>], vector<16xf32>,
          %parallel_loop3A_313 = arith.constant 80 : i32
          %parallel_loop3A_314 = vector.broadcast %parallel_loop3A_313 : i32 to vector<16xi32>
          %parallel_loop3A_315 = arith.addi %parallel_loop3A_314, %iota3A : vector<16xi32>
          %parallel_loop3A_316 = arith.addi %shift_left3A_231, %parallel_loop3A_272 : vector<16xi32>
          %parallel_loop3A_317 = tpu.vector_load_idx %arg11[%parallel_loop3A_315, %parallel_loop3A_316] : memref<128x128xf32, #tpu.memory_space<vmem>>[vector<16xi32>, vector<16xi32>], vector<16xf32>,
          %parallel_loop3A_318 = arith.constant 80 : i32
          %parallel_loop3A_319 = vector.broadcast %parallel_loop3A_318 : i32 to vector<16xi32>
          %parallel_loop3A_320 = arith.addi %parallel_loop3A_319, %iota3A : vector<16xi32>
          tpu.vector_store_idx %arg12[%parallel_loop3A_272, %parallel_loop3A_320], %parallel_loop3A_317 : memref<64x128xf32, #tpu.memory_space<vmem>>[vector<16xi32>, vector<16xi32>], vector<16xf32>,
          %parallel_loop3A_321 = arith.constant 96 : i32
          %parallel_loop3A_322 = vector.broadcast %parallel_loop3A_321 : i32 to vector<16xi32>
          %parallel_loop3A_323 = arith.addi %parallel_loop3A_322, %iota3A : vector<16xi32>
          %parallel_loop3A_324 = arith.addi %shift_left3A_241, %parallel_loop3A_272 : vector<16xi32>
          %parallel_loop3A_325 = tpu.vector_load_idx %arg11[%parallel_loop3A_323, %parallel_loop3A_324] : memref<128x128xf32, #tpu.memory_space<vmem>>[vector<16xi32>, vector<16xi32>], vector<16xf32>,
          %parallel_loop3A_326 = arith.constant 96 : i32
          %parallel_loop3A_327 = vector.broadcast %parallel_loop3A_326 : i32 to vector<16xi32>
          %parallel_loop3A_328 = arith.addi %parallel_loop3A_327, %iota3A : vector<16xi32>
          tpu.vector_store_idx %arg12[%parallel_loop3A_272, %parallel_loop3A_328], %parallel_loop3A_325 : memref<64x128xf32, #tpu.memory_space<vmem>>[vector<16xi32>, vector<16xi32>], vector<16xf32>,
          %parallel_loop3A_329 = arith.constant 112 : i32
          %parallel_loop3A_330 = vector.broadcast %parallel_loop3A_329 : i32 to vector<16xi32>
          %parallel_loop3A_331 = arith.addi %parallel_loop3A_330, %iota3A : vector<16xi32>
          %parallel_loop3A_332 = arith.addi %shift_left3A_251, %parallel_loop3A_272 : vector<16xi32>
          %parallel_loop3A_333 = tpu.vector_load_idx %arg11[%parallel_loop3A_331, %parallel_loop3A_332] : memref<128x128xf32, #tpu.memory_space<vmem>>[vector<16xi32>, vector<16xi32>], vector<16xf32>,
          %parallel_loop3A_334 = arith.constant 112 : i32
          %parallel_loop3A_335 = vector.broadcast %parallel_loop3A_334 : i32 to vector<16xi32>
          %parallel_loop3A_336 = arith.addi %parallel_loop3A_335, %iota3A : vector<16xi32>
          tpu.vector_store_idx %arg12[%parallel_loop3A_272, %parallel_loop3A_336], %parallel_loop3A_333 : memref<64x128xf32, #tpu.memory_space<vmem>>[vector<16xi32>, vector<16xi32>], vector<16xf32>,
        } {sc.loop_unroll_factor = 2 : i64, sc.parallel_access}
        %add3A_254 = arith.addi %select_n3A_11, %add3A_136 : i32
        %mul3A_255 = arith.constant 128 : i32
        %mul3A_256 = arith.muli %add3A_254, %mul3A_255 : i32
        %dma_start3A_257 = arith.constant 0 : i32
        %dma_start3A_258 = tpu.memref_slice %arg4[%dma_start3A_257, %mul3A_256] : memref<64x100000xf32, #tpu.memory_space<hbm>> -> memref<64x128xf32, #tpu.memory_space<hbm>>
        %dma_start3A_259 = arith.constant 0 : i32
        %dma_start3A_260 = tpu.memref_slice %arg4[%dma_start3A_259, %mul3A_256] : memref<64x100000xf32, #tpu.memory_space<hbm>> -> memref<64x128xf32, #tpu.memory_space<hbm>>
        tpu.enqueue_dma source(%arg12 : memref<64x128xf32, #tpu.memory_space<vmem>>) target(%dma_start3A_260 : memref<64x128xf32, #tpu.memory_space<hbm>>) target_semaphore(%arg21 : memref<!tpu.dma_semaphore, #tpu.memory_space<semaphore_mem>>)
        %add3A_261 = arith.constant 3 : i32
        %add3A_262 = arith.addi %add3A_136, %add3A_261 : i32
        %lt3A_263 = arith.cmpi slt, %add3A_262, %select_n3A : i32
        %convert_element_type3A_264 = arith.extui %lt3A_263 : i1 to i32
        %cond3A_265 = arith.constant 0 : i32
        %cond3A_266 = arith.cmpi ne, %convert_element_type3A_264, %cond3A_265 : i32
        scf.if %cond3A_266 {
          %add3A_267 = arith.constant 3 : i32
          %add3A_268 = arith.addi %add3A_136, %add3A_267 : i32
          %add3A_269 = arith.addi %sub3A, %add3A_268 : i32
          %mul3A_270 = arith.constant 128 : i32
          %mul3A_271 = arith.muli %add3A_269, %mul3A_270 : i32
          %add3A_272 = arith.constant 0 : i32
          %add3A_273 = arith.addi %mul3A_271, %add3A_272 : i32
          %get3A_274 = arith.index_cast %add3A_273 : i32 to index
          %get3A_275 = tpu.vector_load %arg5[%get3A_274] {strides = array<i32>} : memref<3200xi32, #tpu.memory_space<vmem>>, vector<16xi32>,
          %shift_right_arithmetic3A_276 = arith.constant 1 : i32
          %shift_right_arithmetic3A_277 = vector.broadcast %shift_right_arithmetic3A_276 : i32 to vector<16xi32>
          %shift_right_arithmetic3A_278 = arith.shrsi %get3A_275, %shift_right_arithmetic3A_277 : vector<16xi32>
          %swap3A_279 = arith.constant 0 : index
          %swap3A_280 = tpu.vector_load %arg8[%swap3A_279] {strides = array<i32>} : memref<128xi32, #tpu.memory_space<vmem>>, vector<16xi32>,
          tpu.vector_store %arg8[%swap3A_279], %shift_right_arithmetic3A_278 {strides = array<i32>} : memref<128xi32, #tpu.memory_space<vmem>>, vector<16xi32>,
          %add3A_281 = arith.constant 16 : i32
          %add3A_282 = arith.addi %mul3A_271, %add3A_281 : i32
          %get3A_283 = arith.index_cast %add3A_282 : i32 to index
          %get3A_284 = tpu.vector_load %arg5[%get3A_283] {strides = array<i32>} : memref<3200xi32, #tpu.memory_space<vmem>>, vector<16xi32>,
          %shift_right_arithmetic3A_285 = arith.constant 1 : i32
          %shift_right_arithmetic3A_286 = vector.broadcast %shift_right_arithmetic3A_285 : i32 to vector<16xi32>
          %shift_right_arithmetic3A_287 = arith.shrsi %get3A_284, %shift_right_arithmetic3A_286 : vector<16xi32>
          %swap3A_288 = arith.constant 16 : index
          %swap3A_289 = tpu.vector_load %arg8[%swap3A_288] {strides = array<i32>} : memref<128xi32, #tpu.memory_space<vmem>>, vector<16xi32>,
          tpu.vector_store %arg8[%swap3A_288], %shift_right_arithmetic3A_287 {strides = array<i32>} : memref<128xi32, #tpu.memory_space<vmem>>, vector<16xi32>,
          %add3A_290 = arith.constant 32 : i32
          %add3A_291 = arith.addi %mul3A_271, %add3A_290 : i32
          %get3A_292 = arith.index_cast %add3A_291 : i32 to index
          %get3A_293 = tpu.vector_load %arg5[%get3A_292] {strides = array<i32>} : memref<3200xi32, #tpu.memory_space<vmem>>, vector<16xi32>,
          %shift_right_arithmetic3A_294 = arith.constant 1 : i32
          %shift_right_arithmetic3A_295 = vector.broadcast %shift_right_arithmetic3A_294 : i32 to vector<16xi32>
          %shift_right_arithmetic3A_296 = arith.shrsi %get3A_293, %shift_right_arithmetic3A_295 : vector<16xi32>
          %swap3A_297 = arith.constant 32 : index
          %swap3A_298 = tpu.vector_load %arg8[%swap3A_297] {strides = array<i32>} : memref<128xi32, #tpu.memory_space<vmem>>, vector<16xi32>,
          tpu.vector_store %arg8[%swap3A_297], %shift_right_arithmetic3A_296 {strides = array<i32>} : memref<128xi32, #tpu.memory_space<vmem>>, vector<16xi32>,
          %add3A_299 = arith.constant 48 : i32
          %add3A_300 = arith.addi %mul3A_271, %add3A_299 : i32
          %get3A_301 = arith.index_cast %add3A_300 : i32 to index
          %get3A_302 = tpu.vector_load %arg5[%get3A_301] {strides = array<i32>} : memref<3200xi32, #tpu.memory_space<vmem>>, vector<16xi32>,
          %shift_right_arithmetic3A_303 = arith.constant 1 : i32
          %shift_right_arithmetic3A_304 = vector.broadcast %shift_right_arithmetic3A_303 : i32 to vector<16xi32>
          %shift_right_arithmetic3A_305 = arith.shrsi %get3A_302, %shift_right_arithmetic3A_304 : vector<16xi32>
          %swap3A_306 = arith.constant 48 : index
          %swap3A_307 = tpu.vector_load %arg8[%swap3A_306] {strides = array<i32>} : memref<128xi32, #tpu.memory_space<vmem>>, vector<16xi32>,
          tpu.vector_store %arg8[%swap3A_306], %shift_right_arithmetic3A_305 {strides = array<i32>} : memref<128xi32, #tpu.memory_space<vmem>>, vector<16xi32>,
          %add3A_308 = arith.constant 64 : i32
          %add3A_309 = arith.addi %mul3A_271, %add3A_308 : i32
          %get3A_310 = arith.index_cast %add3A_309 : i32 to index
          %get3A_311 = tpu.vector_load %arg5[%get3A_310] {strides = array<i32>} : memref<3200xi32, #tpu.memory_space<vmem>>, vector<16xi32>,
          %shift_right_arithmetic3A_312 = arith.constant 1 : i32
          %shift_right_arithmetic3A_313 = vector.broadcast %shift_right_arithmetic3A_312 : i32 to vector<16xi32>
          %shift_right_arithmetic3A_314 = arith.shrsi %get3A_311, %shift_right_arithmetic3A_313 : vector<16xi32>
          %swap3A_315 = arith.constant 64 : index
          %swap3A_316 = tpu.vector_load %arg8[%swap3A_315] {strides = array<i32>} : memref<128xi32, #tpu.memory_space<vmem>>, vector<16xi32>,
          tpu.vector_store %arg8[%swap3A_315], %shift_right_arithmetic3A_314 {strides = array<i32>} : memref<128xi32, #tpu.memory_space<vmem>>, vector<16xi32>,
          %add3A_317 = arith.constant 80 : i32
          %add3A_318 = arith.addi %mul3A_271, %add3A_317 : i32
          %get3A_319 = arith.index_cast %add3A_318 : i32 to index
          %get3A_320 = tpu.vector_load %arg5[%get3A_319] {strides = array<i32>} : memref<3200xi32, #tpu.memory_space<vmem>>, vector<16xi32>,
          %shift_right_arithmetic3A_321 = arith.constant 1 : i32
          %shift_right_arithmetic3A_322 = vector.broadcast %shift_right_arithmetic3A_321 : i32 to vector<16xi32>
          %shift_right_arithmetic3A_323 = arith.shrsi %get3A_320, %shift_right_arithmetic3A_322 : vector<16xi32>
          %swap3A_324 = arith.constant 80 : index
          %swap3A_325 = tpu.vector_load %arg8[%swap3A_324] {strides = array<i32>} : memref<128xi32, #tpu.memory_space<vmem>>, vector<16xi32>,
          tpu.vector_store %arg8[%swap3A_324], %shift_right_arithmetic3A_323 {strides = array<i32>} : memref<128xi32, #tpu.memory_space<vmem>>, vector<16xi32>,
          %add3A_326 = arith.constant 96 : i32
          %add3A_327 = arith.addi %mul3A_271, %add3A_326 : i32
          %get3A_328 = arith.index_cast %add3A_327 : i32 to index
          %get3A_329 = tpu.vector_load %arg5[%get3A_328] {strides = array<i32>} : memref<3200xi32, #tpu.memory_space<vmem>>, vector<16xi32>,
          %shift_right_arithmetic3A_330 = arith.constant 1 : i32
          %shift_right_arithmetic3A_331 = vector.broadcast %shift_right_arithmetic3A_330 : i32 to vector<16xi32>
          %shift_right_arithmetic3A_332 = arith.shrsi %get3A_329, %shift_right_arithmetic3A_331 : vector<16xi32>
          %swap3A_333 = arith.constant 96 : index
          %swap3A_334 = tpu.vector_load %arg8[%swap3A_333] {strides = array<i32>} : memref<128xi32, #tpu.memory_space<vmem>>, vector<16xi32>,
          tpu.vector_store %arg8[%swap3A_333], %shift_right_arithmetic3A_332 {strides = array<i32>} : memref<128xi32, #tpu.memory_space<vmem>>, vector<16xi32>,
          %add3A_335 = arith.constant 112 : i32
          %add3A_336 = arith.addi %mul3A_271, %add3A_335 : i32
          %get3A_337 = arith.index_cast %add3A_336 : i32 to index
          %get3A_338 = tpu.vector_load %arg5[%get3A_337] {strides = array<i32>} : memref<3200xi32, #tpu.memory_space<vmem>>, vector<16xi32>,
          %shift_right_arithmetic3A_339 = arith.constant 1 : i32
          %shift_right_arithmetic3A_340 = vector.broadcast %shift_right_arithmetic3A_339 : i32 to vector<16xi32>
          %shift_right_arithmetic3A_341 = arith.shrsi %get3A_338, %shift_right_arithmetic3A_340 : vector<16xi32>
          %swap3A_342 = arith.constant 112 : index
          %swap3A_343 = tpu.vector_load %arg8[%swap3A_342] {strides = array<i32>} : memref<128xi32, #tpu.memory_space<vmem>>, vector<16xi32>,
          tpu.vector_store %arg8[%swap3A_342], %shift_right_arithmetic3A_341 {strides = array<i32>} : memref<128xi32, #tpu.memory_space<vmem>>, vector<16xi32>,
          %dma_start3A_344 = arith.constant 0 : i32
          %dma_start3A_345 = arith.constant 0 : i32
          %dma_start3A_346 = tpu.memref_slice %arg2[%dma_start3A_344, %dma_start3A_345] : memref<50000x128xf32, #tpu.memory_space<hbm>> -> memref<50000x128xf32, #tpu.memory_space<hbm>>
          tpu.enqueue_indirect_dma source(%dma_start3A_346 : memref<50000x128xf32, #tpu.memory_space<hbm>>) target(%arg11 : memref<128x128xf32, #tpu.memory_space<vmem>>) offsets(%arg8 : memref<128xi32, #tpu.memory_space<vmem>>) semaphore(%arg20 : memref<!tpu.dma_semaphore, #tpu.memory_space<semaphore_mem>>)
        } else {
        }
      } else {
      }
      %mul3A_141 = arith.constant 6 : i32
      %mul3A_142 = arith.muli %mul3A_141, %scan3A_116 : i32
      %add3A_143 = arith.constant 3 : i32
      %add3A_144 = arith.addi %mul3A_142, %add3A_143 : i32
      %lt3A_145 = arith.cmpi slt, %add3A_144, %select_n3A : i32
      %convert_element_type3A_146 = arith.extui %lt3A_145 : i1 to i32
      %cond3A_147 = arith.constant 0 : i32
      %cond3A_148 = arith.cmpi ne, %convert_element_type3A_146, %cond3A_147 : i32
      scf.if %cond3A_148 {
        %dma_wait3A = arith.constant 0 : i32
        %dma_wait3A_165 = arith.constant 0 : i32
        %dma_wait3A_166 = tpu.memref_slice %arg2[%dma_wait3A, %dma_wait3A_165] : memref<50000x128xf32, #tpu.memory_space<hbm>> -> memref<50000x128xf32, #tpu.memory_space<hbm>>
        tpu.wait_indirect_dma semaphore(%arg18 : memref<!tpu.dma_semaphore, #tpu.memory_space<semaphore_mem>>) src(%dma_wait3A_166 : memref<50000x128xf32, #tpu.memory_space<hbm>>) dst(%arg9 : memref<128x128xf32, #tpu.memory_space<vmem>>)
        %ge3A = arith.constant 2 : i32
        %ge3A_167 = arith.cmpi sge, %add3A_144, %ge3A : i32
        %convert_element_type3A_168 = arith.extui %ge3A_167 : i1 to i32
        %cond3A_169 = arith.constant 0 : i32
        %cond3A_170 = arith.cmpi ne, %convert_element_type3A_168, %cond3A_169 : i32
        scf.if %cond3A_170 {
          %dma_wait3A_267 = arith.constant 0 : i32
          %dma_wait3A_268 = arith.constant 0 : i32
          %dma_wait3A_269 = tpu.memref_slice %arg4[%dma_wait3A_267, %dma_wait3A_268] : memref<64x100000xf32, #tpu.memory_space<hbm>> -> memref<64x128xf32, #tpu.memory_space<hbm>>
          %dma_wait3A_270 = arith.constant 0 : i32
          %dma_wait3A_271 = arith.constant 0 : i32
          %dma_wait3A_272 = tpu.memref_slice %arg4[%dma_wait3A_270, %dma_wait3A_271] : memref<64x100000xf32, #tpu.memory_space<hbm>> -> memref<64x128xf32, #tpu.memory_space<hbm>>
          tpu.wait_dma2 semaphore(%arg22 : memref<!tpu.dma_semaphore, #tpu.memory_space<semaphore_mem>>) src(%arg13 : memref<64x128xf32, #tpu.memory_space<vmem>>) dst(%dma_wait3A_272 : memref<64x128xf32, #tpu.memory_space<hbm>>)
        } else {
        }
        %add3A_171 = arith.addi %sub3A, %add3A_144 : i32
        %mul3A_172 = arith.constant 128 : i32
        %mul3A_173 = arith.muli %add3A_171, %mul3A_172 : i32
        %add3A_174 = arith.constant 0 : i32
        %add3A_175 = arith.addi %mul3A_173, %add3A_174 : i32
        %get3A_176 = arith.index_cast %add3A_175 : i32 to index
        %get3A_177 = tpu.vector_load %arg5[%get3A_176] {strides = array<i32>} : memref<3200xi32, #tpu.memory_space<vmem>>, vector<16xi32>,
        %and3A = arith.constant 1 : i32
        %and3A_178 = vector.broadcast %and3A : i32 to vector<16xi32>
        %and3A_179 = arith.andi %get3A_177, %and3A_178 : vector<16xi32>
        %shift_left3A = arith.constant 6 : i32
        %shift_left3A_180 = vector.broadcast %shift_left3A : i32 to vector<16xi32>
        %shift_left3A_181 = arith.shli %and3A_179, %shift_left3A_180 : vector<16xi32>
        %add3A_182 = arith.constant 16 : i32
        %add3A_183 = arith.addi %mul3A_173, %add3A_182 : i32
        %get3A_184 = arith.index_cast %add3A_183 : i32 to index
        %get3A_185 = tpu.vector_load %arg5[%get3A_184] {strides = array<i32>} : memref<3200xi32, #tpu.memory_space<vmem>>, vector<16xi32>,
        %and3A_186 = arith.constant 1 : i32
        %and3A_187 = vector.broadcast %and3A_186 : i32 to vector<16xi32>
        %and3A_188 = arith.andi %get3A_185, %and3A_187 : vector<16xi32>
        %shift_left3A_189 = arith.constant 6 : i32
        %shift_left3A_190 = vector.broadcast %shift_left3A_189 : i32 to vector<16xi32>
        %shift_left3A_191 = arith.shli %and3A_188, %shift_left3A_190 : vector<16xi32>
        %add3A_192 = arith.constant 32 : i32
        %add3A_193 = arith.addi %mul3A_173, %add3A_192 : i32
        %get3A_194 = arith.index_cast %add3A_193 : i32 to index
        %get3A_195 = tpu.vector_load %arg5[%get3A_194] {strides = array<i32>} : memref<3200xi32, #tpu.memory_space<vmem>>, vector<16xi32>,
        %and3A_196 = arith.constant 1 : i32
        %and3A_197 = vector.broadcast %and3A_196 : i32 to vector<16xi32>
        %and3A_198 = arith.andi %get3A_195, %and3A_197 : vector<16xi32>
        %shift_left3A_199 = arith.constant 6 : i32
        %shift_left3A_200 = vector.broadcast %shift_left3A_199 : i32 to vector<16xi32>
        %shift_left3A_201 = arith.shli %and3A_198, %shift_left3A_200 : vector<16xi32>
        %add3A_202 = arith.constant 48 : i32
        %add3A_203 = arith.addi %mul3A_173, %add3A_202 : i32
        %get3A_204 = arith.index_cast %add3A_203 : i32 to index
        %get3A_205 = tpu.vector_load %arg5[%get3A_204] {strides = array<i32>} : memref<3200xi32, #tpu.memory_space<vmem>>, vector<16xi32>,
        %and3A_206 = arith.constant 1 : i32
        %and3A_207 = vector.broadcast %and3A_206 : i32 to vector<16xi32>
        %and3A_208 = arith.andi %get3A_205, %and3A_207 : vector<16xi32>
        %shift_left3A_209 = arith.constant 6 : i32
        %shift_left3A_210 = vector.broadcast %shift_left3A_209 : i32 to vector<16xi32>
        %shift_left3A_211 = arith.shli %and3A_208, %shift_left3A_210 : vector<16xi32>
        %add3A_212 = arith.constant 64 : i32
        %add3A_213 = arith.addi %mul3A_173, %add3A_212 : i32
        %get3A_214 = arith.index_cast %add3A_213 : i32 to index
        %get3A_215 = tpu.vector_load %arg5[%get3A_214] {strides = array<i32>} : memref<3200xi32, #tpu.memory_space<vmem>>, vector<16xi32>,
        %and3A_216 = arith.constant 1 : i32
        %and3A_217 = vector.broadcast %and3A_216 : i32 to vector<16xi32>
        %and3A_218 = arith.andi %get3A_215, %and3A_217 : vector<16xi32>
        %shift_left3A_219 = arith.constant 6 : i32
        %shift_left3A_220 = vector.broadcast %shift_left3A_219 : i32 to vector<16xi32>
        %shift_left3A_221 = arith.shli %and3A_218, %shift_left3A_220 : vector<16xi32>
        %add3A_222 = arith.constant 80 : i32
        %add3A_223 = arith.addi %mul3A_173, %add3A_222 : i32
        %get3A_224 = arith.index_cast %add3A_223 : i32 to index
        %get3A_225 = tpu.vector_load %arg5[%get3A_224] {strides = array<i32>} : memref<3200xi32, #tpu.memory_space<vmem>>, vector<16xi32>,
        %and3A_226 = arith.constant 1 : i32
        %and3A_227 = vector.broadcast %and3A_226 : i32 to vector<16xi32>
        %and3A_228 = arith.andi %get3A_225, %and3A_227 : vector<16xi32>
        %shift_left3A_229 = arith.constant 6 : i32
        %shift_left3A_230 = vector.broadcast %shift_left3A_229 : i32 to vector<16xi32>
        %shift_left3A_231 = arith.shli %and3A_228, %shift_left3A_230 : vector<16xi32>
        %add3A_232 = arith.constant 96 : i32
        %add3A_233 = arith.addi %mul3A_173, %add3A_232 : i32
        %get3A_234 = arith.index_cast %add3A_233 : i32 to index
        %get3A_235 = tpu.vector_load %arg5[%get3A_234] {strides = array<i32>} : memref<3200xi32, #tpu.memory_space<vmem>>, vector<16xi32>,
        %and3A_236 = arith.constant 1 : i32
        %and3A_237 = vector.broadcast %and3A_236 : i32 to vector<16xi32>
        %and3A_238 = arith.andi %get3A_235, %and3A_237 : vector<16xi32>
        %shift_left3A_239 = arith.constant 6 : i32
        %shift_left3A_240 = vector.broadcast %shift_left3A_239 : i32 to vector<16xi32>
        %shift_left3A_241 = arith.shli %and3A_238, %shift_left3A_240 : vector<16xi32>
        %add3A_242 = arith.constant 112 : i32
        %add3A_243 = arith.addi %mul3A_173, %add3A_242 : i32
        %get3A_244 = arith.index_cast %add3A_243 : i32 to index
        %get3A_245 = tpu.vector_load %arg5[%get3A_244] {strides = array<i32>} : memref<3200xi32, #tpu.memory_space<vmem>>, vector<16xi32>,
        %and3A_246 = arith.constant 1 : i32
        %and3A_247 = vector.broadcast %and3A_246 : i32 to vector<16xi32>
        %and3A_248 = arith.andi %get3A_245, %and3A_247 : vector<16xi32>
        %shift_left3A_249 = arith.constant 6 : i32
        %shift_left3A_250 = vector.broadcast %shift_left3A_249 : i32 to vector<16xi32>
        %shift_left3A_251 = arith.shli %and3A_248, %shift_left3A_250 : vector<16xi32>
        %parallel_loop3A = arith.constant 0 : i32
        %parallel_loop3A_252 = arith.constant 64 : i32
        %parallel_loop3A_253 = arith.constant 1 : i32
        scf.for %parallel_loop3A_267 = %parallel_loop3A to %parallel_loop3A_252 step %parallel_loop3A_253  : i32 {
          %parallel_loop3A_268 = vector.broadcast %parallel_loop3A_267 : i32 to vector<16xi32>
          %parallel_loop3A_269 = arith.addi %parallel_loop3A_268, %iota3A : vector<16xi32>
          %parallel_loop3A_270 = arith.constant 63 : i32
          %parallel_loop3A_271 = vector.broadcast %parallel_loop3A_270 : i32 to vector<16xi32>
          %parallel_loop3A_272 = arith.andi %parallel_loop3A_269, %parallel_loop3A_271 : vector<16xi32>
          %parallel_loop3A_273 = arith.constant 0 : i32
          %parallel_loop3A_274 = vector.broadcast %parallel_loop3A_273 : i32 to vector<16xi32>
          %parallel_loop3A_275 = arith.addi %parallel_loop3A_274, %iota3A : vector<16xi32>
          %parallel_loop3A_276 = arith.addi %shift_left3A_181, %parallel_loop3A_272 : vector<16xi32>
          %parallel_loop3A_277 = tpu.vector_load_idx %arg9[%parallel_loop3A_275, %parallel_loop3A_276] : memref<128x128xf32, #tpu.memory_space<vmem>>[vector<16xi32>, vector<16xi32>], vector<16xf32>,
          %parallel_loop3A_278 = arith.constant 0 : i32
          %parallel_loop3A_279 = vector.broadcast %parallel_loop3A_278 : i32 to vector<16xi32>
          %parallel_loop3A_280 = arith.addi %parallel_loop3A_279, %iota3A : vector<16xi32>
          tpu.vector_store_idx %arg13[%parallel_loop3A_272, %parallel_loop3A_280], %parallel_loop3A_277 : memref<64x128xf32, #tpu.memory_space<vmem>>[vector<16xi32>, vector<16xi32>], vector<16xf32>,
          %parallel_loop3A_281 = arith.constant 16 : i32
          %parallel_loop3A_282 = vector.broadcast %parallel_loop3A_281 : i32 to vector<16xi32>
          %parallel_loop3A_283 = arith.addi %parallel_loop3A_282, %iota3A : vector<16xi32>
          %parallel_loop3A_284 = arith.addi %shift_left3A_191, %parallel_loop3A_272 : vector<16xi32>
          %parallel_loop3A_285 = tpu.vector_load_idx %arg9[%parallel_loop3A_283, %parallel_loop3A_284] : memref<128x128xf32, #tpu.memory_space<vmem>>[vector<16xi32>, vector<16xi32>], vector<16xf32>,
          %parallel_loop3A_286 = arith.constant 16 : i32
          %parallel_loop3A_287 = vector.broadcast %parallel_loop3A_286 : i32 to vector<16xi32>
          %parallel_loop3A_288 = arith.addi %parallel_loop3A_287, %iota3A : vector<16xi32>
          tpu.vector_store_idx %arg13[%parallel_loop3A_272, %parallel_loop3A_288], %parallel_loop3A_285 : memref<64x128xf32, #tpu.memory_space<vmem>>[vector<16xi32>, vector<16xi32>], vector<16xf32>,
          %parallel_loop3A_289 = arith.constant 32 : i32
          %parallel_loop3A_290 = vector.broadcast %parallel_loop3A_289 : i32 to vector<16xi32>
          %parallel_loop3A_291 = arith.addi %parallel_loop3A_290, %iota3A : vector<16xi32>
          %parallel_loop3A_292 = arith.addi %shift_left3A_201, %parallel_loop3A_272 : vector<16xi32>
          %parallel_loop3A_293 = tpu.vector_load_idx %arg9[%parallel_loop3A_291, %parallel_loop3A_292] : memref<128x128xf32, #tpu.memory_space<vmem>>[vector<16xi32>, vector<16xi32>], vector<16xf32>,
          %parallel_loop3A_294 = arith.constant 32 : i32
          %parallel_loop3A_295 = vector.broadcast %parallel_loop3A_294 : i32 to vector<16xi32>
          %parallel_loop3A_296 = arith.addi %parallel_loop3A_295, %iota3A : vector<16xi32>
          tpu.vector_store_idx %arg13[%parallel_loop3A_272, %parallel_loop3A_296], %parallel_loop3A_293 : memref<64x128xf32, #tpu.memory_space<vmem>>[vector<16xi32>, vector<16xi32>], vector<16xf32>,
          %parallel_loop3A_297 = arith.constant 48 : i32
          %parallel_loop3A_298 = vector.broadcast %parallel_loop3A_297 : i32 to vector<16xi32>
          %parallel_loop3A_299 = arith.addi %parallel_loop3A_298, %iota3A : vector<16xi32>
          %parallel_loop3A_300 = arith.addi %shift_left3A_211, %parallel_loop3A_272 : vector<16xi32>
          %parallel_loop3A_301 = tpu.vector_load_idx %arg9[%parallel_loop3A_299, %parallel_loop3A_300] : memref<128x128xf32, #tpu.memory_space<vmem>>[vector<16xi32>, vector<16xi32>], vector<16xf32>,
          %parallel_loop3A_302 = arith.constant 48 : i32
          %parallel_loop3A_303 = vector.broadcast %parallel_loop3A_302 : i32 to vector<16xi32>
          %parallel_loop3A_304 = arith.addi %parallel_loop3A_303, %iota3A : vector<16xi32>
          tpu.vector_store_idx %arg13[%parallel_loop3A_272, %parallel_loop3A_304], %parallel_loop3A_301 : memref<64x128xf32, #tpu.memory_space<vmem>>[vector<16xi32>, vector<16xi32>], vector<16xf32>,
          %parallel_loop3A_305 = arith.constant 64 : i32
          %parallel_loop3A_306 = vector.broadcast %parallel_loop3A_305 : i32 to vector<16xi32>
          %parallel_loop3A_307 = arith.addi %parallel_loop3A_306, %iota3A : vector<16xi32>
          %parallel_loop3A_308 = arith.addi %shift_left3A_221, %parallel_loop3A_272 : vector<16xi32>
          %parallel_loop3A_309 = tpu.vector_load_idx %arg9[%parallel_loop3A_307, %parallel_loop3A_308] : memref<128x128xf32, #tpu.memory_space<vmem>>[vector<16xi32>, vector<16xi32>], vector<16xf32>,
          %parallel_loop3A_310 = arith.constant 64 : i32
          %parallel_loop3A_311 = vector.broadcast %parallel_loop3A_310 : i32 to vector<16xi32>
          %parallel_loop3A_312 = arith.addi %parallel_loop3A_311, %iota3A : vector<16xi32>
          tpu.vector_store_idx %arg13[%parallel_loop3A_272, %parallel_loop3A_312], %parallel_loop3A_309 : memref<64x128xf32, #tpu.memory_space<vmem>>[vector<16xi32>, vector<16xi32>], vector<16xf32>,
          %parallel_loop3A_313 = arith.constant 80 : i32
          %parallel_loop3A_314 = vector.broadcast %parallel_loop3A_313 : i32 to vector<16xi32>
          %parallel_loop3A_315 = arith.addi %parallel_loop3A_314, %iota3A : vector<16xi32>
          %parallel_loop3A_316 = arith.addi %shift_left3A_231, %parallel_loop3A_272 : vector<16xi32>
          %parallel_loop3A_317 = tpu.vector_load_idx %arg9[%parallel_loop3A_315, %parallel_loop3A_316] : memref<128x128xf32, #tpu.memory_space<vmem>>[vector<16xi32>, vector<16xi32>], vector<16xf32>,
          %parallel_loop3A_318 = arith.constant 80 : i32
          %parallel_loop3A_319 = vector.broadcast %parallel_loop3A_318 : i32 to vector<16xi32>
          %parallel_loop3A_320 = arith.addi %parallel_loop3A_319, %iota3A : vector<16xi32>
          tpu.vector_store_idx %arg13[%parallel_loop3A_272, %parallel_loop3A_320], %parallel_loop3A_317 : memref<64x128xf32, #tpu.memory_space<vmem>>[vector<16xi32>, vector<16xi32>], vector<16xf32>,
          %parallel_loop3A_321 = arith.constant 96 : i32
          %parallel_loop3A_322 = vector.broadcast %parallel_loop3A_321 : i32 to vector<16xi32>
          %parallel_loop3A_323 = arith.addi %parallel_loop3A_322, %iota3A : vector<16xi32>
          %parallel_loop3A_324 = arith.addi %shift_left3A_241, %parallel_loop3A_272 : vector<16xi32>
          %parallel_loop3A_325 = tpu.vector_load_idx %arg9[%parallel_loop3A_323, %parallel_loop3A_324] : memref<128x128xf32, #tpu.memory_space<vmem>>[vector<16xi32>, vector<16xi32>], vector<16xf32>,
          %parallel_loop3A_326 = arith.constant 96 : i32
          %parallel_loop3A_327 = vector.broadcast %parallel_loop3A_326 : i32 to vector<16xi32>
          %parallel_loop3A_328 = arith.addi %parallel_loop3A_327, %iota3A : vector<16xi32>
          tpu.vector_store_idx %arg13[%parallel_loop3A_272, %parallel_loop3A_328], %parallel_loop3A_325 : memref<64x128xf32, #tpu.memory_space<vmem>>[vector<16xi32>, vector<16xi32>], vector<16xf32>,
          %parallel_loop3A_329 = arith.constant 112 : i32
          %parallel_loop3A_330 = vector.broadcast %parallel_loop3A_329 : i32 to vector<16xi32>
          %parallel_loop3A_331 = arith.addi %parallel_loop3A_330, %iota3A : vector<16xi32>
          %parallel_loop3A_332 = arith.addi %shift_left3A_251, %parallel_loop3A_272 : vector<16xi32>
          %parallel_loop3A_333 = tpu.vector_load_idx %arg9[%parallel_loop3A_331, %parallel_loop3A_332] : memref<128x128xf32, #tpu.memory_space<vmem>>[vector<16xi32>, vector<16xi32>], vector<16xf32>,
          %parallel_loop3A_334 = arith.constant 112 : i32
          %parallel_loop3A_335 = vector.broadcast %parallel_loop3A_334 : i32 to vector<16xi32>
          %parallel_loop3A_336 = arith.addi %parallel_loop3A_335, %iota3A : vector<16xi32>
          tpu.vector_store_idx %arg13[%parallel_loop3A_272, %parallel_loop3A_336], %parallel_loop3A_333 : memref<64x128xf32, #tpu.memory_space<vmem>>[vector<16xi32>, vector<16xi32>], vector<16xf32>,
        } {sc.loop_unroll_factor = 2 : i64, sc.parallel_access}
        %add3A_254 = arith.addi %select_n3A_11, %add3A_144 : i32
        %mul3A_255 = arith.constant 128 : i32
        %mul3A_256 = arith.muli %add3A_254, %mul3A_255 : i32
        %dma_start3A_257 = arith.constant 0 : i32
        %dma_start3A_258 = tpu.memref_slice %arg4[%dma_start3A_257, %mul3A_256] : memref<64x100000xf32, #tpu.memory_space<hbm>> -> memref<64x128xf32, #tpu.memory_space<hbm>>
        %dma_start3A_259 = arith.constant 0 : i32
        %dma_start3A_260 = tpu.memref_slice %arg4[%dma_start3A_259, %mul3A_256] : memref<64x100000xf32, #tpu.memory_space<hbm>> -> memref<64x128xf32, #tpu.memory_space<hbm>>
        tpu.enqueue_dma source(%arg13 : memref<64x128xf32, #tpu.memory_space<vmem>>) target(%dma_start3A_260 : memref<64x128xf32, #tpu.memory_space<hbm>>) target_semaphore(%arg22 : memref<!tpu.dma_semaphore, #tpu.memory_space<semaphore_mem>>)
        %add3A_261 = arith.constant 3 : i32
        %add3A_262 = arith.addi %add3A_144, %add3A_261 : i32
        %lt3A_263 = arith.cmpi slt, %add3A_262, %select_n3A : i32
        %convert_element_type3A_264 = arith.extui %lt3A_263 : i1 to i32
        %cond3A_265 = arith.constant 0 : i32
        %cond3A_266 = arith.cmpi ne, %convert_element_type3A_264, %cond3A_265 : i32
        scf.if %cond3A_266 {
          %add3A_267 = arith.constant 3 : i32
          %add3A_268 = arith.addi %add3A_144, %add3A_267 : i32
          %add3A_269 = arith.addi %sub3A, %add3A_268 : i32
          %mul3A_270 = arith.constant 128 : i32
          %mul3A_271 = arith.muli %add3A_269, %mul3A_270 : i32
          %add3A_272 = arith.constant 0 : i32
          %add3A_273 = arith.addi %mul3A_271, %add3A_272 : i32
          %get3A_274 = arith.index_cast %add3A_273 : i32 to index
          %get3A_275 = tpu.vector_load %arg5[%get3A_274] {strides = array<i32>} : memref<3200xi32, #tpu.memory_space<vmem>>, vector<16xi32>,
          %shift_right_arithmetic3A_276 = arith.constant 1 : i32
          %shift_right_arithmetic3A_277 = vector.broadcast %shift_right_arithmetic3A_276 : i32 to vector<16xi32>
          %shift_right_arithmetic3A_278 = arith.shrsi %get3A_275, %shift_right_arithmetic3A_277 : vector<16xi32>
          %swap3A_279 = arith.constant 0 : index
          %swap3A_280 = tpu.vector_load %arg6[%swap3A_279] {strides = array<i32>} : memref<128xi32, #tpu.memory_space<vmem>>, vector<16xi32>,
          tpu.vector_store %arg6[%swap3A_279], %shift_right_arithmetic3A_278 {strides = array<i32>} : memref<128xi32, #tpu.memory_space<vmem>>, vector<16xi32>,
          %add3A_281 = arith.constant 16 : i32
          %add3A_282 = arith.addi %mul3A_271, %add3A_281 : i32
          %get3A_283 = arith.index_cast %add3A_282 : i32 to index
          %get3A_284 = tpu.vector_load %arg5[%get3A_283] {strides = array<i32>} : memref<3200xi32, #tpu.memory_space<vmem>>, vector<16xi32>,
          %shift_right_arithmetic3A_285 = arith.constant 1 : i32
          %shift_right_arithmetic3A_286 = vector.broadcast %shift_right_arithmetic3A_285 : i32 to vector<16xi32>
          %shift_right_arithmetic3A_287 = arith.shrsi %get3A_284, %shift_right_arithmetic3A_286 : vector<16xi32>
          %swap3A_288 = arith.constant 16 : index
          %swap3A_289 = tpu.vector_load %arg6[%swap3A_288] {strides = array<i32>} : memref<128xi32, #tpu.memory_space<vmem>>, vector<16xi32>,
          tpu.vector_store %arg6[%swap3A_288], %shift_right_arithmetic3A_287 {strides = array<i32>} : memref<128xi32, #tpu.memory_space<vmem>>, vector<16xi32>,
          %add3A_290 = arith.constant 32 : i32
          %add3A_291 = arith.addi %mul3A_271, %add3A_290 : i32
          %get3A_292 = arith.index_cast %add3A_291 : i32 to index
          %get3A_293 = tpu.vector_load %arg5[%get3A_292] {strides = array<i32>} : memref<3200xi32, #tpu.memory_space<vmem>>, vector<16xi32>,
          %shift_right_arithmetic3A_294 = arith.constant 1 : i32
          %shift_right_arithmetic3A_295 = vector.broadcast %shift_right_arithmetic3A_294 : i32 to vector<16xi32>
          %shift_right_arithmetic3A_296 = arith.shrsi %get3A_293, %shift_right_arithmetic3A_295 : vector<16xi32>
          %swap3A_297 = arith.constant 32 : index
          %swap3A_298 = tpu.vector_load %arg6[%swap3A_297] {strides = array<i32>} : memref<128xi32, #tpu.memory_space<vmem>>, vector<16xi32>,
          tpu.vector_store %arg6[%swap3A_297], %shift_right_arithmetic3A_296 {strides = array<i32>} : memref<128xi32, #tpu.memory_space<vmem>>, vector<16xi32>,
          %add3A_299 = arith.constant 48 : i32
          %add3A_300 = arith.addi %mul3A_271, %add3A_299 : i32
          %get3A_301 = arith.index_cast %add3A_300 : i32 to index
          %get3A_302 = tpu.vector_load %arg5[%get3A_301] {strides = array<i32>} : memref<3200xi32, #tpu.memory_space<vmem>>, vector<16xi32>,
          %shift_right_arithmetic3A_303 = arith.constant 1 : i32
          %shift_right_arithmetic3A_304 = vector.broadcast %shift_right_arithmetic3A_303 : i32 to vector<16xi32>
          %shift_right_arithmetic3A_305 = arith.shrsi %get3A_302, %shift_right_arithmetic3A_304 : vector<16xi32>
          %swap3A_306 = arith.constant 48 : index
          %swap3A_307 = tpu.vector_load %arg6[%swap3A_306] {strides = array<i32>} : memref<128xi32, #tpu.memory_space<vmem>>, vector<16xi32>,
          tpu.vector_store %arg6[%swap3A_306], %shift_right_arithmetic3A_305 {strides = array<i32>} : memref<128xi32, #tpu.memory_space<vmem>>, vector<16xi32>,
          %add3A_308 = arith.constant 64 : i32
          %add3A_309 = arith.addi %mul3A_271, %add3A_308 : i32
          %get3A_310 = arith.index_cast %add3A_309 : i32 to index
          %get3A_311 = tpu.vector_load %arg5[%get3A_310] {strides = array<i32>} : memref<3200xi32, #tpu.memory_space<vmem>>, vector<16xi32>,
          %shift_right_arithmetic3A_312 = arith.constant 1 : i32
          %shift_right_arithmetic3A_313 = vector.broadcast %shift_right_arithmetic3A_312 : i32 to vector<16xi32>
          %shift_right_arithmetic3A_314 = arith.shrsi %get3A_311, %shift_right_arithmetic3A_313 : vector<16xi32>
          %swap3A_315 = arith.constant 64 : index
          %swap3A_316 = tpu.vector_load %arg6[%swap3A_315] {strides = array<i32>} : memref<128xi32, #tpu.memory_space<vmem>>, vector<16xi32>,
          tpu.vector_store %arg6[%swap3A_315], %shift_right_arithmetic3A_314 {strides = array<i32>} : memref<128xi32, #tpu.memory_space<vmem>>, vector<16xi32>,
          %add3A_317 = arith.constant 80 : i32
          %add3A_318 = arith.addi %mul3A_271, %add3A_317 : i32
          %get3A_319 = arith.index_cast %add3A_318 : i32 to index
          %get3A_320 = tpu.vector_load %arg5[%get3A_319] {strides = array<i32>} : memref<3200xi32, #tpu.memory_space<vmem>>, vector<16xi32>,
          %shift_right_arithmetic3A_321 = arith.constant 1 : i32
          %shift_right_arithmetic3A_322 = vector.broadcast %shift_right_arithmetic3A_321 : i32 to vector<16xi32>
          %shift_right_arithmetic3A_323 = arith.shrsi %get3A_320, %shift_right_arithmetic3A_322 : vector<16xi32>
          %swap3A_324 = arith.constant 80 : index
          %swap3A_325 = tpu.vector_load %arg6[%swap3A_324] {strides = array<i32>} : memref<128xi32, #tpu.memory_space<vmem>>, vector<16xi32>,
          tpu.vector_store %arg6[%swap3A_324], %shift_right_arithmetic3A_323 {strides = array<i32>} : memref<128xi32, #tpu.memory_space<vmem>>, vector<16xi32>,
          %add3A_326 = arith.constant 96 : i32
          %add3A_327 = arith.addi %mul3A_271, %add3A_326 : i32
          %get3A_328 = arith.index_cast %add3A_327 : i32 to index
          %get3A_329 = tpu.vector_load %arg5[%get3A_328] {strides = array<i32>} : memref<3200xi32, #tpu.memory_space<vmem>>, vector<16xi32>,
          %shift_right_arithmetic3A_330 = arith.constant 1 : i32
          %shift_right_arithmetic3A_331 = vector.broadcast %shift_right_arithmetic3A_330 : i32 to vector<16xi32>
          %shift_right_arithmetic3A_332 = arith.shrsi %get3A_329, %shift_right_arithmetic3A_331 : vector<16xi32>
          %swap3A_333 = arith.constant 96 : index
          %swap3A_334 = tpu.vector_load %arg6[%swap3A_333] {strides = array<i32>} : memref<128xi32, #tpu.memory_space<vmem>>, vector<16xi32>,
          tpu.vector_store %arg6[%swap3A_333], %shift_right_arithmetic3A_332 {strides = array<i32>} : memref<128xi32, #tpu.memory_space<vmem>>, vector<16xi32>,
          %add3A_335 = arith.constant 112 : i32
          %add3A_336 = arith.addi %mul3A_271, %add3A_335 : i32
          %get3A_337 = arith.index_cast %add3A_336 : i32 to index
          %get3A_338 = tpu.vector_load %arg5[%get3A_337] {strides = array<i32>} : memref<3200xi32, #tpu.memory_space<vmem>>, vector<16xi32>,
          %shift_right_arithmetic3A_339 = arith.constant 1 : i32
          %shift_right_arithmetic3A_340 = vector.broadcast %shift_right_arithmetic3A_339 : i32 to vector<16xi32>
          %shift_right_arithmetic3A_341 = arith.shrsi %get3A_338, %shift_right_arithmetic3A_340 : vector<16xi32>
          %swap3A_342 = arith.constant 112 : index
          %swap3A_343 = tpu.vector_load %arg6[%swap3A_342] {strides = array<i32>} : memref<128xi32, #tpu.memory_space<vmem>>, vector<16xi32>,
          tpu.vector_store %arg6[%swap3A_342], %shift_right_arithmetic3A_341 {strides = array<i32>} : memref<128xi32, #tpu.memory_space<vmem>>, vector<16xi32>,
          %dma_start3A_344 = arith.constant 0 : i32
          %dma_start3A_345 = arith.constant 0 : i32
          %dma_start3A_346 = tpu.memref_slice %arg2[%dma_start3A_344, %dma_start3A_345] : memref<50000x128xf32, #tpu.memory_space<hbm>> -> memref<50000x128xf32, #tpu.memory_space<hbm>>
          tpu.enqueue_indirect_dma source(%dma_start3A_346 : memref<50000x128xf32, #tpu.memory_space<hbm>>) target(%arg9 : memref<128x128xf32, #tpu.memory_space<vmem>>) offsets(%arg6 : memref<128xi32, #tpu.memory_space<vmem>>) semaphore(%arg18 : memref<!tpu.dma_semaphore, #tpu.memory_space<semaphore_mem>>)
        } else {
        }
      } else {
      }
      %mul3A_149 = arith.constant 6 : i32
      %mul3A_150 = arith.muli %mul3A_149, %scan3A_116 : i32
      %add3A_151 = arith.constant 4 : i32
      %add3A_152 = arith.addi %mul3A_150, %add3A_151 : i32
      %lt3A_153 = arith.cmpi slt, %add3A_152, %select_n3A : i32
      %convert_element_type3A_154 = arith.extui %lt3A_153 : i1 to i32
      %cond3A_155 = arith.constant 0 : i32
      %cond3A_156 = arith.cmpi ne, %convert_element_type3A_154, %cond3A_155 : i32
      scf.if %cond3A_156 {
        %dma_wait3A = arith.constant 0 : i32
        %dma_wait3A_165 = arith.constant 0 : i32
        %dma_wait3A_166 = tpu.memref_slice %arg2[%dma_wait3A, %dma_wait3A_165] : memref<50000x128xf32, #tpu.memory_space<hbm>> -> memref<50000x128xf32, #tpu.memory_space<hbm>>
        tpu.wait_indirect_dma semaphore(%arg19 : memref<!tpu.dma_semaphore, #tpu.memory_space<semaphore_mem>>) src(%dma_wait3A_166 : memref<50000x128xf32, #tpu.memory_space<hbm>>) dst(%arg10 : memref<128x128xf32, #tpu.memory_space<vmem>>)
        %ge3A = arith.constant 2 : i32
        %ge3A_167 = arith.cmpi sge, %add3A_152, %ge3A : i32
        %convert_element_type3A_168 = arith.extui %ge3A_167 : i1 to i32
        %cond3A_169 = arith.constant 0 : i32
        %cond3A_170 = arith.cmpi ne, %convert_element_type3A_168, %cond3A_169 : i32
        scf.if %cond3A_170 {
          %dma_wait3A_267 = arith.constant 0 : i32
          %dma_wait3A_268 = arith.constant 0 : i32
          %dma_wait3A_269 = tpu.memref_slice %arg4[%dma_wait3A_267, %dma_wait3A_268] : memref<64x100000xf32, #tpu.memory_space<hbm>> -> memref<64x128xf32, #tpu.memory_space<hbm>>
          %dma_wait3A_270 = arith.constant 0 : i32
          %dma_wait3A_271 = arith.constant 0 : i32
          %dma_wait3A_272 = tpu.memref_slice %arg4[%dma_wait3A_270, %dma_wait3A_271] : memref<64x100000xf32, #tpu.memory_space<hbm>> -> memref<64x128xf32, #tpu.memory_space<hbm>>
          tpu.wait_dma2 semaphore(%arg21 : memref<!tpu.dma_semaphore, #tpu.memory_space<semaphore_mem>>) src(%arg12 : memref<64x128xf32, #tpu.memory_space<vmem>>) dst(%dma_wait3A_272 : memref<64x128xf32, #tpu.memory_space<hbm>>)
        } else {
        }
        %add3A_171 = arith.addi %sub3A, %add3A_152 : i32
        %mul3A_172 = arith.constant 128 : i32
        %mul3A_173 = arith.muli %add3A_171, %mul3A_172 : i32
        %add3A_174 = arith.constant 0 : i32
        %add3A_175 = arith.addi %mul3A_173, %add3A_174 : i32
        %get3A_176 = arith.index_cast %add3A_175 : i32 to index
        %get3A_177 = tpu.vector_load %arg5[%get3A_176] {strides = array<i32>} : memref<3200xi32, #tpu.memory_space<vmem>>, vector<16xi32>,
        %and3A = arith.constant 1 : i32
        %and3A_178 = vector.broadcast %and3A : i32 to vector<16xi32>
        %and3A_179 = arith.andi %get3A_177, %and3A_178 : vector<16xi32>
        %shift_left3A = arith.constant 6 : i32
        %shift_left3A_180 = vector.broadcast %shift_left3A : i32 to vector<16xi32>
        %shift_left3A_181 = arith.shli %and3A_179, %shift_left3A_180 : vector<16xi32>
        %add3A_182 = arith.constant 16 : i32
        %add3A_183 = arith.addi %mul3A_173, %add3A_182 : i32
        %get3A_184 = arith.index_cast %add3A_183 : i32 to index
        %get3A_185 = tpu.vector_load %arg5[%get3A_184] {strides = array<i32>} : memref<3200xi32, #tpu.memory_space<vmem>>, vector<16xi32>,
        %and3A_186 = arith.constant 1 : i32
        %and3A_187 = vector.broadcast %and3A_186 : i32 to vector<16xi32>
        %and3A_188 = arith.andi %get3A_185, %and3A_187 : vector<16xi32>
        %shift_left3A_189 = arith.constant 6 : i32
        %shift_left3A_190 = vector.broadcast %shift_left3A_189 : i32 to vector<16xi32>
        %shift_left3A_191 = arith.shli %and3A_188, %shift_left3A_190 : vector<16xi32>
        %add3A_192 = arith.constant 32 : i32
        %add3A_193 = arith.addi %mul3A_173, %add3A_192 : i32
        %get3A_194 = arith.index_cast %add3A_193 : i32 to index
        %get3A_195 = tpu.vector_load %arg5[%get3A_194] {strides = array<i32>} : memref<3200xi32, #tpu.memory_space<vmem>>, vector<16xi32>,
        %and3A_196 = arith.constant 1 : i32
        %and3A_197 = vector.broadcast %and3A_196 : i32 to vector<16xi32>
        %and3A_198 = arith.andi %get3A_195, %and3A_197 : vector<16xi32>
        %shift_left3A_199 = arith.constant 6 : i32
        %shift_left3A_200 = vector.broadcast %shift_left3A_199 : i32 to vector<16xi32>
        %shift_left3A_201 = arith.shli %and3A_198, %shift_left3A_200 : vector<16xi32>
        %add3A_202 = arith.constant 48 : i32
        %add3A_203 = arith.addi %mul3A_173, %add3A_202 : i32
        %get3A_204 = arith.index_cast %add3A_203 : i32 to index
        %get3A_205 = tpu.vector_load %arg5[%get3A_204] {strides = array<i32>} : memref<3200xi32, #tpu.memory_space<vmem>>, vector<16xi32>,
        %and3A_206 = arith.constant 1 : i32
        %and3A_207 = vector.broadcast %and3A_206 : i32 to vector<16xi32>
        %and3A_208 = arith.andi %get3A_205, %and3A_207 : vector<16xi32>
        %shift_left3A_209 = arith.constant 6 : i32
        %shift_left3A_210 = vector.broadcast %shift_left3A_209 : i32 to vector<16xi32>
        %shift_left3A_211 = arith.shli %and3A_208, %shift_left3A_210 : vector<16xi32>
        %add3A_212 = arith.constant 64 : i32
        %add3A_213 = arith.addi %mul3A_173, %add3A_212 : i32
        %get3A_214 = arith.index_cast %add3A_213 : i32 to index
        %get3A_215 = tpu.vector_load %arg5[%get3A_214] {strides = array<i32>} : memref<3200xi32, #tpu.memory_space<vmem>>, vector<16xi32>,
        %and3A_216 = arith.constant 1 : i32
        %and3A_217 = vector.broadcast %and3A_216 : i32 to vector<16xi32>
        %and3A_218 = arith.andi %get3A_215, %and3A_217 : vector<16xi32>
        %shift_left3A_219 = arith.constant 6 : i32
        %shift_left3A_220 = vector.broadcast %shift_left3A_219 : i32 to vector<16xi32>
        %shift_left3A_221 = arith.shli %and3A_218, %shift_left3A_220 : vector<16xi32>
        %add3A_222 = arith.constant 80 : i32
        %add3A_223 = arith.addi %mul3A_173, %add3A_222 : i32
        %get3A_224 = arith.index_cast %add3A_223 : i32 to index
        %get3A_225 = tpu.vector_load %arg5[%get3A_224] {strides = array<i32>} : memref<3200xi32, #tpu.memory_space<vmem>>, vector<16xi32>,
        %and3A_226 = arith.constant 1 : i32
        %and3A_227 = vector.broadcast %and3A_226 : i32 to vector<16xi32>
        %and3A_228 = arith.andi %get3A_225, %and3A_227 : vector<16xi32>
        %shift_left3A_229 = arith.constant 6 : i32
        %shift_left3A_230 = vector.broadcast %shift_left3A_229 : i32 to vector<16xi32>
        %shift_left3A_231 = arith.shli %and3A_228, %shift_left3A_230 : vector<16xi32>
        %add3A_232 = arith.constant 96 : i32
        %add3A_233 = arith.addi %mul3A_173, %add3A_232 : i32
        %get3A_234 = arith.index_cast %add3A_233 : i32 to index
        %get3A_235 = tpu.vector_load %arg5[%get3A_234] {strides = array<i32>} : memref<3200xi32, #tpu.memory_space<vmem>>, vector<16xi32>,
        %and3A_236 = arith.constant 1 : i32
        %and3A_237 = vector.broadcast %and3A_236 : i32 to vector<16xi32>
        %and3A_238 = arith.andi %get3A_235, %and3A_237 : vector<16xi32>
        %shift_left3A_239 = arith.constant 6 : i32
        %shift_left3A_240 = vector.broadcast %shift_left3A_239 : i32 to vector<16xi32>
        %shift_left3A_241 = arith.shli %and3A_238, %shift_left3A_240 : vector<16xi32>
        %add3A_242 = arith.constant 112 : i32
        %add3A_243 = arith.addi %mul3A_173, %add3A_242 : i32
        %get3A_244 = arith.index_cast %add3A_243 : i32 to index
        %get3A_245 = tpu.vector_load %arg5[%get3A_244] {strides = array<i32>} : memref<3200xi32, #tpu.memory_space<vmem>>, vector<16xi32>,
        %and3A_246 = arith.constant 1 : i32
        %and3A_247 = vector.broadcast %and3A_246 : i32 to vector<16xi32>
        %and3A_248 = arith.andi %get3A_245, %and3A_247 : vector<16xi32>
        %shift_left3A_249 = arith.constant 6 : i32
        %shift_left3A_250 = vector.broadcast %shift_left3A_249 : i32 to vector<16xi32>
        %shift_left3A_251 = arith.shli %and3A_248, %shift_left3A_250 : vector<16xi32>
        %parallel_loop3A = arith.constant 0 : i32
        %parallel_loop3A_252 = arith.constant 64 : i32
        %parallel_loop3A_253 = arith.constant 1 : i32
        scf.for %parallel_loop3A_267 = %parallel_loop3A to %parallel_loop3A_252 step %parallel_loop3A_253  : i32 {
          %parallel_loop3A_268 = vector.broadcast %parallel_loop3A_267 : i32 to vector<16xi32>
          %parallel_loop3A_269 = arith.addi %parallel_loop3A_268, %iota3A : vector<16xi32>
          %parallel_loop3A_270 = arith.constant 63 : i32
          %parallel_loop3A_271 = vector.broadcast %parallel_loop3A_270 : i32 to vector<16xi32>
          %parallel_loop3A_272 = arith.andi %parallel_loop3A_269, %parallel_loop3A_271 : vector<16xi32>
          %parallel_loop3A_273 = arith.constant 0 : i32
          %parallel_loop3A_274 = vector.broadcast %parallel_loop3A_273 : i32 to vector<16xi32>
          %parallel_loop3A_275 = arith.addi %parallel_loop3A_274, %iota3A : vector<16xi32>
          %parallel_loop3A_276 = arith.addi %shift_left3A_181, %parallel_loop3A_272 : vector<16xi32>
          %parallel_loop3A_277 = tpu.vector_load_idx %arg10[%parallel_loop3A_275, %parallel_loop3A_276] : memref<128x128xf32, #tpu.memory_space<vmem>>[vector<16xi32>, vector<16xi32>], vector<16xf32>,
          %parallel_loop3A_278 = arith.constant 0 : i32
          %parallel_loop3A_279 = vector.broadcast %parallel_loop3A_278 : i32 to vector<16xi32>
          %parallel_loop3A_280 = arith.addi %parallel_loop3A_279, %iota3A : vector<16xi32>
          tpu.vector_store_idx %arg12[%parallel_loop3A_272, %parallel_loop3A_280], %parallel_loop3A_277 : memref<64x128xf32, #tpu.memory_space<vmem>>[vector<16xi32>, vector<16xi32>], vector<16xf32>,
          %parallel_loop3A_281 = arith.constant 16 : i32
          %parallel_loop3A_282 = vector.broadcast %parallel_loop3A_281 : i32 to vector<16xi32>
          %parallel_loop3A_283 = arith.addi %parallel_loop3A_282, %iota3A : vector<16xi32>
          %parallel_loop3A_284 = arith.addi %shift_left3A_191, %parallel_loop3A_272 : vector<16xi32>
          %parallel_loop3A_285 = tpu.vector_load_idx %arg10[%parallel_loop3A_283, %parallel_loop3A_284] : memref<128x128xf32, #tpu.memory_space<vmem>>[vector<16xi32>, vector<16xi32>], vector<16xf32>,
          %parallel_loop3A_286 = arith.constant 16 : i32
          %parallel_loop3A_287 = vector.broadcast %parallel_loop3A_286 : i32 to vector<16xi32>
          %parallel_loop3A_288 = arith.addi %parallel_loop3A_287, %iota3A : vector<16xi32>
          tpu.vector_store_idx %arg12[%parallel_loop3A_272, %parallel_loop3A_288], %parallel_loop3A_285 : memref<64x128xf32, #tpu.memory_space<vmem>>[vector<16xi32>, vector<16xi32>], vector<16xf32>,
          %parallel_loop3A_289 = arith.constant 32 : i32
          %parallel_loop3A_290 = vector.broadcast %parallel_loop3A_289 : i32 to vector<16xi32>
          %parallel_loop3A_291 = arith.addi %parallel_loop3A_290, %iota3A : vector<16xi32>
          %parallel_loop3A_292 = arith.addi %shift_left3A_201, %parallel_loop3A_272 : vector<16xi32>
          %parallel_loop3A_293 = tpu.vector_load_idx %arg10[%parallel_loop3A_291, %parallel_loop3A_292] : memref<128x128xf32, #tpu.memory_space<vmem>>[vector<16xi32>, vector<16xi32>], vector<16xf32>,
          %parallel_loop3A_294 = arith.constant 32 : i32
          %parallel_loop3A_295 = vector.broadcast %parallel_loop3A_294 : i32 to vector<16xi32>
          %parallel_loop3A_296 = arith.addi %parallel_loop3A_295, %iota3A : vector<16xi32>
          tpu.vector_store_idx %arg12[%parallel_loop3A_272, %parallel_loop3A_296], %parallel_loop3A_293 : memref<64x128xf32, #tpu.memory_space<vmem>>[vector<16xi32>, vector<16xi32>], vector<16xf32>,
          %parallel_loop3A_297 = arith.constant 48 : i32
          %parallel_loop3A_298 = vector.broadcast %parallel_loop3A_297 : i32 to vector<16xi32>
          %parallel_loop3A_299 = arith.addi %parallel_loop3A_298, %iota3A : vector<16xi32>
          %parallel_loop3A_300 = arith.addi %shift_left3A_211, %parallel_loop3A_272 : vector<16xi32>
          %parallel_loop3A_301 = tpu.vector_load_idx %arg10[%parallel_loop3A_299, %parallel_loop3A_300] : memref<128x128xf32, #tpu.memory_space<vmem>>[vector<16xi32>, vector<16xi32>], vector<16xf32>,
          %parallel_loop3A_302 = arith.constant 48 : i32
          %parallel_loop3A_303 = vector.broadcast %parallel_loop3A_302 : i32 to vector<16xi32>
          %parallel_loop3A_304 = arith.addi %parallel_loop3A_303, %iota3A : vector<16xi32>
          tpu.vector_store_idx %arg12[%parallel_loop3A_272, %parallel_loop3A_304], %parallel_loop3A_301 : memref<64x128xf32, #tpu.memory_space<vmem>>[vector<16xi32>, vector<16xi32>], vector<16xf32>,
          %parallel_loop3A_305 = arith.constant 64 : i32
          %parallel_loop3A_306 = vector.broadcast %parallel_loop3A_305 : i32 to vector<16xi32>
          %parallel_loop3A_307 = arith.addi %parallel_loop3A_306, %iota3A : vector<16xi32>
          %parallel_loop3A_308 = arith.addi %shift_left3A_221, %parallel_loop3A_272 : vector<16xi32>
          %parallel_loop3A_309 = tpu.vector_load_idx %arg10[%parallel_loop3A_307, %parallel_loop3A_308] : memref<128x128xf32, #tpu.memory_space<vmem>>[vector<16xi32>, vector<16xi32>], vector<16xf32>,
          %parallel_loop3A_310 = arith.constant 64 : i32
          %parallel_loop3A_311 = vector.broadcast %parallel_loop3A_310 : i32 to vector<16xi32>
          %parallel_loop3A_312 = arith.addi %parallel_loop3A_311, %iota3A : vector<16xi32>
          tpu.vector_store_idx %arg12[%parallel_loop3A_272, %parallel_loop3A_312], %parallel_loop3A_309 : memref<64x128xf32, #tpu.memory_space<vmem>>[vector<16xi32>, vector<16xi32>], vector<16xf32>,
          %parallel_loop3A_313 = arith.constant 80 : i32
          %parallel_loop3A_314 = vector.broadcast %parallel_loop3A_313 : i32 to vector<16xi32>
          %parallel_loop3A_315 = arith.addi %parallel_loop3A_314, %iota3A : vector<16xi32>
          %parallel_loop3A_316 = arith.addi %shift_left3A_231, %parallel_loop3A_272 : vector<16xi32>
          %parallel_loop3A_317 = tpu.vector_load_idx %arg10[%parallel_loop3A_315, %parallel_loop3A_316] : memref<128x128xf32, #tpu.memory_space<vmem>>[vector<16xi32>, vector<16xi32>], vector<16xf32>,
          %parallel_loop3A_318 = arith.constant 80 : i32
          %parallel_loop3A_319 = vector.broadcast %parallel_loop3A_318 : i32 to vector<16xi32>
          %parallel_loop3A_320 = arith.addi %parallel_loop3A_319, %iota3A : vector<16xi32>
          tpu.vector_store_idx %arg12[%parallel_loop3A_272, %parallel_loop3A_320], %parallel_loop3A_317 : memref<64x128xf32, #tpu.memory_space<vmem>>[vector<16xi32>, vector<16xi32>], vector<16xf32>,
          %parallel_loop3A_321 = arith.constant 96 : i32
          %parallel_loop3A_322 = vector.broadcast %parallel_loop3A_321 : i32 to vector<16xi32>
          %parallel_loop3A_323 = arith.addi %parallel_loop3A_322, %iota3A : vector<16xi32>
          %parallel_loop3A_324 = arith.addi %shift_left3A_241, %parallel_loop3A_272 : vector<16xi32>
          %parallel_loop3A_325 = tpu.vector_load_idx %arg10[%parallel_loop3A_323, %parallel_loop3A_324] : memref<128x128xf32, #tpu.memory_space<vmem>>[vector<16xi32>, vector<16xi32>], vector<16xf32>,
          %parallel_loop3A_326 = arith.constant 96 : i32
          %parallel_loop3A_327 = vector.broadcast %parallel_loop3A_326 : i32 to vector<16xi32>
          %parallel_loop3A_328 = arith.addi %parallel_loop3A_327, %iota3A : vector<16xi32>
          tpu.vector_store_idx %arg12[%parallel_loop3A_272, %parallel_loop3A_328], %parallel_loop3A_325 : memref<64x128xf32, #tpu.memory_space<vmem>>[vector<16xi32>, vector<16xi32>], vector<16xf32>,
          %parallel_loop3A_329 = arith.constant 112 : i32
          %parallel_loop3A_330 = vector.broadcast %parallel_loop3A_329 : i32 to vector<16xi32>
          %parallel_loop3A_331 = arith.addi %parallel_loop3A_330, %iota3A : vector<16xi32>
          %parallel_loop3A_332 = arith.addi %shift_left3A_251, %parallel_loop3A_272 : vector<16xi32>
          %parallel_loop3A_333 = tpu.vector_load_idx %arg10[%parallel_loop3A_331, %parallel_loop3A_332] : memref<128x128xf32, #tpu.memory_space<vmem>>[vector<16xi32>, vector<16xi32>], vector<16xf32>,
          %parallel_loop3A_334 = arith.constant 112 : i32
          %parallel_loop3A_335 = vector.broadcast %parallel_loop3A_334 : i32 to vector<16xi32>
          %parallel_loop3A_336 = arith.addi %parallel_loop3A_335, %iota3A : vector<16xi32>
          tpu.vector_store_idx %arg12[%parallel_loop3A_272, %parallel_loop3A_336], %parallel_loop3A_333 : memref<64x128xf32, #tpu.memory_space<vmem>>[vector<16xi32>, vector<16xi32>], vector<16xf32>,
        } {sc.loop_unroll_factor = 2 : i64, sc.parallel_access}
        %add3A_254 = arith.addi %select_n3A_11, %add3A_152 : i32
        %mul3A_255 = arith.constant 128 : i32
        %mul3A_256 = arith.muli %add3A_254, %mul3A_255 : i32
        %dma_start3A_257 = arith.constant 0 : i32
        %dma_start3A_258 = tpu.memref_slice %arg4[%dma_start3A_257, %mul3A_256] : memref<64x100000xf32, #tpu.memory_space<hbm>> -> memref<64x128xf32, #tpu.memory_space<hbm>>
        %dma_start3A_259 = arith.constant 0 : i32
        %dma_start3A_260 = tpu.memref_slice %arg4[%dma_start3A_259, %mul3A_256] : memref<64x100000xf32, #tpu.memory_space<hbm>> -> memref<64x128xf32, #tpu.memory_space<hbm>>
        tpu.enqueue_dma source(%arg12 : memref<64x128xf32, #tpu.memory_space<vmem>>) target(%dma_start3A_260 : memref<64x128xf32, #tpu.memory_space<hbm>>) target_semaphore(%arg21 : memref<!tpu.dma_semaphore, #tpu.memory_space<semaphore_mem>>)
        %add3A_261 = arith.constant 3 : i32
        %add3A_262 = arith.addi %add3A_152, %add3A_261 : i32
        %lt3A_263 = arith.cmpi slt, %add3A_262, %select_n3A : i32
        %convert_element_type3A_264 = arith.extui %lt3A_263 : i1 to i32
        %cond3A_265 = arith.constant 0 : i32
        %cond3A_266 = arith.cmpi ne, %convert_element_type3A_264, %cond3A_265 : i32
        scf.if %cond3A_266 {
          %add3A_267 = arith.constant 3 : i32
          %add3A_268 = arith.addi %add3A_152, %add3A_267 : i32
          %add3A_269 = arith.addi %sub3A, %add3A_268 : i32
          %mul3A_270 = arith.constant 128 : i32
          %mul3A_271 = arith.muli %add3A_269, %mul3A_270 : i32
          %add3A_272 = arith.constant 0 : i32
          %add3A_273 = arith.addi %mul3A_271, %add3A_272 : i32
          %get3A_274 = arith.index_cast %add3A_273 : i32 to index
          %get3A_275 = tpu.vector_load %arg5[%get3A_274] {strides = array<i32>} : memref<3200xi32, #tpu.memory_space<vmem>>, vector<16xi32>,
          %shift_right_arithmetic3A_276 = arith.constant 1 : i32
          %shift_right_arithmetic3A_277 = vector.broadcast %shift_right_arithmetic3A_276 : i32 to vector<16xi32>
          %shift_right_arithmetic3A_278 = arith.shrsi %get3A_275, %shift_right_arithmetic3A_277 : vector<16xi32>
          %swap3A_279 = arith.constant 0 : index
          %swap3A_280 = tpu.vector_load %arg7[%swap3A_279] {strides = array<i32>} : memref<128xi32, #tpu.memory_space<vmem>>, vector<16xi32>,
          tpu.vector_store %arg7[%swap3A_279], %shift_right_arithmetic3A_278 {strides = array<i32>} : memref<128xi32, #tpu.memory_space<vmem>>, vector<16xi32>,
          %add3A_281 = arith.constant 16 : i32
          %add3A_282 = arith.addi %mul3A_271, %add3A_281 : i32
          %get3A_283 = arith.index_cast %add3A_282 : i32 to index
          %get3A_284 = tpu.vector_load %arg5[%get3A_283] {strides = array<i32>} : memref<3200xi32, #tpu.memory_space<vmem>>, vector<16xi32>,
          %shift_right_arithmetic3A_285 = arith.constant 1 : i32
          %shift_right_arithmetic3A_286 = vector.broadcast %shift_right_arithmetic3A_285 : i32 to vector<16xi32>
          %shift_right_arithmetic3A_287 = arith.shrsi %get3A_284, %shift_right_arithmetic3A_286 : vector<16xi32>
          %swap3A_288 = arith.constant 16 : index
          %swap3A_289 = tpu.vector_load %arg7[%swap3A_288] {strides = array<i32>} : memref<128xi32, #tpu.memory_space<vmem>>, vector<16xi32>,
          tpu.vector_store %arg7[%swap3A_288], %shift_right_arithmetic3A_287 {strides = array<i32>} : memref<128xi32, #tpu.memory_space<vmem>>, vector<16xi32>,
          %add3A_290 = arith.constant 32 : i32
          %add3A_291 = arith.addi %mul3A_271, %add3A_290 : i32
          %get3A_292 = arith.index_cast %add3A_291 : i32 to index
          %get3A_293 = tpu.vector_load %arg5[%get3A_292] {strides = array<i32>} : memref<3200xi32, #tpu.memory_space<vmem>>, vector<16xi32>,
          %shift_right_arithmetic3A_294 = arith.constant 1 : i32
          %shift_right_arithmetic3A_295 = vector.broadcast %shift_right_arithmetic3A_294 : i32 to vector<16xi32>
          %shift_right_arithmetic3A_296 = arith.shrsi %get3A_293, %shift_right_arithmetic3A_295 : vector<16xi32>
          %swap3A_297 = arith.constant 32 : index
          %swap3A_298 = tpu.vector_load %arg7[%swap3A_297] {strides = array<i32>} : memref<128xi32, #tpu.memory_space<vmem>>, vector<16xi32>,
          tpu.vector_store %arg7[%swap3A_297], %shift_right_arithmetic3A_296 {strides = array<i32>} : memref<128xi32, #tpu.memory_space<vmem>>, vector<16xi32>,
          %add3A_299 = arith.constant 48 : i32
          %add3A_300 = arith.addi %mul3A_271, %add3A_299 : i32
          %get3A_301 = arith.index_cast %add3A_300 : i32 to index
          %get3A_302 = tpu.vector_load %arg5[%get3A_301] {strides = array<i32>} : memref<3200xi32, #tpu.memory_space<vmem>>, vector<16xi32>,
          %shift_right_arithmetic3A_303 = arith.constant 1 : i32
          %shift_right_arithmetic3A_304 = vector.broadcast %shift_right_arithmetic3A_303 : i32 to vector<16xi32>
          %shift_right_arithmetic3A_305 = arith.shrsi %get3A_302, %shift_right_arithmetic3A_304 : vector<16xi32>
          %swap3A_306 = arith.constant 48 : index
          %swap3A_307 = tpu.vector_load %arg7[%swap3A_306] {strides = array<i32>} : memref<128xi32, #tpu.memory_space<vmem>>, vector<16xi32>,
          tpu.vector_store %arg7[%swap3A_306], %shift_right_arithmetic3A_305 {strides = array<i32>} : memref<128xi32, #tpu.memory_space<vmem>>, vector<16xi32>,
          %add3A_308 = arith.constant 64 : i32
          %add3A_309 = arith.addi %mul3A_271, %add3A_308 : i32
          %get3A_310 = arith.index_cast %add3A_309 : i32 to index
          %get3A_311 = tpu.vector_load %arg5[%get3A_310] {strides = array<i32>} : memref<3200xi32, #tpu.memory_space<vmem>>, vector<16xi32>,
          %shift_right_arithmetic3A_312 = arith.constant 1 : i32
          %shift_right_arithmetic3A_313 = vector.broadcast %shift_right_arithmetic3A_312 : i32 to vector<16xi32>
          %shift_right_arithmetic3A_314 = arith.shrsi %get3A_311, %shift_right_arithmetic3A_313 : vector<16xi32>
          %swap3A_315 = arith.constant 64 : index
          %swap3A_316 = tpu.vector_load %arg7[%swap3A_315] {strides = array<i32>} : memref<128xi32, #tpu.memory_space<vmem>>, vector<16xi32>,
          tpu.vector_store %arg7[%swap3A_315], %shift_right_arithmetic3A_314 {strides = array<i32>} : memref<128xi32, #tpu.memory_space<vmem>>, vector<16xi32>,
          %add3A_317 = arith.constant 80 : i32
          %add3A_318 = arith.addi %mul3A_271, %add3A_317 : i32
          %get3A_319 = arith.index_cast %add3A_318 : i32 to index
          %get3A_320 = tpu.vector_load %arg5[%get3A_319] {strides = array<i32>} : memref<3200xi32, #tpu.memory_space<vmem>>, vector<16xi32>,
          %shift_right_arithmetic3A_321 = arith.constant 1 : i32
          %shift_right_arithmetic3A_322 = vector.broadcast %shift_right_arithmetic3A_321 : i32 to vector<16xi32>
          %shift_right_arithmetic3A_323 = arith.shrsi %get3A_320, %shift_right_arithmetic3A_322 : vector<16xi32>
          %swap3A_324 = arith.constant 80 : index
          %swap3A_325 = tpu.vector_load %arg7[%swap3A_324] {strides = array<i32>} : memref<128xi32, #tpu.memory_space<vmem>>, vector<16xi32>,
          tpu.vector_store %arg7[%swap3A_324], %shift_right_arithmetic3A_323 {strides = array<i32>} : memref<128xi32, #tpu.memory_space<vmem>>, vector<16xi32>,
          %add3A_326 = arith.constant 96 : i32
          %add3A_327 = arith.addi %mul3A_271, %add3A_326 : i32
          %get3A_328 = arith.index_cast %add3A_327 : i32 to index
          %get3A_329 = tpu.vector_load %arg5[%get3A_328] {strides = array<i32>} : memref<3200xi32, #tpu.memory_space<vmem>>, vector<16xi32>,
          %shift_right_arithmetic3A_330 = arith.constant 1 : i32
          %shift_right_arithmetic3A_331 = vector.broadcast %shift_right_arithmetic3A_330 : i32 to vector<16xi32>
          %shift_right_arithmetic3A_332 = arith.shrsi %get3A_329, %shift_right_arithmetic3A_331 : vector<16xi32>
          %swap3A_333 = arith.constant 96 : index
          %swap3A_334 = tpu.vector_load %arg7[%swap3A_333] {strides = array<i32>} : memref<128xi32, #tpu.memory_space<vmem>>, vector<16xi32>,
          tpu.vector_store %arg7[%swap3A_333], %shift_right_arithmetic3A_332 {strides = array<i32>} : memref<128xi32, #tpu.memory_space<vmem>>, vector<16xi32>,
          %add3A_335 = arith.constant 112 : i32
          %add3A_336 = arith.addi %mul3A_271, %add3A_335 : i32
          %get3A_337 = arith.index_cast %add3A_336 : i32 to index
          %get3A_338 = tpu.vector_load %arg5[%get3A_337] {strides = array<i32>} : memref<3200xi32, #tpu.memory_space<vmem>>, vector<16xi32>,
          %shift_right_arithmetic3A_339 = arith.constant 1 : i32
          %shift_right_arithmetic3A_340 = vector.broadcast %shift_right_arithmetic3A_339 : i32 to vector<16xi32>
          %shift_right_arithmetic3A_341 = arith.shrsi %get3A_338, %shift_right_arithmetic3A_340 : vector<16xi32>
          %swap3A_342 = arith.constant 112 : index
          %swap3A_343 = tpu.vector_load %arg7[%swap3A_342] {strides = array<i32>} : memref<128xi32, #tpu.memory_space<vmem>>, vector<16xi32>,
          tpu.vector_store %arg7[%swap3A_342], %shift_right_arithmetic3A_341 {strides = array<i32>} : memref<128xi32, #tpu.memory_space<vmem>>, vector<16xi32>,
          %dma_start3A_344 = arith.constant 0 : i32
          %dma_start3A_345 = arith.constant 0 : i32
          %dma_start3A_346 = tpu.memref_slice %arg2[%dma_start3A_344, %dma_start3A_345] : memref<50000x128xf32, #tpu.memory_space<hbm>> -> memref<50000x128xf32, #tpu.memory_space<hbm>>
          tpu.enqueue_indirect_dma source(%dma_start3A_346 : memref<50000x128xf32, #tpu.memory_space<hbm>>) target(%arg10 : memref<128x128xf32, #tpu.memory_space<vmem>>) offsets(%arg7 : memref<128xi32, #tpu.memory_space<vmem>>) semaphore(%arg19 : memref<!tpu.dma_semaphore, #tpu.memory_space<semaphore_mem>>)
        } else {
        }
      } else {
      }
      %mul3A_157 = arith.constant 6 : i32
      %mul3A_158 = arith.muli %mul3A_157, %scan3A_116 : i32
      %add3A_159 = arith.constant 5 : i32
      %add3A_160 = arith.addi %mul3A_158, %add3A_159 : i32
      %lt3A_161 = arith.cmpi slt, %add3A_160, %select_n3A : i32
      %convert_element_type3A_162 = arith.extui %lt3A_161 : i1 to i32
      %cond3A_163 = arith.constant 0 : i32
      %cond3A_164 = arith.cmpi ne, %convert_element_type3A_162, %cond3A_163 : i32
      scf.if %cond3A_164 {
        %dma_wait3A = arith.constant 0 : i32
        %dma_wait3A_165 = arith.constant 0 : i32
        %dma_wait3A_166 = tpu.memref_slice %arg2[%dma_wait3A, %dma_wait3A_165] : memref<50000x128xf32, #tpu.memory_space<hbm>> -> memref<50000x128xf32, #tpu.memory_space<hbm>>
        tpu.wait_indirect_dma semaphore(%arg20 : memref<!tpu.dma_semaphore, #tpu.memory_space<semaphore_mem>>) src(%dma_wait3A_166 : memref<50000x128xf32, #tpu.memory_space<hbm>>) dst(%arg11 : memref<128x128xf32, #tpu.memory_space<vmem>>)
        %ge3A = arith.constant 2 : i32
        %ge3A_167 = arith.cmpi sge, %add3A_160, %ge3A : i32
        %convert_element_type3A_168 = arith.extui %ge3A_167 : i1 to i32
        %cond3A_169 = arith.constant 0 : i32
        %cond3A_170 = arith.cmpi ne, %convert_element_type3A_168, %cond3A_169 : i32
        scf.if %cond3A_170 {
          %dma_wait3A_267 = arith.constant 0 : i32
          %dma_wait3A_268 = arith.constant 0 : i32
          %dma_wait3A_269 = tpu.memref_slice %arg4[%dma_wait3A_267, %dma_wait3A_268] : memref<64x100000xf32, #tpu.memory_space<hbm>> -> memref<64x128xf32, #tpu.memory_space<hbm>>
          %dma_wait3A_270 = arith.constant 0 : i32
          %dma_wait3A_271 = arith.constant 0 : i32
          %dma_wait3A_272 = tpu.memref_slice %arg4[%dma_wait3A_270, %dma_wait3A_271] : memref<64x100000xf32, #tpu.memory_space<hbm>> -> memref<64x128xf32, #tpu.memory_space<hbm>>
          tpu.wait_dma2 semaphore(%arg22 : memref<!tpu.dma_semaphore, #tpu.memory_space<semaphore_mem>>) src(%arg13 : memref<64x128xf32, #tpu.memory_space<vmem>>) dst(%dma_wait3A_272 : memref<64x128xf32, #tpu.memory_space<hbm>>)
        } else {
        }
        %add3A_171 = arith.addi %sub3A, %add3A_160 : i32
        %mul3A_172 = arith.constant 128 : i32
        %mul3A_173 = arith.muli %add3A_171, %mul3A_172 : i32
        %add3A_174 = arith.constant 0 : i32
        %add3A_175 = arith.addi %mul3A_173, %add3A_174 : i32
        %get3A_176 = arith.index_cast %add3A_175 : i32 to index
        %get3A_177 = tpu.vector_load %arg5[%get3A_176] {strides = array<i32>} : memref<3200xi32, #tpu.memory_space<vmem>>, vector<16xi32>,
        %and3A = arith.constant 1 : i32
        %and3A_178 = vector.broadcast %and3A : i32 to vector<16xi32>
        %and3A_179 = arith.andi %get3A_177, %and3A_178 : vector<16xi32>
        %shift_left3A = arith.constant 6 : i32
        %shift_left3A_180 = vector.broadcast %shift_left3A : i32 to vector<16xi32>
        %shift_left3A_181 = arith.shli %and3A_179, %shift_left3A_180 : vector<16xi32>
        %add3A_182 = arith.constant 16 : i32
        %add3A_183 = arith.addi %mul3A_173, %add3A_182 : i32
        %get3A_184 = arith.index_cast %add3A_183 : i32 to index
        %get3A_185 = tpu.vector_load %arg5[%get3A_184] {strides = array<i32>} : memref<3200xi32, #tpu.memory_space<vmem>>, vector<16xi32>,
        %and3A_186 = arith.constant 1 : i32
        %and3A_187 = vector.broadcast %and3A_186 : i32 to vector<16xi32>
        %and3A_188 = arith.andi %get3A_185, %and3A_187 : vector<16xi32>
        %shift_left3A_189 = arith.constant 6 : i32
        %shift_left3A_190 = vector.broadcast %shift_left3A_189 : i32 to vector<16xi32>
        %shift_left3A_191 = arith.shli %and3A_188, %shift_left3A_190 : vector<16xi32>
        %add3A_192 = arith.constant 32 : i32
        %add3A_193 = arith.addi %mul3A_173, %add3A_192 : i32
        %get3A_194 = arith.index_cast %add3A_193 : i32 to index
        %get3A_195 = tpu.vector_load %arg5[%get3A_194] {strides = array<i32>} : memref<3200xi32, #tpu.memory_space<vmem>>, vector<16xi32>,
        %and3A_196 = arith.constant 1 : i32
        %and3A_197 = vector.broadcast %and3A_196 : i32 to vector<16xi32>
        %and3A_198 = arith.andi %get3A_195, %and3A_197 : vector<16xi32>
        %shift_left3A_199 = arith.constant 6 : i32
        %shift_left3A_200 = vector.broadcast %shift_left3A_199 : i32 to vector<16xi32>
        %shift_left3A_201 = arith.shli %and3A_198, %shift_left3A_200 : vector<16xi32>
        %add3A_202 = arith.constant 48 : i32
        %add3A_203 = arith.addi %mul3A_173, %add3A_202 : i32
        %get3A_204 = arith.index_cast %add3A_203 : i32 to index
        %get3A_205 = tpu.vector_load %arg5[%get3A_204] {strides = array<i32>} : memref<3200xi32, #tpu.memory_space<vmem>>, vector<16xi32>,
        %and3A_206 = arith.constant 1 : i32
        %and3A_207 = vector.broadcast %and3A_206 : i32 to vector<16xi32>
        %and3A_208 = arith.andi %get3A_205, %and3A_207 : vector<16xi32>
        %shift_left3A_209 = arith.constant 6 : i32
        %shift_left3A_210 = vector.broadcast %shift_left3A_209 : i32 to vector<16xi32>
        %shift_left3A_211 = arith.shli %and3A_208, %shift_left3A_210 : vector<16xi32>
        %add3A_212 = arith.constant 64 : i32
        %add3A_213 = arith.addi %mul3A_173, %add3A_212 : i32
        %get3A_214 = arith.index_cast %add3A_213 : i32 to index
        %get3A_215 = tpu.vector_load %arg5[%get3A_214] {strides = array<i32>} : memref<3200xi32, #tpu.memory_space<vmem>>, vector<16xi32>,
        %and3A_216 = arith.constant 1 : i32
        %and3A_217 = vector.broadcast %and3A_216 : i32 to vector<16xi32>
        %and3A_218 = arith.andi %get3A_215, %and3A_217 : vector<16xi32>
        %shift_left3A_219 = arith.constant 6 : i32
        %shift_left3A_220 = vector.broadcast %shift_left3A_219 : i32 to vector<16xi32>
        %shift_left3A_221 = arith.shli %and3A_218, %shift_left3A_220 : vector<16xi32>
        %add3A_222 = arith.constant 80 : i32
        %add3A_223 = arith.addi %mul3A_173, %add3A_222 : i32
        %get3A_224 = arith.index_cast %add3A_223 : i32 to index
        %get3A_225 = tpu.vector_load %arg5[%get3A_224] {strides = array<i32>} : memref<3200xi32, #tpu.memory_space<vmem>>, vector<16xi32>,
        %and3A_226 = arith.constant 1 : i32
        %and3A_227 = vector.broadcast %and3A_226 : i32 to vector<16xi32>
        %and3A_228 = arith.andi %get3A_225, %and3A_227 : vector<16xi32>
        %shift_left3A_229 = arith.constant 6 : i32
        %shift_left3A_230 = vector.broadcast %shift_left3A_229 : i32 to vector<16xi32>
        %shift_left3A_231 = arith.shli %and3A_228, %shift_left3A_230 : vector<16xi32>
        %add3A_232 = arith.constant 96 : i32
        %add3A_233 = arith.addi %mul3A_173, %add3A_232 : i32
        %get3A_234 = arith.index_cast %add3A_233 : i32 to index
        %get3A_235 = tpu.vector_load %arg5[%get3A_234] {strides = array<i32>} : memref<3200xi32, #tpu.memory_space<vmem>>, vector<16xi32>,
        %and3A_236 = arith.constant 1 : i32
        %and3A_237 = vector.broadcast %and3A_236 : i32 to vector<16xi32>
        %and3A_238 = arith.andi %get3A_235, %and3A_237 : vector<16xi32>
        %shift_left3A_239 = arith.constant 6 : i32
        %shift_left3A_240 = vector.broadcast %shift_left3A_239 : i32 to vector<16xi32>
        %shift_left3A_241 = arith.shli %and3A_238, %shift_left3A_240 : vector<16xi32>
        %add3A_242 = arith.constant 112 : i32
        %add3A_243 = arith.addi %mul3A_173, %add3A_242 : i32
        %get3A_244 = arith.index_cast %add3A_243 : i32 to index
        %get3A_245 = tpu.vector_load %arg5[%get3A_244] {strides = array<i32>} : memref<3200xi32, #tpu.memory_space<vmem>>, vector<16xi32>,
        %and3A_246 = arith.constant 1 : i32
        %and3A_247 = vector.broadcast %and3A_246 : i32 to vector<16xi32>
        %and3A_248 = arith.andi %get3A_245, %and3A_247 : vector<16xi32>
        %shift_left3A_249 = arith.constant 6 : i32
        %shift_left3A_250 = vector.broadcast %shift_left3A_249 : i32 to vector<16xi32>
        %shift_left3A_251 = arith.shli %and3A_248, %shift_left3A_250 : vector<16xi32>
        %parallel_loop3A = arith.constant 0 : i32
        %parallel_loop3A_252 = arith.constant 64 : i32
        %parallel_loop3A_253 = arith.constant 1 : i32
        scf.for %parallel_loop3A_267 = %parallel_loop3A to %parallel_loop3A_252 step %parallel_loop3A_253  : i32 {
          %parallel_loop3A_268 = vector.broadcast %parallel_loop3A_267 : i32 to vector<16xi32>
          %parallel_loop3A_269 = arith.addi %parallel_loop3A_268, %iota3A : vector<16xi32>
          %parallel_loop3A_270 = arith.constant 63 : i32
          %parallel_loop3A_271 = vector.broadcast %parallel_loop3A_270 : i32 to vector<16xi32>
          %parallel_loop3A_272 = arith.andi %parallel_loop3A_269, %parallel_loop3A_271 : vector<16xi32>
          %parallel_loop3A_273 = arith.constant 0 : i32
          %parallel_loop3A_274 = vector.broadcast %parallel_loop3A_273 : i32 to vector<16xi32>
          %parallel_loop3A_275 = arith.addi %parallel_loop3A_274, %iota3A : vector<16xi32>
          %parallel_loop3A_276 = arith.addi %shift_left3A_181, %parallel_loop3A_272 : vector<16xi32>
          %parallel_loop3A_277 = tpu.vector_load_idx %arg11[%parallel_loop3A_275, %parallel_loop3A_276] : memref<128x128xf32, #tpu.memory_space<vmem>>[vector<16xi32>, vector<16xi32>], vector<16xf32>,
          %parallel_loop3A_278 = arith.constant 0 : i32
          %parallel_loop3A_279 = vector.broadcast %parallel_loop3A_278 : i32 to vector<16xi32>
          %parallel_loop3A_280 = arith.addi %parallel_loop3A_279, %iota3A : vector<16xi32>
          tpu.vector_store_idx %arg13[%parallel_loop3A_272, %parallel_loop3A_280], %parallel_loop3A_277 : memref<64x128xf32, #tpu.memory_space<vmem>>[vector<16xi32>, vector<16xi32>], vector<16xf32>,
          %parallel_loop3A_281 = arith.constant 16 : i32
          %parallel_loop3A_282 = vector.broadcast %parallel_loop3A_281 : i32 to vector<16xi32>
          %parallel_loop3A_283 = arith.addi %parallel_loop3A_282, %iota3A : vector<16xi32>
          %parallel_loop3A_284 = arith.addi %shift_left3A_191, %parallel_loop3A_272 : vector<16xi32>
          %parallel_loop3A_285 = tpu.vector_load_idx %arg11[%parallel_loop3A_283, %parallel_loop3A_284] : memref<128x128xf32, #tpu.memory_space<vmem>>[vector<16xi32>, vector<16xi32>], vector<16xf32>,
          %parallel_loop3A_286 = arith.constant 16 : i32
          %parallel_loop3A_287 = vector.broadcast %parallel_loop3A_286 : i32 to vector<16xi32>
          %parallel_loop3A_288 = arith.addi %parallel_loop3A_287, %iota3A : vector<16xi32>
          tpu.vector_store_idx %arg13[%parallel_loop3A_272, %parallel_loop3A_288], %parallel_loop3A_285 : memref<64x128xf32, #tpu.memory_space<vmem>>[vector<16xi32>, vector<16xi32>], vector<16xf32>,
          %parallel_loop3A_289 = arith.constant 32 : i32
          %parallel_loop3A_290 = vector.broadcast %parallel_loop3A_289 : i32 to vector<16xi32>
          %parallel_loop3A_291 = arith.addi %parallel_loop3A_290, %iota3A : vector<16xi32>
          %parallel_loop3A_292 = arith.addi %shift_left3A_201, %parallel_loop3A_272 : vector<16xi32>
          %parallel_loop3A_293 = tpu.vector_load_idx %arg11[%parallel_loop3A_291, %parallel_loop3A_292] : memref<128x128xf32, #tpu.memory_space<vmem>>[vector<16xi32>, vector<16xi32>], vector<16xf32>,
          %parallel_loop3A_294 = arith.constant 32 : i32
          %parallel_loop3A_295 = vector.broadcast %parallel_loop3A_294 : i32 to vector<16xi32>
          %parallel_loop3A_296 = arith.addi %parallel_loop3A_295, %iota3A : vector<16xi32>
          tpu.vector_store_idx %arg13[%parallel_loop3A_272, %parallel_loop3A_296], %parallel_loop3A_293 : memref<64x128xf32, #tpu.memory_space<vmem>>[vector<16xi32>, vector<16xi32>], vector<16xf32>,
          %parallel_loop3A_297 = arith.constant 48 : i32
          %parallel_loop3A_298 = vector.broadcast %parallel_loop3A_297 : i32 to vector<16xi32>
          %parallel_loop3A_299 = arith.addi %parallel_loop3A_298, %iota3A : vector<16xi32>
          %parallel_loop3A_300 = arith.addi %shift_left3A_211, %parallel_loop3A_272 : vector<16xi32>
          %parallel_loop3A_301 = tpu.vector_load_idx %arg11[%parallel_loop3A_299, %parallel_loop3A_300] : memref<128x128xf32, #tpu.memory_space<vmem>>[vector<16xi32>, vector<16xi32>], vector<16xf32>,
          %parallel_loop3A_302 = arith.constant 48 : i32
          %parallel_loop3A_303 = vector.broadcast %parallel_loop3A_302 : i32 to vector<16xi32>
          %parallel_loop3A_304 = arith.addi %parallel_loop3A_303, %iota3A : vector<16xi32>
          tpu.vector_store_idx %arg13[%parallel_loop3A_272, %parallel_loop3A_304], %parallel_loop3A_301 : memref<64x128xf32, #tpu.memory_space<vmem>>[vector<16xi32>, vector<16xi32>], vector<16xf32>,
          %parallel_loop3A_305 = arith.constant 64 : i32
          %parallel_loop3A_306 = vector.broadcast %parallel_loop3A_305 : i32 to vector<16xi32>
          %parallel_loop3A_307 = arith.addi %parallel_loop3A_306, %iota3A : vector<16xi32>
          %parallel_loop3A_308 = arith.addi %shift_left3A_221, %parallel_loop3A_272 : vector<16xi32>
          %parallel_loop3A_309 = tpu.vector_load_idx %arg11[%parallel_loop3A_307, %parallel_loop3A_308] : memref<128x128xf32, #tpu.memory_space<vmem>>[vector<16xi32>, vector<16xi32>], vector<16xf32>,
          %parallel_loop3A_310 = arith.constant 64 : i32
          %parallel_loop3A_311 = vector.broadcast %parallel_loop3A_310 : i32 to vector<16xi32>
          %parallel_loop3A_312 = arith.addi %parallel_loop3A_311, %iota3A : vector<16xi32>
          tpu.vector_store_idx %arg13[%parallel_loop3A_272, %parallel_loop3A_312], %parallel_loop3A_309 : memref<64x128xf32, #tpu.memory_space<vmem>>[vector<16xi32>, vector<16xi32>], vector<16xf32>,
          %parallel_loop3A_313 = arith.constant 80 : i32
          %parallel_loop3A_314 = vector.broadcast %parallel_loop3A_313 : i32 to vector<16xi32>
          %parallel_loop3A_315 = arith.addi %parallel_loop3A_314, %iota3A : vector<16xi32>
          %parallel_loop3A_316 = arith.addi %shift_left3A_231, %parallel_loop3A_272 : vector<16xi32>
          %parallel_loop3A_317 = tpu.vector_load_idx %arg11[%parallel_loop3A_315, %parallel_loop3A_316] : memref<128x128xf32, #tpu.memory_space<vmem>>[vector<16xi32>, vector<16xi32>], vector<16xf32>,
          %parallel_loop3A_318 = arith.constant 80 : i32
          %parallel_loop3A_319 = vector.broadcast %parallel_loop3A_318 : i32 to vector<16xi32>
          %parallel_loop3A_320 = arith.addi %parallel_loop3A_319, %iota3A : vector<16xi32>
          tpu.vector_store_idx %arg13[%parallel_loop3A_272, %parallel_loop3A_320], %parallel_loop3A_317 : memref<64x128xf32, #tpu.memory_space<vmem>>[vector<16xi32>, vector<16xi32>], vector<16xf32>,
          %parallel_loop3A_321 = arith.constant 96 : i32
          %parallel_loop3A_322 = vector.broadcast %parallel_loop3A_321 : i32 to vector<16xi32>
          %parallel_loop3A_323 = arith.addi %parallel_loop3A_322, %iota3A : vector<16xi32>
          %parallel_loop3A_324 = arith.addi %shift_left3A_241, %parallel_loop3A_272 : vector<16xi32>
          %parallel_loop3A_325 = tpu.vector_load_idx %arg11[%parallel_loop3A_323, %parallel_loop3A_324] : memref<128x128xf32, #tpu.memory_space<vmem>>[vector<16xi32>, vector<16xi32>], vector<16xf32>,
          %parallel_loop3A_326 = arith.constant 96 : i32
          %parallel_loop3A_327 = vector.broadcast %parallel_loop3A_326 : i32 to vector<16xi32>
          %parallel_loop3A_328 = arith.addi %parallel_loop3A_327, %iota3A : vector<16xi32>
          tpu.vector_store_idx %arg13[%parallel_loop3A_272, %parallel_loop3A_328], %parallel_loop3A_325 : memref<64x128xf32, #tpu.memory_space<vmem>>[vector<16xi32>, vector<16xi32>], vector<16xf32>,
          %parallel_loop3A_329 = arith.constant 112 : i32
          %parallel_loop3A_330 = vector.broadcast %parallel_loop3A_329 : i32 to vector<16xi32>
          %parallel_loop3A_331 = arith.addi %parallel_loop3A_330, %iota3A : vector<16xi32>
          %parallel_loop3A_332 = arith.addi %shift_left3A_251, %parallel_loop3A_272 : vector<16xi32>
          %parallel_loop3A_333 = tpu.vector_load_idx %arg11[%parallel_loop3A_331, %parallel_loop3A_332] : memref<128x128xf32, #tpu.memory_space<vmem>>[vector<16xi32>, vector<16xi32>], vector<16xf32>,
          %parallel_loop3A_334 = arith.constant 112 : i32
          %parallel_loop3A_335 = vector.broadcast %parallel_loop3A_334 : i32 to vector<16xi32>
          %parallel_loop3A_336 = arith.addi %parallel_loop3A_335, %iota3A : vector<16xi32>
          tpu.vector_store_idx %arg13[%parallel_loop3A_272, %parallel_loop3A_336], %parallel_loop3A_333 : memref<64x128xf32, #tpu.memory_space<vmem>>[vector<16xi32>, vector<16xi32>], vector<16xf32>,
        } {sc.loop_unroll_factor = 2 : i64, sc.parallel_access}
        %add3A_254 = arith.addi %select_n3A_11, %add3A_160 : i32
        %mul3A_255 = arith.constant 128 : i32
        %mul3A_256 = arith.muli %add3A_254, %mul3A_255 : i32
        %dma_start3A_257 = arith.constant 0 : i32
        %dma_start3A_258 = tpu.memref_slice %arg4[%dma_start3A_257, %mul3A_256] : memref<64x100000xf32, #tpu.memory_space<hbm>> -> memref<64x128xf32, #tpu.memory_space<hbm>>
        %dma_start3A_259 = arith.constant 0 : i32
        %dma_start3A_260 = tpu.memref_slice %arg4[%dma_start3A_259, %mul3A_256] : memref<64x100000xf32, #tpu.memory_space<hbm>> -> memref<64x128xf32, #tpu.memory_space<hbm>>
        tpu.enqueue_dma source(%arg13 : memref<64x128xf32, #tpu.memory_space<vmem>>) target(%dma_start3A_260 : memref<64x128xf32, #tpu.memory_space<hbm>>) target_semaphore(%arg22 : memref<!tpu.dma_semaphore, #tpu.memory_space<semaphore_mem>>)
        %add3A_261 = arith.constant 3 : i32
        %add3A_262 = arith.addi %add3A_160, %add3A_261 : i32
        %lt3A_263 = arith.cmpi slt, %add3A_262, %select_n3A : i32
        %convert_element_type3A_264 = arith.extui %lt3A_263 : i1 to i32
        %cond3A_265 = arith.constant 0 : i32
        %cond3A_266 = arith.cmpi ne, %convert_element_type3A_264, %cond3A_265 : i32
        scf.if %cond3A_266 {
          %add3A_267 = arith.constant 3 : i32
          %add3A_268 = arith.addi %add3A_160, %add3A_267 : i32
          %add3A_269 = arith.addi %sub3A, %add3A_268 : i32
          %mul3A_270 = arith.constant 128 : i32
          %mul3A_271 = arith.muli %add3A_269, %mul3A_270 : i32
          %add3A_272 = arith.constant 0 : i32
          %add3A_273 = arith.addi %mul3A_271, %add3A_272 : i32
          %get3A_274 = arith.index_cast %add3A_273 : i32 to index
          %get3A_275 = tpu.vector_load %arg5[%get3A_274] {strides = array<i32>} : memref<3200xi32, #tpu.memory_space<vmem>>, vector<16xi32>,
          %shift_right_arithmetic3A_276 = arith.constant 1 : i32
          %shift_right_arithmetic3A_277 = vector.broadcast %shift_right_arithmetic3A_276 : i32 to vector<16xi32>
          %shift_right_arithmetic3A_278 = arith.shrsi %get3A_275, %shift_right_arithmetic3A_277 : vector<16xi32>
          %swap3A_279 = arith.constant 0 : index
          %swap3A_280 = tpu.vector_load %arg8[%swap3A_279] {strides = array<i32>} : memref<128xi32, #tpu.memory_space<vmem>>, vector<16xi32>,
          tpu.vector_store %arg8[%swap3A_279], %shift_right_arithmetic3A_278 {strides = array<i32>} : memref<128xi32, #tpu.memory_space<vmem>>, vector<16xi32>,
          %add3A_281 = arith.constant 16 : i32
          %add3A_282 = arith.addi %mul3A_271, %add3A_281 : i32
          %get3A_283 = arith.index_cast %add3A_282 : i32 to index
          %get3A_284 = tpu.vector_load %arg5[%get3A_283] {strides = array<i32>} : memref<3200xi32, #tpu.memory_space<vmem>>, vector<16xi32>,
          %shift_right_arithmetic3A_285 = arith.constant 1 : i32
          %shift_right_arithmetic3A_286 = vector.broadcast %shift_right_arithmetic3A_285 : i32 to vector<16xi32>
          %shift_right_arithmetic3A_287 = arith.shrsi %get3A_284, %shift_right_arithmetic3A_286 : vector<16xi32>
          %swap3A_288 = arith.constant 16 : index
          %swap3A_289 = tpu.vector_load %arg8[%swap3A_288] {strides = array<i32>} : memref<128xi32, #tpu.memory_space<vmem>>, vector<16xi32>,
          tpu.vector_store %arg8[%swap3A_288], %shift_right_arithmetic3A_287 {strides = array<i32>} : memref<128xi32, #tpu.memory_space<vmem>>, vector<16xi32>,
          %add3A_290 = arith.constant 32 : i32
          %add3A_291 = arith.addi %mul3A_271, %add3A_290 : i32
          %get3A_292 = arith.index_cast %add3A_291 : i32 to index
          %get3A_293 = tpu.vector_load %arg5[%get3A_292] {strides = array<i32>} : memref<3200xi32, #tpu.memory_space<vmem>>, vector<16xi32>,
          %shift_right_arithmetic3A_294 = arith.constant 1 : i32
          %shift_right_arithmetic3A_295 = vector.broadcast %shift_right_arithmetic3A_294 : i32 to vector<16xi32>
          %shift_right_arithmetic3A_296 = arith.shrsi %get3A_293, %shift_right_arithmetic3A_295 : vector<16xi32>
          %swap3A_297 = arith.constant 32 : index
          %swap3A_298 = tpu.vector_load %arg8[%swap3A_297] {strides = array<i32>} : memref<128xi32, #tpu.memory_space<vmem>>, vector<16xi32>,
          tpu.vector_store %arg8[%swap3A_297], %shift_right_arithmetic3A_296 {strides = array<i32>} : memref<128xi32, #tpu.memory_space<vmem>>, vector<16xi32>,
          %add3A_299 = arith.constant 48 : i32
          %add3A_300 = arith.addi %mul3A_271, %add3A_299 : i32
          %get3A_301 = arith.index_cast %add3A_300 : i32 to index
          %get3A_302 = tpu.vector_load %arg5[%get3A_301] {strides = array<i32>} : memref<3200xi32, #tpu.memory_space<vmem>>, vector<16xi32>,
          %shift_right_arithmetic3A_303 = arith.constant 1 : i32
          %shift_right_arithmetic3A_304 = vector.broadcast %shift_right_arithmetic3A_303 : i32 to vector<16xi32>
          %shift_right_arithmetic3A_305 = arith.shrsi %get3A_302, %shift_right_arithmetic3A_304 : vector<16xi32>
          %swap3A_306 = arith.constant 48 : index
          %swap3A_307 = tpu.vector_load %arg8[%swap3A_306] {strides = array<i32>} : memref<128xi32, #tpu.memory_space<vmem>>, vector<16xi32>,
          tpu.vector_store %arg8[%swap3A_306], %shift_right_arithmetic3A_305 {strides = array<i32>} : memref<128xi32, #tpu.memory_space<vmem>>, vector<16xi32>,
          %add3A_308 = arith.constant 64 : i32
          %add3A_309 = arith.addi %mul3A_271, %add3A_308 : i32
          %get3A_310 = arith.index_cast %add3A_309 : i32 to index
          %get3A_311 = tpu.vector_load %arg5[%get3A_310] {strides = array<i32>} : memref<3200xi32, #tpu.memory_space<vmem>>, vector<16xi32>,
          %shift_right_arithmetic3A_312 = arith.constant 1 : i32
          %shift_right_arithmetic3A_313 = vector.broadcast %shift_right_arithmetic3A_312 : i32 to vector<16xi32>
          %shift_right_arithmetic3A_314 = arith.shrsi %get3A_311, %shift_right_arithmetic3A_313 : vector<16xi32>
          %swap3A_315 = arith.constant 64 : index
          %swap3A_316 = tpu.vector_load %arg8[%swap3A_315] {strides = array<i32>} : memref<128xi32, #tpu.memory_space<vmem>>, vector<16xi32>,
          tpu.vector_store %arg8[%swap3A_315], %shift_right_arithmetic3A_314 {strides = array<i32>} : memref<128xi32, #tpu.memory_space<vmem>>, vector<16xi32>,
          %add3A_317 = arith.constant 80 : i32
          %add3A_318 = arith.addi %mul3A_271, %add3A_317 : i32
          %get3A_319 = arith.index_cast %add3A_318 : i32 to index
          %get3A_320 = tpu.vector_load %arg5[%get3A_319] {strides = array<i32>} : memref<3200xi32, #tpu.memory_space<vmem>>, vector<16xi32>,
          %shift_right_arithmetic3A_321 = arith.constant 1 : i32
          %shift_right_arithmetic3A_322 = vector.broadcast %shift_right_arithmetic3A_321 : i32 to vector<16xi32>
          %shift_right_arithmetic3A_323 = arith.shrsi %get3A_320, %shift_right_arithmetic3A_322 : vector<16xi32>
          %swap3A_324 = arith.constant 80 : index
          %swap3A_325 = tpu.vector_load %arg8[%swap3A_324] {strides = array<i32>} : memref<128xi32, #tpu.memory_space<vmem>>, vector<16xi32>,
          tpu.vector_store %arg8[%swap3A_324], %shift_right_arithmetic3A_323 {strides = array<i32>} : memref<128xi32, #tpu.memory_space<vmem>>, vector<16xi32>,
          %add3A_326 = arith.constant 96 : i32
          %add3A_327 = arith.addi %mul3A_271, %add3A_326 : i32
          %get3A_328 = arith.index_cast %add3A_327 : i32 to index
          %get3A_329 = tpu.vector_load %arg5[%get3A_328] {strides = array<i32>} : memref<3200xi32, #tpu.memory_space<vmem>>, vector<16xi32>,
          %shift_right_arithmetic3A_330 = arith.constant 1 : i32
          %shift_right_arithmetic3A_331 = vector.broadcast %shift_right_arithmetic3A_330 : i32 to vector<16xi32>
          %shift_right_arithmetic3A_332 = arith.shrsi %get3A_329, %shift_right_arithmetic3A_331 : vector<16xi32>
          %swap3A_333 = arith.constant 96 : index
          %swap3A_334 = tpu.vector_load %arg8[%swap3A_333] {strides = array<i32>} : memref<128xi32, #tpu.memory_space<vmem>>, vector<16xi32>,
          tpu.vector_store %arg8[%swap3A_333], %shift_right_arithmetic3A_332 {strides = array<i32>} : memref<128xi32, #tpu.memory_space<vmem>>, vector<16xi32>,
          %add3A_335 = arith.constant 112 : i32
          %add3A_336 = arith.addi %mul3A_271, %add3A_335 : i32
          %get3A_337 = arith.index_cast %add3A_336 : i32 to index
          %get3A_338 = tpu.vector_load %arg5[%get3A_337] {strides = array<i32>} : memref<3200xi32, #tpu.memory_space<vmem>>, vector<16xi32>,
          %shift_right_arithmetic3A_339 = arith.constant 1 : i32
          %shift_right_arithmetic3A_340 = vector.broadcast %shift_right_arithmetic3A_339 : i32 to vector<16xi32>
          %shift_right_arithmetic3A_341 = arith.shrsi %get3A_338, %shift_right_arithmetic3A_340 : vector<16xi32>
          %swap3A_342 = arith.constant 112 : index
          %swap3A_343 = tpu.vector_load %arg8[%swap3A_342] {strides = array<i32>} : memref<128xi32, #tpu.memory_space<vmem>>, vector<16xi32>,
          tpu.vector_store %arg8[%swap3A_342], %shift_right_arithmetic3A_341 {strides = array<i32>} : memref<128xi32, #tpu.memory_space<vmem>>, vector<16xi32>,
          %dma_start3A_344 = arith.constant 0 : i32
          %dma_start3A_345 = arith.constant 0 : i32
          %dma_start3A_346 = tpu.memref_slice %arg2[%dma_start3A_344, %dma_start3A_345] : memref<50000x128xf32, #tpu.memory_space<hbm>> -> memref<50000x128xf32, #tpu.memory_space<hbm>>
          tpu.enqueue_indirect_dma source(%dma_start3A_346 : memref<50000x128xf32, #tpu.memory_space<hbm>>) target(%arg11 : memref<128x128xf32, #tpu.memory_space<vmem>>) offsets(%arg8 : memref<128xi32, #tpu.memory_space<vmem>>) semaphore(%arg20 : memref<!tpu.dma_semaphore, #tpu.memory_space<semaphore_mem>>)
        } else {
        }
      } else {
      }
    }
    %scan3A_101 = arith.constant 5 : i32
    %gt3A_102 = arith.constant 0 : i32
    %gt3A_103 = arith.cmpi sgt, %select_n3A, %gt3A_102 : i32
    %convert_element_type3A_104 = arith.extui %gt3A_103 : i1 to i32
    %cond3A_105 = arith.constant 0 : i32
    %cond3A_106 = arith.cmpi ne, %convert_element_type3A_104, %cond3A_105 : i32
    scf.if %cond3A_106 {
      %dma_wait3A = arith.constant 0 : i32
      %dma_wait3A_116 = arith.constant 0 : i32
      %dma_wait3A_117 = tpu.memref_slice %arg4[%dma_wait3A, %dma_wait3A_116] : memref<64x100000xf32, #tpu.memory_space<hbm>> -> memref<64x128xf32, #tpu.memory_space<hbm>>
      %dma_wait3A_118 = arith.constant 0 : i32
      %dma_wait3A_119 = arith.constant 0 : i32
      %dma_wait3A_120 = tpu.memref_slice %arg4[%dma_wait3A_118, %dma_wait3A_119] : memref<64x100000xf32, #tpu.memory_space<hbm>> -> memref<64x128xf32, #tpu.memory_space<hbm>>
      tpu.wait_dma2 semaphore(%arg21 : memref<!tpu.dma_semaphore, #tpu.memory_space<semaphore_mem>>) src(%arg12 : memref<64x128xf32, #tpu.memory_space<vmem>>) dst(%dma_wait3A_120 : memref<64x128xf32, #tpu.memory_space<hbm>>)
    } else {
    }
    %gt3A_107 = arith.constant 1 : i32
    %gt3A_108 = arith.cmpi sgt, %select_n3A, %gt3A_107 : i32
    %convert_element_type3A_109 = arith.extui %gt3A_108 : i1 to i32
    %cond3A_110 = arith.constant 0 : i32
    %cond3A_111 = arith.cmpi ne, %convert_element_type3A_109, %cond3A_110 : i32
    scf.if %cond3A_111 {
      %dma_wait3A = arith.constant 0 : i32
      %dma_wait3A_116 = arith.constant 0 : i32
      %dma_wait3A_117 = tpu.memref_slice %arg4[%dma_wait3A, %dma_wait3A_116] : memref<64x100000xf32, #tpu.memory_space<hbm>> -> memref<64x128xf32, #tpu.memory_space<hbm>>
      %dma_wait3A_118 = arith.constant 0 : i32
      %dma_wait3A_119 = arith.constant 0 : i32
      %dma_wait3A_120 = tpu.memref_slice %arg4[%dma_wait3A_118, %dma_wait3A_119] : memref<64x100000xf32, #tpu.memory_space<hbm>> -> memref<64x128xf32, #tpu.memory_space<hbm>>
      tpu.wait_dma2 semaphore(%arg22 : memref<!tpu.dma_semaphore, #tpu.memory_space<semaphore_mem>>) src(%arg13 : memref<64x128xf32, #tpu.memory_space<vmem>>) dst(%dma_wait3A_120 : memref<64x128xf32, #tpu.memory_space<hbm>>)
    } else {
    }
    %eq3A = arith.constant 31 : i32
    %eq3A_112 = arith.cmpi eq, %add3A, %eq3A : i32
    %convert_element_type3A_113 = arith.extui %eq3A_112 : i1 to i32
    %cond3A_114 = arith.constant 0 : i32
    %cond3A_115 = arith.cmpi ne, %convert_element_type3A_113, %cond3A_114 : i32
    scf.if %cond3A_115 {
      "tpu.region"() ({
        %run_scoped3A = tpu.sem_alloc : memref<!tpu.dma_semaphore, #tpu.memory_space<semaphore_mem>>
        %dma_start3A_151 = arith.constant 99968 : i32
        %dma_start3A_152 = tpu.memref_slice %arg3[%dma_start3A_151] : memref<100000xi32, #tpu.memory_space<hbm>> -> memref<32xi32, #tpu.memory_space<hbm>>
        %dma_start3A_153 = arith.constant 99968 : i32
        %dma_start3A_154 = tpu.memref_slice %arg3[%dma_start3A_153] : memref<100000xi32, #tpu.memory_space<hbm>> -> memref<32xi32, #tpu.memory_space<hbm>>
        tpu.enqueue_dma source(%dma_start3A_154 : memref<32xi32, #tpu.memory_space<hbm>>) target(%arg14 : memref<32xi32, #tpu.memory_space<vmem>>) target_semaphore(%run_scoped3A : memref<!tpu.dma_semaphore, #tpu.memory_space<semaphore_mem>>)
        %dma_wait3A_155 = arith.constant 99968 : i32
        %dma_wait3A_156 = tpu.memref_slice %arg3[%dma_wait3A_155] : memref<100000xi32, #tpu.memory_space<hbm>> -> memref<32xi32, #tpu.memory_space<hbm>>
        %dma_wait3A_157 = arith.constant 99968 : i32
        %dma_wait3A_158 = tpu.memref_slice %arg3[%dma_wait3A_157] : memref<100000xi32, #tpu.memory_space<hbm>> -> memref<32xi32, #tpu.memory_space<hbm>>
        tpu.wait_dma2 semaphore(%run_scoped3A : memref<!tpu.dma_semaphore, #tpu.memory_space<semaphore_mem>>) src(%dma_wait3A_158 : memref<32xi32, #tpu.memory_space<hbm>>) dst(%arg14 : memref<32xi32, #tpu.memory_space<vmem>>)
        tpu.yield
      }) : () -> ()
      %get3A_116 = arith.constant 0 : index
      %get3A_117 = tpu.vector_load %arg14[%get3A_116] {strides = array<i32>} : memref<32xi32, #tpu.memory_space<vmem>>, vector<16xi32>,
      %shift_right_arithmetic3A_118 = arith.constant 1 : i32
      %shift_right_arithmetic3A_119 = vector.broadcast %shift_right_arithmetic3A_118 : i32 to vector<16xi32>
      %shift_right_arithmetic3A_120 = arith.shrsi %get3A_117, %shift_right_arithmetic3A_119 : vector<16xi32>
      %swap3A_121 = arith.constant 0 : index
      %swap3A_122 = tpu.vector_load %arg15[%swap3A_121] {strides = array<i32>} : memref<32xi32, #tpu.memory_space<vmem>>, vector<16xi32>,
      tpu.vector_store %arg15[%swap3A_121], %shift_right_arithmetic3A_120 {strides = array<i32>} : memref<32xi32, #tpu.memory_space<vmem>>, vector<16xi32>,
      %get3A_123 = arith.constant 16 : index
      %get3A_124 = tpu.vector_load %arg14[%get3A_123] {strides = array<i32>} : memref<32xi32, #tpu.memory_space<vmem>>, vector<16xi32>,
      %shift_right_arithmetic3A_125 = arith.constant 1 : i32
      %shift_right_arithmetic3A_126 = vector.broadcast %shift_right_arithmetic3A_125 : i32 to vector<16xi32>
      %shift_right_arithmetic3A_127 = arith.shrsi %get3A_124, %shift_right_arithmetic3A_126 : vector<16xi32>
      %swap3A_128 = arith.constant 16 : index
      %swap3A_129 = tpu.vector_load %arg15[%swap3A_128] {strides = array<i32>} : memref<32xi32, #tpu.memory_space<vmem>>, vector<16xi32>,
      tpu.vector_store %arg15[%swap3A_128], %shift_right_arithmetic3A_127 {strides = array<i32>} : memref<32xi32, #tpu.memory_space<vmem>>, vector<16xi32>,
      %dma_start3A_130 = arith.constant 0 : i32
      %dma_start3A_131 = arith.constant 0 : i32
      %dma_start3A_132 = tpu.memref_slice %arg2[%dma_start3A_130, %dma_start3A_131] : memref<50000x128xf32, #tpu.memory_space<hbm>> -> memref<50000x128xf32, #tpu.memory_space<hbm>>
      tpu.enqueue_indirect_dma source(%dma_start3A_132 : memref<50000x128xf32, #tpu.memory_space<hbm>>) target(%arg16 : memref<32x128xf32, #tpu.memory_space<vmem>>) offsets(%arg15 : memref<32xi32, #tpu.memory_space<vmem>>) semaphore(%arg23 : memref<!tpu.dma_semaphore, #tpu.memory_space<semaphore_mem>>)
      %dma_wait3A = arith.constant 0 : i32
      %dma_wait3A_133 = arith.constant 0 : i32
      %dma_wait3A_134 = tpu.memref_slice %arg2[%dma_wait3A, %dma_wait3A_133] : memref<50000x128xf32, #tpu.memory_space<hbm>> -> memref<50000x128xf32, #tpu.memory_space<hbm>>
      tpu.wait_indirect_dma semaphore(%arg23 : memref<!tpu.dma_semaphore, #tpu.memory_space<semaphore_mem>>) src(%dma_wait3A_134 : memref<50000x128xf32, #tpu.memory_space<hbm>>) dst(%arg16 : memref<32x128xf32, #tpu.memory_space<vmem>>)
      %get3A_135 = arith.constant 0 : index
      %get3A_136 = tpu.vector_load %arg14[%get3A_135] {strides = array<i32>} : memref<32xi32, #tpu.memory_space<vmem>>, vector<16xi32>,
      %and3A = arith.constant 1 : i32
      %and3A_137 = vector.broadcast %and3A : i32 to vector<16xi32>
      %and3A_138 = arith.andi %get3A_136, %and3A_137 : vector<16xi32>
      %shift_left3A = arith.constant 6 : i32
      %shift_left3A_139 = vector.broadcast %shift_left3A : i32 to vector<16xi32>
      %shift_left3A_140 = arith.shli %and3A_138, %shift_left3A_139 : vector<16xi32>
      %get3A_141 = arith.constant 16 : index
      %get3A_142 = tpu.vector_load %arg14[%get3A_141] {strides = array<i32>} : memref<32xi32, #tpu.memory_space<vmem>>, vector<16xi32>,
      %and3A_143 = arith.constant 1 : i32
      %and3A_144 = vector.broadcast %and3A_143 : i32 to vector<16xi32>
      %and3A_145 = arith.andi %get3A_142, %and3A_144 : vector<16xi32>
      %shift_left3A_146 = arith.constant 6 : i32
      %shift_left3A_147 = vector.broadcast %shift_left3A_146 : i32 to vector<16xi32>
      %shift_left3A_148 = arith.shli %and3A_145, %shift_left3A_147 : vector<16xi32>
      %parallel_loop3A = arith.constant 0 : i32
      %parallel_loop3A_149 = arith.constant 64 : i32
      %parallel_loop3A_150 = arith.constant 1 : i32
      scf.for %parallel_loop3A_151 = %parallel_loop3A to %parallel_loop3A_149 step %parallel_loop3A_150  : i32 {
        %parallel_loop3A_152 = vector.broadcast %parallel_loop3A_151 : i32 to vector<16xi32>
        %parallel_loop3A_153 = arith.addi %parallel_loop3A_152, %iota3A : vector<16xi32>
        %parallel_loop3A_154 = arith.constant 63 : i32
        %parallel_loop3A_155 = vector.broadcast %parallel_loop3A_154 : i32 to vector<16xi32>
        %parallel_loop3A_156 = arith.andi %parallel_loop3A_153, %parallel_loop3A_155 : vector<16xi32>
        %parallel_loop3A_157 = arith.constant 0 : i32
        %parallel_loop3A_158 = vector.broadcast %parallel_loop3A_157 : i32 to vector<16xi32>
        %parallel_loop3A_159 = arith.addi %parallel_loop3A_158, %iota3A : vector<16xi32>
        %parallel_loop3A_160 = arith.addi %shift_left3A_140, %parallel_loop3A_156 : vector<16xi32>
        %parallel_loop3A_161 = tpu.vector_load_idx %arg16[%parallel_loop3A_159, %parallel_loop3A_160] : memref<32x128xf32, #tpu.memory_space<vmem>>[vector<16xi32>, vector<16xi32>], vector<16xf32>,
        %parallel_loop3A_162 = arith.constant 0 : i32
        %parallel_loop3A_163 = vector.broadcast %parallel_loop3A_162 : i32 to vector<16xi32>
        %parallel_loop3A_164 = arith.addi %parallel_loop3A_163, %iota3A : vector<16xi32>
        tpu.vector_store_idx %arg17[%parallel_loop3A_156, %parallel_loop3A_164], %parallel_loop3A_161 : memref<64x32xf32, #tpu.memory_space<vmem>>[vector<16xi32>, vector<16xi32>], vector<16xf32>,
        %parallel_loop3A_165 = arith.constant 16 : i32
        %parallel_loop3A_166 = vector.broadcast %parallel_loop3A_165 : i32 to vector<16xi32>
        %parallel_loop3A_167 = arith.addi %parallel_loop3A_166, %iota3A : vector<16xi32>
        %parallel_loop3A_168 = arith.addi %shift_left3A_148, %parallel_loop3A_156 : vector<16xi32>
        %parallel_loop3A_169 = tpu.vector_load_idx %arg16[%parallel_loop3A_167, %parallel_loop3A_168] : memref<32x128xf32, #tpu.memory_space<vmem>>[vector<16xi32>, vector<16xi32>], vector<16xf32>,
        %parallel_loop3A_170 = arith.constant 16 : i32
        %parallel_loop3A_171 = vector.broadcast %parallel_loop3A_170 : i32 to vector<16xi32>
        %parallel_loop3A_172 = arith.addi %parallel_loop3A_171, %iota3A : vector<16xi32>
        tpu.vector_store_idx %arg17[%parallel_loop3A_156, %parallel_loop3A_172], %parallel_loop3A_169 : memref<64x32xf32, #tpu.memory_space<vmem>>[vector<16xi32>, vector<16xi32>], vector<16xf32>,
      } {sc.loop_unroll_factor = 2 : i64, sc.parallel_access}
      "tpu.region"() ({
        %run_scoped3A = tpu.sem_alloc : memref<!tpu.dma_semaphore, #tpu.memory_space<semaphore_mem>>
        %dma_start3A_151 = arith.constant 0 : i32
        %dma_start3A_152 = arith.constant 99968 : i32
        %dma_start3A_153 = tpu.memref_slice %arg4[%dma_start3A_151, %dma_start3A_152] : memref<64x100000xf32, #tpu.memory_space<hbm>> -> memref<64x32xf32, #tpu.memory_space<hbm>>
        %dma_start3A_154 = arith.constant 0 : i32
        %dma_start3A_155 = arith.constant 99968 : i32
        %dma_start3A_156 = tpu.memref_slice %arg4[%dma_start3A_154, %dma_start3A_155] : memref<64x100000xf32, #tpu.memory_space<hbm>> -> memref<64x32xf32, #tpu.memory_space<hbm>>
        tpu.enqueue_dma source(%arg17 : memref<64x32xf32, #tpu.memory_space<vmem>>) target(%dma_start3A_156 : memref<64x32xf32, #tpu.memory_space<hbm>>) target_semaphore(%run_scoped3A : memref<!tpu.dma_semaphore, #tpu.memory_space<semaphore_mem>>)
        %dma_wait3A_157 = arith.constant 0 : i32
        %dma_wait3A_158 = arith.constant 99968 : i32
        %dma_wait3A_159 = tpu.memref_slice %arg4[%dma_wait3A_157, %dma_wait3A_158] : memref<64x100000xf32, #tpu.memory_space<hbm>> -> memref<64x32xf32, #tpu.memory_space<hbm>>
        %dma_wait3A_160 = arith.constant 0 : i32
        %dma_wait3A_161 = arith.constant 99968 : i32
        %dma_wait3A_162 = tpu.memref_slice %arg4[%dma_wait3A_160, %dma_wait3A_161] : memref<64x100000xf32, #tpu.memory_space<hbm>> -> memref<64x32xf32, #tpu.memory_space<hbm>>
        tpu.wait_dma2 semaphore(%run_scoped3A : memref<!tpu.dma_semaphore, #tpu.memory_space<semaphore_mem>>) src(%arg17 : memref<64x32xf32, #tpu.memory_space<vmem>>) dst(%dma_wait3A_162 : memref<64x32xf32, #tpu.memory_space<hbm>>)
        tpu.yield
      }) : () -> ()
    } else {
    }
    return
  }
}

</mosaic_0001>

<sc_bundles>
// kernel: kernel.4.cloned.1.call-start
scs
__scs_entry_jumppad:
0x0: {  	(pc) =	sbr.rel $0x88, $3  }
0x1: {  	(tag) =	ssettag $0x0;
	lr =	simm.s32 $0x1  }
0x2: {  	[smem:$0x3F9F] =	sst lr;
	_ =	strace $0xD0000000  }
0x3: {  	_ = 	snop  }
0x4: {  	_ = 	snop  }
0x5: {  	_ = 	snop  }
0x6: {  	_ = 	snop  }
0x7: {  	_ = 	snop  }
__scs_overlays_trampoline_lowered:
0x8: {  	[smem:$0x3FAE] =	sst s0  }
0x9: {  	[smem:$0x3FAF] =	sst s1  }
0xa: {  	[smem:$0x3FB0] =	sst s2  }
0xb: {  	[smem:$0x3FB1] =	sst s3  }
0xc: {  	[smem:$0x3FB2] =	sst s4  }
0xd: {  	[smem:$0x3FB3] =	sst s5  }
0xe: {  	[smem:$0x3FB4] =	sst s6  }
0xf: {  	[smem:$0x3FB5] =	sst s7  }
0x10: {  	[smem:$0x3FB6] =	sst s8  }
0x11: {  	[smem:$0x3FB7] =	sst s9;
	s0 =	simm.s32 @!p0 $0x0  }
0x12: {  	s1 =	sld [smem:$0x3F9D];
	s0 =	simm.s32 @p0 $0x1  }
0x13: {  	[smem:$0x3FB8] =	sst s0;
	s0 =	simm.s32 @!p1 $0x0  }
0x14: {  	s2 =	sld [smem:$0x3F9C];
	s0 =	simm.s32 @p1 $0x1  }
0x15: {  	[smem:$0x3FB9] =	sst s0;
	s0 =	simm.s32 @!p2 $0x0  }
0x16: {  	s3 =	sld [smem:$0x3FDB];
	s0 =	simm.s32 @p2 $0x1  }
0x17: {  	s4 =	simm.s32 $0x1BF5;
	[smem:$0x3FBB] =	sst s0  }
0x18: {  	s0 =	sld [smem:$0x3F9E];
	_ =	swait.ge [sflag:s4], $0x0  }
0x19: {  	s7 =	sld [smem:$0x3F9F]  }
0x1a: {  	s8 =	sadd.s32 $0xFFFFE003, lr  }
0x1b: {  	s9 =	sadd.s32 $0xFFFFFEF7, lr;
	s5 =	simm.s32 $0xFFFFFFFF;
	p2 =	slt.u32 s8, $0xFFFFF086  }
0x1c: {  	p1 =	slt.u32 s9, $0xF7A;
	s5 =	simm.s32 @!p2 $0x0  }
0x1d: {  	s5 =	simm.s32 @p1 $0x1;
	p0 =	seq.s32 s7, s2  }
0x1e: {  	s7 =	smul.u32 @!p0 $0xF7A, s2;
	p2 =	seq.s32 @!p0 s5, $0x0  }
0x1f: {  	s9 =	smul.u32 $0xF7A, s1;
	s8 =	simm.s32 @!p0 $0x1BF5;
	p2 =	por !p2, p0  }
0x20: {  	[sflag:s8] =	ssyncset.s32 @!p0 $0xFFFFF086;
	s6 =	sadd.s32 @!p0 s3, s7;
	s7 =	simm.s32 @!p0 $0x108  }
0x21: {  	s3 =	sadd.s32 s3, s9;
	s6 =	sadd.s32 @!p0 $0x88, s6;
	s7 =	simm.s32 @p2 $0x1082  }
0x22: {  	[simem:s7], [sflag:s8] =	dma.local @!p0 [hbm:s6], $0xF7A  }
0x23: {  	s9 =	sor.u32 $0xD0000000, s2;
	s6 =	simm.s32 $0x108;
	_ =	swait.ge @!p0 [sflag:s8], $0x0  }
0x24: {  	s3 =	sadd.s32 $0x88, s3;
	s6 =	simm.s32 @!p1 $0x1082;
	[sflag:s4] =	ssyncset.s32 $0xFFFFF086  }
0x25: {  	[simem:s6], [sflag:s4] =	dma.local [hbm:s3], $0xF7A  }
0x26: {  	[smem:$0x3F9F] =	sst s1;
	(tag) =	ssettag s2;
	_ =	strace s9  }
0x27: {  	s1 =	sld [smem:$0x3FAF]  }
0x28: {  	s2 =	sld [smem:$0x3FB0]  }
0x29: {  	s4 =	sld [smem:$0x3FB2]  }
0x2a: {  	p0 =	seq.s32 s5, $0x0;
	s5 =	sld [smem:$0x3FB3]  }
0x2b: {  	s6 =	sld [smem:$0x3FB4]  }
0x2c: {  	s7 =	sld [smem:$0x3FB5]  }
0x2d: {  	s3 =	simm.s32 $0x108;
	s8 =	sld [smem:$0x3FB6]  }
0x2e: {  	s3 =	simm.s32 @!p0 $0x1082;
	s9 =	sld [smem:$0x3FB7]  }
0x2f: {  	lr =	sadd.s32 s0, s3;
	s0 =	sld [smem:$0x3FAE]  }
0x30: {  	s3 =	sld [smem:$0x3FB1]  }
0x31: {  	[smem:$0x3FBA] =	sst s10  }
0x32: {  	s10 =	sld [smem:$0x3FB8];
	_ =	sdelay $0x3  }
0x33: {  	p0 =	seq.s32 s10, $0x1;
	s10 =	sld [smem:$0x3FBA];
	_ =	sdelay $0x3  }
0x34: {  	[smem:$0x3FBA] =	sst s10  }
0x35: {  	s10 =	sld [smem:$0x3FB9];
	_ =	sdelay $0x3  }
0x36: {  	p1 =	seq.s32 s10, $0x1;
	s10 =	sld [smem:$0x3FBA];
	_ =	sdelay $0x3  }
0x37: {  	[smem:$0x3FBA] =	sst s10  }
0x38: {  	s10 =	sld [smem:$0x3FBB]  }
0x39: {  	_ = 	snop;
	(pc) =	sbr.ind lr, $3  }
0x3a: {  	_ = 	snop  }
0x3b: {  	_ = 	snop  }
0x3c: {  	p2 =	seq.s32 s10, $0x1;
	s10 =	sld [smem:$0x3FBA]  }
0x3d: {  	_ =	shalt  }
0x3e: {  	_ =	shalt  }
0x3f: {  	_ =	shalt  }
0x40: {  	_ =	shalt  }
0x41: {  	_ =	shalt  }
0x42: {  	_ =	shalt  }
0x43: {  	_ =	shalt  }
0x44: {  	_ =	shalt  }
0x45: {  	_ =	shalt  }
0x46: {  	_ =	shalt  }
0x47: {  	_ =	shalt  }
0x48: {  	_ =	shalt  }
0x49: {  	_ =	shalt  }
0x4a: {  	_ =	shalt  }
0x4b: {  	_ =	shalt  }
0x4c: {  	_ =	shalt  }
0x4d: {  	_ =	shalt  }
0x4e: {  	_ =	shalt  }
0x4f: {  	_ =	shalt  }
0x50: {  	_ =	shalt  }
0x51: {  	_ =	shalt  }
0x52: {  	_ =	shalt  }
0x53: {  	_ =	shalt  }
0x54: {  	_ =	shalt  }
0x55: {  	_ =	shalt  }
0x56: {  	_ =	shalt  }
0x57: {  	_ =	shalt  }
0x58: {  	_ =	shalt  }
0x59: {  	_ =	shalt  }
0x5a: {  	_ =	shalt  }
0x5b: {  	_ =	shalt  }
0x5c: {  	_ =	shalt  }
0x5d: {  	_ =	shalt  }
0x5e: {  	_ =	shalt  }
0x5f: {  	_ =	shalt  }
0x60: {  	_ =	shalt  }
0x61: {  	_ =	shalt  }
0x62: {  	_ =	shalt  }
0x63: {  	_ =	shalt  }
0x64: {  	_ =	shalt  }
0x65: {  	_ =	shalt  }
0x66: {  	_ =	shalt  }
0x67: {  	_ =	shalt  }
0x68: {  	_ =	shalt  }
0x69: {  	_ =	shalt  }
0x6a: {  	_ =	shalt  }
0x6b: {  	_ =	shalt  }
0x6c: {  	_ =	shalt  }
0x6d: {  	_ =	shalt  }
0x6e: {  	_ =	shalt  }
0x6f: {  	_ =	shalt  }
0x70: {  	_ =	shalt  }
0x71: {  	_ =	shalt  }
0x72: {  	_ =	shalt  }
0x73: {  	_ =	shalt  }
0x74: {  	_ =	shalt  }
0x75: {  	_ =	shalt  }
0x76: {  	_ =	shalt  }
0x77: {  	_ =	shalt  }
0x78: {  	_ =	shalt  }
0x79: {  	_ =	shalt  }
0x7a: {  	_ =	shalt  }
0x7b: {  	_ =	shalt  }
0x7c: {  	_ =	shalt  }
0x7d: {  	_ =	shalt  }
0x7e: {  	_ =	shalt  }
0x7f: {  	_ =	shalt  }
0x80: {  	_ =	shalt  }
0x81: {  	_ =	shalt  }
0x82: {  	_ =	shalt  }
0x83: {  	_ =	shalt  }
0x84: {  	_ =	shalt  }
0x85: {  	_ =	shalt  }
0x86: {  	_ =	shalt  }
0x87: {  	_ =	shalt  }
.Lfunc_end0:
.L_simem_size_0:
called_computation_lowered:
.L_overlay_start_0:
0x88: {  	s2 =	sld [smem:$0x3FD9]  }
0x89: {  	s3 =	sld [smem:$0x3FFE];
	_ =	sdelay $0x1  }
0x8a: {  	s1 =	srdreg.scid  }
0x8b: {  	s0 =	sand.u32 $0x1, s1  }
0x8c: {  	s17 =	sshll.u32 s0, $0xA;
	s2 =	sadd.s32 s3, s2  }
0x8d: {  	s2 =	sadd.s32 s2, s17  }
0x8e: {  	[smem:$0x3FC6] =	sst s2  }
0x8f: {  	_ = 	snop  }
0x90: {  	s2 =	sld [smem:$0x3FC8];
	(tm) =	ssettm $0x1  }
0x91: {  	s18 =	sld [smem:$0x3FFB];
	_ =	sdelay $0x3  }
0x92: {  	_ =	strace s18  }
0x93: {  	s3 =	sld [smem:$0x3FFC];
	_ =	sdelay $0x3  }
0x94: {  	_ =	strace s3  }
0x95: {  	s3 =	sld [smem:$0x3FFD];
	_ =	sdelay $0x3  }
0x96: {  	_ =	strace s3  }
0x97: {  	_ =	strace $0x8FFFFFFF  }
0x98: {  	s19 =	sld [smem:$0x3FDB];
	_ =	sdelay $0x1  }
0x99: {  	s4 =	simm.s32 $_scs_section_size  }
0x9a: {  	s5 =	simm.s32 $_size__tile_overlayer_lowered;
	s6 =	simm.s32 $_tile_overlayer_lowered  }
0x9b: {  	s22 =	simm.s32 $0x1BFF;
	s21 =	sshll.u32 s6, $0x1;
	s3 =	sadd.s32 s4, s19  }
0x9c: {  	s7 =	simm.s32 $0x0;
	s20 =	sshll.u32 s5, $0x1;
	s5 =	sadd.s32 s21, s3  }
0x9d: {  	[timem:s7], [sflag:s22] =	dma.local [hbm:s5], s20  }
0x9e: {  	_ =	swait.ge [sflag:s22], s20  }
0x9f: {  	s4 =	ssub.s32 $0x0, s20;
	[sflag:s22] =	ssyncset.done $0x0  }
0xa0: {  	[sflag:s22] =	ssyncadd.s32 s4;
	_ =	sdelay $0x1  }
0xa1: {  	s23 =	simm.s32 $0x1B8B  }
0xa2: {  	_ =	swait.ge [sflag:s23], $0x1  }
0xa3: {  	[sflag:s23] =	ssyncset.done $0x0  }
0xa4: {  	s25 =	simm.s32 $0x1B8E;
	s24 =	sld [smem:$0x3FFE];
	[sflag:s23] =	ssyncadd.s32 $0xFFFFFFFF  }
0xa5: {  	s26 =	simm.s32 $execute0_lowered;
	[smem:$0x3FD2] =	sst s25  }
0xa6: {  	s5 =	sshll.u32 s26, $0x1;
	_ =	strace $0x80000046;
	[dreg:$0x1] =	wrdreg $0xFFFFFFFF  }
0xa7: {  	s28 =	simm.s32 $_size_execute0_lowered;
	s3 =	sadd.s32 s3, s5;
	[dreg:$0x0] =	wrdreg $0x0  }
0xa8: {  	s5 =	sshll.u32 s28, $0x1;
	[dreg:$0x2] =	wrdreg s3  }
0xa9: {  	[dreg:$0x3] =	wrdreg s5  }
0xaa: {  	[dreg:$0x4] =	wrdreg $0xC0  }
0xab: {  	_ =	task [dreg:s7], $0x5FFFF  }
0xac: {  	[dreg:$0x1] =	wrdreg $0xFFFFFFFF  }
0xad: {  	[dreg:$0x0] =	wrdreg $0x60  }
0xae: {  	[dreg:$0x2] =	wrdreg s2  }
0xaf: {  	[dreg:$0x3] =	wrdreg s24  }
0xb0: {  	[dreg:$0x4] =	wrdreg $0x9  }
0xb1: {  	_ =	task.clear_ibuf [dreg:s7], $0x5FFFF;
	_ =	strace $0x90000046  }
0xb2: {  	s29 =	simm.s32 $0x9;
	_ =	strace $0x80000048  }
0xb3: {  	_ =	swait.ge [sflag:s29], $0x1  }
0xb4: {  	[sflag:s29] =	ssyncadd.s32 $0xFFFFFFFF  }
0xb5: {  	_ =	strace $0x90000048  }
0xb6: {  	_ =	sfence  }
0xb7: {  	s30 =	sld [smem:$0x0];
	_ =	sdelay $0x2  }
0xb8: {  	s31 =	sshll.u32 s1, $0xD;
	s1 =	sshrl.u32 s1, $0x2  }
0xb9: {  	s3 =	sand.u32 $0x4000, s31;
	s1 =	sadd.s32 s1, s30  }
0xba: {  	s0 =	sor.u32 s3, s0;
	s1 =	sshll.u32 s1, $0x11  }
0xbb: {  	s0 =	sor.u32 s1, s0  }
0xbc: {  	s0 =	sadd.s32 $0x8F2B, s0  }
0xbd: {  	[sflag:s0] =	ssyncadd.remote.s32 $0x1  }
0xbe: {  	_ =	sfence.sel $0xFFFF  }
0xbf: {  	[dreg:$0x0] =	wrdreg $0xFFFFFFFF;
	(pc) =	sbr.abs _section_cstart, $3  }
0xc0: {  	[dreg:$0x1] =	wrdreg $0xFFFFFFFF  }
0xc1: {  	_ =	task.clear_ibuf [dreg:s7], $0x2FFFF;
	_ =	strace $0x9FFFFFFF  }
0xc2: {  	(tm) =	ssettm $0x7FFFFFFF  }
0xc3: {  	_ =	shalt  }
tec
execute0_lowered:
.L_overlay_start_1:
0x0: {  	(tag) =	ssettag $0x1  }
0x1: {  	v0 =	vimm.s32 $0x781;
	vm13 =	vcmask $0x300;
	vm11 =	vcmask $0x704  }
0x2: {  	vm10 =	vcmask $0xB08;
	vm9 =	vcmask $0xF0C;
	vm8 =	vcmask $0x1310  }
0x3: {  	vm7 =	vcmask $0x1714;
	vm6 =	vcmask $0x1B18;
	vm5 =	vcmask $0x1F1C  }
0x4: {  	vm3 =	vcmask $0x2320;
	vm2 =	vcmask $0x2724;
	vm1 =	vcmask $0x2B28  }
0x5: {  	vm0 =	vcmask $0x2F2C;
	v1 =	vimm.s32 $0x4B0A4908;
	v2 =	vimm.s32 $0x701  }
0x6: {  	v3 =	vimm.s32 $0x4F0E4D0C;
	vm12 =	vcmask $0x1F10;
	v4 =	vimm.s32 $0x43024100  }
0x7: {  	v5 =	vimm.s32 $0x47064504;
	vm4 =	vcmask $0x3330;
	v6 =	vimm.s32 $0x42034001  }
0x8: {  	v7 =	vimm.s32 $0x46074405;
	v8 =	vimm.s32 $0x5B1A5918;
	v9 =	vimm.s32 $0x5F1E5D1C  }
0x9: {  	v10 =	vimm.s32 $0x5E1F5C1D;
	v11 =	vimm.s32 $0x52135011;
	v12 =	vimm.s32 $0x56175415  }
0xa: {  	v13 =	vimm.s32 $0x6B2A6928;
	v14 =	vimm.s32 $0x6F2E6D2C;
	v15 =	vimm.s32 $0x63226120  }
0xb: {  	v16 =	vimm.s32 $0x67266524;
	v17 =	vimm.s32 $0x7F3E7D3C;
	v18 =	vimm.s32 $0x73327130  }
0xc: {  	v19 =	vimm.s32 $0x77367534;
	v0 =	vsel vm13, $0x0, v0;
	v1 =	vunpack.c.0.s8.s32 v1  }
0xd: {  	v2 =	vsel vm13, $0x80, v2;
	v3 =	vunpack.c.0.s8.s32 v3;
	v4 =	vunpack.c.0.s8.s32 v4  }
0xe: {  	v5 =	vunpack.c.0.s8.s32 v5;
	v6 =	vunpack.c.0.s8.s32 v6;
	v7 =	vunpack.c.0.s8.s32 v7  }
0xf: {  	v8 =	vunpack.c.0.s8.s32 v8;
	v9 =	vunpack.c.0.s8.s32 v9;
	v10 =	vunpack.c.0.s8.s32 v10  }
0x10: {  	v11 =	vunpack.c.0.s8.s32 v11;
	v12 =	vunpack.c.0.s8.s32 v12;
	v13 =	vunpack.c.0.s8.s32 v13  }
0x11: {  	v14 =	vunpack.c.0.s8.s32 v14;
	v0 =	vsel vm11, $0x81, v0;
	v2 =	vsel vm11, $0x1, v2  }
0x12: {  	v0 =	vsel vm10, $0x100, v0;
	v2 =	vsel vm10, $0x180, v2;
	v1 =	vsel vm12, v3, v1  }
0x13: {  	v3 =	vsel vm12, v5, v4;
	v4 =	vimm.s32 $0x4A0B4809;
	v5 =	vimm.s32 $0x4E0F4C0D  }
0x14: {  	v0 =	vsel vm9, $0x181, v0;
	v2 =	vsel vm9, $0x101, v2;
	v4 =	vunpack.c.0.s8.s32 v4  }
0x15: {  	v5 =	vunpack.c.0.s8.s32 v5;
	v0 =	vsel vm8, $0x200, v0;
	v2 =	vsel vm8, $0x280, v2  }
0x16: {  	v17 =	vunpack.c.0.s8.s32 v17;
	v0 =	vsel vm7, $0x281, v0;
	v2 =	vsel vm7, $0x201, v2  }
0x17: {  	v4 =	vsel vm12, v5, v4;
	v5 =	vsel vm12, v7, v6;
	v6 =	vimm.s32 $0x53125110  }
0x18: {  	v7 =	vsel vm12, v9, v8;
	v8 =	vimm.s32 $0x57165514;
	v9 =	vimm.s32 $0x5A1B5819  }
0x19: {  	v0 =	vsel vm6, $0x300, v0;
	v6 =	vunpack.c.0.s8.s32 v6;
	v8 =	vunpack.c.0.s8.s32 v8  }
0x1a: {  	v2 =	vsel vm6, $0x380, v2;
	v9 =	vunpack.c.0.s8.s32 v9;
	v0 =	vsel vm5, $0x381, v0  }
0x1b: {  	v2 =	vsel vm5, $0x301, v2;
	v0 =	vsel vm3, $0x400, v0;
	v6 =	vsel vm12, v8, v6  }
0x1c: {  	v8 =	vunpack.c.0.s8.s32 v15;
	v15 =	vunpack.c.0.s8.s32 v16;
	v9 =	vsel vm12, v10, v9  }
0x1d: {  	v10 =	vsel vm12, v12, v11;
	v11 =	vsel vm12, v14, v13;
	v12 =	vimm.s32 $0x6A2B6829  }
0x1e: {  	v13 =	vimm.s32 $0x6E2F6C2D;
	v14 =	vimm.s32 $0x62236021;
	v16 =	vimm.s32 $0x7B3A7938  }
0x1f: {  	v2 =	vsel vm3, $0x480, v2;
	v0 =	vsel vm2, $0x481, v0;
	v12 =	vunpack.c.0.s8.s32 v12  }
0x20: {  	v13 =	vunpack.c.0.s8.s32 v13;
	v14 =	vunpack.c.0.s8.s32 v14;
	v16 =	vunpack.c.0.s8.s32 v16  }
0x21: {  	v2 =	vsel vm2, $0x401, v2;
	v0 =	vsel vm1, $0x500, v0;
	v8 =	vsel vm12, v15, v8  }
0x22: {  	v15 =	vimm.s32 $0x66276425;
	v2 =	vsel vm1, $0x580, v2;
	v0 =	vsel vm0, $0x581, v0  }
0x23: {  	v15 =	vunpack.c.0.s8.s32 v15;
	v12 =	vsel vm12, v13, v12;
	v13 =	vunpack.c.0.s8.s32 v18  }
0x24: {  	v18 =	vunpack.c.0.s8.s32 v19;
	v20 =	vsel vm0, $0x501, v2;
	v2 =	vimm.s32 $0xF81  }
0x25: {  	v0 =	vsel vm4, $0x600, v0;
	v19 =	vsel vm12, v15, v14;
	v14 =	vsel vm12, v17, v16  }
0x26: {  	v16 =	vimm.s32 $0x7A3B7839;
	v15 =	vsel vm12, v18, v13;
	v17 =	vimm.s32 $0x72337031  }
0x27: {  	v18 =	vimm.s32 $0x76377435;
	v13 =	vunpack.c.0.s8.s32 v16;
	v16 =	vimm.s32 $0x7E3F7C3D  }
0x28: {  	v17 =	vunpack.c.0.s8.s32 v17;
	v18 =	vunpack.c.0.s8.s32 v18;
	v16 =	vunpack.c.0.s8.s32 v16  }
0x29: {  	v21 =	vsel vm13, $0x800, v2;
	v2 =	vcombine.low v6, v7;
	v6 =	vimm.s32 $0x1F81  }
0x2a: {  	v17 =	vsel vm12, v18, v17;
	v16 =	vsel vm12, v16, v13;
	vm12 =	vcmask $0x3734  }
0x2b: {  	v14 =	vcombine.low v15, v14;
	v13 =	vlaneseq.u32;
	v18 =	vsel vm12, $0x681, v0  }
0x2c: {  	v0 =	vcombine.low v3, v1;
	v1 =	vcombine.low v5, v4;
	v3 =	vimm.s32 $0xF01  }
0x2d: {  	v4 =	vimm.s32 $0x1781;
	v5 =	vimm.s32 $0x1701;
	v16 =	vcombine.low v17, v16  }
0x2e: {  	v22 =	vsel vm13, $0x880, v3;
	v3 =	vcombine.low v10, v9;
	v9 =	vsel vm13, $0x1000, v4  }
0x2f: {  	v4 =	vcombine.low v8, v11;
	v23 =	vsel vm13, $0x1080, v5;
	v5 =	vcombine.low v19, v12  }
0x30: {  	v12 =	vsel vm13, $0x1800, v6;
	v6 =	vimm.s32 $0x1F01;
	v8 =	vsel vm4, $0x680, v20  }
0x31: {  	v10 =	vsel vm11, $0x881, v21;
	v19 =	vsel vm13, $0x1880, v6;
	vm13 =	vcmask $0x3B38  }
0x32: {  	v6 =	vshrl.u32 v13, $0x1;
	v8 =	vsel vm12, $0x601, v8;
	v11 =	vsel vm11, $0x801, v22  }
0x33: {  	v10 =	vsel vm10, $0x900, v10;
	v9 =	vsel vm11, $0x1081, v9;
	v12 =	vsel vm11, $0x1881, v12  }
0x34: {  	v7 =	vsel vm13, $0x700, v18;
	v8 =	vsel vm13, $0x780, v8;
	v11 =	vsel vm10, $0x980, v11  }
0x35: {  	v10 =	vsel vm9, $0x981, v10;
	v9 =	vsel vm10, $0x1100, v9;
	v12 =	vsel vm10, $0x1900, v12  }
0x36: {  	v18 =	vsel vm11, $0x1801, v19;
	v11 =	vsel vm9, $0x901, v11;
	v10 =	vsel vm8, $0xA00, v10  }
0x37: {  	v9 =	vsel vm9, $0x1181, v9;
	v11 =	vsel vm8, $0xA80, v11;
	v10 =	vsel vm7, $0xA81, v10  }
0x38: {  	v9 =	vsel vm8, $0x1200, v9;
	v11 =	vsel vm7, $0xA01, v11;
	v10 =	vsel vm6, $0xB00, v10  }
0x39: {  	v9 =	vsel vm7, $0x1281, v9;
	v11 =	vsel vm6, $0xB80, v11;
	v10 =	vsel vm5, $0xB81, v10  }
0x3a: {  	v9 =	vsel vm6, $0x1300, v9;
	v11 =	vsel vm5, $0xB01, v11;
	v10 =	vsel vm3, $0xC00, v10  }
0x3b: {  	v9 =	vsel vm5, $0x1381, v9;
	v11 =	vsel vm3, $0xC80, v11;
	v10 =	vsel vm2, $0xC81, v10  }
0x3c: {  	v9 =	vsel vm3, $0x1400, v9;
	v11 =	vsel vm2, $0xC01, v11;
	v10 =	vsel vm1, $0xD00, v10  }
0x3d: {  	v9 =	vsel vm2, $0x1481, v9;
	v11 =	vsel vm1, $0xD80, v11;
	v10 =	vsel vm0, $0xD81, v10  }
0x3e: {  	v9 =	vsel vm1, $0x1500, v9;
	v11 =	vsel vm0, $0xD01, v11;
	v10 =	vsel vm4, $0xE00, v10  }
0x3f: {  	s1 =	srdreg.scid;
	v9 =	vsel vm0, $0x1581, v9;
	v11 =	vsel vm4, $0xE80, v11;
	v10 =	vsel vm12, $0xE81, v10  }
0x40: {  	s0 =	stileid.u32;
	s10 =	rddreg [dreg:$0x1];
	v13 =	vsel vm4, $0x1600, v9;
	v11 =	vsel vm12, $0xE01, v11;
	v9 =	vsel vm13, $0xF00, v10  }
0x41: {  	s3 =	simm.s32 $0x0;
	s12 =	simm.s32 $0x400;
	s13 =	simm.s32 $0xC3800;
	v10 =	vsel vm13, $0xF80, v11;
	v11 =	vsel vm12, $0x1681, v13;
	v13 =	vsel vm11, $0x1001, v23  }
0x42: {  	s14 =	simm.s32 $0x2000;
	s15 =	simm.s32 $0x1;
	s16 =	simm.s32 $0x4000;
	v12 =	vsel vm9, $0x1981, v12;
	v18 =	vsel vm10, $0x1980, v18;
	v13 =	vsel vm10, $0x1180, v13  }
0x43: {  	s17 =	simm.s32 $0x2;
	s18 =	simm.s32 $0x6000;
	s20 =	simm.s32 $0x4;
	v12 =	vsel vm8, $0x1A00, v12;
	v18 =	vsel vm9, $0x1901, v18;
	v13 =	vsel vm9, $0x1101, v13  }
0x44: {  	s21 =	simm.s32 $0x8000;
	s22 =	simm.s32 $0x5;
	s23 =	simm.s32 $0xA000;
	v12 =	vsel vm7, $0x1A81, v12;
	v18 =	vsel vm8, $0x1A80, v18;
	v13 =	vsel vm8, $0x1280, v13  }
0x45: {  	s5 =	sand.u32 $0x1, s1;
	s2 =	sshll.u32 s0, $0x1;
	s1 =	rddreg [dreg:$0x0];
	v12 =	vsel vm6, $0x1B00, v12;
	v18 =	vsel vm7, $0x1A01, v18;
	v13 =	vsel vm7, $0x1201, v13  }
0x46: {  	s24 =	simm.s32 $0x0;
	[smem:$0x7FF] =	sst s3;
	s19 =	sor.u32 s5, s2;
	v12 =	vsel vm5, $0x1B81, v12;
	v18 =	vsel vm6, $0x1B80, v18;
	v13 =	vsel vm6, $0x1380, v13  }
0x47: {  	s2 =	rddreg [dreg:$0x2];
	_ =	strace $0x80000047;
	s7 =	ssub.s32 $0x2, s5;
	v12 =	vsel vm3, $0x1C00, v12;
	v18 =	vsel vm5, $0x1B01, v18;
	v13 =	vsel vm5, $0x1301, v13  }
0x48: {  	s5 =	sadd.s32 $0x600, s10;
	s9 =	sadd.s32 $0x18680, s1;
	s4 =	smul.u32 $0x18, s19;
	v12 =	vsel vm2, $0x1C81, v12;
	v18 =	vsel vm3, $0x1C80, v18;
	v13 =	vsel vm3, $0x1480, v13  }
0x49: {  	s10 =	sadd.s32 $0xC3A00, s10;
	s6 =	smul.u32 $0x19, s19;
	p0 =	slt.u32 s19, $0xD;
	v12 =	vsel vm1, $0x1D00, v12;
	v18 =	vsel vm2, $0x1C01, v18;
	v13 =	vsel vm2, $0x1401, v13  }
.Ltmp0:
0x4a: {  	s30 =	sshrl.u32 s7, $0x1;
	s4 =	sadd.s32 $0xD, s4;
	v12 =	vsel vm0, $0x1D81, v12;
	v18 =	vsel vm1, $0x1D80, v18;
	v13 =	vsel vm1, $0x1580, v13;
	(pc) =	sbr.rel .LBB2_1-.Ltmp0, $4  }
0x4b: {  	s11 =	ssub.s32 s7, s30;
	s4 =	smov.u32 @p0 s6;
	s6 =	simm.s32 $0x19;
	v12 =	vsel vm4, $0x1E00, v12;
	v18 =	vsel vm0, $0x1D01, v18;
	v13 =	vsel vm0, $0x1501, v13  }
0x4c: {  	s11 =	smax.u32 s11, $0x1;
	s8 =	sshll.u32 s4, $0x7;
	s6 =	simm.s32 @!p0 $0x18;
	v19 =	vsel vm12, $0x1E81, v12;
	v18 =	vsel vm4, $0x1E80, v18;
	v13 =	vsel vm4, $0x1680, v13  }
0x4d: {  	p0 =	sne.s32 s19, $0x1F;
	s31 =	sand.u32 $0x1FFFFF80, s8;
	s8 =	sadd.s32 s8, s1;
	v18 =	vsel vm12, $0x1E01, v18;
	v11 =	vsel vm13, $0x1700, v11;
	v13 =	vsel vm12, $0x1601, v13  }
0x4e: {  	s19 =	simm.s32 $0x3;
	s7 =	sadd.s32 s1, s31;
	s8 =	sadd.s32 $0x80, s8;
	v15 =	vsel vm13, $0x1F80, v18;
	v12 =	vsel vm13, $0x1780, v13;
	v13 =	vsel vm13, $0x1F00, v19  }
.LBB2_15:
0x4f: {  	s24 =	sadd.s32 $0x1, s24  }
0x50: {  	p1 =	sne.s32 s24, s11  }
.Ltmp1:
0x51: {  	_ = 	snop;
	(pc) =	sbr.rel @!p1 .LBB2_16-.Ltmp1, $1  }
0x52: {  	_ =	sdelay $0x3  }
.LBB2_1:
.Ltmp2:
0x53: {  	(pc) =	sbr.rel .LBB2_2-.Ltmp2, $4  }
0x54: {  	_ = 	snop  }
0x55: {  	[tilespmem:s3], [sflag:$0x1] =	stream.strided.gather [hbm4b:s7+s12], $0x2000, s13, s12, $0x38;
	[tilespmem:$0xA800] =	vst v63  }
0x56: {  	s25 =	simm.s32 $0x0  }
0x57: {  	[tilespmem:s14], [sflag:$0x2] =	stream.strided.gather [hbm4b:s8+s12], $0x2000, s13, s12, $0x38;
	[tilespmem:$0xA800] =	vst v63  }
.LBB2_10:
0x58: {  	s25 =	sadd.s32 $0x1, s25  }
0x59: {  	p1 =	sne.s32 s25, $0xD  }
.Ltmp3:
0x5a: {  	_ = 	snop;
	(pc) =	sbr.rel @!p1 .LBB2_11-.Ltmp3, $1  }
0x5b: {  	_ =	sdelay $0x3  }
.LBB2_2:
0x5c: {  	s26 =	sshll.u32 s25, $0x1  }
0x5d: {  	p2 =	sge.u32 s26, s6  }
.Ltmp4:
0x5e: {  	_ = 	snop;
	(pc) =	sbr.rel @p2 .LBB2_6-.Ltmp4, $2  }
0x5f: {  	_ =	sdelay $0x2  }
0x60: {  	p1 =	seq.s32 s25, $0x0  }
0x61: {  	s28 =	simm.s32 $0x0  }
0x62: {  	v17 =	vadd.s32 s28, v6;
	s28 =	simm.s32 $0x1  }
0x63: {  	v17 =	vand.u32 $0x3F, v17;
	v18 =	vadd.s32 s28, v6  }
0x64: {  	_ =	swait.ge [sflag:s15], $0x2000;
	v27 =	vshll.u32 v17, $0x1;
	v18 =	vand.u32 $0x3F, v18  }
0x65: {  	[sflag:s15] =	ssyncset.done $0x0;
	v19 =	vor.u32 v7, v27;
	v30 =	vshll.u32 v18, $0x1  }
0x66: {  	[sflag:s15] =	ssyncadd.s32 $0xFFFFE000;
	s28 =	simm.s32 @!p1 $0x3;
	v20 =	vor.u32 v7, v30  }
0x67: {  	_ =	swait.ge @!p1 [sflag:s28], $0x2000  }
0x68: {  	[sflag:s28] =	ssyncset.done @!p1 $0x0  }
0x69: {  	v22 =	vshll.u32 v17, $0x7;
	[sflag:s28] =	ssyncadd.s32 @!p1 $0xFFFFE000  }
0x6a: {  	v21 =	vshll.u32 v18, $0x7;
	v17 =	vld.idx.msk [tilespmem:v19+s3+$0x0], $0xffff;
	v19 =	vor.u32 v0, v22  }
0x6b: {  	v18 =	vor.u32 v8, v27;
	v23 =	vor.u32 v0, v21;
	v20 =	vld.idx.msk [tilespmem:v20+s3+$0x0], $0xffff  }
0x6c: {  	v24 =	vor.u32 v8, v30;
	_ =	sdelay $0x2  }
0x6d: {  	s28 =	simm.s32 $0x2;
	[tilespmem:v19+s16+$0x0] =	vst.idx.msk $0xffff, v17  }
0x6e: {  	v26 =	vor.u32 v1, v22;
	v17 =	vadd.s32 s28, v6;
	v25 =	vld.idx.msk [tilespmem:v18+s3+$0x0], $0xffff;
	[tilespmem:v23+s16+$0x0] =	vst.idx.msk $0xffff, v20  }
0x6f: {  	s28 =	simm.s32 $0x3;
	v17 =	vand.u32 $0x3F, v17;
	v20 =	vor.u32 v9, v27;
	v23 =	vld.idx.msk [tilespmem:v24+s3+$0x0], $0xffff;
	v24 =	vor.u32 v1, v21  }
0x70: {  	v28 =	vor.u32 v9, v30;
	v18 =	vadd.s32 s28, v6;
	v19 =	vshll.u32 v17, $0x1  }
0x71: {  	v31 =	vand.u32 $0x3F, v18;
	v29 =	vor.u32 v7, v19  }
0x72: {  	v18 =	vshll.u32 v31, $0x1  }
0x73: {  	[tilespmem:v26+s16+$0x0] =	vst.idx.msk $0xffff, v25;
	v25 =	vor.u32 v7, v18  }
0x74: {  	v26 =	vor.u32 v2, v22;
	v32 =	vld.idx.msk [tilespmem:v20+s3+$0x0], $0xffff;
	[tilespmem:v24+s16+$0x0] =	vst.idx.msk $0xffff, v23  }
0x75: {  	v20 =	vshll.u32 v17, $0x7;
	v24 =	vor.u32 v10, v27;
	v23 =	vld.idx.msk [tilespmem:v28+s3+$0x0], $0xffff;
	v28 =	vor.u32 v2, v21  }
0x76: {  	v34 =	vor.u32 v10, v30;
	v29 =	vld.idx.msk [tilespmem:v29+s3+$0x0], $0xffff;
	v33 =	vor.u32 v0, v20  }
0x77: {  	v17 =	vshll.u32 v31, $0x7  }
0x78: {  	v35 =	vor.u32 v8, v19;
	v31 =	vor.u32 v0, v17;
	v25 =	vld.idx.msk [tilespmem:v25+s3+$0x0], $0xffff  }
0x79: {  	v49 =	vor.u32 v11, v27;
	[tilespmem:v26+s16+$0x0] =	vst.idx.msk $0xffff, v32;
	v26 =	vor.u32 v8, v18  }
0x7a: {  	v38 =	vor.u32 v4, v22;
	v24 =	vld.idx.msk [tilespmem:v24+s3+$0x0], $0xffff;
	[tilespmem:v28+s16+$0x0] =	vst.idx.msk $0xffff, v23;
	v28 =	vor.u32 v3, v22  }
0x7b: {  	v40 =	vor.u32 v12, v27;
	v50 =	vor.u32 v3, v21;
	[tilespmem:v33+s16+$0x0] =	vst.idx.msk $0xffff, v29;
	v29 =	vld.idx.msk [tilespmem:v34+s3+$0x0], $0xffff  }
0x7c: {  	v59 =	vor.u32 v5, v22;
	v36 =	vor.u32 v11, v30;
	v54 =	vor.u32 v4, v21;
	s28 =	simm.s32 $0x4  }
0x7d: {  	v52 =	vor.u32 v1, v20;
	v23 =	vadd.s32 s28, v6;
	v51 =	vld.idx.msk [tilespmem:v35+s3+$0x0], $0xffff;
	[tilespmem:v31+s16+$0x0] =	vst.idx.msk $0xffff, v25  }
0x7e: {  	v37 =	vor.u32 v9, v19;
	v39 =	vor.u32 v1, v17;
	v31 =	vand.u32 $0x3F, v23;
	v26 =	vld.idx.msk [tilespmem:v26+s3+$0x0], $0xffff  }
0x7f: {  	v41 =	vor.u32 v12, v30;
	s28 =	simm.s32 $0x5;
	v23 =	vshll.u32 v31, $0x1;
	[tilespmem:v28+s16+$0x0] =	vst.idx.msk $0xffff, v24;
	v28 =	vor.u32 v9, v18  }
0x80: {  	v24 =	vadd.s32 s28, v6;
	v32 =	vld.idx.msk [tilespmem:v49+s3+$0x0], $0xffff;
	[tilespmem:v50+s16+$0x0] =	vst.idx.msk $0xffff, v29;
	v29 =	vor.u32 v7, v23  }
0x81: {  	v61 =	vor.u32 v5, v21;
	v46 =	vor.u32 v13, v30;
	v53 =	vand.u32 $0x3F, v24;
	v33 =	vld.idx.msk [tilespmem:v36+s3+$0x0], $0xffff  }
0x82: {  	v43 =	vor.u32 v10, v19;
	v57 =	vor.u32 v10, v18;
	[tilespmem:v52+s16+$0x0] =	vst.idx.msk $0xffff, v51;
	v25 =	vshll.u32 v53, $0x1  }
0x83: {  	v55 =	vor.u32 v2, v20;
	v37 =	vld.idx.msk [tilespmem:v37+s3+$0x0], $0xffff;
	v42 =	vor.u32 v7, v25;
	[tilespmem:v39+s16+$0x0] =	vst.idx.msk $0xffff, v26  }
0x84: {  	v44 =	vor.u32 v2, v17;
	v58 =	vor.u32 v8, v23;
	s28 =	simm.s32 $0x6;
	v24 =	vshll.u32 v31, $0x7;
	v28 =	vld.idx.msk [tilespmem:v28+s3+$0x0], $0xffff  }
0x85: {  	v31 =	vadd.s32 s28, v6;
	v56 =	vor.u32 v0, v24;
	v29 =	vld.idx.msk [tilespmem:v29+s3+$0x0], $0xffff;
	[tilespmem:v38+s16+$0x0] =	vst.idx.msk $0xffff, v32  }
0x86: {  	v49 =	vor.u32 v3, v20;
	v51 =	vor.u32 v11, v19;
	v45 =	vld.idx.msk [tilespmem:v40+s3+$0x0], $0xffff;
	[tilespmem:v54+s16+$0x0] =	vst.idx.msk $0xffff, v33  }
0x87: {  	v52 =	vor.u32 v3, v17;
	v39 =	vor.u32 v13, v27;
	v26 =	vshll.u32 v53, $0x7;
	v60 =	vld.idx.msk [tilespmem:v41+s3+$0x0], $0xffff  }
0x88: {  	v31 =	vand.u32 $0x3F, v31;
	v63 =	vor.u32 v0, v26;
	[tilespmem:v55+s16+$0x0] =	vst.idx.msk $0xffff, v37;
	v62 =	vld.idx.msk [tilespmem:v42+s3+$0x0], $0xffff  }
0x89: {  	v35 =	vor.u32 v2, v24;
	v47 =	vor.u32 v8, v25;
	v48 =	vld.idx.msk [tilespmem:v43+s3+$0x0], $0xffff;
	[tilespmem:v44+s16+$0x0] =	vst.idx.msk $0xffff, v28  }
0x8a: {  	v38 =	vor.u32 v11, v18;
	v32 =	vor.u32 v4, v20;
	[tilespmem:v56+s16+$0x0] =	vst.idx.msk $0xffff, v29;
	v50 =	vld.idx.msk [tilespmem:v57+s3+$0x0], $0xffff  }
0x8b: {  	v33 =	vor.u32 v15, v30;
	v44 =	vor.u32 v1, v24;
	v40 =	vld.idx.msk [tilespmem:v58+s3+$0x0], $0xffff;
	[tilespmem:v59+s16+$0x0] =	vst.idx.msk $0xffff, v45  }
0x8c: {  	v43 =	vor.u32 v9, v23;
	v41 =	vor.u32 v14, v21;
	v36 =	vld.idx.msk [tilespmem:v39+s3+$0x0], $0xffff;
	[tilespmem:v61+s16+$0x0] =	vst.idx.msk $0xffff, v60  }
0x8d: {  	v28 =	vor.u32 v12, v19;
	[tilespmem:v63+s16+$0x0] =	vst.idx.msk $0xffff, v62;
	v39 =	vor.u32 v14, v22;
	v37 =	vld.idx.msk [tilespmem:v46+s3+$0x0], $0xffff  }
0x8e: {  	v29 =	vor.u32 v15, v27;
	v27 =	vshll.u32 v31, $0x1;
	[tilespmem:v49+s16+$0x0] =	vst.idx.msk $0xffff, v48;
	v42 =	vld.idx.msk [tilespmem:v47+s3+$0x0], $0xffff  }
0x8f: {  	s29 =	simm.s32 $0x7;
	s28 =	simm.s32 $0x8;
	v45 =	vor.u32 v1, v26;
	v46 =	vor.u32 v9, v25;
	v34 =	vld.idx.msk [tilespmem:v51+s3+$0x0], $0xffff;
	[tilespmem:v52+s16+$0x0] =	vst.idx.msk $0xffff, v50  }
.LBB2_4:
0x90: {  	v30 =	vor.u32 v7, v27;
	v47 =	vadd.s32 s29, v6;
	[tilespmem:v44+s16+$0x0] =	vst.idx.msk $0xffff, v40;
	v48 =	vmov v18  }
0x91: {  	p2 =	slt.u32 s28, $0x3E;
	v38 =	vld.idx.msk [tilespmem:v38+s3+$0x0], $0xffff;
	v18 =	vmovc v25;
	v40 =	vmovc v21;
	v21 =	vmov v17;
	v17 =	vmov v26;
	v44 =	vmov v19  }
0x92: {  	v19 =	vmov v23;
	v26 =	vand.u32 $0x3F, v47;
	v43 =	vld.idx.msk [tilespmem:v43+s3+$0x0], $0xffff;
	v47 =	vor.u32 v4, v21;
	[tilespmem:v39+s16+$0x0] =	vst.idx.msk $0xffff, v36  }
0x93: {  	v23 =	vmov v27;
	v36 =	vor.u32 v12, v48;
	v25 =	vshll.u32 v26, $0x1;
	v29 =	vld.idx.msk [tilespmem:v29+s3+$0x0], $0xffff;
	[tilespmem:v41+s16+$0x0] =	vst.idx.msk $0xffff, v37  }
0x94: {  	v37 =	vor.u32 v16, v22;
	v27 =	vor.u32 v7, v25;
	[tilespmem:v45+s16+$0x0] =	vst.idx.msk $0xffff, v42;
	v33 =	vld.idx.msk [tilespmem:v33+s3+$0x0], $0xffff  }
0x95: {  	v39 =	vshll.u32 v31, $0x7;
	v31 =	vor.u32 v16, v40;
	v22 =	vmovc v20;
	v42 =	vor.u32 v13, v44;
	v41 =	vld.idx.msk [tilespmem:v46+s3+$0x0], $0xffff  }
0x96: {  	v40 =	vor.u32 v10, v19;
	v45 =	vor.u32 v2, v17;
	v30 =	vld.idx.msk [tilespmem:v30+s3+$0x0], $0xffff;
	[tilespmem:v32+s16+$0x0] =	vst.idx.msk $0xffff, v34  }
0x97: {  	v32 =	vor.u32 v0, v39;
	v34 =	vor.u32 v10, v18;
	v28 =	vld.idx.msk [tilespmem:v28+s3+$0x0], $0xffff;
	[tilespmem:v47+s16+$0x0] =	vst.idx.msk $0xffff, v38  }
0x98: {  	v38 =	vor.u32 v8, v23;
	[tilespmem:v35+s16+$0x0] =	vst.idx.msk $0xffff, v43;
	v35 =	vor.u32 v5, v22;
	v43 =	vld.idx.msk [tilespmem:v36+s3+$0x0], $0xffff  }
0x99: {  	v26 =	vshll.u32 v26, $0x7;
	v20 =	vmov v24;
	v46 =	vor.u32 v5, v21;
	v27 =	vld.idx.msk [tilespmem:v27+s3+$0x0], $0xffff;
	[tilespmem:v37+s16+$0x0] =	vst.idx.msk $0xffff, v29  }
0x9a: {  	v47 =	vor.u32 v13, v48;
	v29 =	vadd.s32 s28, v6;
	v37 =	vor.u32 v0, v26;
	[tilespmem:v31+s16+$0x0] =	vst.idx.msk $0xffff, v33  }
0x9b: {  	v24 =	vmov v39;
	v31 =	vand.u32 $0x3F, v29;
	v33 =	vor.u32 v8, v25;
	v49 =	vld.idx.msk [tilespmem:v40+s3+$0x0], $0xffff;
	[tilespmem:v45+s16+$0x0] =	vst.idx.msk $0xffff, v41  }
0x9c: {  	v29 =	vor.u32 v15, v44;
	[tilespmem:v32+s16+$0x0] =	vst.idx.msk $0xffff, v30;
	v30 =	vor.u32 v3, v20;
	v50 =	vld.idx.msk [tilespmem:v34+s3+$0x0], $0xffff  }
0x9d: {  	v51 =	vor.u32 v3, v17;
	v34 =	vor.u32 v11, v19;
	v40 =	vld.idx.msk [tilespmem:v38+s3+$0x0], $0xffff;
	[tilespmem:v35+s16+$0x0] =	vst.idx.msk $0xffff, v28  }
.Ltmp5:
0x9e: {  	v44 =	vor.u32 v1, v24;
	v38 =	vor.u32 v11, v18;
	v36 =	vld.idx.msk [tilespmem:v42+s3+$0x0], $0xffff;
	[tilespmem:v46+s16+$0x0] =	vst.idx.msk $0xffff, v43;
	(pc) =	sbr.rel @p2 .LBB2_4-.Ltmp5, $4  }
0x9f: {  	v39 =	vor.u32 v14, v22;
	v43 =	vor.u32 v9, v23;
	[tilespmem:v37+s16+$0x0] =	vst.idx.msk $0xffff, v27;
	v37 =	vld.idx.msk [tilespmem:v47+s3+$0x0], $0xffff  }
0xa0: {  	v41 =	vor.u32 v14, v21;
	v32 =	vor.u32 v4, v20;
	v28 =	vor.u32 v12, v19;
	v42 =	vld.idx.msk [tilespmem:v33+s3+$0x0], $0xffff  }
0xa1: {  	v45 =	vor.u32 v1, v26;
	v27 =	vshll.u32 v31, $0x1;
	v33 =	vor.u32 v15, v48;
	[tilespmem:v30+s16+$0x0] =	vst.idx.msk $0xffff, v49  }
0xa2: {  	s29 =	sadd.s32 $0x1, s28;
	s28 =	sadd.s32 $0x2, s28;
	v35 =	vor.u32 v2, v24;
	v46 =	vor.u32 v9, v25;
	v34 =	vld.idx.msk [tilespmem:v34+s3+$0x0], $0xffff;
	[tilespmem:v51+s16+$0x0] =	vst.idx.msk $0xffff, v50  }
0xa3: {  	v30 =	vadd.s32 s29, v6  }
0xa4: {  	v47 =	vand.u32 $0x3F, v30  }
0xa5: {  	v48 =	vor.u32 v7, v27;
	v49 =	vshll.u32 v47, $0x1  }
0xa6: {  	v50 =	vor.u32 v7, v49;
	_ =	sdelay $0x2  }
0xa7: {  	v30 =	vshll.u32 v31, $0x7  }
0xa8: {  	v51 =	vor.u32 v0, v30;
	v31 =	vshll.u32 v47, $0x7;
	v48 =	vld.idx.msk [tilespmem:v48+s3+$0x0], $0xffff  }
0xa9: {  	v63 =	vor.u32 v8, v27;
	v52 =	vor.u32 v0, v31;
	v50 =	vld.idx.msk [tilespmem:v50+s3+$0x0], $0xffff  }
0xaa: {  	v53 =	vor.u32 v8, v49;
	_ =	sdelay $0x2  }
0xab: {  	[tilespmem:v51+s16+$0x0] =	vst.idx.msk $0xffff, v48  }
0xac: {  	v56 =	vor.u32 v1, v30;
	v47 =	vld.idx.msk [tilespmem:v63+s3+$0x0], $0xffff;
	[tilespmem:v52+s16+$0x0] =	vst.idx.msk $0xffff, v50  }
0xad: {  	v57 =	vor.u32 v9, v27;
	v59 =	vor.u32 v1, v31;
	v58 =	vld.idx.msk [tilespmem:v53+s3+$0x0], $0xffff  }
0xae: {  	[tilespmem:v45+s16+$0x0] =	vst.idx.msk $0xffff, v42;
	v60 =	vor.u32 v9, v49  }
0xaf: {  	[tilespmem:v44+s16+$0x0] =	vst.idx.msk $0xffff, v40;
	v62 =	vor.u32 v2, v26;
	v42 =	vld.idx.msk [tilespmem:v46+s3+$0x0], $0xffff  }
0xb0: {  	v40 =	vld.idx.msk [tilespmem:v43+s3+$0x0], $0xffff;
	v63 =	vor.u32 v10, v25  }
0xb1: {  	v61 =	vor.u32 v10, v23;
	[tilespmem:v56+s16+$0x0] =	vst.idx.msk $0xffff, v47  }
0xb2: {  	v52 =	vor.u32 v2, v30;
	v47 =	vld.idx.msk [tilespmem:v57+s3+$0x0], $0xffff;
	[tilespmem:v59+s16+$0x0] =	vst.idx.msk $0xffff, v58  }
0xb3: {  	[tilespmem:v39+s16+$0x0] =	vst.idx.msk $0xffff, v36;
	v55 =	vor.u32 v10, v27;
	v56 =	vor.u32 v2, v31;
	v54 =	vld.idx.msk [tilespmem:v60+s3+$0x0], $0xffff  }
0xb4: {  	[tilespmem:v62+s16+$0x0] =	vst.idx.msk $0xffff, v42;
	v57 =	vor.u32 v10, v49  }
0xb5: {  	[tilespmem:v35+s16+$0x0] =	vst.idx.msk $0xffff, v40;
	v62 =	vor.u32 v3, v26;
	v42 =	vld.idx.msk [tilespmem:v63+s3+$0x0], $0xffff  }
0xb6: {  	[tilespmem:v41+s16+$0x0] =	vst.idx.msk $0xffff, v37;
	v40 =	vld.idx.msk [tilespmem:v61+s3+$0x0], $0xffff;
	v60 =	vor.u32 v3, v24  }
0xb7: {  	v61 =	vor.u32 v11, v23;
	v58 =	vld.idx.msk [tilespmem:v38+s3+$0x0], $0xffff;
	v59 =	vor.u32 v4, v17;
	[tilespmem:v52+s16+$0x0] =	vst.idx.msk $0xffff, v47  }
0xb8: {  	v50 =	vor.u32 v3, v30;
	v63 =	vor.u32 v11, v25;
	v39 =	vld.idx.msk [tilespmem:v55+s3+$0x0], $0xffff;
	[tilespmem:v56+s16+$0x0] =	vst.idx.msk $0xffff, v54  }
0xb9: {  	[tilespmem:v32+s16+$0x0] =	vst.idx.msk $0xffff, v34;
	v53 =	vor.u32 v3, v31;
	v52 =	vor.u32 v11, v27;
	v51 =	vld.idx.msk [tilespmem:v57+s3+$0x0], $0xffff  }
0xba: {  	v22 =	vor.u32 v16, v22;
	v29 =	vld.idx.msk [tilespmem:v29+s3+$0x0], $0xffff;
	[tilespmem:v62+s16+$0x0] =	vst.idx.msk $0xffff, v42;
	v54 =	vor.u32 v11, v49  }
0xbb: {  	v21 =	vor.u32 v16, v21;
	v33 =	vld.idx.msk [tilespmem:v33+s3+$0x0], $0xffff;
	[tilespmem:v60+s16+$0x0] =	vst.idx.msk $0xffff, v40  }
0xbc: {  	v55 =	vor.u32 v12, v18;
	[tilespmem:v59+s16+$0x0] =	vst.idx.msk $0xffff, v58;
	v56 =	vor.u32 v4, v24;
	v41 =	vld.idx.msk [tilespmem:v61+s3+$0x0], $0xffff  }
0xbd: {  	v58 =	vld.idx.msk [tilespmem:v63+s3+$0x0], $0xffff;
	v59 =	vor.u32 v4, v26;
	v57 =	vor.u32 v12, v23;
	[tilespmem:v50+s16+$0x0] =	vst.idx.msk $0xffff, v39  }
0xbe: {  	v60 =	vor.u32 v12, v25;
	v61 =	vor.u32 v4, v30;
	v34 =	vld.idx.msk [tilespmem:v52+s3+$0x0], $0xffff;
	[tilespmem:v53+s16+$0x0] =	vst.idx.msk $0xffff, v51  }
0xbf: {  	[tilespmem:v22+s16+$0x0] =	vst.idx.msk $0xffff, v29;
	v48 =	vor.u32 v4, v31;
	v62 =	vor.u32 v12, v27;
	v63 =	vld.idx.msk [tilespmem:v54+s3+$0x0], $0xffff  }
0xc0: {  	v28 =	vld.idx.msk [tilespmem:v28+s3+$0x0], $0xffff;
	[tilespmem:v21+s16+$0x0] =	vst.idx.msk $0xffff, v33;
	v50 =	vor.u32 v5, v20;
	v51 =	vor.u32 v12, v49  }
0xc1: {  	v52 =	vor.u32 v13, v19;
	v53 =	vld.idx.msk [tilespmem:v55+s3+$0x0], $0xffff;
	[tilespmem:v56+s16+$0x0] =	vst.idx.msk $0xffff, v41;
	v54 =	vor.u32 v5, v17  }
0xc2: {  	[tilespmem:v59+s16+$0x0] =	vst.idx.msk $0xffff, v58;
	v55 =	vor.u32 v13, v18;
	v56 =	vor.u32 v5, v24;
	v41 =	vld.idx.msk [tilespmem:v57+s3+$0x0], $0xffff  }
0xc3: {  	v58 =	vor.u32 v5, v26;
	v36 =	vld.idx.msk [tilespmem:v60+s3+$0x0], $0xffff;
	v57 =	vor.u32 v13, v23;
	[tilespmem:v61+s16+$0x0] =	vst.idx.msk $0xffff, v34  }
0xc4: {  	v59 =	vor.u32 v13, v25;
	v60 =	vor.u32 v5, v30;
	v22 =	vld.idx.msk [tilespmem:v62+s3+$0x0], $0xffff;
	[tilespmem:v48+s16+$0x0] =	vst.idx.msk $0xffff, v63  }
0xc5: {  	[tilespmem:v50+s16+$0x0] =	vst.idx.msk $0xffff, v28;
	v61 =	vor.u32 v13, v27;
	v62 =	vor.u32 v5, v31;
	v21 =	vld.idx.msk [tilespmem:v51+s3+$0x0], $0xffff  }
0xc6: {  	v45 =	vor.u32 v13, v49;
	v33 =	vld.idx.msk [tilespmem:v52+s3+$0x0], $0xffff;
	[tilespmem:v54+s16+$0x0] =	vst.idx.msk $0xffff, v53;
	v63 =	vor.u32 v14, v20  }
0xc7: {  	v46 =	vor.u32 v14, v17;
	v19 =	vor.u32 v15, v19;
	[tilespmem:v56+s16+$0x0] =	vst.idx.msk $0xffff, v41;
	v38 =	vld.idx.msk [tilespmem:v55+s3+$0x0], $0xffff  }
0xc8: {  	v18 =	vor.u32 v15, v18;
	[tilespmem:v58+s16+$0x0] =	vst.idx.msk $0xffff, v36;
	v48 =	vor.u32 v14, v24;
	v47 =	vld.idx.msk [tilespmem:v57+s3+$0x0], $0xffff  }
0xc9: {  	v50 =	vor.u32 v15, v23;
	v34 =	vld.idx.msk [tilespmem:v59+s3+$0x0], $0xffff;
	v51 =	vor.u32 v14, v26;
	[tilespmem:v60+s16+$0x0] =	vst.idx.msk $0xffff, v22  }
0xca: {  	v52 =	vor.u32 v15, v25;
	v54 =	vor.u32 v14, v30;
	v53 =	vld.idx.msk [tilespmem:v61+s3+$0x0], $0xffff;
	[tilespmem:v62+s16+$0x0] =	vst.idx.msk $0xffff, v21  }
0xcb: {  	v55 =	vor.u32 v15, v27;
	v57 =	vor.u32 v14, v31;
	[tilespmem:v63+s16+$0x0] =	vst.idx.msk $0xffff, v33;
	v56 =	vld.idx.msk [tilespmem:v45+s3+$0x0], $0xffff  }
0xcc: {  	v58 =	vor.u32 v16, v20;
	v59 =	vor.u32 v15, v49;
	v19 =	vld.idx.msk [tilespmem:v19+s3+$0x0], $0xffff;
	[tilespmem:v46+s16+$0x0] =	vst.idx.msk $0xffff, v38  }
0xcd: {  	v17 =	vor.u32 v16, v17;
	[tilespmem:v48+s16+$0x0] =	vst.idx.msk $0xffff, v47;
	v18 =	vld.idx.msk [tilespmem:v18+s3+$0x0], $0xffff  }
0xce: {  	v60 =	vor.u32 v16, v24;
	[tilespmem:v51+s16+$0x0] =	vst.idx.msk $0xffff, v34;
	v23 =	vld.idx.msk [tilespmem:v50+s3+$0x0], $0xffff  }
0xcf: {  	v61 =	vor.u32 v16, v26;
	v22 =	vld.idx.msk [tilespmem:v52+s3+$0x0], $0xffff;
	[tilespmem:v54+s16+$0x0] =	vst.idx.msk $0xffff, v53  }
0xd0: {  	v62 =	vor.u32 v16, v30;
	v21 =	vld.idx.msk [tilespmem:v55+s3+$0x0], $0xffff;
	[tilespmem:v57+s16+$0x0] =	vst.idx.msk $0xffff, v56  }
0xd1: {  	v63 =	vor.u32 v16, v31;
	[tilespmem:v58+s16+$0x0] =	vst.idx.msk $0xffff, v19;
	v19 =	vld.idx.msk [tilespmem:v59+s3+$0x0], $0xffff  }
0xd2: {  	[tilespmem:v17+s16+$0x0] =	vst.idx.msk $0xffff, v18  }
0xd3: {  	s28 =	sadd.s32 s4, s26;
	[tilespmem:v60+s16+$0x0] =	vst.idx.msk $0xffff, v23  }
0xd4: {  	s28 =	sshll.u32 s28, $0xA;
	[tilespmem:v61+s16+$0x0] =	vst.idx.msk $0xffff, v22  }
0xd5: {  	s28 =	sand.u32 $0x1FFFFC00, s28;
	[tilespmem:v62+s16+$0x0] =	vst.idx.msk $0xffff, v21  }
0xd6: {  	s28 =	sadd.s32 s5, s28;
	[tilespmem:v63+s16+$0x0] =	vst.idx.msk $0xffff, v19  }
0xd7: {  	[hbm4b:s28+s3] =	stream.linear.scatter [tilespmem:s16], [sflag:$0x3], $0x2000, $0x38;
	[tilespmem:$0xA800] =	vst v63  }
0xd8: {  	s28 =	sadd.s32 $0x2, s26  }
0xd9: {  	p2 =	sge.u32 s28, s6  }
0xda: {  	s28 =	sadd.s32 @!p2 s4, s28  }
0xdb: {  	s28 =	sshll.u32 @!p2 s28, $0x7  }
0xdc: {  	s29 =	simm.s32 @!p2 $0x400;
	s28 =	sand.u32 @!p2 $0x1FFFFF80, s28  }
0xdd: {  	s30 =	simm.s32 @!p2 $0xC3800;
	s31 =	simm.s32 @!p2 $0x0;
	s28 =	sadd.s32 @!p2 s1, s28  }
0xde: {  	[tilespmem:s31], [sflag:$0x1] =	stream.strided.gather @!p2 [hbm4b:s28+s29], $0x2000, s30, s29, $0x38;
	[tilespmem:$0xA800] =	vst v63  }
.LBB2_6:
0xdf: {  	s28 =	sor.u32 $0x1, s26  }
0xe0: {  	p2 =	sge.u32 s28, s6  }
.Ltmp6:
0xe1: {  	_ = 	snop;
	(pc) =	sbr.rel @p2 .LBB2_10-.Ltmp6, $1  }
0xe2: {  	_ =	sdelay $0x3  }
0xe3: {  	s29 =	simm.s32 $0x0  }
0xe4: {  	v17 =	vadd.s32 s29, v6;
	s29 =	simm.s32 $0x1  }
0xe5: {  	v17 =	vand.u32 $0x3F, v17;
	v18 =	vadd.s32 s29, v6  }
0xe6: {  	_ =	swait.ge [sflag:s17], $0x2000;
	v27 =	vshll.u32 v17, $0x1;
	v18 =	vand.u32 $0x3F, v18  }
0xe7: {  	[sflag:s17] =	ssyncset.done $0x0;
	v19 =	vor.u32 v7, v27;
	v30 =	vshll.u32 v18, $0x1  }
0xe8: {  	[sflag:s17] =	ssyncadd.s32 $0xFFFFE000;
	s29 =	simm.s32 @!p1 $0x4;
	v20 =	vor.u32 v7, v30  }
0xe9: {  	_ =	swait.ge @!p1 [sflag:s29], $0x2000  }
0xea: {  	[sflag:s29] =	ssyncset.done @!p1 $0x0  }
0xeb: {  	v22 =	vshll.u32 v17, $0x7;
	[sflag:s29] =	ssyncadd.s32 @!p1 $0xFFFFE000  }
0xec: {  	v21 =	vshll.u32 v18, $0x7;
	v17 =	vld.idx.msk [tilespmem:v19+s14+$0x0], $0xffff;
	v19 =	vor.u32 v0, v22  }
0xed: {  	v18 =	vor.u32 v8, v27;
	v23 =	vor.u32 v0, v21;
	v20 =	vld.idx.msk [tilespmem:v20+s14+$0x0], $0xffff  }
0xee: {  	v24 =	vor.u32 v8, v30;
	_ =	sdelay $0x2  }
0xef: {  	s29 =	simm.s32 $0x2;
	[tilespmem:v19+s18+$0x0] =	vst.idx.msk $0xffff, v17  }
0xf0: {  	v26 =	vor.u32 v1, v22;
	v17 =	vadd.s32 s29, v6;
	v25 =	vld.idx.msk [tilespmem:v18+s14+$0x0], $0xffff;
	[tilespmem:v23+s18+$0x0] =	vst.idx.msk $0xffff, v20  }
0xf1: {  	s29 =	simm.s32 $0x3;
	v17 =	vand.u32 $0x3F, v17;
	v20 =	vor.u32 v9, v27;
	v23 =	vld.idx.msk [tilespmem:v24+s14+$0x0], $0xffff;
	v24 =	vor.u32 v1, v21  }
0xf2: {  	v28 =	vor.u32 v9, v30;
	v18 =	vadd.s32 s29, v6;
	v19 =	vshll.u32 v17, $0x1  }
0xf3: {  	v31 =	vand.u32 $0x3F, v18;
	v29 =	vor.u32 v7, v19  }
0xf4: {  	v18 =	vshll.u32 v31, $0x1  }
0xf5: {  	[tilespmem:v26+s18+$0x0] =	vst.idx.msk $0xffff, v25;
	v25 =	vor.u32 v7, v18  }
0xf6: {  	v26 =	vor.u32 v2, v22;
	v32 =	vld.idx.msk [tilespmem:v20+s14+$0x0], $0xffff;
	[tilespmem:v24+s18+$0x0] =	vst.idx.msk $0xffff, v23  }
0xf7: {  	v20 =	vshll.u32 v17, $0x7;
	v24 =	vor.u32 v10, v27;
	v23 =	vld.idx.msk [tilespmem:v28+s14+$0x0], $0xffff;
	v28 =	vor.u32 v2, v21  }
0xf8: {  	v34 =	vor.u32 v10, v30;
	v29 =	vld.idx.msk [tilespmem:v29+s14+$0x0], $0xffff;
	v33 =	vor.u32 v0, v20  }
0xf9: {  	v17 =	vshll.u32 v31, $0x7  }
0xfa: {  	v35 =	vor.u32 v8, v19;
	v31 =	vor.u32 v0, v17;
	v25 =	vld.idx.msk [tilespmem:v25+s14+$0x0], $0xffff  }
0xfb: {  	v49 =	vor.u32 v11, v27;
	[tilespmem:v26+s18+$0x0] =	vst.idx.msk $0xffff, v32;
	v26 =	vor.u32 v8, v18  }
0xfc: {  	v38 =	vor.u32 v4, v22;
	v24 =	vld.idx.msk [tilespmem:v24+s14+$0x0], $0xffff;
	[tilespmem:v28+s18+$0x0] =	vst.idx.msk $0xffff, v23;
	v28 =	vor.u32 v3, v22  }
0xfd: {  	v40 =	vor.u32 v12, v27;
	v50 =	vor.u32 v3, v21;
	[tilespmem:v33+s18+$0x0] =	vst.idx.msk $0xffff, v29;
	v29 =	vld.idx.msk [tilespmem:v34+s14+$0x0], $0xffff  }
0xfe: {  	v59 =	vor.u32 v5, v22;
	v36 =	vor.u32 v11, v30;
	v54 =	vor.u32 v4, v21;
	s29 =	simm.s32 $0x4  }
0xff: {  	v52 =	vor.u32 v1, v20;
	v23 =	vadd.s32 s29, v6;
	v51 =	vld.idx.msk [tilespmem:v35+s14+$0x0], $0xffff;
	[tilespmem:v31+s18+$0x0] =	vst.idx.msk $0xffff, v25  }
0x100: {  	v37 =	vor.u32 v9, v19;
	v39 =	vor.u32 v1, v17;
	v31 =	vand.u32 $0x3F, v23;
	v26 =	vld.idx.msk [tilespmem:v26+s14+$0x0], $0xffff  }
0x101: {  	v41 =	vor.u32 v12, v30;
	s29 =	simm.s32 $0x5;
	v23 =	vshll.u32 v31, $0x1;
	[tilespmem:v28+s18+$0x0] =	vst.idx.msk $0xffff, v24;
	v28 =	vor.u32 v9, v18  }
0x102: {  	v24 =	vadd.s32 s29, v6;
	v32 =	vld.idx.msk [tilespmem:v49+s14+$0x0], $0xffff;
	[tilespmem:v50+s18+$0x0] =	vst.idx.msk $0xffff, v29;
	v29 =	vor.u32 v7, v23  }
0x103: {  	v61 =	vor.u32 v5, v21;
	v46 =	vor.u32 v13, v30;
	v53 =	vand.u32 $0x3F, v24;
	v33 =	vld.idx.msk [tilespmem:v36+s14+$0x0], $0xffff  }
0x104: {  	v43 =	vor.u32 v10, v19;
	v57 =	vor.u32 v10, v18;
	[tilespmem:v52+s18+$0x0] =	vst.idx.msk $0xffff, v51;
	v25 =	vshll.u32 v53, $0x1  }
0x105: {  	v55 =	vor.u32 v2, v20;
	v37 =	vld.idx.msk [tilespmem:v37+s14+$0x0], $0xffff;
	v42 =	vor.u32 v7, v25;
	[tilespmem:v39+s18+$0x0] =	vst.idx.msk $0xffff, v26  }
0x106: {  	v44 =	vor.u32 v2, v17;
	v58 =	vor.u32 v8, v23;
	s29 =	simm.s32 $0x6;
	v24 =	vshll.u32 v31, $0x7;
	v28 =	vld.idx.msk [tilespmem:v28+s14+$0x0], $0xffff  }
0x107: {  	v31 =	vadd.s32 s29, v6;
	v56 =	vor.u32 v0, v24;
	v29 =	vld.idx.msk [tilespmem:v29+s14+$0x0], $0xffff;
	[tilespmem:v38+s18+$0x0] =	vst.idx.msk $0xffff, v32  }
0x108: {  	v49 =	vor.u32 v3, v20;
	v51 =	vor.u32 v11, v19;
	v45 =	vld.idx.msk [tilespmem:v40+s14+$0x0], $0xffff;
	[tilespmem:v54+s18+$0x0] =	vst.idx.msk $0xffff, v33  }
0x109: {  	v52 =	vor.u32 v3, v17;
	v39 =	vor.u32 v13, v27;
	v26 =	vshll.u32 v53, $0x7;
	v60 =	vld.idx.msk [tilespmem:v41+s14+$0x0], $0xffff  }
0x10a: {  	v31 =	vand.u32 $0x3F, v31;
	v63 =	vor.u32 v0, v26;
	[tilespmem:v55+s18+$0x0] =	vst.idx.msk $0xffff, v37;
	v62 =	vld.idx.msk [tilespmem:v42+s14+$0x0], $0xffff  }
0x10b: {  	v35 =	vor.u32 v2, v24;
	v47 =	vor.u32 v8, v25;
	v48 =	vld.idx.msk [tilespmem:v43+s14+$0x0], $0xffff;
	[tilespmem:v44+s18+$0x0] =	vst.idx.msk $0xffff, v28  }
0x10c: {  	v38 =	vor.u32 v11, v18;
	v32 =	vor.u32 v4, v20;
	[tilespmem:v56+s18+$0x0] =	vst.idx.msk $0xffff, v29;
	v50 =	vld.idx.msk [tilespmem:v57+s14+$0x0], $0xffff  }
0x10d: {  	v33 =	vor.u32 v15, v30;
	v44 =	vor.u32 v1, v24;
	v40 =	vld.idx.msk [tilespmem:v58+s14+$0x0], $0xffff;
	[tilespmem:v59+s18+$0x0] =	vst.idx.msk $0xffff, v45  }
0x10e: {  	v43 =	vor.u32 v9, v23;
	v41 =	vor.u32 v14, v21;
	v36 =	vld.idx.msk [tilespmem:v39+s14+$0x0], $0xffff;
	[tilespmem:v61+s18+$0x0] =	vst.idx.msk $0xffff, v60  }
0x10f: {  	v28 =	vor.u32 v12, v19;
	[tilespmem:v63+s18+$0x0] =	vst.idx.msk $0xffff, v62;
	v39 =	vor.u32 v14, v22;
	v37 =	vld.idx.msk [tilespmem:v46+s14+$0x0], $0xffff  }
0x110: {  	v29 =	vor.u32 v15, v27;
	v27 =	vshll.u32 v31, $0x1;
	[tilespmem:v49+s18+$0x0] =	vst.idx.msk $0xffff, v48;
	v42 =	vld.idx.msk [tilespmem:v47+s14+$0x0], $0xffff  }
0x111: {  	s30 =	simm.s32 $0x7;
	s29 =	simm.s32 $0x8;
	v45 =	vor.u32 v1, v26;
	v46 =	vor.u32 v9, v25;
	v34 =	vld.idx.msk [tilespmem:v51+s14+$0x0], $0xffff;
	[tilespmem:v52+s18+$0x0] =	vst.idx.msk $0xffff, v50  }
.LBB2_8:
0x112: {  	v30 =	vor.u32 v7, v27;
	v47 =	vadd.s32 s30, v6;
	[tilespmem:v44+s18+$0x0] =	vst.idx.msk $0xffff, v40;
	v48 =	vmov v18  }
0x113: {  	p1 =	slt.u32 s29, $0x3E;
	v38 =	vld.idx.msk [tilespmem:v38+s14+$0x0], $0xffff;
	v18 =	vmovc v25;
	v40 =	vmovc v21;
	v21 =	vmov v17;
	v17 =	vmov v26;
	v44 =	vmov v19  }
0x114: {  	v19 =	vmov v23;
	v26 =	vand.u32 $0x3F, v47;
	v43 =	vld.idx.msk [tilespmem:v43+s14+$0x0], $0xffff;
	v47 =	vor.u32 v4, v21;
	[tilespmem:v39+s18+$0x0] =	vst.idx.msk $0xffff, v36  }
0x115: {  	v23 =	vmov v27;
	v36 =	vor.u32 v12, v48;
	v25 =	vshll.u32 v26, $0x1;
	v29 =	vld.idx.msk [tilespmem:v29+s14+$0x0], $0xffff;
	[tilespmem:v41+s18+$0x0] =	vst.idx.msk $0xffff, v37  }
0x116: {  	v37 =	vor.u32 v16, v22;
	v27 =	vor.u32 v7, v25;
	[tilespmem:v45+s18+$0x0] =	vst.idx.msk $0xffff, v42;
	v33 =	vld.idx.msk [tilespmem:v33+s14+$0x0], $0xffff  }
0x117: {  	v39 =	vshll.u32 v31, $0x7;
	v31 =	vor.u32 v16, v40;
	v22 =	vmovc v20;
	v42 =	vor.u32 v13, v44;
	v41 =	vld.idx.msk [tilespmem:v46+s14+$0x0], $0xffff  }
0x118: {  	v40 =	vor.u32 v10, v19;
	v45 =	vor.u32 v2, v17;
	v30 =	vld.idx.msk [tilespmem:v30+s14+$0x0], $0xffff;
	[tilespmem:v32+s18+$0x0] =	vst.idx.msk $0xffff, v34  }
0x119: {  	v32 =	vor.u32 v0, v39;
	v34 =	vor.u32 v10, v18;
	v28 =	vld.idx.msk [tilespmem:v28+s14+$0x0], $0xffff;
	[tilespmem:v47+s18+$0x0] =	vst.idx.msk $0xffff, v38  }
0x11a: {  	v38 =	vor.u32 v8, v23;
	[tilespmem:v35+s18+$0x0] =	vst.idx.msk $0xffff, v43;
	v35 =	vor.u32 v5, v22;
	v43 =	vld.idx.msk [tilespmem:v36+s14+$0x0], $0xffff  }
0x11b: {  	v26 =	vshll.u32 v26, $0x7;
	v20 =	vmov v24;
	v46 =	vor.u32 v5, v21;
	v27 =	vld.idx.msk [tilespmem:v27+s14+$0x0], $0xffff;
	[tilespmem:v37+s18+$0x0] =	vst.idx.msk $0xffff, v29  }
0x11c: {  	v47 =	vor.u32 v13, v48;
	v29 =	vadd.s32 s29, v6;
	v37 =	vor.u32 v0, v26;
	[tilespmem:v31+s18+$0x0] =	vst.idx.msk $0xffff, v33  }
0x11d: {  	v24 =	vmov v39;
	v31 =	vand.u32 $0x3F, v29;
	v33 =	vor.u32 v8, v25;
	v49 =	vld.idx.msk [tilespmem:v40+s14+$0x0], $0xffff;
	[tilespmem:v45+s18+$0x0] =	vst.idx.msk $0xffff, v41  }
0x11e: {  	v29 =	vor.u32 v15, v44;
	[tilespmem:v32+s18+$0x0] =	vst.idx.msk $0xffff, v30;
	v30 =	vor.u32 v3, v20;
	v50 =	vld.idx.msk [tilespmem:v34+s14+$0x0], $0xffff  }
0x11f: {  	v51 =	vor.u32 v3, v17;
	v34 =	vor.u32 v11, v19;
	v40 =	vld.idx.msk [tilespmem:v38+s14+$0x0], $0xffff;
	[tilespmem:v35+s18+$0x0] =	vst.idx.msk $0xffff, v28  }
.Ltmp7:
0x120: {  	v44 =	vor.u32 v1, v24;
	v38 =	vor.u32 v11, v18;
	v36 =	vld.idx.msk [tilespmem:v42+s14+$0x0], $0xffff;
	[tilespmem:v46+s18+$0x0] =	vst.idx.msk $0xffff, v43;
	(pc) =	sbr.rel @p1 .LBB2_8-.Ltmp7, $4  }
0x121: {  	v39 =	vor.u32 v14, v22;
	v43 =	vor.u32 v9, v23;
	[tilespmem:v37+s18+$0x0] =	vst.idx.msk $0xffff, v27;
	v37 =	vld.idx.msk [tilespmem:v47+s14+$0x0], $0xffff  }
0x122: {  	v41 =	vor.u32 v14, v21;
	v32 =	vor.u32 v4, v20;
	v28 =	vor.u32 v12, v19;
	v42 =	vld.idx.msk [tilespmem:v33+s14+$0x0], $0xffff  }
0x123: {  	v45 =	vor.u32 v1, v26;
	v27 =	vshll.u32 v31, $0x1;
	v33 =	vor.u32 v15, v48;
	[tilespmem:v30+s18+$0x0] =	vst.idx.msk $0xffff, v49  }
0x124: {  	s30 =	sadd.s32 $0x1, s29;
	s29 =	sadd.s32 $0x2, s29;
	v35 =	vor.u32 v2, v24;
	v46 =	vor.u32 v9, v25;
	v34 =	vld.idx.msk [tilespmem:v34+s14+$0x0], $0xffff;
	[tilespmem:v51+s18+$0x0] =	vst.idx.msk $0xffff, v50  }
0x125: {  	v30 =	vadd.s32 s30, v6  }
0x126: {  	v47 =	vand.u32 $0x3F, v30  }
0x127: {  	v48 =	vor.u32 v7, v27;
	v49 =	vshll.u32 v47, $0x1  }
0x128: {  	v50 =	vor.u32 v7, v49;
	_ =	sdelay $0x2  }
0x129: {  	v30 =	vshll.u32 v31, $0x7  }
0x12a: {  	v51 =	vor.u32 v0, v30;
	v31 =	vshll.u32 v47, $0x7;
	v48 =	vld.idx.msk [tilespmem:v48+s14+$0x0], $0xffff  }
0x12b: {  	v63 =	vor.u32 v8, v27;
	v52 =	vor.u32 v0, v31;
	v50 =	vld.idx.msk [tilespmem:v50+s14+$0x0], $0xffff  }
0x12c: {  	v53 =	vor.u32 v8, v49;
	_ =	sdelay $0x2  }
0x12d: {  	[tilespmem:v51+s18+$0x0] =	vst.idx.msk $0xffff, v48  }
0x12e: {  	v56 =	vor.u32 v1, v30;
	v47 =	vld.idx.msk [tilespmem:v63+s14+$0x0], $0xffff;
	[tilespmem:v52+s18+$0x0] =	vst.idx.msk $0xffff, v50  }
0x12f: {  	v57 =	vor.u32 v9, v27;
	v59 =	vor.u32 v1, v31;
	v58 =	vld.idx.msk [tilespmem:v53+s14+$0x0], $0xffff  }
0x130: {  	[tilespmem:v45+s18+$0x0] =	vst.idx.msk $0xffff, v42;
	v60 =	vor.u32 v9, v49  }
0x131: {  	[tilespmem:v44+s18+$0x0] =	vst.idx.msk $0xffff, v40;
	v62 =	vor.u32 v2, v26;
	v42 =	vld.idx.msk [tilespmem:v46+s14+$0x0], $0xffff  }
0x132: {  	v40 =	vld.idx.msk [tilespmem:v43+s14+$0x0], $0xffff;
	v63 =	vor.u32 v10, v25  }
0x133: {  	v61 =	vor.u32 v10, v23;
	[tilespmem:v56+s18+$0x0] =	vst.idx.msk $0xffff, v47  }
0x134: {  	v52 =	vor.u32 v2, v30;
	v47 =	vld.idx.msk [tilespmem:v57+s14+$0x0], $0xffff;
	[tilespmem:v59+s18+$0x0] =	vst.idx.msk $0xffff, v58  }
0x135: {  	[tilespmem:v39+s18+$0x0] =	vst.idx.msk $0xffff, v36;
	v55 =	vor.u32 v10, v27;
	v56 =	vor.u32 v2, v31;
	v54 =	vld.idx.msk [tilespmem:v60+s14+$0x0], $0xffff  }
0x136: {  	[tilespmem:v62+s18+$0x0] =	vst.idx.msk $0xffff, v42;
	v57 =	vor.u32 v10, v49  }
0x137: {  	[tilespmem:v35+s18+$0x0] =	vst.idx.msk $0xffff, v40;
	v62 =	vor.u32 v3, v26;
	v42 =	vld.idx.msk [tilespmem:v63+s14+$0x0], $0xffff  }
0x138: {  	[tilespmem:v41+s18+$0x0] =	vst.idx.msk $0xffff, v37;
	v40 =	vld.idx.msk [tilespmem:v61+s14+$0x0], $0xffff;
	v60 =	vor.u32 v3, v24  }
0x139: {  	v61 =	vor.u32 v11, v23;
	v58 =	vld.idx.msk [tilespmem:v38+s14+$0x0], $0xffff;
	v59 =	vor.u32 v4, v17;
	[tilespmem:v52+s18+$0x0] =	vst.idx.msk $0xffff, v47  }
0x13a: {  	v50 =	vor.u32 v3, v30;
	v63 =	vor.u32 v11, v25;
	v39 =	vld.idx.msk [tilespmem:v55+s14+$0x0], $0xffff;
	[tilespmem:v56+s18+$0x0] =	vst.idx.msk $0xffff, v54  }
0x13b: {  	[tilespmem:v32+s18+$0x0] =	vst.idx.msk $0xffff, v34;
	v53 =	vor.u32 v3, v31;
	v52 =	vor.u32 v11, v27;
	v51 =	vld.idx.msk [tilespmem:v57+s14+$0x0], $0xffff  }
0x13c: {  	v22 =	vor.u32 v16, v22;
	v29 =	vld.idx.msk [tilespmem:v29+s14+$0x0], $0xffff;
	[tilespmem:v62+s18+$0x0] =	vst.idx.msk $0xffff, v42;
	v54 =	vor.u32 v11, v49  }
0x13d: {  	v21 =	vor.u32 v16, v21;
	v33 =	vld.idx.msk [tilespmem:v33+s14+$0x0], $0xffff;
	[tilespmem:v60+s18+$0x0] =	vst.idx.msk $0xffff, v40  }
0x13e: {  	v55 =	vor.u32 v12, v18;
	[tilespmem:v59+s18+$0x0] =	vst.idx.msk $0xffff, v58;
	v56 =	vor.u32 v4, v24;
	v41 =	vld.idx.msk [tilespmem:v61+s14+$0x0], $0xffff  }
0x13f: {  	v58 =	vld.idx.msk [tilespmem:v63+s14+$0x0], $0xffff;
	v59 =	vor.u32 v4, v26;
	v57 =	vor.u32 v12, v23;
	[tilespmem:v50+s18+$0x0] =	vst.idx.msk $0xffff, v39  }
0x140: {  	v60 =	vor.u32 v12, v25;
	v61 =	vor.u32 v4, v30;
	v34 =	vld.idx.msk [tilespmem:v52+s14+$0x0], $0xffff;
	[tilespmem:v53+s18+$0x0] =	vst.idx.msk $0xffff, v51  }
0x141: {  	[tilespmem:v22+s18+$0x0] =	vst.idx.msk $0xffff, v29;
	v48 =	vor.u32 v4, v31;
	v62 =	vor.u32 v12, v27;
	v63 =	vld.idx.msk [tilespmem:v54+s14+$0x0], $0xffff  }
0x142: {  	v28 =	vld.idx.msk [tilespmem:v28+s14+$0x0], $0xffff;
	[tilespmem:v21+s18+$0x0] =	vst.idx.msk $0xffff, v33;
	v50 =	vor.u32 v5, v20;
	v51 =	vor.u32 v12, v49  }
0x143: {  	v52 =	vor.u32 v13, v19;
	v53 =	vld.idx.msk [tilespmem:v55+s14+$0x0], $0xffff;
	[tilespmem:v56+s18+$0x0] =	vst.idx.msk $0xffff, v41;
	v54 =	vor.u32 v5, v17  }
0x144: {  	[tilespmem:v59+s18+$0x0] =	vst.idx.msk $0xffff, v58;
	v55 =	vor.u32 v13, v18;
	v56 =	vor.u32 v5, v24;
	v41 =	vld.idx.msk [tilespmem:v57+s14+$0x0], $0xffff  }
0x145: {  	v58 =	vor.u32 v5, v26;
	v36 =	vld.idx.msk [tilespmem:v60+s14+$0x0], $0xffff;
	v57 =	vor.u32 v13, v23;
	[tilespmem:v61+s18+$0x0] =	vst.idx.msk $0xffff, v34  }
0x146: {  	v59 =	vor.u32 v13, v25;
	v60 =	vor.u32 v5, v30;
	v22 =	vld.idx.msk [tilespmem:v62+s14+$0x0], $0xffff;
	[tilespmem:v48+s18+$0x0] =	vst.idx.msk $0xffff, v63  }
0x147: {  	[tilespmem:v50+s18+$0x0] =	vst.idx.msk $0xffff, v28;
	v61 =	vor.u32 v13, v27;
	v62 =	vor.u32 v5, v31;
	v21 =	vld.idx.msk [tilespmem:v51+s14+$0x0], $0xffff  }
0x148: {  	v45 =	vor.u32 v13, v49;
	v33 =	vld.idx.msk [tilespmem:v52+s14+$0x0], $0xffff;
	[tilespmem:v54+s18+$0x0] =	vst.idx.msk $0xffff, v53;
	v63 =	vor.u32 v14, v20  }
0x149: {  	v46 =	vor.u32 v14, v17;
	v19 =	vor.u32 v15, v19;
	[tilespmem:v56+s18+$0x0] =	vst.idx.msk $0xffff, v41;
	v38 =	vld.idx.msk [tilespmem:v55+s14+$0x0], $0xffff  }
0x14a: {  	v18 =	vor.u32 v15, v18;
	[tilespmem:v58+s18+$0x0] =	vst.idx.msk $0xffff, v36;
	v48 =	vor.u32 v14, v24;
	v47 =	vld.idx.msk [tilespmem:v57+s14+$0x0], $0xffff  }
0x14b: {  	v50 =	vor.u32 v15, v23;
	v34 =	vld.idx.msk [tilespmem:v59+s14+$0x0], $0xffff;
	v51 =	vor.u32 v14, v26;
	[tilespmem:v60+s18+$0x0] =	vst.idx.msk $0xffff, v22  }
0x14c: {  	v52 =	vor.u32 v15, v25;
	v54 =	vor.u32 v14, v30;
	v53 =	vld.idx.msk [tilespmem:v61+s14+$0x0], $0xffff;
	[tilespmem:v62+s18+$0x0] =	vst.idx.msk $0xffff, v21  }
0x14d: {  	v55 =	vor.u32 v15, v27;
	v57 =	vor.u32 v14, v31;
	[tilespmem:v63+s18+$0x0] =	vst.idx.msk $0xffff, v33;
	v56 =	vld.idx.msk [tilespmem:v45+s14+$0x0], $0xffff  }
0x14e: {  	v58 =	vor.u32 v16, v20;
	v59 =	vor.u32 v15, v49;
	v19 =	vld.idx.msk [tilespmem:v19+s14+$0x0], $0xffff;
	[tilespmem:v46+s18+$0x0] =	vst.idx.msk $0xffff, v38  }
0x14f: {  	v17 =	vor.u32 v16, v17;
	[tilespmem:v48+s18+$0x0] =	vst.idx.msk $0xffff, v47;
	v18 =	vld.idx.msk [tilespmem:v18+s14+$0x0], $0xffff  }
0x150: {  	v60 =	vor.u32 v16, v24;
	[tilespmem:v51+s18+$0x0] =	vst.idx.msk $0xffff, v34;
	v23 =	vld.idx.msk [tilespmem:v50+s14+$0x0], $0xffff  }
0x151: {  	v61 =	vor.u32 v16, v26;
	v22 =	vld.idx.msk [tilespmem:v52+s14+$0x0], $0xffff;
	[tilespmem:v54+s18+$0x0] =	vst.idx.msk $0xffff, v53  }
0x152: {  	v62 =	vor.u32 v16, v30;
	v21 =	vld.idx.msk [tilespmem:v55+s14+$0x0], $0xffff;
	[tilespmem:v57+s18+$0x0] =	vst.idx.msk $0xffff, v56  }
0x153: {  	v63 =	vor.u32 v16, v31;
	[tilespmem:v58+s18+$0x0] =	vst.idx.msk $0xffff, v19;
	v19 =	vld.idx.msk [tilespmem:v59+s14+$0x0], $0xffff  }
0x154: {  	s26 =	sadd.s32 $0x3, s26;
	[tilespmem:v17+s18+$0x0] =	vst.idx.msk $0xffff, v18  }
0x155: {  	s28 =	sadd.s32 s4, s28;
	p1 =	sge.u32 s26, s6;
	[tilespmem:v60+s18+$0x0] =	vst.idx.msk $0xffff, v23  }
0x156: {  	s28 =	sshll.u32 s28, $0xA;
	s26 =	sadd.s32 @!p1 s4, s26;
	[tilespmem:v61+s18+$0x0] =	vst.idx.msk $0xffff, v22  }
.Ltmp8:
0x157: {  	s28 =	sand.u32 $0x1FFFFC00, s28;
	s26 =	sshll.u32 @!p1 s26, $0x7;
	[tilespmem:v62+s18+$0x0] =	vst.idx.msk $0xffff, v21;
	(pc) =	sbr.rel .LBB2_10-.Ltmp8, $4  }
0x158: {  	s29 =	simm.s32 @!p1 $0xC3800;
	s28 =	sadd.s32 s5, s28;
	s26 =	sand.u32 @!p1 $0x1FFFFF80, s26;
	[tilespmem:v63+s18+$0x0] =	vst.idx.msk $0xffff, v19  }
0x159: {  	[hbm4b:s28+s3] =	stream.linear.scatter [tilespmem:s18], [sflag:$0x4], $0x2000, $0x38;
	[tilespmem:$0xA800] =	vst v63  }
0x15a: {  	s30 =	simm.s32 @!p1 $0x2000;
	s26 =	sadd.s32 @!p1 s1, s26;
	s28 =	simm.s32 @!p1 $0x400  }
0x15b: {  	[tilespmem:s30], [sflag:$0x2] =	stream.strided.gather @!p1 [hbm4b:s26+s28], $0x2000, s29, s28, $0x38;
	[tilespmem:$0xA800] =	vst v63  }
.LBB2_11:
0x15c: {  	_ =	swait.ge [sflag:s19], $0x2000  }
.Ltmp9:
0x15d: {  	[sflag:s19] =	ssyncset.done $0x0;
	(pc) =	sbr.rel @p0 .LBB2_15-.Ltmp9, $4  }
0x15e: {  	[sflag:s19] =	ssyncadd.s32 $0xFFFFE000  }
0x15f: {  	_ =	swait.ge [sflag:s20], $0x2000  }
0x160: {  	[sflag:s20] =	ssyncset.done $0x0  }
0x161: {  	[sflag:s20] =	ssyncadd.s32 $0xFFFFE000  }
0x162: {  	s25 =	simm.s32 $0x0  }
0x163: {  	s31 =	simm.s32 $0x1;
	v17 =	vadd.s32 s25, v6  }
0x164: {  	v18 =	vadd.s32 s31, v6;
	v17 =	vand.u32 $0xF, v17  }
0x165: {  	v18 =	vand.u32 $0xF, v18;
	v27 =	vshll.u32 v17, $0x1  }
0x166: {  	v30 =	vshll.u32 v18, $0x1;
	v19 =	vor.u32 v7, v27  }
0x167: {  	[tilespmem:s21], [sflag:$0x5] =	stream.strided.gather [hbm4b:s9+s12], $0x2000, s13, s12, $0x38;
	v20 =	vor.u32 v7, v30;
	[tilespmem:$0xA800] =	vst v63  }
0x168: {  	_ =	swait.ge [sflag:s22], $0x2000  }
0x169: {  	[sflag:s22] =	ssyncset.done $0x0  }
0x16a: {  	[sflag:s22] =	ssyncadd.s32 $0xFFFFE000;
	v22 =	vshll.u32 v17, $0x7  }
0x16b: {  	v21 =	vshll.u32 v18, $0x7;
	v17 =	vld.idx.msk [tilespmem:v19+s21+$0x0], $0xffff;
	v19 =	vor.u32 v0, v22  }
0x16c: {  	v18 =	vor.u32 v8, v27;
	v23 =	vor.u32 v0, v21;
	v20 =	vld.idx.msk [tilespmem:v20+s21+$0x0], $0xffff  }
0x16d: {  	v24 =	vor.u32 v8, v30;
	_ =	sdelay $0x2  }
0x16e: {  	s26 =	simm.s32 $0x2;
	[tilespmem:v19+s23+$0x0] =	vst.idx.msk $0xffff, v17  }
0x16f: {  	v26 =	vor.u32 v1, v22;
	v17 =	vadd.s32 s26, v6;
	[tilespmem:v23+s23+$0x0] =	vst.idx.msk $0xffff, v20;
	v25 =	vld.idx.msk [tilespmem:v18+s21+$0x0], $0xffff  }
0x170: {  	s28 =	simm.s32 $0x3;
	v20 =	vor.u32 v9, v27;
	v17 =	vand.u32 $0xF, v17;
	v23 =	vld.idx.msk [tilespmem:v24+s21+$0x0], $0xffff;
	v24 =	vor.u32 v1, v21  }
0x171: {  	v28 =	vor.u32 v9, v30;
	v18 =	vadd.s32 s28, v6;
	v19 =	vshll.u32 v17, $0x1  }
0x172: {  	v31 =	vand.u32 $0xF, v18;
	v29 =	vor.u32 v7, v19  }
0x173: {  	v18 =	vshll.u32 v31, $0x1  }
0x174: {  	[tilespmem:v26+s23+$0x0] =	vst.idx.msk $0xffff, v25;
	v25 =	vor.u32 v7, v18  }
0x175: {  	v26 =	vor.u32 v2, v22;
	[tilespmem:v24+s23+$0x0] =	vst.idx.msk $0xffff, v23;
	v32 =	vld.idx.msk [tilespmem:v20+s21+$0x0], $0xffff  }
0x176: {  	v24 =	vor.u32 v10, v27;
	v20 =	vshll.u32 v17, $0x7;
	v23 =	vld.idx.msk [tilespmem:v28+s21+$0x0], $0xffff;
	v28 =	vor.u32 v2, v21  }
0x177: {  	v34 =	vor.u32 v10, v30;
	v29 =	vld.idx.msk [tilespmem:v29+s21+$0x0], $0xffff;
	v33 =	vor.u32 v0, v20  }
0x178: {  	v17 =	vshll.u32 v31, $0x7  }
0x179: {  	v35 =	vor.u32 v8, v19;
	v31 =	vor.u32 v0, v17;
	v25 =	vld.idx.msk [tilespmem:v25+s21+$0x0], $0xffff  }
0x17a: {  	v49 =	vor.u32 v11, v27;
	[tilespmem:v26+s23+$0x0] =	vst.idx.msk $0xffff, v32;
	v26 =	vor.u32 v8, v18  }
0x17b: {  	v50 =	vor.u32 v3, v21;
	[tilespmem:v28+s23+$0x0] =	vst.idx.msk $0xffff, v23;
	v28 =	vor.u32 v3, v22;
	v24 =	vld.idx.msk [tilespmem:v24+s21+$0x0], $0xffff  }
0x17c: {  	v36 =	vor.u32 v11, v30;
	v38 =	vor.u32 v4, v22;
	[tilespmem:v33+s23+$0x0] =	vst.idx.msk $0xffff, v29;
	v29 =	vld.idx.msk [tilespmem:v34+s21+$0x0], $0xffff  }
0x17d: {  	s29 =	simm.s32 $0x4;
	v40 =	vor.u32 v12, v27;
	v54 =	vor.u32 v4, v21;
	v41 =	vor.u32 v12, v30  }
0x17e: {  	v52 =	vor.u32 v1, v20;
	v23 =	vadd.s32 s29, v6;
	v51 =	vld.idx.msk [tilespmem:v35+s21+$0x0], $0xffff;
	[tilespmem:v31+s23+$0x0] =	vst.idx.msk $0xffff, v25  }
0x17f: {  	v37 =	vor.u32 v9, v19;
	v39 =	vor.u32 v1, v17;
	v31 =	vand.u32 $0xF, v23;
	v26 =	vld.idx.msk [tilespmem:v26+s21+$0x0], $0xffff  }
0x180: {  	s30 =	simm.s32 $0x5;
	v59 =	vor.u32 v5, v22;
	v23 =	vshll.u32 v31, $0x1;
	[tilespmem:v28+s23+$0x0] =	vst.idx.msk $0xffff, v24;
	v28 =	vor.u32 v9, v18  }
0x181: {  	[tilespmem:v50+s23+$0x0] =	vst.idx.msk $0xffff, v29;
	v29 =	vor.u32 v7, v23;
	v24 =	vadd.s32 s30, v6;
	v32 =	vld.idx.msk [tilespmem:v49+s21+$0x0], $0xffff  }
0x182: {  	v61 =	vor.u32 v5, v21;
	v46 =	vor.u32 v13, v30;
	v33 =	vld.idx.msk [tilespmem:v36+s21+$0x0], $0xffff;
	v53 =	vand.u32 $0xF, v24  }
0x183: {  	v43 =	vor.u32 v10, v19;
	v57 =	vor.u32 v10, v18;
	[tilespmem:v52+s23+$0x0] =	vst.idx.msk $0xffff, v51;
	v25 =	vshll.u32 v53, $0x1  }
0x184: {  	v55 =	vor.u32 v2, v20;
	v37 =	vld.idx.msk [tilespmem:v37+s21+$0x0], $0xffff;
	v42 =	vor.u32 v7, v25;
	[tilespmem:v39+s23+$0x0] =	vst.idx.msk $0xffff, v26  }
0x185: {  	s31 =	simm.s32 $0x6;
	v44 =	vor.u32 v2, v17;
	v58 =	vor.u32 v8, v23;
	v24 =	vshll.u32 v31, $0x7;
	v28 =	vld.idx.msk [tilespmem:v28+s21+$0x0], $0xffff  }
0x186: {  	v31 =	vadd.s32 s31, v6;
	v56 =	vor.u32 v0, v24;
	v29 =	vld.idx.msk [tilespmem:v29+s21+$0x0], $0xffff;
	[tilespmem:v38+s23+$0x0] =	vst.idx.msk $0xffff, v32  }
0x187: {  	v49 =	vor.u32 v3, v20;
	v51 =	vor.u32 v11, v19;
	[tilespmem:v54+s23+$0x0] =	vst.idx.msk $0xffff, v33;
	v45 =	vld.idx.msk [tilespmem:v40+s21+$0x0], $0xffff  }
0x188: {  	v52 =	vor.u32 v3, v17;
	v39 =	vor.u32 v13, v27;
	v26 =	vshll.u32 v53, $0x7;
	v60 =	vld.idx.msk [tilespmem:v41+s21+$0x0], $0xffff  }
0x189: {  	v31 =	vand.u32 $0xF, v31;
	v63 =	vor.u32 v0, v26;
	[tilespmem:v55+s23+$0x0] =	vst.idx.msk $0xffff, v37;
	v62 =	vld.idx.msk [tilespmem:v42+s21+$0x0], $0xffff  }
0x18a: {  	v35 =	vor.u32 v2, v24;
	v47 =	vor.u32 v8, v25;
	v48 =	vld.idx.msk [tilespmem:v43+s21+$0x0], $0xffff;
	[tilespmem:v44+s23+$0x0] =	vst.idx.msk $0xffff, v28  }
0x18b: {  	v38 =	vor.u32 v11, v18;
	v32 =	vor.u32 v4, v20;
	[tilespmem:v56+s23+$0x0] =	vst.idx.msk $0xffff, v29;
	v50 =	vld.idx.msk [tilespmem:v57+s21+$0x0], $0xffff  }
0x18c: {  	v33 =	vor.u32 v15, v30;
	v44 =	vor.u32 v1, v24;
	v40 =	vld.idx.msk [tilespmem:v58+s21+$0x0], $0xffff;
	[tilespmem:v59+s23+$0x0] =	vst.idx.msk $0xffff, v45  }
0x18d: {  	v41 =	vor.u32 v14, v21;
	v43 =	vor.u32 v9, v23;
	[tilespmem:v61+s23+$0x0] =	vst.idx.msk $0xffff, v60;
	v36 =	vld.idx.msk [tilespmem:v39+s21+$0x0], $0xffff  }
0x18e: {  	v29 =	vor.u32 v15, v27;
	[tilespmem:v63+s23+$0x0] =	vst.idx.msk $0xffff, v62;
	v39 =	vor.u32 v14, v22;
	v37 =	vld.idx.msk [tilespmem:v46+s21+$0x0], $0xffff  }
0x18f: {  	v28 =	vor.u32 v12, v19;
	v27 =	vshll.u32 v31, $0x1;
	[tilespmem:v49+s23+$0x0] =	vst.idx.msk $0xffff, v48;
	v42 =	vld.idx.msk [tilespmem:v47+s21+$0x0], $0xffff  }
0x190: {  	s25 =	simm.s32 $0x8;
	s26 =	simm.s32 $0x7;
	v45 =	vor.u32 v1, v26;
	v46 =	vor.u32 v9, v25;
	v34 =	vld.idx.msk [tilespmem:v51+s21+$0x0], $0xffff;
	[tilespmem:v52+s23+$0x0] =	vst.idx.msk $0xffff, v50  }
.LBB2_13:
0x191: {  	v30 =	vor.u32 v7, v27;
	v47 =	vadd.s32 s26, v6;
	[tilespmem:v44+s23+$0x0] =	vst.idx.msk $0xffff, v40;
	v48 =	vmov v18  }
0x192: {  	p1 =	slt.u32 s25, $0xE;
	v38 =	vld.idx.msk [tilespmem:v38+s21+$0x0], $0xffff;
	v18 =	vmovc v25;
	v40 =	vmovc v21;
	v21 =	vmov v17;
	v17 =	vmov v26;
	v44 =	vmov v19  }
0x193: {  	v19 =	vmov v23;
	v26 =	vand.u32 $0xF, v47;
	v43 =	vld.idx.msk [tilespmem:v43+s21+$0x0], $0xffff;
	v47 =	vor.u32 v4, v21;
	[tilespmem:v39+s23+$0x0] =	vst.idx.msk $0xffff, v36  }
0x194: {  	v23 =	vmov v27;
	v36 =	vor.u32 v12, v48;
	v25 =	vshll.u32 v26, $0x1;
	v29 =	vld.idx.msk [tilespmem:v29+s21+$0x0], $0xffff;
	[tilespmem:v41+s23+$0x0] =	vst.idx.msk $0xffff, v37  }
0x195: {  	v37 =	vor.u32 v16, v22;
	v27 =	vor.u32 v7, v25;
	[tilespmem:v45+s23+$0x0] =	vst.idx.msk $0xffff, v42;
	v33 =	vld.idx.msk [tilespmem:v33+s21+$0x0], $0xffff  }
0x196: {  	v39 =	vshll.u32 v31, $0x7;
	v31 =	vor.u32 v16, v40;
	v22 =	vmovc v20;
	v42 =	vor.u32 v13, v44;
	v41 =	vld.idx.msk [tilespmem:v46+s21+$0x0], $0xffff  }
0x197: {  	v40 =	vor.u32 v10, v19;
	v45 =	vor.u32 v2, v17;
	v30 =	vld.idx.msk [tilespmem:v30+s21+$0x0], $0xffff;
	[tilespmem:v32+s23+$0x0] =	vst.idx.msk $0xffff, v34  }
0x198: {  	v32 =	vor.u32 v0, v39;
	v34 =	vor.u32 v10, v18;
	v28 =	vld.idx.msk [tilespmem:v28+s21+$0x0], $0xffff;
	[tilespmem:v47+s23+$0x0] =	vst.idx.msk $0xffff, v38  }
0x199: {  	v38 =	vor.u32 v8, v23;
	[tilespmem:v35+s23+$0x0] =	vst.idx.msk $0xffff, v43;
	v35 =	vor.u32 v5, v22;
	v43 =	vld.idx.msk [tilespmem:v36+s21+$0x0], $0xffff  }
0x19a: {  	v26 =	vshll.u32 v26, $0x7;
	v20 =	vmov v24;
	v46 =	vor.u32 v5, v21;
	v27 =	vld.idx.msk [tilespmem:v27+s21+$0x0], $0xffff;
	[tilespmem:v37+s23+$0x0] =	vst.idx.msk $0xffff, v29  }
0x19b: {  	v47 =	vor.u32 v13, v48;
	v29 =	vadd.s32 s25, v6;
	v37 =	vor.u32 v0, v26;
	[tilespmem:v31+s23+$0x0] =	vst.idx.msk $0xffff, v33  }
0x19c: {  	v24 =	vmov v39;
	v31 =	vand.u32 $0xF, v29;
	v33 =	vor.u32 v8, v25;
	v49 =	vld.idx.msk [tilespmem:v40+s21+$0x0], $0xffff;
	[tilespmem:v45+s23+$0x0] =	vst.idx.msk $0xffff, v41  }
0x19d: {  	v29 =	vor.u32 v15, v44;
	[tilespmem:v32+s23+$0x0] =	vst.idx.msk $0xffff, v30;
	v30 =	vor.u32 v3, v20;
	v50 =	vld.idx.msk [tilespmem:v34+s21+$0x0], $0xffff  }
0x19e: {  	v51 =	vor.u32 v3, v17;
	v34 =	vor.u32 v11, v19;
	v40 =	vld.idx.msk [tilespmem:v38+s21+$0x0], $0xffff;
	[tilespmem:v35+s23+$0x0] =	vst.idx.msk $0xffff, v28  }
.Ltmp10:
0x19f: {  	v44 =	vor.u32 v1, v24;
	v38 =	vor.u32 v11, v18;
	v36 =	vld.idx.msk [tilespmem:v42+s21+$0x0], $0xffff;
	[tilespmem:v46+s23+$0x0] =	vst.idx.msk $0xffff, v43;
	(pc) =	sbr.rel @p1 .LBB2_13-.Ltmp10, $4  }
0x1a0: {  	v39 =	vor.u32 v14, v22;
	v43 =	vor.u32 v9, v23;
	[tilespmem:v37+s23+$0x0] =	vst.idx.msk $0xffff, v27;
	v37 =	vld.idx.msk [tilespmem:v47+s21+$0x0], $0xffff  }
0x1a1: {  	v41 =	vor.u32 v14, v21;
	v32 =	vor.u32 v4, v20;
	v28 =	vor.u32 v12, v19;
	v42 =	vld.idx.msk [tilespmem:v33+s21+$0x0], $0xffff  }
0x1a2: {  	v45 =	vor.u32 v1, v26;
	v27 =	vshll.u32 v31, $0x1;
	v33 =	vor.u32 v15, v48;
	[tilespmem:v30+s23+$0x0] =	vst.idx.msk $0xffff, v49  }
0x1a3: {  	s26 =	sadd.s32 $0x1, s25;
	s25 =	sadd.s32 $0x2, s25;
	v35 =	vor.u32 v2, v24;
	v46 =	vor.u32 v9, v25;
	v34 =	vld.idx.msk [tilespmem:v34+s21+$0x0], $0xffff;
	[tilespmem:v51+s23+$0x0] =	vst.idx.msk $0xffff, v50  }
0x1a4: {  	v30 =	vadd.s32 s26, v6  }
0x1a5: {  	v47 =	vand.u32 $0xF, v30  }
0x1a6: {  	v48 =	vor.u32 v7, v27;
	v49 =	vshll.u32 v47, $0x1  }
0x1a7: {  	v50 =	vor.u32 v7, v49;
	_ =	sdelay $0x2  }
0x1a8: {  	v30 =	vshll.u32 v31, $0x7  }
0x1a9: {  	v51 =	vor.u32 v0, v30;
	v31 =	vshll.u32 v47, $0x7;
	v48 =	vld.idx.msk [tilespmem:v48+s21+$0x0], $0xffff  }
0x1aa: {  	v63 =	vor.u32 v8, v27;
	v52 =	vor.u32 v0, v31;
	v50 =	vld.idx.msk [tilespmem:v50+s21+$0x0], $0xffff  }
0x1ab: {  	v53 =	vor.u32 v8, v49;
	_ =	sdelay $0x2  }
0x1ac: {  	[tilespmem:v51+s23+$0x0] =	vst.idx.msk $0xffff, v48  }
0x1ad: {  	v56 =	vor.u32 v1, v30;
	v47 =	vld.idx.msk [tilespmem:v63+s21+$0x0], $0xffff;
	[tilespmem:v52+s23+$0x0] =	vst.idx.msk $0xffff, v50  }
0x1ae: {  	v57 =	vor.u32 v9, v27;
	v59 =	vor.u32 v1, v31;
	v58 =	vld.idx.msk [tilespmem:v53+s21+$0x0], $0xffff  }
0x1af: {  	[tilespmem:v45+s23+$0x0] =	vst.idx.msk $0xffff, v42;
	v60 =	vor.u32 v9, v49  }
0x1b0: {  	[tilespmem:v44+s23+$0x0] =	vst.idx.msk $0xffff, v40;
	v62 =	vor.u32 v2, v26;
	v42 =	vld.idx.msk [tilespmem:v46+s21+$0x0], $0xffff  }
0x1b1: {  	v40 =	vld.idx.msk [tilespmem:v43+s21+$0x0], $0xffff;
	v63 =	vor.u32 v10, v25  }
0x1b2: {  	v61 =	vor.u32 v10, v23;
	[tilespmem:v56+s23+$0x0] =	vst.idx.msk $0xffff, v47  }
0x1b3: {  	v52 =	vor.u32 v2, v30;
	v47 =	vld.idx.msk [tilespmem:v57+s21+$0x0], $0xffff;
	[tilespmem:v59+s23+$0x0] =	vst.idx.msk $0xffff, v58  }
0x1b4: {  	[tilespmem:v39+s23+$0x0] =	vst.idx.msk $0xffff, v36;
	v55 =	vor.u32 v10, v27;
	v56 =	vor.u32 v2, v31;
	v54 =	vld.idx.msk [tilespmem:v60+s21+$0x0], $0xffff  }
0x1b5: {  	[tilespmem:v62+s23+$0x0] =	vst.idx.msk $0xffff, v42;
	v57 =	vor.u32 v10, v49  }
0x1b6: {  	[tilespmem:v35+s23+$0x0] =	vst.idx.msk $0xffff, v40;
	v62 =	vor.u32 v3, v26;
	v42 =	vld.idx.msk [tilespmem:v63+s21+$0x0], $0xffff  }
0x1b7: {  	[tilespmem:v41+s23+$0x0] =	vst.idx.msk $0xffff, v37;
	v40 =	vld.idx.msk [tilespmem:v61+s21+$0x0], $0xffff;
	v60 =	vor.u32 v3, v24  }
0x1b8: {  	v61 =	vor.u32 v11, v23;
	v58 =	vld.idx.msk [tilespmem:v38+s21+$0x0], $0xffff;
	v59 =	vor.u32 v4, v17;
	[tilespmem:v52+s23+$0x0] =	vst.idx.msk $0xffff, v47  }
0x1b9: {  	v50 =	vor.u32 v3, v30;
	v63 =	vor.u32 v11, v25;
	v39 =	vld.idx.msk [tilespmem:v55+s21+$0x0], $0xffff;
	[tilespmem:v56+s23+$0x0] =	vst.idx.msk $0xffff, v54  }
0x1ba: {  	[tilespmem:v32+s23+$0x0] =	vst.idx.msk $0xffff, v34;
	v53 =	vor.u32 v3, v31;
	v52 =	vor.u32 v11, v27;
	v51 =	vld.idx.msk [tilespmem:v57+s21+$0x0], $0xffff  }
0x1bb: {  	v22 =	vor.u32 v16, v22;
	v29 =	vld.idx.msk [tilespmem:v29+s21+$0x0], $0xffff;
	[tilespmem:v62+s23+$0x0] =	vst.idx.msk $0xffff, v42;
	v54 =	vor.u32 v11, v49  }
0x1bc: {  	v21 =	vor.u32 v16, v21;
	v33 =	vld.idx.msk [tilespmem:v33+s21+$0x0], $0xffff;
	[tilespmem:v60+s23+$0x0] =	vst.idx.msk $0xffff, v40  }
0x1bd: {  	v55 =	vor.u32 v12, v18;
	[tilespmem:v59+s23+$0x0] =	vst.idx.msk $0xffff, v58;
	v56 =	vor.u32 v4, v24;
	v41 =	vld.idx.msk [tilespmem:v61+s21+$0x0], $0xffff  }
0x1be: {  	v58 =	vld.idx.msk [tilespmem:v63+s21+$0x0], $0xffff;
	v59 =	vor.u32 v4, v26;
	v57 =	vor.u32 v12, v23;
	[tilespmem:v50+s23+$0x0] =	vst.idx.msk $0xffff, v39  }
0x1bf: {  	v60 =	vor.u32 v12, v25;
	v61 =	vor.u32 v4, v30;
	v34 =	vld.idx.msk [tilespmem:v52+s21+$0x0], $0xffff;
	[tilespmem:v53+s23+$0x0] =	vst.idx.msk $0xffff, v51  }
0x1c0: {  	[tilespmem:v22+s23+$0x0] =	vst.idx.msk $0xffff, v29;
	v48 =	vor.u32 v4, v31;
	v62 =	vor.u32 v12, v27;
	v63 =	vld.idx.msk [tilespmem:v54+s21+$0x0], $0xffff  }
0x1c1: {  	v28 =	vld.idx.msk [tilespmem:v28+s21+$0x0], $0xffff;
	[tilespmem:v21+s23+$0x0] =	vst.idx.msk $0xffff, v33;
	v50 =	vor.u32 v5, v20;
	v51 =	vor.u32 v12, v49  }
0x1c2: {  	v52 =	vor.u32 v13, v19;
	v53 =	vld.idx.msk [tilespmem:v55+s21+$0x0], $0xffff;
	[tilespmem:v56+s23+$0x0] =	vst.idx.msk $0xffff, v41;
	v54 =	vor.u32 v5, v17  }
0x1c3: {  	[tilespmem:v59+s23+$0x0] =	vst.idx.msk $0xffff, v58;
	v55 =	vor.u32 v13, v18;
	v56 =	vor.u32 v5, v24;
	v41 =	vld.idx.msk [tilespmem:v57+s21+$0x0], $0xffff  }
0x1c4: {  	v58 =	vor.u32 v5, v26;
	v36 =	vld.idx.msk [tilespmem:v60+s21+$0x0], $0xffff;
	v57 =	vor.u32 v13, v23;
	[tilespmem:v61+s23+$0x0] =	vst.idx.msk $0xffff, v34  }
0x1c5: {  	v59 =	vor.u32 v13, v25;
	v60 =	vor.u32 v5, v30;
	v22 =	vld.idx.msk [tilespmem:v62+s21+$0x0], $0xffff;
	[tilespmem:v48+s23+$0x0] =	vst.idx.msk $0xffff, v63  }
0x1c6: {  	[tilespmem:v50+s23+$0x0] =	vst.idx.msk $0xffff, v28;
	v61 =	vor.u32 v13, v27;
	v62 =	vor.u32 v5, v31;
	v21 =	vld.idx.msk [tilespmem:v51+s21+$0x0], $0xffff  }
0x1c7: {  	v45 =	vor.u32 v13, v49;
	v33 =	vld.idx.msk [tilespmem:v52+s21+$0x0], $0xffff;
	[tilespmem:v54+s23+$0x0] =	vst.idx.msk $0xffff, v53;
	v63 =	vor.u32 v14, v20  }
0x1c8: {  	v46 =	vor.u32 v14, v17;
	v19 =	vor.u32 v15, v19;
	[tilespmem:v56+s23+$0x0] =	vst.idx.msk $0xffff, v41;
	v38 =	vld.idx.msk [tilespmem:v55+s21+$0x0], $0xffff  }
0x1c9: {  	v18 =	vor.u32 v15, v18;
	[tilespmem:v58+s23+$0x0] =	vst.idx.msk $0xffff, v36;
	v48 =	vor.u32 v14, v24;
	v47 =	vld.idx.msk [tilespmem:v57+s21+$0x0], $0xffff  }
0x1ca: {  	v50 =	vor.u32 v15, v23;
	v34 =	vld.idx.msk [tilespmem:v59+s21+$0x0], $0xffff;
	v51 =	vor.u32 v14, v26;
	[tilespmem:v60+s23+$0x0] =	vst.idx.msk $0xffff, v22  }
0x1cb: {  	v52 =	vor.u32 v15, v25;
	v54 =	vor.u32 v14, v30;
	v53 =	vld.idx.msk [tilespmem:v61+s21+$0x0], $0xffff;
	[tilespmem:v62+s23+$0x0] =	vst.idx.msk $0xffff, v21  }
0x1cc: {  	v55 =	vor.u32 v15, v27;
	v57 =	vor.u32 v14, v31;
	[tilespmem:v63+s23+$0x0] =	vst.idx.msk $0xffff, v33;
	v56 =	vld.idx.msk [tilespmem:v45+s21+$0x0], $0xffff  }
0x1cd: {  	v58 =	vor.u32 v16, v20;
	v59 =	vor.u32 v15, v49;
	v19 =	vld.idx.msk [tilespmem:v19+s21+$0x0], $0xffff;
	[tilespmem:v46+s23+$0x0] =	vst.idx.msk $0xffff, v38  }
0x1ce: {  	v17 =	vor.u32 v16, v17;
	[tilespmem:v48+s23+$0x0] =	vst.idx.msk $0xffff, v47;
	v18 =	vld.idx.msk [tilespmem:v18+s21+$0x0], $0xffff  }
0x1cf: {  	v60 =	vor.u32 v16, v24;
	[tilespmem:v51+s23+$0x0] =	vst.idx.msk $0xffff, v34;
	v23 =	vld.idx.msk [tilespmem:v50+s21+$0x0], $0xffff  }
0x1d0: {  	v61 =	vor.u32 v16, v26;
	v22 =	vld.idx.msk [tilespmem:v52+s21+$0x0], $0xffff;
	[tilespmem:v54+s23+$0x0] =	vst.idx.msk $0xffff, v53  }
0x1d1: {  	v62 =	vor.u32 v16, v30;
	v21 =	vld.idx.msk [tilespmem:v55+s21+$0x0], $0xffff;
	[tilespmem:v57+s23+$0x0] =	vst.idx.msk $0xffff, v56  }
0x1d2: {  	v63 =	vor.u32 v16, v31;
	[tilespmem:v58+s23+$0x0] =	vst.idx.msk $0xffff, v19;
	v19 =	vld.idx.msk [tilespmem:v59+s21+$0x0], $0xffff  }
0x1d3: {  	[tilespmem:v17+s23+$0x0] =	vst.idx.msk $0xffff, v18  }
0x1d4: {  	[tilespmem:v60+s23+$0x0] =	vst.idx.msk $0xffff, v23  }
0x1d5: {  	[tilespmem:v61+s23+$0x0] =	vst.idx.msk $0xffff, v22  }
0x1d6: {  	[tilespmem:v62+s23+$0x0] =	vst.idx.msk $0xffff, v21  }
.Ltmp11:
0x1d7: {  	[tilespmem:v63+s23+$0x0] =	vst.idx.msk $0xffff, v19;
	(pc) =	sbr.rel .LBB2_15-.Ltmp11, $4  }
0x1d8: {  	[hbm4b:s10+s3] =	stream.linear.scatter [tilespmem:s23], [sflag:$0x5], $0x800, $0x38;
	[tilespmem:$0xA800] =	vst v63  }
0x1d9: {  	_ =	swait.ge [sflag:s22], $0x800  }
0x1da: {  	[sflag:s22] =	ssyncset.done $0x0  }
0x1db: {  	[sflag:s22] =	ssyncadd.s32 $0xFFFFF800  }
.LBB2_16:
0x1dc: {  	_ =	sfence.sel $0x180000  }
0x1dd: {  	[bflag:$0x0] =	sbarrier.arrive $0xFFFF  }
0x1de: {  	p0 =	sne.s32 s0, $0x0;
	_ =	strace $0x90000047  }
0x1df: {  	s0 =	sadd.s32 @!p0 $0x100000, s2;
	[bflag:$0x2] =	sbarrier.arrive $0xFFFF  }
0x1e0: {  	[sflag:s0] =	ssyncadd.tile.s32 @!p0 $0x1;
	_ =	shalt  }
.Lfunc_end2:
_tile_overlayer_lowered:
.L_overlay_start_2:
0x1e1: {  	(tag) =	ssettag $0x2  }
0x1e2: {  	s0 =	rddreg [dreg:$0x0];
	s2 =	stileid.u32  }
0x1e3: {  	s1 =	rddreg [dreg:$0x1];
	p0 =	sne.s32 s2, $0x0  }
0x1e4: {  	s3 =	rddreg [dreg:$0x2];
	[bflag:$0x3] =	sbarrier.arrive $0xFFFF;
	s2 =	simm.s32 @!p0 $0x1C05  }
0x1e5: {  	[timem:s3], [sflag:s2] =	dma.local @!p0 [hbm:s0], s1  }
0x1e6: {  	s0 =	simm.s32 @!p0 $0x5  }
0x1e7: {  	_ =	swait.ge @!p0 [sflag:s0], s1  }
0x1e8: {  	s1 =	ssub.s32 @!p0 $0x0, s1;
	[sflag:s0] =	ssyncset.done @!p0 $0x0  }
0x1e9: {  	[sflag:s0] =	ssyncadd.s32 @!p0 s1  }
0x1ea: {  	[bflag:$0x3] =	sbarrier.arrive $0xFFFF  }
0x1eb: {  	_ =	shalt  }

// kernel: kernel.7.cloned.1.call-start
scs
__scs_entry_jumppad:
0x0: {  	(pc) =	sbr.rel $0x88, $3  }
0x1: {  	(tag) =	ssettag $0x0;
	lr =	simm.s32 $0x1  }
0x2: {  	[smem:$0x3F9F] =	sst lr;
	_ =	strace $0xD0000000  }
0x3: {  	_ = 	snop  }
0x4: {  	_ = 	snop  }
0x5: {  	_ = 	snop  }
0x6: {  	_ = 	snop  }
0x7: {  	_ = 	snop  }
__scs_overlays_trampoline_lowered:
0x8: {  	[smem:$0x3FAE] =	sst s0  }
0x9: {  	[smem:$0x3FAF] =	sst s1  }
0xa: {  	[smem:$0x3FB0] =	sst s2  }
0xb: {  	[smem:$0x3FB1] =	sst s3  }
0xc: {  	[smem:$0x3FB2] =	sst s4  }
0xd: {  	[smem:$0x3FB3] =	sst s5  }
0xe: {  	[smem:$0x3FB4] =	sst s6  }
0xf: {  	[smem:$0x3FB5] =	sst s7  }
0x10: {  	[smem:$0x3FB6] =	sst s8  }
0x11: {  	[smem:$0x3FB7] =	sst s9;
	s0 =	simm.s32 @!p0 $0x0  }
0x12: {  	s1 =	sld [smem:$0x3F9D];
	s0 =	simm.s32 @p0 $0x1  }
0x13: {  	[smem:$0x3FB8] =	sst s0;
	s0 =	simm.s32 @!p1 $0x0  }
0x14: {  	s2 =	sld [smem:$0x3F9C];
	s0 =	simm.s32 @p1 $0x1  }
0x15: {  	[smem:$0x3FB9] =	sst s0;
	s0 =	simm.s32 @!p2 $0x0  }
0x16: {  	s3 =	sld [smem:$0x3FDB];
	s0 =	simm.s32 @p2 $0x1  }
0x17: {  	s4 =	simm.s32 $0x1BF5;
	[smem:$0x3FBB] =	sst s0  }
0x18: {  	s0 =	sld [smem:$0x3F9E];
	_ =	swait.ge [sflag:s4], $0x0  }
0x19: {  	s7 =	sld [smem:$0x3F9F]  }
0x1a: {  	s8 =	sadd.s32 $0xFFFFE003, lr  }
0x1b: {  	s9 =	sadd.s32 $0xFFFFFEF7, lr;
	s5 =	simm.s32 $0xFFFFFFFF;
	p2 =	slt.u32 s8, $0xFFFFF086  }
0x1c: {  	p1 =	slt.u32 s9, $0xF7A;
	s5 =	simm.s32 @!p2 $0x0  }
0x1d: {  	s5 =	simm.s32 @p1 $0x1;
	p0 =	seq.s32 s7, s2  }
0x1e: {  	s7 =	smul.u32 @!p0 $0xF7A, s2;
	p2 =	seq.s32 @!p0 s5, $0x0  }
0x1f: {  	s9 =	smul.u32 $0xF7A, s1;
	s8 =	simm.s32 @!p0 $0x1BF5;
	p2 =	por !p2, p0  }
0x20: {  	[sflag:s8] =	ssyncset.s32 @!p0 $0xFFFFF086;
	s6 =	sadd.s32 @!p0 s3, s7;
	s7 =	simm.s32 @!p0 $0x108  }
0x21: {  	s3 =	sadd.s32 s3, s9;
	s6 =	sadd.s32 @!p0 $0x88, s6;
	s7 =	simm.s32 @p2 $0x1082  }
0x22: {  	[simem:s7], [sflag:s8] =	dma.local @!p0 [hbm:s6], $0xF7A  }
0x23: {  	s9 =	sor.u32 $0xD0000000, s2;
	s6 =	simm.s32 $0x108;
	_ =	swait.ge @!p0 [sflag:s8], $0x0  }
0x24: {  	s3 =	sadd.s32 $0x88, s3;
	s6 =	simm.s32 @!p1 $0x1082;
	[sflag:s4] =	ssyncset.s32 $0xFFFFF086  }
0x25: {  	[simem:s6], [sflag:s4] =	dma.local [hbm:s3], $0xF7A  }
0x26: {  	[smem:$0x3F9F] =	sst s1;
	(tag) =	ssettag s2;
	_ =	strace s9  }
0x27: {  	s1 =	sld [smem:$0x3FAF]  }
0x28: {  	s2 =	sld [smem:$0x3FB0]  }
0x29: {  	s4 =	sld [smem:$0x3FB2]  }
0x2a: {  	p0 =	seq.s32 s5, $0x0;
	s5 =	sld [smem:$0x3FB3]  }
0x2b: {  	s6 =	sld [smem:$0x3FB4]  }
0x2c: {  	s7 =	sld [smem:$0x3FB5]  }
0x2d: {  	s3 =	simm.s32 $0x108;
	s8 =	sld [smem:$0x3FB6]  }
0x2e: {  	s3 =	simm.s32 @!p0 $0x1082;
	s9 =	sld [smem:$0x3FB7]  }
0x2f: {  	lr =	sadd.s32 s0, s3;
	s0 =	sld [smem:$0x3FAE]  }
0x30: {  	s3 =	sld [smem:$0x3FB1]  }
0x31: {  	[smem:$0x3FBA] =	sst s10  }
0x32: {  	s10 =	sld [smem:$0x3FB8];
	_ =	sdelay $0x3  }
0x33: {  	p0 =	seq.s32 s10, $0x1;
	s10 =	sld [smem:$0x3FBA];
	_ =	sdelay $0x3  }
0x34: {  	[smem:$0x3FBA] =	sst s10  }
0x35: {  	s10 =	sld [smem:$0x3FB9];
	_ =	sdelay $0x3  }
0x36: {  	p1 =	seq.s32 s10, $0x1;
	s10 =	sld [smem:$0x3FBA];
	_ =	sdelay $0x3  }
0x37: {  	[smem:$0x3FBA] =	sst s10  }
0x38: {  	s10 =	sld [smem:$0x3FBB]  }
0x39: {  	_ = 	snop;
	(pc) =	sbr.ind lr, $3  }
0x3a: {  	_ = 	snop  }
0x3b: {  	_ = 	snop  }
0x3c: {  	p2 =	seq.s32 s10, $0x1;
	s10 =	sld [smem:$0x3FBA]  }
0x3d: {  	_ =	shalt  }
0x3e: {  	_ =	shalt  }
0x3f: {  	_ =	shalt  }
0x40: {  	_ =	shalt  }
0x41: {  	_ =	shalt  }
0x42: {  	_ =	shalt  }
0x43: {  	_ =	shalt  }
0x44: {  	_ =	shalt  }
0x45: {  	_ =	shalt  }
0x46: {  	_ =	shalt  }
0x47: {  	_ =	shalt  }
0x48: {  	_ =	shalt  }
0x49: {  	_ =	shalt  }
0x4a: {  	_ =	shalt  }
0x4b: {  	_ =	shalt  }
0x4c: {  	_ =	shalt  }
0x4d: {  	_ =	shalt  }
0x4e: {  	_ =	shalt  }
0x4f: {  	_ =	shalt  }
0x50: {  	_ =	shalt  }
0x51: {  	_ =	shalt  }
0x52: {  	_ =	shalt  }
0x53: {  	_ =	shalt  }
0x54: {  	_ =	shalt  }
0x55: {  	_ =	shalt  }
0x56: {  	_ =	shalt  }
0x57: {  	_ =	shalt  }
0x58: {  	_ =	shalt  }
0x59: {  	_ =	shalt  }
0x5a: {  	_ =	shalt  }
0x5b: {  	_ =	shalt  }
0x5c: {  	_ =	shalt  }
0x5d: {  	_ =	shalt  }
0x5e: {  	_ =	shalt  }
0x5f: {  	_ =	shalt  }
0x60: {  	_ =	shalt  }
0x61: {  	_ =	shalt  }
0x62: {  	_ =	shalt  }
0x63: {  	_ =	shalt  }
0x64: {  	_ =	shalt  }
0x65: {  	_ =	shalt  }
0x66: {  	_ =	shalt  }
0x67: {  	_ =	shalt  }
0x68: {  	_ =	shalt  }
0x69: {  	_ =	shalt  }
0x6a: {  	_ =	shalt  }
0x6b: {  	_ =	shalt  }
0x6c: {  	_ =	shalt  }
0x6d: {  	_ =	shalt  }
0x6e: {  	_ =	shalt  }
0x6f: {  	_ =	shalt  }
0x70: {  	_ =	shalt  }
0x71: {  	_ =	shalt  }
0x72: {  	_ =	shalt  }
0x73: {  	_ =	shalt  }
0x74: {  	_ =	shalt  }
0x75: {  	_ =	shalt  }
0x76: {  	_ =	shalt  }
0x77: {  	_ =	shalt  }
0x78: {  	_ =	shalt  }
0x79: {  	_ =	shalt  }
0x7a: {  	_ =	shalt  }
0x7b: {  	_ =	shalt  }
0x7c: {  	_ =	shalt  }
0x7d: {  	_ =	shalt  }
0x7e: {  	_ =	shalt  }
0x7f: {  	_ =	shalt  }
0x80: {  	_ =	shalt  }
0x81: {  	_ =	shalt  }
0x82: {  	_ =	shalt  }
0x83: {  	_ =	shalt  }
0x84: {  	_ =	shalt  }
0x85: {  	_ =	shalt  }
0x86: {  	_ =	shalt  }
0x87: {  	_ =	shalt  }
.Lfunc_end0:
.L_simem_size_0:
called_computation.1_lowered:
.L_overlay_start_0:
0x88: {  	s2 =	sld [smem:$0x3FD9]  }
0x89: {  	s3 =	sld [smem:$0x3FFE];
	_ =	sdelay $0x1  }
0x8a: {  	s1 =	srdreg.scid  }
0x8b: {  	s0 =	sand.u32 $0x1, s1  }
0x8c: {  	s17 =	sshll.u32 s0, $0xA;
	s2 =	sadd.s32 s3, s2  }
0x8d: {  	s2 =	sadd.s32 s2, s17  }
0x8e: {  	[smem:$0x3FC6] =	sst s2  }
0x8f: {  	_ = 	snop  }
0x90: {  	s2 =	sld [smem:$0x3FD0];
	(tm) =	ssettm $0x1  }
0x91: {  	s18 =	sld [smem:$0x3FFB];
	_ =	sdelay $0x3  }
0x92: {  	_ =	strace s18  }
0x93: {  	s3 =	sld [smem:$0x3FFC];
	_ =	sdelay $0x3  }
0x94: {  	_ =	strace s3  }
0x95: {  	s3 =	sld [smem:$0x3FFD];
	_ =	sdelay $0x3  }
0x96: {  	_ =	strace s3  }
0x97: {  	_ =	strace $0x8FFFFFFF  }
0x98: {  	s19 =	sld [smem:$0x3FDB];
	_ =	sdelay $0x1  }
0x99: {  	s4 =	simm.s32 $_scs_section_size  }
0x9a: {  	s5 =	simm.s32 $_size__tile_overlayer_lowered;
	s6 =	simm.s32 $_tile_overlayer_lowered  }
0x9b: {  	s22 =	simm.s32 $0x1BFF;
	s21 =	sshll.u32 s6, $0x1;
	s3 =	sadd.s32 s4, s19  }
0x9c: {  	s7 =	simm.s32 $0x0;
	s20 =	sshll.u32 s5, $0x1;
	s5 =	sadd.s32 s21, s3  }
0x9d: {  	[timem:s7], [sflag:s22] =	dma.local [hbm:s5], s20  }
0x9e: {  	_ =	swait.ge [sflag:s22], s20  }
0x9f: {  	s4 =	ssub.s32 $0x0, s20;
	[sflag:s22] =	ssyncset.done $0x0  }
0xa0: {  	[sflag:s22] =	ssyncadd.s32 s4;
	_ =	sdelay $0x1  }
0xa1: {  	s23 =	simm.s32 $0x1B8B  }
0xa2: {  	_ =	swait.ge [sflag:s23], $0x1  }
0xa3: {  	[sflag:s23] =	ssyncset.done $0x0  }
0xa4: {  	s25 =	simm.s32 $0x1B8E;
	s24 =	sld [smem:$0x3FFE];
	[sflag:s23] =	ssyncadd.s32 $0xFFFFFFFF  }
0xa5: {  	s26 =	simm.s32 $execute0_lowered;
	[smem:$0x3FD2] =	sst s25  }
0xa6: {  	s5 =	sshll.u32 s26, $0x1;
	_ =	strace $0x80000049;
	[dreg:$0x1] =	wrdreg $0xFFFFFFFF  }
0xa7: {  	s28 =	simm.s32 $_size_execute0_lowered;
	s3 =	sadd.s32 s3, s5;
	[dreg:$0x0] =	wrdreg $0x0  }
0xa8: {  	s5 =	sshll.u32 s28, $0x1;
	[dreg:$0x2] =	wrdreg s3  }
0xa9: {  	[dreg:$0x3] =	wrdreg s5  }
0xaa: {  	[dreg:$0x4] =	wrdreg $0xC0  }
0xab: {  	_ =	task [dreg:s7], $0x5FFFF  }
0xac: {  	[dreg:$0x1] =	wrdreg $0xFFFFFFFF  }
0xad: {  	[dreg:$0x0] =	wrdreg $0x60  }
0xae: {  	[dreg:$0x2] =	wrdreg s24  }
0xaf: {  	[dreg:$0x3] =	wrdreg s2  }
0xb0: {  	[dreg:$0x4] =	wrdreg $0x9  }
0xb1: {  	_ =	task.clear_ibuf [dreg:s7], $0x5FFFF;
	_ =	strace $0x90000049  }
0xb2: {  	s29 =	simm.s32 $0x9;
	_ =	strace $0x8000004B  }
0xb3: {  	_ =	swait.ge [sflag:s29], $0x1  }
0xb4: {  	[sflag:s29] =	ssyncadd.s32 $0xFFFFFFFF  }
0xb5: {  	_ =	strace $0x9000004B  }
0xb6: {  	_ =	sfence  }
0xb7: {  	s30 =	sld [smem:$0x0];
	_ =	sdelay $0x2  }
0xb8: {  	s31 =	sshll.u32 s1, $0xD;
	s1 =	sshrl.u32 s1, $0x2  }
0xb9: {  	s3 =	sand.u32 $0x4000, s31;
	s1 =	sadd.s32 s1, s30  }
0xba: {  	s0 =	sor.u32 s3, s0;
	s1 =	sshll.u32 s1, $0x11  }
0xbb: {  	s0 =	sor.u32 s1, s0  }
0xbc: {  	s0 =	sadd.s32 $0x8F2B, s0  }
0xbd: {  	[sflag:s0] =	ssyncadd.remote.s32 $0x1  }
0xbe: {  	_ =	sfence.sel $0xFFFF  }
0xbf: {  	[dreg:$0x0] =	wrdreg $0xFFFFFFFF;
	(pc) =	sbr.abs _section_cstart, $3  }
0xc0: {  	[dreg:$0x1] =	wrdreg $0xFFFFFFFF  }
0xc1: {  	_ =	task.clear_ibuf [dreg:s7], $0x2FFFF;
	_ =	strace $0x9FFFFFFF  }
0xc2: {  	(tm) =	ssettm $0x7FFFFFFF  }
0xc3: {  	_ =	shalt  }
tec
execute0_lowered:
.L_overlay_start_1:
0x0: {  	(tag) =	ssettag $0x1  }
0x1: {  	s0 =	srdreg.scid;
	s4 =	rddreg [dreg:$0x0]  }
0x2: {  	s1 =	stileid.u32;
	s2 =	rddreg [dreg:$0x1];
	s6 =	simm.s32 $0x0  }
0x3: {  	s13 =	simm.s32 $0x7;
	s14 =	simm.s32 $0x80;
	s16 =	simm.s32 $0xE00  }
0x4: {  	s18 =	simm.s32 $0x4E00;
	s20 =	simm.s32 $0x8E00;
	s21 =	simm.s32 $0x1  }
0x5: {  	s22 =	simm.s32 $0xCE00;
	s23 =	simm.s32 $0x400;
	s28 =	simm.s32 $0x3  }
0x6: {  	s29 =	simm.s32 $0x4;
	s30 =	simm.s32 $0x5;
	s31 =	simm.s32 $0x10F00  }
0x7: {  	s15 =	simm.s32 $0x0;
	s0 =	sand.u32 $0x1, s0;
	s1 =	sshll.u32 s1, $0x1  }
0x8: {  	[smem:$0x7FF] =	sst s6;
	s6 =	simm.s32 $0x19;
	s26 =	sadd.s32 $0x18680, s2  }
0x9: {  	s1 =	sor.u32 s0, s1;
	_ =	strace $0x8000004A;
	s0 =	ssub.s32 $0x2, s0  }
0xa: {  	[dreg:$0x4] =	wrdreg s26;
	s26 =	simm.s32 $0xEE00;
	s3 =	smul.u32 $0x18, s1  }
0xb: {  	s5 =	smul.u32 $0x19, s1;
	p0 =	slt.u32 s1, $0xD;
	s9 =	sshrl.u32 s0, $0x1  }
0xc: {  	s0 =	ssub.s32 s0, s9;
	s6 =	simm.s32 @!p0 $0x18;
	s3 =	sadd.s32 $0xD, s3  }
0xd: {  	v0 =	vlaneseq.u32;
	s12 =	smax.u32 s0, $0x1;
	s0 =	simm.s32 $0x11F00;
	s3 =	smov.u32 @p0 s5  }
.Ltmp0:
0xe: {  	v1 =	vmul.u32 $0x80, v0;
	v9 =	vor.u32 $0x10, v0;
	v10 =	vor.u32 $0x20, v0;
	s5 =	sadd.s32 $0x600, s4;
	s7 =	smin.u32 s3, $0x2F4;
	(pc) =	sbr.rel .LBB2_1-.Ltmp0, $4  }
0xf: {  	v11 =	vor.u32 $0x30, v0;
	v12 =	vor.u32 $0x40, v0;
	v13 =	vor.u32 $0x50, v0;
	p0 =	sne.s32 s1, $0x1F;
	s24 =	sshll.u32 s7, $0x4;
	s7 =	ssub.s32 s3, s7  }
0x10: {  	v14 =	vor.u32 $0x60, v0;
	v15 =	vor.u32 $0x70, v0;
	v2 =	vor.u32 $0x800, v1;
	s1 =	simm.s32 $0x6;
	s8 =	sadd.s32 s24, s4;
	s25 =	sshll.u32 s7, $0x9  }
0x11: {  	v3 =	vor.u32 $0x1000, v1;
	v4 =	vor.u32 $0x1800, v1;
	v5 =	vor.u32 $0x2000, v1;
	s4 =	sadd.s32 $0xC6CD0, s4;
	s24 =	simm.s32 $0xC3800;
	s8 =	sadd.s32 $0xC3C00, s8  }
0x12: {  	v6 =	vor.u32 $0x2800, v1;
	v7 =	vor.u32 $0x3000, v1;
	v8 =	vor.u32 $0x3800, v1;
	s9 =	sshra.s32 s25, $0x2;
	[dreg:$0x3] =	wrdreg s4;
	s25 =	simm.s32 $0x2  }
.LBB2_31:
0x13: {  	s15 =	sadd.s32 $0x1, s15  }
0x14: {  	p1 =	sne.s32 s15, s12  }
.Ltmp1:
0x15: {  	_ = 	snop;
	(pc) =	sbr.rel @!p1 .LBB2_32-.Ltmp1, $1  }
0x16: {  	_ =	sdelay $0x3  }
.LBB2_1:
0x17: {  	s4 =	simm.s32 $0x0  }
0x18: {  	[tilespmem:s4], [sflag:$0x7] =	stream.linear.gather [hbm4b:s8+s4], $0xC80, $0x38;
	[tilespmem:$0x13F00] =	vst v63  }
0x19: {  	_ =	swait.ge [sflag:s13], $0xC80  }
0x1a: {  	[sflag:s13] =	ssyncset.done $0x0  }
0x1b: {  	[sflag:s13] =	ssyncadd.s32 $0xFFFFF380  }
0x1c: {  	v16 =	vld [tilespmem:s9+$0x0];
	_ =	sdelay $0x4  }
0x1d: {  	v16 =	vshra.s32 v16, $0x1  }
0x1e: {  	[tilespmem:$0xC80] =	vst v16  }
0x1f: {  	v16 =	vld [tilespmem:s9+$0x10];
	_ =	sdelay $0x4  }
0x20: {  	v16 =	vshra.s32 v16, $0x1  }
0x21: {  	[tilespmem:$0xC90] =	vst v16  }
0x22: {  	v16 =	vld [tilespmem:s9+$0x20];
	_ =	sdelay $0x4  }
0x23: {  	v16 =	vshra.s32 v16, $0x1  }
0x24: {  	[tilespmem:$0xCA0] =	vst v16  }
0x25: {  	v16 =	vld [tilespmem:s9+$0x30];
	_ =	sdelay $0x4  }
0x26: {  	v16 =	vshra.s32 v16, $0x1  }
0x27: {  	[tilespmem:$0xCB0] =	vst v16  }
0x28: {  	v16 =	vld [tilespmem:s9+$0x40];
	_ =	sdelay $0x4  }
0x29: {  	v16 =	vshra.s32 v16, $0x1  }
0x2a: {  	[tilespmem:$0xCC0] =	vst v16  }
0x2b: {  	v16 =	vld [tilespmem:s9+$0x50];
	_ =	sdelay $0x4  }
0x2c: {  	v16 =	vshra.s32 v16, $0x1  }
0x2d: {  	[tilespmem:$0xCD0] =	vst v16  }
0x2e: {  	v16 =	vld [tilespmem:s9+$0x60];
	_ =	sdelay $0x4  }
0x2f: {  	v16 =	vshra.s32 v16, $0x1  }
0x30: {  	[tilespmem:$0xCE0] =	vst v16  }
0x31: {  	v16 =	vld [tilespmem:s9+$0x70];
	_ =	sdelay $0x4  }
0x32: {  	v16 =	vshra.s32 v16, $0x1  }
0x33: {  	s11 =	simm.s32 $0xC80;
	[tilespmem:$0xCF0] =	vst v16  }
0x34: {  	[tilespmem:s16], [sflag:$0x1] =	stream.indirect.gather [hbm4b:s5+s14], $0x80, s11, s14, $0xb8;
	[tilespmem:$0x13F00] =	vst v63  }
0x35: {  	v16 =	vld [tilespmem:s9+$0x80];
	_ =	sdelay $0x4  }
0x36: {  	v16 =	vshra.s32 v16, $0x1  }
0x37: {  	[tilespmem:$0xD00] =	vst v16  }
0x38: {  	v16 =	vld [tilespmem:s9+$0x90];
	_ =	sdelay $0x4  }
0x39: {  	v16 =	vshra.s32 v16, $0x1  }
0x3a: {  	[tilespmem:$0xD10] =	vst v16  }
0x3b: {  	v16 =	vld [tilespmem:s9+$0xA0];
	_ =	sdelay $0x4  }
0x3c: {  	v16 =	vshra.s32 v16, $0x1  }
0x3d: {  	[tilespmem:$0xD20] =	vst v16  }
0x3e: {  	v16 =	vld [tilespmem:s9+$0xB0];
	_ =	sdelay $0x4  }
0x3f: {  	v16 =	vshra.s32 v16, $0x1  }
0x40: {  	[tilespmem:$0xD30] =	vst v16  }
0x41: {  	v16 =	vld [tilespmem:s9+$0xC0];
	_ =	sdelay $0x4  }
0x42: {  	v16 =	vshra.s32 v16, $0x1  }
0x43: {  	[tilespmem:$0xD40] =	vst v16  }
0x44: {  	v16 =	vld [tilespmem:s9+$0xD0];
	_ =	sdelay $0x4  }
0x45: {  	v16 =	vshra.s32 v16, $0x1  }
0x46: {  	[tilespmem:$0xD50] =	vst v16  }
0x47: {  	v16 =	vld [tilespmem:s9+$0xE0];
	_ =	sdelay $0x4  }
0x48: {  	v16 =	vshra.s32 v16, $0x1  }
0x49: {  	[tilespmem:$0xD60] =	vst v16  }
0x4a: {  	v16 =	vld [tilespmem:s9+$0xF0];
	_ =	sdelay $0x4  }
0x4b: {  	v16 =	vshra.s32 v16, $0x1  }
0x4c: {  	s17 =	simm.s32 $0xD00;
	[tilespmem:$0xD70] =	vst v16  }
0x4d: {  	[tilespmem:s18], [sflag:$0x2] =	stream.indirect.gather [hbm4b:s5+s14], $0x80, s17, s14, $0xb8;
	[tilespmem:$0x13F00] =	vst v63  }
0x4e: {  	v16 =	vld [tilespmem:s9+$0x100];
	_ =	sdelay $0x4  }
0x4f: {  	v16 =	vshra.s32 v16, $0x1  }
0x50: {  	[tilespmem:$0xD80] =	vst v16  }
0x51: {  	v16 =	vld [tilespmem:s9+$0x110];
	_ =	sdelay $0x4  }
0x52: {  	v16 =	vshra.s32 v16, $0x1  }
0x53: {  	[tilespmem:$0xD90] =	vst v16  }
0x54: {  	v16 =	vld [tilespmem:s9+$0x120];
	_ =	sdelay $0x4  }
0x55: {  	v16 =	vshra.s32 v16, $0x1  }
0x56: {  	[tilespmem:$0xDA0] =	vst v16  }
0x57: {  	v16 =	vld [tilespmem:s9+$0x130];
	_ =	sdelay $0x4  }
0x58: {  	v16 =	vshra.s32 v16, $0x1  }
0x59: {  	[tilespmem:$0xDB0] =	vst v16  }
0x5a: {  	v16 =	vld [tilespmem:s9+$0x140];
	_ =	sdelay $0x4  }
0x5b: {  	v16 =	vshra.s32 v16, $0x1  }
0x5c: {  	[tilespmem:$0xDC0] =	vst v16  }
0x5d: {  	v16 =	vld [tilespmem:s9+$0x150];
	_ =	sdelay $0x4  }
0x5e: {  	v16 =	vshra.s32 v16, $0x1  }
0x5f: {  	[tilespmem:$0xDD0] =	vst v16  }
0x60: {  	v16 =	vld [tilespmem:s9+$0x160];
	_ =	sdelay $0x4  }
0x61: {  	v16 =	vshra.s32 v16, $0x1  }
0x62: {  	[tilespmem:$0xDE0] =	vst v16  }
0x63: {  	v16 =	vld [tilespmem:s9+$0x170];
	_ =	sdelay $0x2  }
.Ltmp2:
0x64: {  	_ = 	snop;
	(pc) =	sbr.rel .LBB2_2-.Ltmp2, $4  }
0x65: {  	_ = 	snop  }
0x66: {  	v16 =	vshra.s32 v16, $0x1  }
0x67: {  	s19 =	simm.s32 $0xD80;
	s17 =	simm.s32 $0x0;
	[tilespmem:$0xDF0] =	vst v16  }
0x68: {  	[tilespmem:s20], [sflag:$0x3] =	stream.indirect.gather [hbm4b:s5+s14], $0x80, s19, s14, $0xb8;
	[tilespmem:$0x13F00] =	vst v63  }
.LBB2_26:
0x69: {  	s17 =	sadd.s32 $0x1, s17  }
0x6a: {  	p1 =	sne.s32 s17, $0x5  }
.Ltmp3:
0x6b: {  	_ = 	snop;
	(pc) =	sbr.rel @!p1 .LBB2_27-.Ltmp3, $1  }
0x6c: {  	_ =	sdelay $0x3  }
.LBB2_2:
0x6d: {  	s19 =	smul.u32 $0x6, s17;
	_ =	sdelay $0x1  }
0x6e: {  	p2 =	sge.u32 s19, s6  }
.Ltmp4:
0x6f: {  	_ = 	snop;
	(pc) =	sbr.rel @p2 .LBB2_6-.Ltmp4, $2  }
0x70: {  	_ =	sdelay $0x2  }
0x71: {  	p1 =	seq.s32 s17, $0x0  }
0x72: {  	_ =	swait.ge [sflag:s21], $0x4000  }
0x73: {  	[sflag:s21] =	ssyncset.done $0x0  }
0x74: {  	s4 =	simm.s32 @!p1 $0x4;
	[sflag:s21] =	ssyncadd.s32 $0xFFFFC000  }
0x75: {  	s10 =	sadd.s32 s7, s19;
	_ =	swait.ge @!p1 [sflag:s4], $0x2000  }
0x76: {  	s10 =	sshll.u32 s10, $0x9;
	[sflag:s4] =	ssyncset.done @!p1 $0x0  }
0x77: {  	[sflag:s4] =	ssyncadd.s32 @!p1 $0xFFFFE000;
	s4 =	sshra.s32 s10, $0x2  }
0x78: {  	v16 =	vld [tilespmem:s4+$0x0];
	_ =	sdelay $0x4  }
0x79: {  	s11 =	simm.s32 $0x0;
	v16 =	vshll.u32 v16, $0x6  }
0x7a: {  	v18 =	vadd.s32 s11, v0;
	v17 =	vld [tilespmem:s4+$0x10];
	v16 =	vand.u32 $0x40, v16  }
0x7b: {  	s11 =	simm.s32 $0x1;
	v34 =	vand.u32 $0x3F, v18;
	v26 =	vor.u32 v1, v16  }
0x7c: {  	v16 =	vadd.s32 s11, v0;
	v18 =	vor.u32 v34, v26  }
0x7d: {  	v35 =	vand.u32 $0x3F, v16  }
0x7e: {  	v16 =	vor.u32 v35, v26  }
0x7f: {  	v19 =	vld [tilespmem:s4+$0x20];
	v17 =	vshll.u32 v17, $0x6  }
0x80: {  	v20 =	vshll.u32 v34, $0x7;
	v21 =	vld [tilespmem:s4+$0x30];
	v17 =	vand.u32 $0x40, v17  }
0x81: {  	v28 =	vor.u32 v2, v17;
	v17 =	vld.idx.msk [tilespmem:v18+s16+$0x0], $0xffff;
	v18 =	vor.u32 v0, v20  }
0x82: {  	v22 =	vld [tilespmem:s4+$0x40];
	v24 =	vor.u32 v34, v28;
	v23 =	vshll.u32 v35, $0x7  }
0x83: {  	v25 =	vor.u32 v0, v23;
	v16 =	vld.idx.msk [tilespmem:v16+s16+$0x0], $0xffff  }
0x84: {  	v27 =	vld [tilespmem:s4+$0x50];
	v29 =	vor.u32 v35, v28  }
0x85: {  	v31 =	vld [tilespmem:s4+$0x60];
	v19 =	vshll.u32 v19, $0x6  }
0x86: {  	v36 =	vld [tilespmem:s4+$0x70];
	v19 =	vand.u32 $0x40, v19;
	[tilespmem:v18+s22+$0x0] =	vst.idx.msk $0xffff, v17  }
0x87: {  	v30 =	vor.u32 v3, v19;
	v19 =	vld.idx.msk [tilespmem:v24+s16+$0x0], $0xffff;
	v24 =	vor.u32 v9, v20  }
0x88: {  	s11 =	simm.s32 $0x2;
	[tilespmem:v25+s22+$0x0] =	vst.idx.msk $0xffff, v16;
	v16 =	vor.u32 v34, v30  }
0x89: {  	s10 =	simm.s32 $0x3;
	v21 =	vshll.u32 v21, $0x6;
	v17 =	vadd.s32 s11, v0;
	v25 =	vld.idx.msk [tilespmem:v29+s16+$0x0], $0xffff;
	v29 =	vor.u32 v9, v23  }
0x8a: {  	v32 =	vor.u32 v35, v30;
	v18 =	vadd.s32 s10, v0;
	v17 =	vand.u32 $0x3F, v17  }
0x8b: {  	v22 =	vshll.u32 v22, $0x6;
	v18 =	vand.u32 $0x3F, v18;
	v37 =	vor.u32 v17, v26  }
0x8c: {  	v27 =	vshll.u32 v27, $0x6;
	v21 =	vand.u32 $0x40, v21;
	[tilespmem:v24+s22+$0x0] =	vst.idx.msk $0xffff, v19;
	v24 =	vor.u32 v18, v26  }
0x8d: {  	v31 =	vshll.u32 v31, $0x6;
	v33 =	vor.u32 v4, v21;
	v21 =	vor.u32 v10, v20;
	v38 =	vld.idx.msk [tilespmem:v16+s16+$0x0], $0xffff  }
0x8e: {  	v36 =	vshll.u32 v36, $0x6;
	v27 =	vand.u32 $0x40, v27;
	[tilespmem:v29+s22+$0x0] =	vst.idx.msk $0xffff, v25;
	v25 =	vor.u32 v34, v33  }
0x8f: {  	v50 =	vand.u32 $0x40, v31;
	v39 =	vor.u32 v10, v23;
	v19 =	vshll.u32 v17, $0x7;
	v29 =	vld.idx.msk [tilespmem:v32+s16+$0x0], $0xffff  }
0x90: {  	v40 =	vor.u32 v35, v33;
	v37 =	vld.idx.msk [tilespmem:v37+s16+$0x0], $0xffff;
	v41 =	vor.u32 v0, v19;
	v16 =	vshll.u32 v18, $0x7  }
0x91: {  	v31 =	vor.u32 v6, v27;
	v42 =	vor.u32 v17, v28;
	v43 =	vor.u32 v0, v16;
	v24 =	vld.idx.msk [tilespmem:v24+s16+$0x0], $0xffff  }
0x92: {  	v22 =	vand.u32 $0x40, v22;
	v27 =	vor.u32 v7, v50;
	[tilespmem:v21+s22+$0x0] =	vst.idx.msk $0xffff, v38;
	v21 =	vor.u32 v18, v28  }
0x93: {  	v53 =	vor.u32 v34, v31;
	v32 =	vor.u32 v5, v22;
	v22 =	vld.idx.msk [tilespmem:v25+s16+$0x0], $0xffff;
	v25 =	vor.u32 v11, v20  }
0x94: {  	v36 =	vand.u32 $0x40, v36;
	v50 =	vor.u32 v34, v27;
	v54 =	vor.u32 v35, v31;
	[tilespmem:v39+s22+$0x0] =	vst.idx.msk $0xffff, v29  }
0x95: {  	v48 =	vor.u32 v11, v23;
	v63 =	vor.u32 v34, v32;
	[tilespmem:v41+s22+$0x0] =	vst.idx.msk $0xffff, v37;
	v29 =	vld.idx.msk [tilespmem:v40+s16+$0x0], $0xffff  }
0x96: {  	s11 =	simm.s32 $0x4;
	v51 =	vor.u32 v9, v19;
	v49 =	vor.u32 v35, v32;
	v41 =	vld.idx.msk [tilespmem:v42+s16+$0x0], $0xffff;
	[tilespmem:v43+s22+$0x0] =	vst.idx.msk $0xffff, v24  }
0x97: {  	s10 =	simm.s32 $0x5;
	v52 =	vor.u32 v17, v30;
	v45 =	vor.u32 v9, v16;
	v24 =	vadd.s32 s11, v0;
	v44 =	vld.idx.msk [tilespmem:v21+s16+$0x0], $0xffff  }
0x98: {  	v21 =	vand.u32 $0x3F, v24;
	v24 =	vadd.s32 s10, v0;
	[tilespmem:v25+s22+$0x0] =	vst.idx.msk $0xffff, v22;
	v22 =	vor.u32 v18, v30  }
0x99: {  	v46 =	vor.u32 v12, v23;
	v25 =	vor.u32 v21, v26;
	v24 =	vand.u32 $0x3F, v24  }
0x9a: {  	v38 =	vld.idx.msk [tilespmem:v63+s16+$0x0], $0xffff;
	[tilespmem:v48+s22+$0x0] =	vst.idx.msk $0xffff, v29;
	v29 =	vor.u32 v12, v20;
	v56 =	vor.u32 v24, v26  }
0x9b: {  	v57 =	vor.u32 v17, v33;
	v55 =	vor.u32 v10, v19;
	[tilespmem:v51+s22+$0x0] =	vst.idx.msk $0xffff, v41;
	v37 =	vld.idx.msk [tilespmem:v49+s16+$0x0], $0xffff  }
0x9c: {  	v47 =	vor.u32 v10, v16;
	s11 =	simm.s32 $0x6;
	v43 =	vor.u32 v12, v19;
	v42 =	vld.idx.msk [tilespmem:v52+s16+$0x0], $0xffff;
	[tilespmem:v45+s22+$0x0] =	vst.idx.msk $0xffff, v44  }
0x9d: {  	v62 =	vadd.s32 s11, v0;
	v59 =	vor.u32 v21, v28;
	v45 =	vld.idx.msk [tilespmem:v22+s16+$0x0], $0xffff;
	v22 =	vshll.u32 v21, $0x7  }
0x9e: {  	v49 =	vor.u32 v18, v33;
	v48 =	vld.idx.msk [tilespmem:v25+s16+$0x0], $0xffff;
	v25 =	vshll.u32 v24, $0x7;
	v58 =	vor.u32 v0, v22  }
0x9f: {  	v51 =	vor.u32 v13, v23;
	[tilespmem:v29+s22+$0x0] =	vst.idx.msk $0xffff, v38;
	v41 =	vld.idx.msk [tilespmem:v56+s16+$0x0], $0xffff;
	v60 =	vor.u32 v0, v25  }
0xa0: {  	v61 =	vor.u32 v24, v28;
	v39 =	vld.idx.msk [tilespmem:v53+s16+$0x0], $0xffff;
	[tilespmem:v46+s22+$0x0] =	vst.idx.msk $0xffff, v37;
	v46 =	vor.u32 v13, v20  }
0xa1: {  	v52 =	vor.u32 v35, v27;
	v63 =	vor.u32 v11, v19;
	[tilespmem:v55+s22+$0x0] =	vst.idx.msk $0xffff, v42;
	v40 =	vld.idx.msk [tilespmem:v54+s16+$0x0], $0xffff  }
0xa2: {  	v44 =	vor.u32 v14, v23;
	v29 =	vor.u32 v8, v36;
	v53 =	vld.idx.msk [tilespmem:v57+s16+$0x0], $0xffff;
	[tilespmem:v47+s22+$0x0] =	vst.idx.msk $0xffff, v45  }
0xa3: {  	v56 =	vor.u32 v17, v32;
	v57 =	vor.u32 v11, v16;
	[tilespmem:v58+s22+$0x0] =	vst.idx.msk $0xffff, v48;
	v54 =	vld.idx.msk [tilespmem:v49+s16+$0x0], $0xffff  }
0xa4: {  	v58 =	vor.u32 v9, v22;
	[tilespmem:v60+s22+$0x0] =	vst.idx.msk $0xffff, v41;
	v55 =	vld.idx.msk [tilespmem:v59+s16+$0x0], $0xffff;
	v59 =	vor.u32 v18, v32  }
0xa5: {  	v36 =	vor.u32 v17, v31;
	v48 =	vor.u32 v21, v30;
	[tilespmem:v46+s22+$0x0] =	vst.idx.msk $0xffff, v39;
	v47 =	vld.idx.msk [tilespmem:v61+s16+$0x0], $0xffff  }
0xa6: {  	v37 =	vor.u32 v34, v29;
	v46 =	vor.u32 v14, v20;
	v42 =	vld.idx.msk [tilespmem:v50+s16+$0x0], $0xffff;
	[tilespmem:v51+s22+$0x0] =	vst.idx.msk $0xffff, v40  }
0xa7: {  	v34 =	vand.u32 $0x3F, v62;
	v38 =	vor.u32 v35, v29;
	[tilespmem:v63+s22+$0x0] =	vst.idx.msk $0xffff, v53;
	v41 =	vld.idx.msk [tilespmem:v52+s16+$0x0], $0xffff  }
0xa8: {  	v35 =	vor.u32 v34, v26;
	v49 =	vor.u32 v9, v25;
	v39 =	vld.idx.msk [tilespmem:v56+s16+$0x0], $0xffff;
	[tilespmem:v57+s22+$0x0] =	vst.idx.msk $0xffff, v54  }
0xa9: {  	s4 =	simm.s32 $0x8;
	s10 =	simm.s32 $0x7;
	v45 =	vor.u32 v10, v22;
	v50 =	vor.u32 v24, v30;
	[tilespmem:v58+s22+$0x0] =	vst.idx.msk $0xffff, v55;
	v40 =	vld.idx.msk [tilespmem:v59+s16+$0x0], $0xffff  }
.LBB2_4:
0xaa: {  	v51 =	vadd.s32 s10, v0;
	v48 =	vld.idx.msk [tilespmem:v48+s16+$0x0], $0xffff;
	v52 =	vor.u32 v12, v16  }
0xab: {  	p2 =	slt.u32 s4, $0x3E;
	[tilespmem:v46+s22+$0x0] =	vst.idx.msk $0xffff, v42;
	v53 =	vmovc v18;
	v18 =	vmovc v24;
	v54 =	vmov v17;
	v17 =	vmov v21;
	v21 =	vmov v34  }
0xac: {  	v24 =	vand.u32 $0x3F, v51;
	v34 =	vor.u32 v53, v31;
	v37 =	vld.idx.msk [tilespmem:v37+s16+$0x0], $0xffff;
	[tilespmem:v44+s22+$0x0] =	vst.idx.msk $0xffff, v41  }
0xad: {  	v42 =	vor.u32 v15, v20;
	v41 =	vor.u32 v24, v26;
	[tilespmem:v49+s22+$0x0] =	vst.idx.msk $0xffff, v47;
	v38 =	vld.idx.msk [tilespmem:v38+s16+$0x0], $0xffff  }
0xae: {  	v23 =	vor.u32 v15, v23;
	v44 =	vor.u32 v17, v33;
	v47 =	vor.u32 v54, v27;
	v46 =	vld.idx.msk [tilespmem:v50+s16+$0x0], $0xffff  }
0xaf: {  	v20 =	vmov v19;
	v49 =	vshll.u32 v21, $0x7;
	v50 =	vor.u32 v10, v25;
	v35 =	vld.idx.msk [tilespmem:v35+s16+$0x0], $0xffff;
	[tilespmem:v43+s22+$0x0] =	vst.idx.msk $0xffff, v39  }
0xb0: {  	v39 =	vor.u32 v0, v49;
	v43 =	vor.u32 v18, v33;
	v36 =	vld.idx.msk [tilespmem:v36+s16+$0x0], $0xffff;
	[tilespmem:v52+s22+$0x0] =	vst.idx.msk $0xffff, v40  }
0xb1: {  	v40 =	vor.u32 v21, v28;
	[tilespmem:v45+s22+$0x0] =	vst.idx.msk $0xffff, v48;
	v45 =	vor.u32 v13, v20;
	v34 =	vld.idx.msk [tilespmem:v34+s16+$0x0], $0xffff  }
0xb2: {  	v19 =	vmov v22;
	v51 =	vor.u32 v13, v16;
	v48 =	vshll.u32 v24, $0x7;
	v41 =	vld.idx.msk [tilespmem:v41+s16+$0x0], $0xffff;
	[tilespmem:v42+s22+$0x0] =	vst.idx.msk $0xffff, v37  }
0xb3: {  	v22 =	vmov v49;
	v52 =	vor.u32 v53, v27;
	v37 =	vor.u32 v0, v48;
	[tilespmem:v23+s22+$0x0] =	vst.idx.msk $0xffff, v38  }
0xb4: {  	v38 =	vor.u32 v24, v28;
	v23 =	vmov v16;
	v16 =	vmov v25;
	v55 =	vld.idx.msk [tilespmem:v44+s16+$0x0], $0xffff;
	[tilespmem:v50+s22+$0x0] =	vst.idx.msk $0xffff, v46  }
0xb5: {  	v49 =	vadd.s32 s4, v0;
	v25 =	vmov v48;
	[tilespmem:v39+s22+$0x0] =	vst.idx.msk $0xffff, v35;
	v35 =	vor.u32 v11, v19;
	v43 =	vld.idx.msk [tilespmem:v43+s16+$0x0], $0xffff  }
0xb6: {  	v56 =	vor.u32 v11, v16;
	v39 =	vor.u32 v17, v32;
	v40 =	vld.idx.msk [tilespmem:v40+s16+$0x0], $0xffff;
	[tilespmem:v45+s22+$0x0] =	vst.idx.msk $0xffff, v36  }
0xb7: {  	v57 =	vor.u32 v18, v32;
	v45 =	vor.u32 v9, v22;
	v42 =	vld.idx.msk [tilespmem:v47+s16+$0x0], $0xffff;
	[tilespmem:v51+s22+$0x0] =	vst.idx.msk $0xffff, v34  }
.Ltmp5:
0xb8: {  	v48 =	vor.u32 v21, v30;
	v46 =	vor.u32 v14, v20;
	[tilespmem:v37+s22+$0x0] =	vst.idx.msk $0xffff, v41;
	v41 =	vld.idx.msk [tilespmem:v52+s16+$0x0], $0xffff;
	(pc) =	sbr.rel @p2 .LBB2_4-.Ltmp5, $4  }
0xb9: {  	v44 =	vor.u32 v14, v23;
	v36 =	vor.u32 v17, v31;
	v37 =	vor.u32 v54, v29;
	v47 =	vld.idx.msk [tilespmem:v38+s16+$0x0], $0xffff  }
0xba: {  	v34 =	vand.u32 $0x3F, v49;
	v49 =	vor.u32 v9, v25;
	v38 =	vor.u32 v53, v29;
	[tilespmem:v35+s22+$0x0] =	vst.idx.msk $0xffff, v55  }
0xbb: {  	v50 =	vor.u32 v24, v30;
	v35 =	vor.u32 v34, v26;
	v39 =	vld.idx.msk [tilespmem:v39+s16+$0x0], $0xffff;
	[tilespmem:v56+s22+$0x0] =	vst.idx.msk $0xffff, v43  }
0xbc: {  	s10 =	sadd.s32 $0x1, s4;
	s4 =	sadd.s32 $0x2, s4;
	v43 =	vor.u32 v12, v19;
	[tilespmem:v45+s22+$0x0] =	vst.idx.msk $0xffff, v40;
	v45 =	vor.u32 v10, v22;
	v40 =	vld.idx.msk [tilespmem:v57+s16+$0x0], $0xffff  }
0xbd: {  	v51 =	vadd.s32 s10, v0  }
0xbe: {  	v51 =	vand.u32 $0x3F, v51  }
0xbf: {  	v52 =	vor.u32 v51, v26;
	_ =	sdelay $0x2  }
0xc0: {  	v26 =	vshll.u32 v34, $0x7  }
0xc1: {  	v53 =	vld.idx.msk [tilespmem:v35+s16+$0x0], $0xffff;
	v35 =	vshll.u32 v51, $0x7;
	v54 =	vor.u32 v0, v26  }
0xc2: {  	v55 =	vor.u32 v34, v28;
	v56 =	vor.u32 v0, v35;
	v52 =	vld.idx.msk [tilespmem:v52+s16+$0x0], $0xffff  }
0xc3: {  	v62 =	vor.u32 v51, v28;
	_ =	sdelay $0x2  }
0xc4: {  	[tilespmem:v54+s22+$0x0] =	vst.idx.msk $0xffff, v53  }
0xc5: {  	v63 =	vor.u32 v9, v26;
	v53 =	vld.idx.msk [tilespmem:v55+s16+$0x0], $0xffff;
	[tilespmem:v56+s22+$0x0] =	vst.idx.msk $0xffff, v52  }
0xc6: {  	v57 =	vor.u32 v9, v35;
	v52 =	vor.u32 v34, v30;
	v28 =	vld.idx.msk [tilespmem:v62+s16+$0x0], $0xffff  }
0xc7: {  	v58 =	vor.u32 v51, v30;
	_ =	sdelay $0x1  }
0xc8: {  	v59 =	vld.idx.msk [tilespmem:v48+s16+$0x0], $0xffff;
	[tilespmem:v49+s22+$0x0] =	vst.idx.msk $0xffff, v47  }
0xc9: {  	v60 =	vor.u32 v21, v33;
	v61 =	vor.u32 v10, v25;
	v49 =	vld.idx.msk [tilespmem:v50+s16+$0x0], $0xffff;
	[tilespmem:v63+s22+$0x0] =	vst.idx.msk $0xffff, v53  }
0xca: {  	v62 =	vor.u32 v24, v33;
	v63 =	vor.u32 v10, v26;
	v52 =	vld.idx.msk [tilespmem:v52+s16+$0x0], $0xffff;
	[tilespmem:v57+s22+$0x0] =	vst.idx.msk $0xffff, v28  }
0xcb: {  	[tilespmem:v46+s22+$0x0] =	vst.idx.msk $0xffff, v42;
	v54 =	vor.u32 v34, v33;
	v55 =	vor.u32 v10, v35;
	v30 =	vld.idx.msk [tilespmem:v58+s16+$0x0], $0xffff  }
0xcc: {  	[tilespmem:v44+s22+$0x0] =	vst.idx.msk $0xffff, v41;
	v56 =	vor.u32 v51, v33  }
0xcd: {  	[tilespmem:v45+s22+$0x0] =	vst.idx.msk $0xffff, v59;
	v57 =	vor.u32 v12, v16  }
0xce: {  	v59 =	vor.u32 v11, v22;
	[tilespmem:v61+s22+$0x0] =	vst.idx.msk $0xffff, v49;
	v58 =	vld.idx.msk [tilespmem:v60+s16+$0x0], $0xffff  }
0xcf: {  	v61 =	vor.u32 v11, v25;
	v28 =	vld.idx.msk [tilespmem:v62+s16+$0x0], $0xffff;
	v60 =	vor.u32 v21, v32;
	[tilespmem:v63+s22+$0x0] =	vst.idx.msk $0xffff, v52  }
0xd0: {  	v62 =	vor.u32 v24, v32;
	v63 =	vor.u32 v11, v26;
	v42 =	vld.idx.msk [tilespmem:v54+s16+$0x0], $0xffff;
	[tilespmem:v55+s22+$0x0] =	vst.idx.msk $0xffff, v30  }
0xd1: {  	v50 =	vor.u32 v34, v32;
	[tilespmem:v43+s22+$0x0] =	vst.idx.msk $0xffff, v39;
	v52 =	vor.u32 v11, v35;
	v33 =	vld.idx.msk [tilespmem:v56+s16+$0x0], $0xffff  }
0xd2: {  	v20 =	vor.u32 v15, v20;
	v37 =	vld.idx.msk [tilespmem:v37+s16+$0x0], $0xffff;
	v53 =	vor.u32 v51, v32;
	[tilespmem:v57+s22+$0x0] =	vst.idx.msk $0xffff, v40  }
0xd3: {  	v23 =	vor.u32 v15, v23;
	v38 =	vld.idx.msk [tilespmem:v38+s16+$0x0], $0xffff;
	[tilespmem:v59+s22+$0x0] =	vst.idx.msk $0xffff, v58  }
0xd4: {  	v54 =	vor.u32 v18, v31;
	[tilespmem:v61+s22+$0x0] =	vst.idx.msk $0xffff, v28;
	v55 =	vld.idx.msk [tilespmem:v60+s16+$0x0], $0xffff;
	v56 =	vor.u32 v12, v22  }
0xd5: {  	v57 =	vor.u32 v21, v31;
	v58 =	vld.idx.msk [tilespmem:v62+s16+$0x0], $0xffff;
	v59 =	vor.u32 v12, v25;
	[tilespmem:v63+s22+$0x0] =	vst.idx.msk $0xffff, v42  }
0xd6: {  	v61 =	vor.u32 v12, v26;
	v60 =	vor.u32 v24, v31;
	v39 =	vld.idx.msk [tilespmem:v50+s16+$0x0], $0xffff;
	[tilespmem:v52+s22+$0x0] =	vst.idx.msk $0xffff, v33  }
0xd7: {  	[tilespmem:v20+s22+$0x0] =	vst.idx.msk $0xffff, v37;
	v62 =	vor.u32 v34, v31;
	v63 =	vor.u32 v12, v35;
	v32 =	vld.idx.msk [tilespmem:v53+s16+$0x0], $0xffff  }
0xd8: {  	v48 =	vor.u32 v13, v19;
	v36 =	vld.idx.msk [tilespmem:v36+s16+$0x0], $0xffff;
	[tilespmem:v23+s22+$0x0] =	vst.idx.msk $0xffff, v38;
	v49 =	vor.u32 v51, v31  }
0xd9: {  	v50 =	vor.u32 v17, v27;
	v52 =	vld.idx.msk [tilespmem:v54+s16+$0x0], $0xffff;
	[tilespmem:v56+s22+$0x0] =	vst.idx.msk $0xffff, v55;
	v53 =	vor.u32 v13, v16  }
0xda: {  	[tilespmem:v59+s22+$0x0] =	vst.idx.msk $0xffff, v58;
	v54 =	vor.u32 v18, v27;
	v55 =	vor.u32 v13, v22;
	v41 =	vld.idx.msk [tilespmem:v57+s16+$0x0], $0xffff  }
0xdb: {  	v56 =	vor.u32 v21, v27;
	v30 =	vld.idx.msk [tilespmem:v60+s16+$0x0], $0xffff;
	v57 =	vor.u32 v13, v25;
	[tilespmem:v61+s22+$0x0] =	vst.idx.msk $0xffff, v39  }
0xdc: {  	v58 =	vor.u32 v24, v27;
	v59 =	vor.u32 v13, v26;
	v20 =	vld.idx.msk [tilespmem:v62+s16+$0x0], $0xffff;
	[tilespmem:v63+s22+$0x0] =	vst.idx.msk $0xffff, v32  }
0xdd: {  	[tilespmem:v48+s22+$0x0] =	vst.idx.msk $0xffff, v36;
	v60 =	vor.u32 v34, v27;
	v61 =	vor.u32 v13, v35;
	v23 =	vld.idx.msk [tilespmem:v49+s16+$0x0], $0xffff  }
0xde: {  	v31 =	vld.idx.msk [tilespmem:v50+s16+$0x0], $0xffff;
	v62 =	vor.u32 v14, v19;
	[tilespmem:v53+s22+$0x0] =	vst.idx.msk $0xffff, v52;
	v63 =	vor.u32 v51, v27  }
0xdf: {  	v46 =	vor.u32 v14, v16;
	v17 =	vor.u32 v17, v29;
	[tilespmem:v55+s22+$0x0] =	vst.idx.msk $0xffff, v41;
	v28 =	vld.idx.msk [tilespmem:v54+s16+$0x0], $0xffff  }
0xe0: {  	v47 =	vor.u32 v18, v29;
	[tilespmem:v57+s22+$0x0] =	vst.idx.msk $0xffff, v30;
	v48 =	vld.idx.msk [tilespmem:v56+s16+$0x0], $0xffff;
	v49 =	vor.u32 v14, v22  }
0xe1: {  	v50 =	vor.u32 v21, v29;
	v52 =	vor.u32 v14, v25;
	v33 =	vld.idx.msk [tilespmem:v58+s16+$0x0], $0xffff;
	[tilespmem:v59+s22+$0x0] =	vst.idx.msk $0xffff, v20  }
0xe2: {  	v53 =	vor.u32 v24, v29;
	v55 =	vor.u32 v14, v26;
	v54 =	vld.idx.msk [tilespmem:v60+s16+$0x0], $0xffff;
	[tilespmem:v61+s22+$0x0] =	vst.idx.msk $0xffff, v23  }
0xe3: {  	v57 =	vor.u32 v14, v35;
	v56 =	vor.u32 v34, v29;
	[tilespmem:v62+s22+$0x0] =	vst.idx.msk $0xffff, v31;
	v27 =	vld.idx.msk [tilespmem:v63+s16+$0x0], $0xffff  }
0xe4: {  	v58 =	vor.u32 v15, v19;
	v59 =	vor.u32 v51, v29;
	v17 =	vld.idx.msk [tilespmem:v17+s16+$0x0], $0xffff;
	[tilespmem:v46+s22+$0x0] =	vst.idx.msk $0xffff, v28  }
0xe5: {  	v16 =	vor.u32 v15, v16;
	[tilespmem:v49+s22+$0x0] =	vst.idx.msk $0xffff, v48;
	v18 =	vld.idx.msk [tilespmem:v47+s16+$0x0], $0xffff  }
0xe6: {  	v60 =	vor.u32 v15, v22;
	[tilespmem:v52+s22+$0x0] =	vst.idx.msk $0xffff, v33;
	v21 =	vld.idx.msk [tilespmem:v50+s16+$0x0], $0xffff  }
0xe7: {  	v61 =	vor.u32 v15, v25;
	v20 =	vld.idx.msk [tilespmem:v53+s16+$0x0], $0xffff;
	[tilespmem:v55+s22+$0x0] =	vst.idx.msk $0xffff, v54  }
0xe8: {  	v62 =	vor.u32 v15, v26;
	v23 =	vld.idx.msk [tilespmem:v56+s16+$0x0], $0xffff;
	[tilespmem:v57+s22+$0x0] =	vst.idx.msk $0xffff, v27  }
0xe9: {  	v63 =	vor.u32 v15, v35;
	[tilespmem:v58+s22+$0x0] =	vst.idx.msk $0xffff, v17;
	v17 =	vld.idx.msk [tilespmem:v59+s16+$0x0], $0xffff  }
0xea: {  	[tilespmem:v16+s22+$0x0] =	vst.idx.msk $0xffff, v18  }
0xeb: {  	s4 =	sadd.s32 s3, s19;
	[tilespmem:v60+s22+$0x0] =	vst.idx.msk $0xffff, v21  }
0xec: {  	s4 =	sshll.u32 s4, $0x7;
	[tilespmem:v61+s22+$0x0] =	vst.idx.msk $0xffff, v20  }
0xed: {  	s4 =	sand.u32 $0x1FFFFF80, s4;
	[tilespmem:v62+s22+$0x0] =	vst.idx.msk $0xffff, v23  }
0xee: {  	s4 =	sadd.s32 s2, s4;
	[tilespmem:v63+s22+$0x0] =	vst.idx.msk $0xffff, v17  }
0xef: {  	[hbm4b:s4+s23] =	stream.strided.scatter [tilespmem:s22], [sflag:$0x4], $0x2000, s24, s23, $0x38;
	[tilespmem:$0x13F00] =	vst v63  }
0xf0: {  	s4 =	sadd.s32 $0x3, s19  }
0xf1: {  	p2 =	sge.u32 s4, s6  }
0xf2: {  	s4 =	sadd.s32 @!p2 s7, s4  }
0xf3: {  	s4 =	sshll.u32 @!p2 s4, $0x9  }
0xf4: {  	s4 =	sshra.s32 @!p2 s4, $0x2  }
0xf5: {  	v16 =	vld @!p2 [tilespmem:s4+$0x0];
	_ =	sdelay $0x4  }
0xf6: {  	v16 =	vshra.s32 @!p2 v16, $0x1  }
0xf7: {  	[tilespmem:$0xC80] =	vst @!p2 v16  }
0xf8: {  	v16 =	vld @!p2 [tilespmem:s4+$0x10];
	_ =	sdelay $0x4  }
0xf9: {  	v16 =	vshra.s32 @!p2 v16, $0x1  }
0xfa: {  	[tilespmem:$0xC90] =	vst @!p2 v16  }
0xfb: {  	v16 =	vld @!p2 [tilespmem:s4+$0x20];
	_ =	sdelay $0x4  }
0xfc: {  	v16 =	vshra.s32 @!p2 v16, $0x1  }
0xfd: {  	[tilespmem:$0xCA0] =	vst @!p2 v16  }
0xfe: {  	v16 =	vld @!p2 [tilespmem:s4+$0x30];
	_ =	sdelay $0x4  }
0xff: {  	v16 =	vshra.s32 @!p2 v16, $0x1  }
0x100: {  	[tilespmem:$0xCB0] =	vst @!p2 v16  }
0x101: {  	v16 =	vld @!p2 [tilespmem:s4+$0x40];
	_ =	sdelay $0x4  }
0x102: {  	v16 =	vshra.s32 @!p2 v16, $0x1  }
0x103: {  	[tilespmem:$0xCC0] =	vst @!p2 v16  }
0x104: {  	v16 =	vld @!p2 [tilespmem:s4+$0x50];
	_ =	sdelay $0x4  }
0x105: {  	v16 =	vshra.s32 @!p2 v16, $0x1  }
0x106: {  	[tilespmem:$0xCD0] =	vst @!p2 v16  }
0x107: {  	v16 =	vld @!p2 [tilespmem:s4+$0x60];
	_ =	sdelay $0x4  }
0x108: {  	v16 =	vshra.s32 @!p2 v16, $0x1  }
0x109: {  	[tilespmem:$0xCE0] =	vst @!p2 v16  }
0x10a: {  	v16 =	vld @!p2 [tilespmem:s4+$0x70];
	_ =	sdelay $0x4  }
0x10b: {  	v16 =	vshra.s32 @!p2 v16, $0x1  }
0x10c: {  	s10 =	simm.s32 @!p2 $0xC80;
	s11 =	simm.s32 @!p2 $0xE00;
	s4 =	simm.s32 @!p2 $0x80;
	[tilespmem:$0xCF0] =	vst @!p2 v16  }
0x10d: {  	[tilespmem:s11], [sflag:$0x1] =	stream.indirect.gather @!p2 [hbm4b:s5+s4], $0x80, s10, s4, $0xb8;
	[tilespmem:$0x13F00] =	vst v63  }
.LBB2_6:
0x10e: {  	s4 =	sor.u32 $0x1, s19  }
0x10f: {  	p2 =	sge.u32 s4, s6  }
.Ltmp6:
0x110: {  	_ = 	snop;
	(pc) =	sbr.rel @p2 .LBB2_10-.Ltmp6, $1  }
0x111: {  	_ =	sdelay $0x3  }
0x112: {  	_ =	swait.ge [sflag:s25], $0x4000  }
0x113: {  	[sflag:s25] =	ssyncset.done $0x0  }
0x114: {  	s10 =	simm.s32 @!p1 $0x5;
	[sflag:s25] =	ssyncadd.s32 $0xFFFFC000  }
0x115: {  	s11 =	sadd.s32 s7, s4;
	_ =	swait.ge @!p1 [sflag:s10], $0x2000  }
0x116: {  	s11 =	sshll.u32 s11, $0x9;
	[sflag:s10] =	ssyncset.done @!p1 $0x0  }
0x117: {  	[sflag:s10] =	ssyncadd.s32 @!p1 $0xFFFFE000;
	s10 =	sshra.s32 s11, $0x2  }
0x118: {  	v16 =	vld [tilespmem:s10+$0x0];
	_ =	sdelay $0x4  }
0x119: {  	s11 =	simm.s32 $0x0;
	v16 =	vshll.u32 v16, $0x6  }
0x11a: {  	v17 =	vld [tilespmem:s10+$0x10];
	v18 =	vadd.s32 s11, v0;
	v16 =	vand.u32 $0x40, v16  }
0x11b: {  	s11 =	simm.s32 $0x1;
	v34 =	vand.u32 $0x3F, v18;
	v26 =	vor.u32 v1, v16  }
0x11c: {  	v16 =	vadd.s32 s11, v0;
	v18 =	vor.u32 v34, v26  }
0x11d: {  	v35 =	vand.u32 $0x3F, v16  }
0x11e: {  	v16 =	vor.u32 v35, v26  }
0x11f: {  	v19 =	vld [tilespmem:s10+$0x20];
	v17 =	vshll.u32 v17, $0x6  }
0x120: {  	v21 =	vld [tilespmem:s10+$0x30];
	v20 =	vshll.u32 v34, $0x7;
	v17 =	vand.u32 $0x40, v17  }
0x121: {  	v28 =	vor.u32 v2, v17;
	v17 =	vld.idx.msk [tilespmem:v18+s18+$0x0], $0xffff;
	v18 =	vor.u32 v0, v20  }
0x122: {  	v22 =	vld [tilespmem:s10+$0x40];
	v24 =	vor.u32 v34, v28;
	v23 =	vshll.u32 v35, $0x7  }
0x123: {  	v25 =	vor.u32 v0, v23;
	v16 =	vld.idx.msk [tilespmem:v16+s18+$0x0], $0xffff  }
0x124: {  	v27 =	vld [tilespmem:s10+$0x50];
	v29 =	vor.u32 v35, v28  }
0x125: {  	v31 =	vld [tilespmem:s10+$0x60];
	v19 =	vshll.u32 v19, $0x6  }
0x126: {  	v36 =	vld [tilespmem:s10+$0x70];
	v19 =	vand.u32 $0x40, v19;
	[tilespmem:v18+s26+$0x0] =	vst.idx.msk $0xffff, v17  }
0x127: {  	v30 =	vor.u32 v3, v19;
	v19 =	vld.idx.msk [tilespmem:v24+s18+$0x0], $0xffff;
	v24 =	vor.u32 v9, v20  }
0x128: {  	s11 =	simm.s32 $0x2;
	[tilespmem:v25+s26+$0x0] =	vst.idx.msk $0xffff, v16;
	v16 =	vor.u32 v34, v30  }
0x129: {  	v17 =	vadd.s32 s11, v0;
	s11 =	simm.s32 $0x3;
	v25 =	vld.idx.msk [tilespmem:v29+s18+$0x0], $0xffff;
	v29 =	vor.u32 v9, v23  }
0x12a: {  	v32 =	vor.u32 v35, v30;
	v17 =	vand.u32 $0x3F, v17;
	v18 =	vadd.s32 s11, v0  }
0x12b: {  	v21 =	vshll.u32 v21, $0x6;
	v37 =	vor.u32 v17, v26;
	v18 =	vand.u32 $0x3F, v18  }
0x12c: {  	v22 =	vshll.u32 v22, $0x6;
	v21 =	vand.u32 $0x40, v21;
	[tilespmem:v24+s26+$0x0] =	vst.idx.msk $0xffff, v19;
	v24 =	vor.u32 v18, v26  }
0x12d: {  	v27 =	vshll.u32 v27, $0x6;
	v33 =	vor.u32 v4, v21;
	v21 =	vor.u32 v10, v20;
	v38 =	vld.idx.msk [tilespmem:v16+s18+$0x0], $0xffff  }
0x12e: {  	v31 =	vshll.u32 v31, $0x6;
	v27 =	vand.u32 $0x40, v27;
	[tilespmem:v29+s26+$0x0] =	vst.idx.msk $0xffff, v25;
	v25 =	vor.u32 v34, v33  }
0x12f: {  	v50 =	vand.u32 $0x40, v31;
	v39 =	vor.u32 v10, v23;
	v19 =	vshll.u32 v17, $0x7;
	v29 =	vld.idx.msk [tilespmem:v32+s18+$0x0], $0xffff  }
0x130: {  	v40 =	vor.u32 v35, v33;
	v37 =	vld.idx.msk [tilespmem:v37+s18+$0x0], $0xffff;
	v41 =	vor.u32 v0, v19;
	v16 =	vshll.u32 v18, $0x7  }
0x131: {  	v31 =	vor.u32 v6, v27;
	v42 =	vor.u32 v17, v28;
	v43 =	vor.u32 v0, v16;
	v24 =	vld.idx.msk [tilespmem:v24+s18+$0x0], $0xffff  }
0x132: {  	v22 =	vand.u32 $0x40, v22;
	v27 =	vor.u32 v7, v50;
	[tilespmem:v21+s26+$0x0] =	vst.idx.msk $0xffff, v38;
	v21 =	vor.u32 v18, v28  }
0x133: {  	v53 =	vor.u32 v34, v31;
	v32 =	vor.u32 v5, v22;
	v22 =	vld.idx.msk [tilespmem:v25+s18+$0x0], $0xffff;
	v25 =	vor.u32 v11, v20  }
0x134: {  	v36 =	vshll.u32 v36, $0x6;
	v50 =	vor.u32 v34, v27;
	v54 =	vor.u32 v35, v31;
	[tilespmem:v39+s26+$0x0] =	vst.idx.msk $0xffff, v29  }
0x135: {  	v48 =	vor.u32 v11, v23;
	v63 =	vor.u32 v34, v32;
	[tilespmem:v41+s26+$0x0] =	vst.idx.msk $0xffff, v37;
	v29 =	vld.idx.msk [tilespmem:v40+s18+$0x0], $0xffff  }
0x136: {  	s11 =	simm.s32 $0x4;
	v51 =	vor.u32 v9, v19;
	v49 =	vor.u32 v35, v32;
	v41 =	vld.idx.msk [tilespmem:v42+s18+$0x0], $0xffff;
	[tilespmem:v43+s26+$0x0] =	vst.idx.msk $0xffff, v24  }
0x137: {  	v52 =	vor.u32 v17, v30;
	v45 =	vor.u32 v9, v16;
	v24 =	vadd.s32 s11, v0;
	s11 =	simm.s32 $0x5;
	v44 =	vld.idx.msk [tilespmem:v21+s18+$0x0], $0xffff  }
0x138: {  	v21 =	vand.u32 $0x3F, v24;
	v24 =	vadd.s32 s11, v0;
	[tilespmem:v25+s26+$0x0] =	vst.idx.msk $0xffff, v22;
	v22 =	vor.u32 v18, v30  }
0x139: {  	v46 =	vor.u32 v12, v23;
	v25 =	vor.u32 v21, v26;
	v24 =	vand.u32 $0x3F, v24  }
0x13a: {  	v38 =	vld.idx.msk [tilespmem:v63+s18+$0x0], $0xffff;
	[tilespmem:v48+s26+$0x0] =	vst.idx.msk $0xffff, v29;
	v29 =	vor.u32 v12, v20;
	v56 =	vor.u32 v24, v26  }
0x13b: {  	v57 =	vor.u32 v17, v33;
	v55 =	vor.u32 v10, v19;
	[tilespmem:v51+s26+$0x0] =	vst.idx.msk $0xffff, v41;
	v37 =	vld.idx.msk [tilespmem:v49+s18+$0x0], $0xffff  }
0x13c: {  	v47 =	vor.u32 v10, v16;
	v43 =	vor.u32 v12, v19;
	v42 =	vld.idx.msk [tilespmem:v52+s18+$0x0], $0xffff;
	[tilespmem:v45+s26+$0x0] =	vst.idx.msk $0xffff, v44  }
0x13d: {  	v59 =	vor.u32 v21, v28;
	v51 =	vor.u32 v13, v23;
	v45 =	vld.idx.msk [tilespmem:v22+s18+$0x0], $0xffff;
	v22 =	vshll.u32 v21, $0x7  }
0x13e: {  	s11 =	simm.s32 $0x6;
	v49 =	vor.u32 v18, v33;
	v48 =	vld.idx.msk [tilespmem:v25+s18+$0x0], $0xffff;
	v25 =	vshll.u32 v24, $0x7;
	v58 =	vor.u32 v0, v22  }
0x13f: {  	v36 =	vand.u32 $0x40, v36;
	v62 =	vadd.s32 s11, v0;
	[tilespmem:v29+s26+$0x0] =	vst.idx.msk $0xffff, v38;
	v41 =	vld.idx.msk [tilespmem:v56+s18+$0x0], $0xffff;
	v60 =	vor.u32 v0, v25  }
0x140: {  	v61 =	vor.u32 v24, v28;
	v39 =	vld.idx.msk [tilespmem:v53+s18+$0x0], $0xffff;
	[tilespmem:v46+s26+$0x0] =	vst.idx.msk $0xffff, v37;
	v46 =	vor.u32 v13, v20  }
0x141: {  	v52 =	vor.u32 v35, v27;
	v63 =	vor.u32 v11, v19;
	[tilespmem:v55+s26+$0x0] =	vst.idx.msk $0xffff, v42;
	v40 =	vld.idx.msk [tilespmem:v54+s18+$0x0], $0xffff  }
0x142: {  	v44 =	vor.u32 v14, v23;
	v29 =	vor.u32 v8, v36;
	v53 =	vld.idx.msk [tilespmem:v57+s18+$0x0], $0xffff;
	[tilespmem:v47+s26+$0x0] =	vst.idx.msk $0xffff, v45  }
0x143: {  	v56 =	vor.u32 v17, v32;
	v57 =	vor.u32 v11, v16;
	[tilespmem:v58+s26+$0x0] =	vst.idx.msk $0xffff, v48;
	v54 =	vld.idx.msk [tilespmem:v49+s18+$0x0], $0xffff  }
0x144: {  	v58 =	vor.u32 v9, v22;
	[tilespmem:v60+s26+$0x0] =	vst.idx.msk $0xffff, v41;
	v55 =	vld.idx.msk [tilespmem:v59+s18+$0x0], $0xffff;
	v59 =	vor.u32 v18, v32  }
0x145: {  	v36 =	vor.u32 v17, v31;
	v48 =	vor.u32 v21, v30;
	[tilespmem:v46+s26+$0x0] =	vst.idx.msk $0xffff, v39;
	v47 =	vld.idx.msk [tilespmem:v61+s18+$0x0], $0xffff  }
0x146: {  	v37 =	vor.u32 v34, v29;
	v46 =	vor.u32 v14, v20;
	v42 =	vld.idx.msk [tilespmem:v50+s18+$0x0], $0xffff;
	[tilespmem:v51+s26+$0x0] =	vst.idx.msk $0xffff, v40  }
0x147: {  	v34 =	vand.u32 $0x3F, v62;
	v38 =	vor.u32 v35, v29;
	[tilespmem:v63+s26+$0x0] =	vst.idx.msk $0xffff, v53;
	v41 =	vld.idx.msk [tilespmem:v52+s18+$0x0], $0xffff  }
0x148: {  	v35 =	vor.u32 v34, v26;
	v49 =	vor.u32 v9, v25;
	v39 =	vld.idx.msk [tilespmem:v56+s18+$0x0], $0xffff;
	[tilespmem:v57+s26+$0x0] =	vst.idx.msk $0xffff, v54  }
0x149: {  	s10 =	simm.s32 $0x8;
	s11 =	simm.s32 $0x7;
	v45 =	vor.u32 v10, v22;
	v50 =	vor.u32 v24, v30;
	[tilespmem:v58+s26+$0x0] =	vst.idx.msk $0xffff, v55;
	v40 =	vld.idx.msk [tilespmem:v59+s18+$0x0], $0xffff  }
.LBB2_8:
0x14a: {  	v51 =	vadd.s32 s11, v0;
	v48 =	vld.idx.msk [tilespmem:v48+s18+$0x0], $0xffff;
	v52 =	vor.u32 v12, v16  }
0x14b: {  	p1 =	slt.u32 s10, $0x3E;
	[tilespmem:v46+s26+$0x0] =	vst.idx.msk $0xffff, v42;
	v53 =	vmovc v18;
	v18 =	vmovc v24;
	v54 =	vmov v17;
	v17 =	vmov v21;
	v21 =	vmov v34  }
0x14c: {  	v24 =	vand.u32 $0x3F, v51;
	v34 =	vor.u32 v53, v31;
	v37 =	vld.idx.msk [tilespmem:v37+s18+$0x0], $0xffff;
	[tilespmem:v44+s26+$0x0] =	vst.idx.msk $0xffff, v41  }
0x14d: {  	v42 =	vor.u32 v15, v20;
	v41 =	vor.u32 v24, v26;
	[tilespmem:v49+s26+$0x0] =	vst.idx.msk $0xffff, v47;
	v38 =	vld.idx.msk [tilespmem:v38+s18+$0x0], $0xffff  }
0x14e: {  	v23 =	vor.u32 v15, v23;
	v44 =	vor.u32 v17, v33;
	v47 =	vor.u32 v54, v27;
	v46 =	vld.idx.msk [tilespmem:v50+s18+$0x0], $0xffff  }
0x14f: {  	v20 =	vmov v19;
	v49 =	vshll.u32 v21, $0x7;
	v50 =	vor.u32 v10, v25;
	v35 =	vld.idx.msk [tilespmem:v35+s18+$0x0], $0xffff;
	[tilespmem:v43+s26+$0x0] =	vst.idx.msk $0xffff, v39  }
0x150: {  	v39 =	vor.u32 v0, v49;
	v43 =	vor.u32 v18, v33;
	v36 =	vld.idx.msk [tilespmem:v36+s18+$0x0], $0xffff;
	[tilespmem:v52+s26+$0x0] =	vst.idx.msk $0xffff, v40  }
0x151: {  	v40 =	vor.u32 v21, v28;
	[tilespmem:v45+s26+$0x0] =	vst.idx.msk $0xffff, v48;
	v45 =	vor.u32 v13, v20;
	v34 =	vld.idx.msk [tilespmem:v34+s18+$0x0], $0xffff  }
0x152: {  	v19 =	vmov v22;
	v51 =	vor.u32 v13, v16;
	v48 =	vshll.u32 v24, $0x7;
	v41 =	vld.idx.msk [tilespmem:v41+s18+$0x0], $0xffff;
	[tilespmem:v42+s26+$0x0] =	vst.idx.msk $0xffff, v37  }
0x153: {  	v22 =	vmov v49;
	v52 =	vor.u32 v53, v27;
	v37 =	vor.u32 v0, v48;
	[tilespmem:v23+s26+$0x0] =	vst.idx.msk $0xffff, v38  }
0x154: {  	v38 =	vor.u32 v24, v28;
	v23 =	vmov v16;
	v16 =	vmov v25;
	v55 =	vld.idx.msk [tilespmem:v44+s18+$0x0], $0xffff;
	[tilespmem:v50+s26+$0x0] =	vst.idx.msk $0xffff, v46  }
0x155: {  	v49 =	vadd.s32 s10, v0;
	v25 =	vmov v48;
	[tilespmem:v39+s26+$0x0] =	vst.idx.msk $0xffff, v35;
	v35 =	vor.u32 v11, v19;
	v43 =	vld.idx.msk [tilespmem:v43+s18+$0x0], $0xffff  }
0x156: {  	v56 =	vor.u32 v11, v16;
	v39 =	vor.u32 v17, v32;
	v40 =	vld.idx.msk [tilespmem:v40+s18+$0x0], $0xffff;
	[tilespmem:v45+s26+$0x0] =	vst.idx.msk $0xffff, v36  }
0x157: {  	v57 =	vor.u32 v18, v32;
	v45 =	vor.u32 v9, v22;
	v42 =	vld.idx.msk [tilespmem:v47+s18+$0x0], $0xffff;
	[tilespmem:v51+s26+$0x0] =	vst.idx.msk $0xffff, v34  }
.Ltmp7:
0x158: {  	v48 =	vor.u32 v21, v30;
	v46 =	vor.u32 v14, v20;
	[tilespmem:v37+s26+$0x0] =	vst.idx.msk $0xffff, v41;
	v41 =	vld.idx.msk [tilespmem:v52+s18+$0x0], $0xffff;
	(pc) =	sbr.rel @p1 .LBB2_8-.Ltmp7, $4  }
0x159: {  	v44 =	vor.u32 v14, v23;
	v36 =	vor.u32 v17, v31;
	v37 =	vor.u32 v54, v29;
	v47 =	vld.idx.msk [tilespmem:v38+s18+$0x0], $0xffff  }
0x15a: {  	v34 =	vand.u32 $0x3F, v49;
	v49 =	vor.u32 v9, v25;
	v38 =	vor.u32 v53, v29;
	[tilespmem:v35+s26+$0x0] =	vst.idx.msk $0xffff, v55  }
0x15b: {  	v50 =	vor.u32 v24, v30;
	v35 =	vor.u32 v34, v26;
	v39 =	vld.idx.msk [tilespmem:v39+s18+$0x0], $0xffff;
	[tilespmem:v56+s26+$0x0] =	vst.idx.msk $0xffff, v43  }
0x15c: {  	s11 =	sadd.s32 $0x1, s10;
	s10 =	sadd.s32 $0x2, s10;
	v43 =	vor.u32 v12, v19;
	[tilespmem:v45+s26+$0x0] =	vst.idx.msk $0xffff, v40;
	v45 =	vor.u32 v10, v22;
	v40 =	vld.idx.msk [tilespmem:v57+s18+$0x0], $0xffff  }
0x15d: {  	v51 =	vadd.s32 s11, v0  }
0x15e: {  	v51 =	vand.u32 $0x3F, v51  }
0x15f: {  	v52 =	vor.u32 v51, v26;
	_ =	sdelay $0x2  }
0x160: {  	v26 =	vshll.u32 v34, $0x7  }
0x161: {  	v53 =	vld.idx.msk [tilespmem:v35+s18+$0x0], $0xffff;
	v35 =	vshll.u32 v51, $0x7;
	v54 =	vor.u32 v0, v26  }
0x162: {  	v55 =	vor.u32 v34, v28;
	v56 =	vor.u32 v0, v35;
	v52 =	vld.idx.msk [tilespmem:v52+s18+$0x0], $0xffff  }
0x163: {  	v62 =	vor.u32 v51, v28;
	_ =	sdelay $0x2  }
0x164: {  	[tilespmem:v54+s26+$0x0] =	vst.idx.msk $0xffff, v53  }
0x165: {  	v63 =	vor.u32 v9, v26;
	v53 =	vld.idx.msk [tilespmem:v55+s18+$0x0], $0xffff;
	[tilespmem:v56+s26+$0x0] =	vst.idx.msk $0xffff, v52  }
0x166: {  	v57 =	vor.u32 v9, v35;
	v52 =	vor.u32 v34, v30;
	v28 =	vld.idx.msk [tilespmem:v62+s18+$0x0], $0xffff  }
0x167: {  	v58 =	vor.u32 v51, v30;
	_ =	sdelay $0x1  }
0x168: {  	v59 =	vld.idx.msk [tilespmem:v48+s18+$0x0], $0xffff;
	[tilespmem:v49+s26+$0x0] =	vst.idx.msk $0xffff, v47  }
0x169: {  	v60 =	vor.u32 v21, v33;
	v61 =	vor.u32 v10, v25;
	v49 =	vld.idx.msk [tilespmem:v50+s18+$0x0], $0xffff;
	[tilespmem:v63+s26+$0x0] =	vst.idx.msk $0xffff, v53  }
0x16a: {  	v62 =	vor.u32 v24, v33;
	v63 =	vor.u32 v10, v26;
	v52 =	vld.idx.msk [tilespmem:v52+s18+$0x0], $0xffff;
	[tilespmem:v57+s26+$0x0] =	vst.idx.msk $0xffff, v28  }
0x16b: {  	[tilespmem:v46+s26+$0x0] =	vst.idx.msk $0xffff, v42;
	v54 =	vor.u32 v34, v33;
	v55 =	vor.u32 v10, v35;
	v30 =	vld.idx.msk [tilespmem:v58+s18+$0x0], $0xffff  }
0x16c: {  	[tilespmem:v44+s26+$0x0] =	vst.idx.msk $0xffff, v41;
	v56 =	vor.u32 v51, v33  }
0x16d: {  	[tilespmem:v45+s26+$0x0] =	vst.idx.msk $0xffff, v59;
	v57 =	vor.u32 v12, v16  }
0x16e: {  	v59 =	vor.u32 v11, v22;
	[tilespmem:v61+s26+$0x0] =	vst.idx.msk $0xffff, v49;
	v58 =	vld.idx.msk [tilespmem:v60+s18+$0x0], $0xffff  }
0x16f: {  	v61 =	vor.u32 v11, v25;
	v28 =	vld.idx.msk [tilespmem:v62+s18+$0x0], $0xffff;
	v60 =	vor.u32 v21, v32;
	[tilespmem:v63+s26+$0x0] =	vst.idx.msk $0xffff, v52  }
0x170: {  	v62 =	vor.u32 v24, v32;
	v63 =	vor.u32 v11, v26;
	v42 =	vld.idx.msk [tilespmem:v54+s18+$0x0], $0xffff;
	[tilespmem:v55+s26+$0x0] =	vst.idx.msk $0xffff, v30  }
0x171: {  	v50 =	vor.u32 v34, v32;
	[tilespmem:v43+s26+$0x0] =	vst.idx.msk $0xffff, v39;
	v52 =	vor.u32 v11, v35;
	v33 =	vld.idx.msk [tilespmem:v56+s18+$0x0], $0xffff  }
0x172: {  	v20 =	vor.u32 v15, v20;
	v37 =	vld.idx.msk [tilespmem:v37+s18+$0x0], $0xffff;
	v53 =	vor.u32 v51, v32;
	[tilespmem:v57+s26+$0x0] =	vst.idx.msk $0xffff, v40  }
0x173: {  	v23 =	vor.u32 v15, v23;
	v38 =	vld.idx.msk [tilespmem:v38+s18+$0x0], $0xffff;
	[tilespmem:v59+s26+$0x0] =	vst.idx.msk $0xffff, v58  }
0x174: {  	v54 =	vor.u32 v18, v31;
	[tilespmem:v61+s26+$0x0] =	vst.idx.msk $0xffff, v28;
	v55 =	vld.idx.msk [tilespmem:v60+s18+$0x0], $0xffff;
	v56 =	vor.u32 v12, v22  }
0x175: {  	v57 =	vor.u32 v21, v31;
	v58 =	vld.idx.msk [tilespmem:v62+s18+$0x0], $0xffff;
	v59 =	vor.u32 v12, v25;
	[tilespmem:v63+s26+$0x0] =	vst.idx.msk $0xffff, v42  }
0x176: {  	v61 =	vor.u32 v12, v26;
	v60 =	vor.u32 v24, v31;
	v39 =	vld.idx.msk [tilespmem:v50+s18+$0x0], $0xffff;
	[tilespmem:v52+s26+$0x0] =	vst.idx.msk $0xffff, v33  }
0x177: {  	[tilespmem:v20+s26+$0x0] =	vst.idx.msk $0xffff, v37;
	v62 =	vor.u32 v34, v31;
	v63 =	vor.u32 v12, v35;
	v32 =	vld.idx.msk [tilespmem:v53+s18+$0x0], $0xffff  }
0x178: {  	v48 =	vor.u32 v13, v19;
	v36 =	vld.idx.msk [tilespmem:v36+s18+$0x0], $0xffff;
	[tilespmem:v23+s26+$0x0] =	vst.idx.msk $0xffff, v38;
	v49 =	vor.u32 v51, v31  }
0x179: {  	v50 =	vor.u32 v17, v27;
	v52 =	vld.idx.msk [tilespmem:v54+s18+$0x0], $0xffff;
	[tilespmem:v56+s26+$0x0] =	vst.idx.msk $0xffff, v55;
	v53 =	vor.u32 v13, v16  }
0x17a: {  	[tilespmem:v59+s26+$0x0] =	vst.idx.msk $0xffff, v58;
	v54 =	vor.u32 v18, v27;
	v55 =	vor.u32 v13, v22;
	v41 =	vld.idx.msk [tilespmem:v57+s18+$0x0], $0xffff  }
0x17b: {  	v56 =	vor.u32 v21, v27;
	v30 =	vld.idx.msk [tilespmem:v60+s18+$0x0], $0xffff;
	v57 =	vor.u32 v13, v25;
	[tilespmem:v61+s26+$0x0] =	vst.idx.msk $0xffff, v39  }
0x17c: {  	v58 =	vor.u32 v24, v27;
	v59 =	vor.u32 v13, v26;
	v20 =	vld.idx.msk [tilespmem:v62+s18+$0x0], $0xffff;
	[tilespmem:v63+s26+$0x0] =	vst.idx.msk $0xffff, v32  }
0x17d: {  	[tilespmem:v48+s26+$0x0] =	vst.idx.msk $0xffff, v36;
	v60 =	vor.u32 v34, v27;
	v61 =	vor.u32 v13, v35;
	v23 =	vld.idx.msk [tilespmem:v49+s18+$0x0], $0xffff  }
0x17e: {  	v31 =	vld.idx.msk [tilespmem:v50+s18+$0x0], $0xffff;
	v62 =	vor.u32 v14, v19;
	[tilespmem:v53+s26+$0x0] =	vst.idx.msk $0xffff, v52;
	v63 =	vor.u32 v51, v27  }
0x17f: {  	v46 =	vor.u32 v14, v16;
	v17 =	vor.u32 v17, v29;
	[tilespmem:v55+s26+$0x0] =	vst.idx.msk $0xffff, v41;
	v28 =	vld.idx.msk [tilespmem:v54+s18+$0x0], $0xffff  }
0x180: {  	v47 =	vor.u32 v18, v29;
	[tilespmem:v57+s26+$0x0] =	vst.idx.msk $0xffff, v30;
	v48 =	vld.idx.msk [tilespmem:v56+s18+$0x0], $0xffff;
	v49 =	vor.u32 v14, v22  }
0x181: {  	v50 =	vor.u32 v21, v29;
	v52 =	vor.u32 v14, v25;
	v33 =	vld.idx.msk [tilespmem:v58+s18+$0x0], $0xffff;
	[tilespmem:v59+s26+$0x0] =	vst.idx.msk $0xffff, v20  }
0x182: {  	v53 =	vor.u32 v24, v29;
	v55 =	vor.u32 v14, v26;
	v54 =	vld.idx.msk [tilespmem:v60+s18+$0x0], $0xffff;
	[tilespmem:v61+s26+$0x0] =	vst.idx.msk $0xffff, v23  }
0x183: {  	v57 =	vor.u32 v14, v35;
	v56 =	vor.u32 v34, v29;
	[tilespmem:v62+s26+$0x0] =	vst.idx.msk $0xffff, v31;
	v27 =	vld.idx.msk [tilespmem:v63+s18+$0x0], $0xffff  }
0x184: {  	v58 =	vor.u32 v15, v19;
	v59 =	vor.u32 v51, v29;
	v17 =	vld.idx.msk [tilespmem:v17+s18+$0x0], $0xffff;
	[tilespmem:v46+s26+$0x0] =	vst.idx.msk $0xffff, v28  }
0x185: {  	v16 =	vor.u32 v15, v16;
	[tilespmem:v49+s26+$0x0] =	vst.idx.msk $0xffff, v48;
	v18 =	vld.idx.msk [tilespmem:v47+s18+$0x0], $0xffff  }
0x186: {  	v60 =	vor.u32 v15, v22;
	[tilespmem:v52+s26+$0x0] =	vst.idx.msk $0xffff, v33;
	v21 =	vld.idx.msk [tilespmem:v50+s18+$0x0], $0xffff  }
0x187: {  	v61 =	vor.u32 v15, v25;
	v20 =	vld.idx.msk [tilespmem:v53+s18+$0x0], $0xffff;
	[tilespmem:v55+s26+$0x0] =	vst.idx.msk $0xffff, v54  }
0x188: {  	v62 =	vor.u32 v15, v26;
	v23 =	vld.idx.msk [tilespmem:v56+s18+$0x0], $0xffff;
	[tilespmem:v57+s26+$0x0] =	vst.idx.msk $0xffff, v27  }
0x189: {  	v63 =	vor.u32 v15, v35;
	[tilespmem:v58+s26+$0x0] =	vst.idx.msk $0xffff, v17;
	v17 =	vld.idx.msk [tilespmem:v59+s18+$0x0], $0xffff  }
0x18a: {  	[tilespmem:v16+s26+$0x0] =	vst.idx.msk $0xffff, v18  }
0x18b: {  	s4 =	sadd.s32 s3, s4;
	[tilespmem:v60+s26+$0x0] =	vst.idx.msk $0xffff, v21  }
0x18c: {  	s4 =	sshll.u32 s4, $0x7;
	[tilespmem:v61+s26+$0x0] =	vst.idx.msk $0xffff, v20  }
0x18d: {  	s4 =	sand.u32 $0x1FFFFF80, s4;
	[tilespmem:v62+s26+$0x0] =	vst.idx.msk $0xffff, v23  }
0x18e: {  	s4 =	sadd.s32 s2, s4;
	[tilespmem:v63+s26+$0x0] =	vst.idx.msk $0xffff, v17  }
0x18f: {  	[hbm4b:s4+s23] =	stream.strided.scatter [tilespmem:s26], [sflag:$0x5], $0x2000, s24, s23, $0x38;
	[tilespmem:$0x13F00] =	vst v63  }
0x190: {  	s4 =	sadd.s32 $0x4, s19  }
0x191: {  	p1 =	sge.u32 s4, s6  }
0x192: {  	s4 =	sadd.s32 @!p1 s7, s4  }
0x193: {  	s4 =	sshll.u32 @!p1 s4, $0x9  }
0x194: {  	s4 =	sshra.s32 @!p1 s4, $0x2  }
0x195: {  	v16 =	vld @!p1 [tilespmem:s4+$0x0];
	_ =	sdelay $0x4  }
0x196: {  	v16 =	vshra.s32 @!p1 v16, $0x1  }
0x197: {  	[tilespmem:$0xD00] =	vst @!p1 v16  }
0x198: {  	v16 =	vld @!p1 [tilespmem:s4+$0x10];
	_ =	sdelay $0x4  }
0x199: {  	v16 =	vshra.s32 @!p1 v16, $0x1  }
0x19a: {  	[tilespmem:$0xD10] =	vst @!p1 v16  }
0x19b: {  	v16 =	vld @!p1 [tilespmem:s4+$0x20];
	_ =	sdelay $0x4  }
0x19c: {  	v16 =	vshra.s32 @!p1 v16, $0x1  }
0x19d: {  	[tilespmem:$0xD20] =	vst @!p1 v16  }
0x19e: {  	v16 =	vld @!p1 [tilespmem:s4+$0x30];
	_ =	sdelay $0x4  }
0x19f: {  	v16 =	vshra.s32 @!p1 v16, $0x1  }
0x1a0: {  	[tilespmem:$0xD30] =	vst @!p1 v16  }
0x1a1: {  	v16 =	vld @!p1 [tilespmem:s4+$0x40];
	_ =	sdelay $0x4  }
0x1a2: {  	v16 =	vshra.s32 @!p1 v16, $0x1  }
0x1a3: {  	[tilespmem:$0xD40] =	vst @!p1 v16  }
0x1a4: {  	v16 =	vld @!p1 [tilespmem:s4+$0x50];
	_ =	sdelay $0x4  }
0x1a5: {  	v16 =	vshra.s32 @!p1 v16, $0x1  }
0x1a6: {  	[tilespmem:$0xD50] =	vst @!p1 v16  }
0x1a7: {  	v16 =	vld @!p1 [tilespmem:s4+$0x60];
	_ =	sdelay $0x4  }
0x1a8: {  	v16 =	vshra.s32 @!p1 v16, $0x1  }
0x1a9: {  	[tilespmem:$0xD60] =	vst @!p1 v16  }
0x1aa: {  	v16 =	vld @!p1 [tilespmem:s4+$0x70];
	_ =	sdelay $0x4  }
0x1ab: {  	v16 =	vshra.s32 @!p1 v16, $0x1  }
0x1ac: {  	s10 =	simm.s32 @!p1 $0xD00;
	s11 =	simm.s32 @!p1 $0x4E00;
	s4 =	simm.s32 @!p1 $0x80;
	[tilespmem:$0xD70] =	vst @!p1 v16  }
0x1ad: {  	[tilespmem:s11], [sflag:$0x2] =	stream.indirect.gather @!p1 [hbm4b:s5+s4], $0x80, s10, s4, $0xb8;
	[tilespmem:$0x13F00] =	vst v63  }
.LBB2_10:
0x1ae: {  	s4 =	sadd.s32 $0x2, s19  }
0x1af: {  	p1 =	sge.u32 s4, s6  }
.Ltmp8:
0x1b0: {  	_ = 	snop;
	(pc) =	sbr.rel @p1 .LBB2_14-.Ltmp8, $1  }
0x1b1: {  	_ =	sdelay $0x3  }
0x1b2: {  	_ =	swait.ge [sflag:s28], $0x4000  }
0x1b3: {  	[sflag:s28] =	ssyncset.done $0x0  }
0x1b4: {  	[sflag:s28] =	ssyncadd.s32 $0xFFFFC000  }
0x1b5: {  	s10 =	sadd.s32 s7, s4;
	_ =	swait.ge [sflag:s29], $0x2000  }
0x1b6: {  	s10 =	sshll.u32 s10, $0x9;
	[sflag:s29] =	ssyncset.done $0x0  }
0x1b7: {  	s10 =	sshra.s32 s10, $0x2;
	[sflag:s29] =	ssyncadd.s32 $0xFFFFE000  }
0x1b8: {  	v16 =	vld [tilespmem:s10+$0x0];
	_ =	sdelay $0x4  }
0x1b9: {  	s11 =	simm.s32 $0x0;
	v16 =	vshll.u32 v16, $0x6  }
0x1ba: {  	v18 =	vadd.s32 s11, v0;
	v17 =	vld [tilespmem:s10+$0x10];
	v16 =	vand.u32 $0x40, v16  }
0x1bb: {  	s11 =	simm.s32 $0x1;
	v34 =	vand.u32 $0x3F, v18;
	v26 =	vor.u32 v1, v16  }
0x1bc: {  	v16 =	vadd.s32 s11, v0;
	v18 =	vor.u32 v34, v26  }
0x1bd: {  	v35 =	vand.u32 $0x3F, v16  }
0x1be: {  	v16 =	vor.u32 v35, v26  }
0x1bf: {  	v19 =	vld [tilespmem:s10+$0x20];
	v17 =	vshll.u32 v17, $0x6  }
0x1c0: {  	v20 =	vshll.u32 v34, $0x7;
	v21 =	vld [tilespmem:s10+$0x30];
	v17 =	vand.u32 $0x40, v17  }
0x1c1: {  	v28 =	vor.u32 v2, v17;
	v17 =	vld.idx.msk [tilespmem:v18+s20+$0x0], $0xffff;
	v18 =	vor.u32 v0, v20  }
0x1c2: {  	v22 =	vld [tilespmem:s10+$0x40];
	v24 =	vor.u32 v34, v28;
	v23 =	vshll.u32 v35, $0x7  }
0x1c3: {  	v25 =	vor.u32 v0, v23;
	v16 =	vld.idx.msk [tilespmem:v16+s20+$0x0], $0xffff  }
0x1c4: {  	v27 =	vld [tilespmem:s10+$0x50];
	v29 =	vor.u32 v35, v28  }
0x1c5: {  	v31 =	vld [tilespmem:s10+$0x60];
	v19 =	vshll.u32 v19, $0x6  }
0x1c6: {  	v36 =	vld [tilespmem:s10+$0x70];
	v19 =	vand.u32 $0x40, v19;
	[tilespmem:v18+s22+$0x0] =	vst.idx.msk $0xffff, v17  }
0x1c7: {  	v30 =	vor.u32 v3, v19;
	v19 =	vld.idx.msk [tilespmem:v24+s20+$0x0], $0xffff;
	v24 =	vor.u32 v9, v20  }
0x1c8: {  	s11 =	simm.s32 $0x2;
	[tilespmem:v25+s22+$0x0] =	vst.idx.msk $0xffff, v16;
	v16 =	vor.u32 v34, v30  }
0x1c9: {  	v17 =	vadd.s32 s11, v0;
	s11 =	simm.s32 $0x3;
	v25 =	vld.idx.msk [tilespmem:v29+s20+$0x0], $0xffff;
	v29 =	vor.u32 v9, v23  }
0x1ca: {  	v32 =	vor.u32 v35, v30;
	v17 =	vand.u32 $0x3F, v17;
	v18 =	vadd.s32 s11, v0  }
0x1cb: {  	v21 =	vshll.u32 v21, $0x6;
	v37 =	vor.u32 v17, v26;
	v18 =	vand.u32 $0x3F, v18  }
0x1cc: {  	v22 =	vshll.u32 v22, $0x6;
	v21 =	vand.u32 $0x40, v21;
	[tilespmem:v24+s22+$0x0] =	vst.idx.msk $0xffff, v19;
	v24 =	vor.u32 v18, v26  }
0x1cd: {  	v27 =	vshll.u32 v27, $0x6;
	v33 =	vor.u32 v4, v21;
	v21 =	vor.u32 v10, v20;
	v38 =	vld.idx.msk [tilespmem:v16+s20+$0x0], $0xffff  }
0x1ce: {  	v31 =	vshll.u32 v31, $0x6;
	v27 =	vand.u32 $0x40, v27;
	[tilespmem:v29+s22+$0x0] =	vst.idx.msk $0xffff, v25;
	v25 =	vor.u32 v34, v33  }
0x1cf: {  	v50 =	vand.u32 $0x40, v31;
	v39 =	vor.u32 v10, v23;
	v19 =	vshll.u32 v17, $0x7;
	v29 =	vld.idx.msk [tilespmem:v32+s20+$0x0], $0xffff  }
0x1d0: {  	v40 =	vor.u32 v35, v33;
	v37 =	vld.idx.msk [tilespmem:v37+s20+$0x0], $0xffff;
	v41 =	vor.u32 v0, v19;
	v16 =	vshll.u32 v18, $0x7  }
0x1d1: {  	v31 =	vor.u32 v6, v27;
	v42 =	vor.u32 v17, v28;
	v43 =	vor.u32 v0, v16;
	v24 =	vld.idx.msk [tilespmem:v24+s20+$0x0], $0xffff  }
0x1d2: {  	v22 =	vand.u32 $0x40, v22;
	v27 =	vor.u32 v7, v50;
	[tilespmem:v21+s22+$0x0] =	vst.idx.msk $0xffff, v38;
	v21 =	vor.u32 v18, v28  }
0x1d3: {  	v53 =	vor.u32 v34, v31;
	v32 =	vor.u32 v5, v22;
	v22 =	vld.idx.msk [tilespmem:v25+s20+$0x0], $0xffff;
	v25 =	vor.u32 v11, v20  }
0x1d4: {  	v36 =	vshll.u32 v36, $0x6;
	v50 =	vor.u32 v34, v27;
	v54 =	vor.u32 v35, v31;
	[tilespmem:v39+s22+$0x0] =	vst.idx.msk $0xffff, v29  }
0x1d5: {  	v48 =	vor.u32 v11, v23;
	v63 =	vor.u32 v34, v32;
	[tilespmem:v41+s22+$0x0] =	vst.idx.msk $0xffff, v37;
	v29 =	vld.idx.msk [tilespmem:v40+s20+$0x0], $0xffff  }
0x1d6: {  	s11 =	simm.s32 $0x4;
	v51 =	vor.u32 v9, v19;
	v49 =	vor.u32 v35, v32;
	v41 =	vld.idx.msk [tilespmem:v42+s20+$0x0], $0xffff;
	[tilespmem:v43+s22+$0x0] =	vst.idx.msk $0xffff, v24  }
0x1d7: {  	v52 =	vor.u32 v17, v30;
	v45 =	vor.u32 v9, v16;
	v24 =	vadd.s32 s11, v0;
	s11 =	simm.s32 $0x5;
	v44 =	vld.idx.msk [tilespmem:v21+s20+$0x0], $0xffff  }
0x1d8: {  	v21 =	vand.u32 $0x3F, v24;
	v24 =	vadd.s32 s11, v0;
	[tilespmem:v25+s22+$0x0] =	vst.idx.msk $0xffff, v22;
	v22 =	vor.u32 v18, v30  }
0x1d9: {  	v46 =	vor.u32 v12, v23;
	v25 =	vor.u32 v21, v26;
	v24 =	vand.u32 $0x3F, v24  }
0x1da: {  	v38 =	vld.idx.msk [tilespmem:v63+s20+$0x0], $0xffff;
	[tilespmem:v48+s22+$0x0] =	vst.idx.msk $0xffff, v29;
	v29 =	vor.u32 v12, v20;
	v56 =	vor.u32 v24, v26  }
0x1db: {  	v57 =	vor.u32 v17, v33;
	v55 =	vor.u32 v10, v19;
	[tilespmem:v51+s22+$0x0] =	vst.idx.msk $0xffff, v41;
	v37 =	vld.idx.msk [tilespmem:v49+s20+$0x0], $0xffff  }
0x1dc: {  	v47 =	vor.u32 v10, v16;
	v43 =	vor.u32 v12, v19;
	v42 =	vld.idx.msk [tilespmem:v52+s20+$0x0], $0xffff;
	[tilespmem:v45+s22+$0x0] =	vst.idx.msk $0xffff, v44  }
0x1dd: {  	v59 =	vor.u32 v21, v28;
	v51 =	vor.u32 v13, v23;
	v45 =	vld.idx.msk [tilespmem:v22+s20+$0x0], $0xffff;
	v22 =	vshll.u32 v21, $0x7  }
0x1de: {  	s11 =	simm.s32 $0x6;
	v49 =	vor.u32 v18, v33;
	v48 =	vld.idx.msk [tilespmem:v25+s20+$0x0], $0xffff;
	v25 =	vshll.u32 v24, $0x7;
	v58 =	vor.u32 v0, v22  }
0x1df: {  	v36 =	vand.u32 $0x40, v36;
	v62 =	vadd.s32 s11, v0;
	[tilespmem:v29+s22+$0x0] =	vst.idx.msk $0xffff, v38;
	v41 =	vld.idx.msk [tilespmem:v56+s20+$0x0], $0xffff;
	v60 =	vor.u32 v0, v25  }
0x1e0: {  	v61 =	vor.u32 v24, v28;
	v39 =	vld.idx.msk [tilespmem:v53+s20+$0x0], $0xffff;
	[tilespmem:v46+s22+$0x0] =	vst.idx.msk $0xffff, v37;
	v46 =	vor.u32 v13, v20  }
0x1e1: {  	v52 =	vor.u32 v35, v27;
	v63 =	vor.u32 v11, v19;
	[tilespmem:v55+s22+$0x0] =	vst.idx.msk $0xffff, v42;
	v40 =	vld.idx.msk [tilespmem:v54+s20+$0x0], $0xffff  }
0x1e2: {  	v44 =	vor.u32 v14, v23;
	v29 =	vor.u32 v8, v36;
	v53 =	vld.idx.msk [tilespmem:v57+s20+$0x0], $0xffff;
	[tilespmem:v47+s22+$0x0] =	vst.idx.msk $0xffff, v45  }
0x1e3: {  	v56 =	vor.u32 v17, v32;
	v57 =	vor.u32 v11, v16;
	[tilespmem:v58+s22+$0x0] =	vst.idx.msk $0xffff, v48;
	v54 =	vld.idx.msk [tilespmem:v49+s20+$0x0], $0xffff  }
0x1e4: {  	v58 =	vor.u32 v9, v22;
	[tilespmem:v60+s22+$0x0] =	vst.idx.msk $0xffff, v41;
	v55 =	vld.idx.msk [tilespmem:v59+s20+$0x0], $0xffff;
	v59 =	vor.u32 v18, v32  }
0x1e5: {  	v36 =	vor.u32 v17, v31;
	v48 =	vor.u32 v21, v30;
	[tilespmem:v46+s22+$0x0] =	vst.idx.msk $0xffff, v39;
	v47 =	vld.idx.msk [tilespmem:v61+s20+$0x0], $0xffff  }
0x1e6: {  	v37 =	vor.u32 v34, v29;
	v46 =	vor.u32 v14, v20;
	v42 =	vld.idx.msk [tilespmem:v50+s20+$0x0], $0xffff;
	[tilespmem:v51+s22+$0x0] =	vst.idx.msk $0xffff, v40  }
0x1e7: {  	v34 =	vand.u32 $0x3F, v62;
	v38 =	vor.u32 v35, v29;
	[tilespmem:v63+s22+$0x0] =	vst.idx.msk $0xffff, v53;
	v41 =	vld.idx.msk [tilespmem:v52+s20+$0x0], $0xffff  }
0x1e8: {  	v35 =	vor.u32 v34, v26;
	v49 =	vor.u32 v9, v25;
	v39 =	vld.idx.msk [tilespmem:v56+s20+$0x0], $0xffff;
	[tilespmem:v57+s22+$0x0] =	vst.idx.msk $0xffff, v54  }
0x1e9: {  	s10 =	simm.s32 $0x8;
	s11 =	simm.s32 $0x7;
	v45 =	vor.u32 v10, v22;
	v50 =	vor.u32 v24, v30;
	[tilespmem:v58+s22+$0x0] =	vst.idx.msk $0xffff, v55;
	v40 =	vld.idx.msk [tilespmem:v59+s20+$0x0], $0xffff  }
.LBB2_12:
0x1ea: {  	v51 =	vadd.s32 s11, v0;
	v48 =	vld.idx.msk [tilespmem:v48+s20+$0x0], $0xffff;
	v52 =	vor.u32 v12, v16  }
0x1eb: {  	p1 =	slt.u32 s10, $0x3E;
	[tilespmem:v46+s22+$0x0] =	vst.idx.msk $0xffff, v42;
	v53 =	vmovc v18;
	v18 =	vmovc v24;
	v54 =	vmov v17;
	v17 =	vmov v21;
	v21 =	vmov v34  }
0x1ec: {  	v24 =	vand.u32 $0x3F, v51;
	v34 =	vor.u32 v53, v31;
	v37 =	vld.idx.msk [tilespmem:v37+s20+$0x0], $0xffff;
	[tilespmem:v44+s22+$0x0] =	vst.idx.msk $0xffff, v41  }
0x1ed: {  	v42 =	vor.u32 v15, v20;
	v41 =	vor.u32 v24, v26;
	[tilespmem:v49+s22+$0x0] =	vst.idx.msk $0xffff, v47;
	v38 =	vld.idx.msk [tilespmem:v38+s20+$0x0], $0xffff  }
0x1ee: {  	v23 =	vor.u32 v15, v23;
	v44 =	vor.u32 v17, v33;
	v47 =	vor.u32 v54, v27;
	v46 =	vld.idx.msk [tilespmem:v50+s20+$0x0], $0xffff  }
0x1ef: {  	v20 =	vmov v19;
	v49 =	vshll.u32 v21, $0x7;
	v50 =	vor.u32 v10, v25;
	v35 =	vld.idx.msk [tilespmem:v35+s20+$0x0], $0xffff;
	[tilespmem:v43+s22+$0x0] =	vst.idx.msk $0xffff, v39  }
0x1f0: {  	v39 =	vor.u32 v0, v49;
	v43 =	vor.u32 v18, v33;
	v36 =	vld.idx.msk [tilespmem:v36+s20+$0x0], $0xffff;
	[tilespmem:v52+s22+$0x0] =	vst.idx.msk $0xffff, v40  }
0x1f1: {  	v40 =	vor.u32 v21, v28;
	[tilespmem:v45+s22+$0x0] =	vst.idx.msk $0xffff, v48;
	v45 =	vor.u32 v13, v20;
	v34 =	vld.idx.msk [tilespmem:v34+s20+$0x0], $0xffff  }
0x1f2: {  	v19 =	vmov v22;
	v51 =	vor.u32 v13, v16;
	v48 =	vshll.u32 v24, $0x7;
	v41 =	vld.idx.msk [tilespmem:v41+s20+$0x0], $0xffff;
	[tilespmem:v42+s22+$0x0] =	vst.idx.msk $0xffff, v37  }
0x1f3: {  	v22 =	vmov v49;
	v52 =	vor.u32 v53, v27;
	v37 =	vor.u32 v0, v48;
	[tilespmem:v23+s22+$0x0] =	vst.idx.msk $0xffff, v38  }
0x1f4: {  	v38 =	vor.u32 v24, v28;
	v23 =	vmov v16;
	v16 =	vmov v25;
	v55 =	vld.idx.msk [tilespmem:v44+s20+$0x0], $0xffff;
	[tilespmem:v50+s22+$0x0] =	vst.idx.msk $0xffff, v46  }
0x1f5: {  	v49 =	vadd.s32 s10, v0;
	v25 =	vmov v48;
	[tilespmem:v39+s22+$0x0] =	vst.idx.msk $0xffff, v35;
	v35 =	vor.u32 v11, v19;
	v43 =	vld.idx.msk [tilespmem:v43+s20+$0x0], $0xffff  }
0x1f6: {  	v56 =	vor.u32 v11, v16;
	v39 =	vor.u32 v17, v32;
	v40 =	vld.idx.msk [tilespmem:v40+s20+$0x0], $0xffff;
	[tilespmem:v45+s22+$0x0] =	vst.idx.msk $0xffff, v36  }
0x1f7: {  	v57 =	vor.u32 v18, v32;
	v45 =	vor.u32 v9, v22;
	v42 =	vld.idx.msk [tilespmem:v47+s20+$0x0], $0xffff;
	[tilespmem:v51+s22+$0x0] =	vst.idx.msk $0xffff, v34  }
.Ltmp9:
0x1f8: {  	v48 =	vor.u32 v21, v30;
	v46 =	vor.u32 v14, v20;
	[tilespmem:v37+s22+$0x0] =	vst.idx.msk $0xffff, v41;
	v41 =	vld.idx.msk [tilespmem:v52+s20+$0x0], $0xffff;
	(pc) =	sbr.rel @p1 .LBB2_12-.Ltmp9, $4  }
0x1f9: {  	v44 =	vor.u32 v14, v23;
	v36 =	vor.u32 v17, v31;
	v37 =	vor.u32 v54, v29;
	v47 =	vld.idx.msk [tilespmem:v38+s20+$0x0], $0xffff  }
0x1fa: {  	v34 =	vand.u32 $0x3F, v49;
	v49 =	vor.u32 v9, v25;
	v38 =	vor.u32 v53, v29;
	[tilespmem:v35+s22+$0x0] =	vst.idx.msk $0xffff, v55  }
0x1fb: {  	v50 =	vor.u32 v24, v30;
	v35 =	vor.u32 v34, v26;
	v39 =	vld.idx.msk [tilespmem:v39+s20+$0x0], $0xffff;
	[tilespmem:v56+s22+$0x0] =	vst.idx.msk $0xffff, v43  }
0x1fc: {  	s11 =	sadd.s32 $0x1, s10;
	s10 =	sadd.s32 $0x2, s10;
	v43 =	vor.u32 v12, v19;
	[tilespmem:v45+s22+$0x0] =	vst.idx.msk $0xffff, v40;
	v45 =	vor.u32 v10, v22;
	v40 =	vld.idx.msk [tilespmem:v57+s20+$0x0], $0xffff  }
0x1fd: {  	v51 =	vadd.s32 s11, v0  }
0x1fe: {  	v51 =	vand.u32 $0x3F, v51  }
0x1ff: {  	v52 =	vor.u32 v51, v26;
	_ =	sdelay $0x2  }
0x200: {  	v26 =	vshll.u32 v34, $0x7  }
0x201: {  	v53 =	vld.idx.msk [tilespmem:v35+s20+$0x0], $0xffff;
	v35 =	vshll.u32 v51, $0x7;
	v54 =	vor.u32 v0, v26  }
0x202: {  	v55 =	vor.u32 v34, v28;
	v56 =	vor.u32 v0, v35;
	v52 =	vld.idx.msk [tilespmem:v52+s20+$0x0], $0xffff  }
0x203: {  	v62 =	vor.u32 v51, v28;
	_ =	sdelay $0x2  }
0x204: {  	[tilespmem:v54+s22+$0x0] =	vst.idx.msk $0xffff, v53  }
0x205: {  	v63 =	vor.u32 v9, v26;
	v53 =	vld.idx.msk [tilespmem:v55+s20+$0x0], $0xffff;
	[tilespmem:v56+s22+$0x0] =	vst.idx.msk $0xffff, v52  }
0x206: {  	v57 =	vor.u32 v9, v35;
	v52 =	vor.u32 v34, v30;
	v28 =	vld.idx.msk [tilespmem:v62+s20+$0x0], $0xffff  }
0x207: {  	v58 =	vor.u32 v51, v30;
	_ =	sdelay $0x1  }
0x208: {  	v59 =	vld.idx.msk [tilespmem:v48+s20+$0x0], $0xffff;
	[tilespmem:v49+s22+$0x0] =	vst.idx.msk $0xffff, v47  }
0x209: {  	v60 =	vor.u32 v21, v33;
	v61 =	vor.u32 v10, v25;
	v49 =	vld.idx.msk [tilespmem:v50+s20+$0x0], $0xffff;
	[tilespmem:v63+s22+$0x0] =	vst.idx.msk $0xffff, v53  }
0x20a: {  	v62 =	vor.u32 v24, v33;
	v63 =	vor.u32 v10, v26;
	v52 =	vld.idx.msk [tilespmem:v52+s20+$0x0], $0xffff;
	[tilespmem:v57+s22+$0x0] =	vst.idx.msk $0xffff, v28  }
0x20b: {  	[tilespmem:v46+s22+$0x0] =	vst.idx.msk $0xffff, v42;
	v54 =	vor.u32 v34, v33;
	v55 =	vor.u32 v10, v35;
	v30 =	vld.idx.msk [tilespmem:v58+s20+$0x0], $0xffff  }
0x20c: {  	[tilespmem:v44+s22+$0x0] =	vst.idx.msk $0xffff, v41;
	v56 =	vor.u32 v51, v33  }
0x20d: {  	[tilespmem:v45+s22+$0x0] =	vst.idx.msk $0xffff, v59;
	v57 =	vor.u32 v12, v16  }
0x20e: {  	v59 =	vor.u32 v11, v22;
	[tilespmem:v61+s22+$0x0] =	vst.idx.msk $0xffff, v49;
	v58 =	vld.idx.msk [tilespmem:v60+s20+$0x0], $0xffff  }
0x20f: {  	v61 =	vor.u32 v11, v25;
	v28 =	vld.idx.msk [tilespmem:v62+s20+$0x0], $0xffff;
	v60 =	vor.u32 v21, v32;
	[tilespmem:v63+s22+$0x0] =	vst.idx.msk $0xffff, v52  }
0x210: {  	v62 =	vor.u32 v24, v32;
	v63 =	vor.u32 v11, v26;
	v42 =	vld.idx.msk [tilespmem:v54+s20+$0x0], $0xffff;
	[tilespmem:v55+s22+$0x0] =	vst.idx.msk $0xffff, v30  }
0x211: {  	v50 =	vor.u32 v34, v32;
	[tilespmem:v43+s22+$0x0] =	vst.idx.msk $0xffff, v39;
	v52 =	vor.u32 v11, v35;
	v33 =	vld.idx.msk [tilespmem:v56+s20+$0x0], $0xffff  }
0x212: {  	v20 =	vor.u32 v15, v20;
	v37 =	vld.idx.msk [tilespmem:v37+s20+$0x0], $0xffff;
	v53 =	vor.u32 v51, v32;
	[tilespmem:v57+s22+$0x0] =	vst.idx.msk $0xffff, v40  }
0x213: {  	v23 =	vor.u32 v15, v23;
	v38 =	vld.idx.msk [tilespmem:v38+s20+$0x0], $0xffff;
	[tilespmem:v59+s22+$0x0] =	vst.idx.msk $0xffff, v58  }
0x214: {  	v54 =	vor.u32 v18, v31;
	[tilespmem:v61+s22+$0x0] =	vst.idx.msk $0xffff, v28;
	v55 =	vld.idx.msk [tilespmem:v60+s20+$0x0], $0xffff;
	v56 =	vor.u32 v12, v22  }
0x215: {  	v57 =	vor.u32 v21, v31;
	v58 =	vld.idx.msk [tilespmem:v62+s20+$0x0], $0xffff;
	v59 =	vor.u32 v12, v25;
	[tilespmem:v63+s22+$0x0] =	vst.idx.msk $0xffff, v42  }
0x216: {  	v61 =	vor.u32 v12, v26;
	v60 =	vor.u32 v24, v31;
	v39 =	vld.idx.msk [tilespmem:v50+s20+$0x0], $0xffff;
	[tilespmem:v52+s22+$0x0] =	vst.idx.msk $0xffff, v33  }
0x217: {  	[tilespmem:v20+s22+$0x0] =	vst.idx.msk $0xffff, v37;
	v62 =	vor.u32 v34, v31;
	v63 =	vor.u32 v12, v35;
	v32 =	vld.idx.msk [tilespmem:v53+s20+$0x0], $0xffff  }
0x218: {  	v48 =	vor.u32 v13, v19;
	v36 =	vld.idx.msk [tilespmem:v36+s20+$0x0], $0xffff;
	[tilespmem:v23+s22+$0x0] =	vst.idx.msk $0xffff, v38;
	v49 =	vor.u32 v51, v31  }
0x219: {  	v50 =	vor.u32 v17, v27;
	v52 =	vld.idx.msk [tilespmem:v54+s20+$0x0], $0xffff;
	[tilespmem:v56+s22+$0x0] =	vst.idx.msk $0xffff, v55;
	v53 =	vor.u32 v13, v16  }
0x21a: {  	[tilespmem:v59+s22+$0x0] =	vst.idx.msk $0xffff, v58;
	v54 =	vor.u32 v18, v27;
	v55 =	vor.u32 v13, v22;
	v41 =	vld.idx.msk [tilespmem:v57+s20+$0x0], $0xffff  }
0x21b: {  	v56 =	vor.u32 v21, v27;
	v30 =	vld.idx.msk [tilespmem:v60+s20+$0x0], $0xffff;
	v57 =	vor.u32 v13, v25;
	[tilespmem:v61+s22+$0x0] =	vst.idx.msk $0xffff, v39  }
0x21c: {  	v58 =	vor.u32 v24, v27;
	v59 =	vor.u32 v13, v26;
	v20 =	vld.idx.msk [tilespmem:v62+s20+$0x0], $0xffff;
	[tilespmem:v63+s22+$0x0] =	vst.idx.msk $0xffff, v32  }
0x21d: {  	[tilespmem:v48+s22+$0x0] =	vst.idx.msk $0xffff, v36;
	v60 =	vor.u32 v34, v27;
	v61 =	vor.u32 v13, v35;
	v23 =	vld.idx.msk [tilespmem:v49+s20+$0x0], $0xffff  }
0x21e: {  	v31 =	vld.idx.msk [tilespmem:v50+s20+$0x0], $0xffff;
	v62 =	vor.u32 v14, v19;
	[tilespmem:v53+s22+$0x0] =	vst.idx.msk $0xffff, v52;
	v63 =	vor.u32 v51, v27  }
0x21f: {  	v46 =	vor.u32 v14, v16;
	v17 =	vor.u32 v17, v29;
	[tilespmem:v55+s22+$0x0] =	vst.idx.msk $0xffff, v41;
	v28 =	vld.idx.msk [tilespmem:v54+s20+$0x0], $0xffff  }
0x220: {  	v47 =	vor.u32 v18, v29;
	[tilespmem:v57+s22+$0x0] =	vst.idx.msk $0xffff, v30;
	v48 =	vld.idx.msk [tilespmem:v56+s20+$0x0], $0xffff;
	v49 =	vor.u32 v14, v22  }
0x221: {  	v50 =	vor.u32 v21, v29;
	v52 =	vor.u32 v14, v25;
	v33 =	vld.idx.msk [tilespmem:v58+s20+$0x0], $0xffff;
	[tilespmem:v59+s22+$0x0] =	vst.idx.msk $0xffff, v20  }
0x222: {  	v53 =	vor.u32 v24, v29;
	v55 =	vor.u32 v14, v26;
	v54 =	vld.idx.msk [tilespmem:v60+s20+$0x0], $0xffff;
	[tilespmem:v61+s22+$0x0] =	vst.idx.msk $0xffff, v23  }
0x223: {  	v57 =	vor.u32 v14, v35;
	v56 =	vor.u32 v34, v29;
	[tilespmem:v62+s22+$0x0] =	vst.idx.msk $0xffff, v31;
	v27 =	vld.idx.msk [tilespmem:v63+s20+$0x0], $0xffff  }
0x224: {  	v58 =	vor.u32 v15, v19;
	v59 =	vor.u32 v51, v29;
	v17 =	vld.idx.msk [tilespmem:v17+s20+$0x0], $0xffff;
	[tilespmem:v46+s22+$0x0] =	vst.idx.msk $0xffff, v28  }
0x225: {  	v16 =	vor.u32 v15, v16;
	[tilespmem:v49+s22+$0x0] =	vst.idx.msk $0xffff, v48;
	v18 =	vld.idx.msk [tilespmem:v47+s20+$0x0], $0xffff  }
0x226: {  	v60 =	vor.u32 v15, v22;
	[tilespmem:v52+s22+$0x0] =	vst.idx.msk $0xffff, v33;
	v21 =	vld.idx.msk [tilespmem:v50+s20+$0x0], $0xffff  }
0x227: {  	v61 =	vor.u32 v15, v25;
	v20 =	vld.idx.msk [tilespmem:v53+s20+$0x0], $0xffff;
	[tilespmem:v55+s22+$0x0] =	vst.idx.msk $0xffff, v54  }
0x228: {  	v62 =	vor.u32 v15, v26;
	v23 =	vld.idx.msk [tilespmem:v56+s20+$0x0], $0xffff;
	[tilespmem:v57+s22+$0x0] =	vst.idx.msk $0xffff, v27  }
0x229: {  	v63 =	vor.u32 v15, v35;
	[tilespmem:v58+s22+$0x0] =	vst.idx.msk $0xffff, v17;
	v17 =	vld.idx.msk [tilespmem:v59+s20+$0x0], $0xffff  }
0x22a: {  	[tilespmem:v16+s22+$0x0] =	vst.idx.msk $0xffff, v18  }
0x22b: {  	s4 =	sadd.s32 s3, s4;
	[tilespmem:v60+s22+$0x0] =	vst.idx.msk $0xffff, v21  }
0x22c: {  	s4 =	sshll.u32 s4, $0x7;
	[tilespmem:v61+s22+$0x0] =	vst.idx.msk $0xffff, v20  }
0x22d: {  	s4 =	sand.u32 $0x1FFFFF80, s4;
	[tilespmem:v62+s22+$0x0] =	vst.idx.msk $0xffff, v23  }
0x22e: {  	s4 =	sadd.s32 s2, s4;
	[tilespmem:v63+s22+$0x0] =	vst.idx.msk $0xffff, v17  }
0x22f: {  	[hbm4b:s4+s23] =	stream.strided.scatter [tilespmem:s22], [sflag:$0x4], $0x2000, s24, s23, $0x38;
	[tilespmem:$0x13F00] =	vst v63  }
0x230: {  	s4 =	sadd.s32 $0x5, s19  }
0x231: {  	p1 =	sge.u32 s4, s6  }
0x232: {  	s4 =	sadd.s32 @!p1 s7, s4  }
0x233: {  	s4 =	sshll.u32 @!p1 s4, $0x9  }
0x234: {  	s4 =	sshra.s32 @!p1 s4, $0x2  }
0x235: {  	v16 =	vld @!p1 [tilespmem:s4+$0x0];
	_ =	sdelay $0x4  }
0x236: {  	v16 =	vshra.s32 @!p1 v16, $0x1  }
0x237: {  	[tilespmem:$0xD80] =	vst @!p1 v16  }
0x238: {  	v16 =	vld @!p1 [tilespmem:s4+$0x10];
	_ =	sdelay $0x4  }
0x239: {  	v16 =	vshra.s32 @!p1 v16, $0x1  }
0x23a: {  	[tilespmem:$0xD90] =	vst @!p1 v16  }
0x23b: {  	v16 =	vld @!p1 [tilespmem:s4+$0x20];
	_ =	sdelay $0x4  }
0x23c: {  	v16 =	vshra.s32 @!p1 v16, $0x1  }
0x23d: {  	[tilespmem:$0xDA0] =	vst @!p1 v16  }
0x23e: {  	v16 =	vld @!p1 [tilespmem:s4+$0x30];
	_ =	sdelay $0x4  }
0x23f: {  	v16 =	vshra.s32 @!p1 v16, $0x1  }
0x240: {  	[tilespmem:$0xDB0] =	vst @!p1 v16  }
0x241: {  	v16 =	vld @!p1 [tilespmem:s4+$0x40];
	_ =	sdelay $0x4  }
0x242: {  	v16 =	vshra.s32 @!p1 v16, $0x1  }
0x243: {  	[tilespmem:$0xDC0] =	vst @!p1 v16  }
0x244: {  	v16 =	vld @!p1 [tilespmem:s4+$0x50];
	_ =	sdelay $0x4  }
0x245: {  	v16 =	vshra.s32 @!p1 v16, $0x1  }
0x246: {  	[tilespmem:$0xDD0] =	vst @!p1 v16  }
0x247: {  	v16 =	vld @!p1 [tilespmem:s4+$0x60];
	_ =	sdelay $0x4  }
0x248: {  	v16 =	vshra.s32 @!p1 v16, $0x1  }
0x249: {  	[tilespmem:$0xDE0] =	vst @!p1 v16  }
0x24a: {  	v16 =	vld @!p1 [tilespmem:s4+$0x70];
	_ =	sdelay $0x4  }
0x24b: {  	v16 =	vshra.s32 @!p1 v16, $0x1  }
0x24c: {  	s10 =	simm.s32 @!p1 $0xD80;
	s11 =	simm.s32 @!p1 $0x8E00;
	s4 =	simm.s32 @!p1 $0x80;
	[tilespmem:$0xDF0] =	vst @!p1 v16  }
0x24d: {  	[tilespmem:s11], [sflag:$0x3] =	stream.indirect.gather @!p1 [hbm4b:s5+s4], $0x80, s10, s4, $0xb8;
	[tilespmem:$0x13F00] =	vst v63  }
.LBB2_14:
0x24e: {  	s4 =	sadd.s32 $0x3, s19  }
0x24f: {  	p1 =	sge.u32 s4, s6  }
.Ltmp10:
0x250: {  	_ = 	snop;
	(pc) =	sbr.rel @p1 .LBB2_18-.Ltmp10, $1  }
0x251: {  	_ =	sdelay $0x3  }
0x252: {  	_ =	swait.ge [sflag:s21], $0x4000  }
0x253: {  	[sflag:s21] =	ssyncset.done $0x0  }
0x254: {  	[sflag:s21] =	ssyncadd.s32 $0xFFFFC000  }
0x255: {  	s10 =	sadd.s32 s7, s4;
	_ =	swait.ge [sflag:s30], $0x2000  }
0x256: {  	s10 =	sshll.u32 s10, $0x9;
	[sflag:s30] =	ssyncset.done $0x0  }
0x257: {  	s10 =	sshra.s32 s10, $0x2;
	[sflag:s30] =	ssyncadd.s32 $0xFFFFE000  }
0x258: {  	v16 =	vld [tilespmem:s10+$0x0];
	_ =	sdelay $0x4  }
0x259: {  	s11 =	simm.s32 $0x0;
	v16 =	vshll.u32 v16, $0x6  }
0x25a: {  	v18 =	vadd.s32 s11, v0;
	v17 =	vld [tilespmem:s10+$0x10];
	v16 =	vand.u32 $0x40, v16  }
0x25b: {  	s11 =	simm.s32 $0x1;
	v34 =	vand.u32 $0x3F, v18;
	v26 =	vor.u32 v1, v16  }
0x25c: {  	v16 =	vadd.s32 s11, v0;
	v18 =	vor.u32 v34, v26  }
0x25d: {  	v35 =	vand.u32 $0x3F, v16  }
0x25e: {  	v16 =	vor.u32 v35, v26  }
0x25f: {  	v19 =	vld [tilespmem:s10+$0x20];
	v17 =	vshll.u32 v17, $0x6  }
0x260: {  	v20 =	vshll.u32 v34, $0x7;
	v21 =	vld [tilespmem:s10+$0x30];
	v17 =	vand.u32 $0x40, v17  }
0x261: {  	v28 =	vor.u32 v2, v17;
	v17 =	vld.idx.msk [tilespmem:v18+s16+$0x0], $0xffff;
	v18 =	vor.u32 v0, v20  }
0x262: {  	v22 =	vld [tilespmem:s10+$0x40];
	v24 =	vor.u32 v34, v28;
	v23 =	vshll.u32 v35, $0x7  }
0x263: {  	v25 =	vor.u32 v0, v23;
	v16 =	vld.idx.msk [tilespmem:v16+s16+$0x0], $0xffff  }
0x264: {  	v27 =	vld [tilespmem:s10+$0x50];
	v29 =	vor.u32 v35, v28  }
0x265: {  	v31 =	vld [tilespmem:s10+$0x60];
	v19 =	vshll.u32 v19, $0x6  }
0x266: {  	v36 =	vld [tilespmem:s10+$0x70];
	v19 =	vand.u32 $0x40, v19;
	[tilespmem:v18+s26+$0x0] =	vst.idx.msk $0xffff, v17  }
0x267: {  	v30 =	vor.u32 v3, v19;
	v19 =	vld.idx.msk [tilespmem:v24+s16+$0x0], $0xffff;
	v24 =	vor.u32 v9, v20  }
0x268: {  	s11 =	simm.s32 $0x2;
	[tilespmem:v25+s26+$0x0] =	vst.idx.msk $0xffff, v16;
	v16 =	vor.u32 v34, v30  }
0x269: {  	v17 =	vadd.s32 s11, v0;
	s11 =	simm.s32 $0x3;
	v25 =	vld.idx.msk [tilespmem:v29+s16+$0x0], $0xffff;
	v29 =	vor.u32 v9, v23  }
0x26a: {  	v32 =	vor.u32 v35, v30;
	v17 =	vand.u32 $0x3F, v17;
	v18 =	vadd.s32 s11, v0  }
0x26b: {  	v21 =	vshll.u32 v21, $0x6;
	v37 =	vor.u32 v17, v26;
	v18 =	vand.u32 $0x3F, v18  }
0x26c: {  	v22 =	vshll.u32 v22, $0x6;
	v21 =	vand.u32 $0x40, v21;
	[tilespmem:v24+s26+$0x0] =	vst.idx.msk $0xffff, v19;
	v24 =	vor.u32 v18, v26  }
0x26d: {  	v27 =	vshll.u32 v27, $0x6;
	v33 =	vor.u32 v4, v21;
	v21 =	vor.u32 v10, v20;
	v38 =	vld.idx.msk [tilespmem:v16+s16+$0x0], $0xffff  }
0x26e: {  	v31 =	vshll.u32 v31, $0x6;
	v27 =	vand.u32 $0x40, v27;
	[tilespmem:v29+s26+$0x0] =	vst.idx.msk $0xffff, v25;
	v25 =	vor.u32 v34, v33  }
0x26f: {  	v50 =	vand.u32 $0x40, v31;
	v39 =	vor.u32 v10, v23;
	v19 =	vshll.u32 v17, $0x7;
	v29 =	vld.idx.msk [tilespmem:v32+s16+$0x0], $0xffff  }
0x270: {  	v40 =	vor.u32 v35, v33;
	v37 =	vld.idx.msk [tilespmem:v37+s16+$0x0], $0xffff;
	v41 =	vor.u32 v0, v19;
	v16 =	vshll.u32 v18, $0x7  }
0x271: {  	v31 =	vor.u32 v6, v27;
	v42 =	vor.u32 v17, v28;
	v43 =	vor.u32 v0, v16;
	v24 =	vld.idx.msk [tilespmem:v24+s16+$0x0], $0xffff  }
0x272: {  	v22 =	vand.u32 $0x40, v22;
	v27 =	vor.u32 v7, v50;
	[tilespmem:v21+s26+$0x0] =	vst.idx.msk $0xffff, v38;
	v21 =	vor.u32 v18, v28  }
0x273: {  	v53 =	vor.u32 v34, v31;
	v32 =	vor.u32 v5, v22;
	v22 =	vld.idx.msk [tilespmem:v25+s16+$0x0], $0xffff;
	v25 =	vor.u32 v11, v20  }
0x274: {  	v36 =	vshll.u32 v36, $0x6;
	v50 =	vor.u32 v34, v27;
	v54 =	vor.u32 v35, v31;
	[tilespmem:v39+s26+$0x0] =	vst.idx.msk $0xffff, v29  }
0x275: {  	v48 =	vor.u32 v11, v23;
	v63 =	vor.u32 v34, v32;
	[tilespmem:v41+s26+$0x0] =	vst.idx.msk $0xffff, v37;
	v29 =	vld.idx.msk [tilespmem:v40+s16+$0x0], $0xffff  }
0x276: {  	s11 =	simm.s32 $0x4;
	v51 =	vor.u32 v9, v19;
	v49 =	vor.u32 v35, v32;
	v41 =	vld.idx.msk [tilespmem:v42+s16+$0x0], $0xffff;
	[tilespmem:v43+s26+$0x0] =	vst.idx.msk $0xffff, v24  }
0x277: {  	v52 =	vor.u32 v17, v30;
	v45 =	vor.u32 v9, v16;
	v24 =	vadd.s32 s11, v0;
	s11 =	simm.s32 $0x5;
	v44 =	vld.idx.msk [tilespmem:v21+s16+$0x0], $0xffff  }
0x278: {  	v21 =	vand.u32 $0x3F, v24;
	v24 =	vadd.s32 s11, v0;
	[tilespmem:v25+s26+$0x0] =	vst.idx.msk $0xffff, v22;
	v22 =	vor.u32 v18, v30  }
0x279: {  	v46 =	vor.u32 v12, v23;
	v25 =	vor.u32 v21, v26;
	v24 =	vand.u32 $0x3F, v24  }
0x27a: {  	v38 =	vld.idx.msk [tilespmem:v63+s16+$0x0], $0xffff;
	[tilespmem:v48+s26+$0x0] =	vst.idx.msk $0xffff, v29;
	v29 =	vor.u32 v12, v20;
	v56 =	vor.u32 v24, v26  }
0x27b: {  	v57 =	vor.u32 v17, v33;
	v55 =	vor.u32 v10, v19;
	[tilespmem:v51+s26+$0x0] =	vst.idx.msk $0xffff, v41;
	v37 =	vld.idx.msk [tilespmem:v49+s16+$0x0], $0xffff  }
0x27c: {  	v47 =	vor.u32 v10, v16;
	v43 =	vor.u32 v12, v19;
	v42 =	vld.idx.msk [tilespmem:v52+s16+$0x0], $0xffff;
	[tilespmem:v45+s26+$0x0] =	vst.idx.msk $0xffff, v44  }
0x27d: {  	v59 =	vor.u32 v21, v28;
	v51 =	vor.u32 v13, v23;
	v45 =	vld.idx.msk [tilespmem:v22+s16+$0x0], $0xffff;
	v22 =	vshll.u32 v21, $0x7  }
0x27e: {  	s11 =	simm.s32 $0x6;
	v49 =	vor.u32 v18, v33;
	v48 =	vld.idx.msk [tilespmem:v25+s16+$0x0], $0xffff;
	v25 =	vshll.u32 v24, $0x7;
	v58 =	vor.u32 v0, v22  }
0x27f: {  	v36 =	vand.u32 $0x40, v36;
	v62 =	vadd.s32 s11, v0;
	[tilespmem:v29+s26+$0x0] =	vst.idx.msk $0xffff, v38;
	v41 =	vld.idx.msk [tilespmem:v56+s16+$0x0], $0xffff;
	v60 =	vor.u32 v0, v25  }
0x280: {  	v61 =	vor.u32 v24, v28;
	v39 =	vld.idx.msk [tilespmem:v53+s16+$0x0], $0xffff;
	[tilespmem:v46+s26+$0x0] =	vst.idx.msk $0xffff, v37;
	v46 =	vor.u32 v13, v20  }
0x281: {  	v52 =	vor.u32 v35, v27;
	v63 =	vor.u32 v11, v19;
	[tilespmem:v55+s26+$0x0] =	vst.idx.msk $0xffff, v42;
	v40 =	vld.idx.msk [tilespmem:v54+s16+$0x0], $0xffff  }
0x282: {  	v44 =	vor.u32 v14, v23;
	v29 =	vor.u32 v8, v36;
	v53 =	vld.idx.msk [tilespmem:v57+s16+$0x0], $0xffff;
	[tilespmem:v47+s26+$0x0] =	vst.idx.msk $0xffff, v45  }
0x283: {  	v56 =	vor.u32 v17, v32;
	v57 =	vor.u32 v11, v16;
	[tilespmem:v58+s26+$0x0] =	vst.idx.msk $0xffff, v48;
	v54 =	vld.idx.msk [tilespmem:v49+s16+$0x0], $0xffff  }
0x284: {  	v58 =	vor.u32 v9, v22;
	[tilespmem:v60+s26+$0x0] =	vst.idx.msk $0xffff, v41;
	v55 =	vld.idx.msk [tilespmem:v59+s16+$0x0], $0xffff;
	v59 =	vor.u32 v18, v32  }
0x285: {  	v36 =	vor.u32 v17, v31;
	v48 =	vor.u32 v21, v30;
	[tilespmem:v46+s26+$0x0] =	vst.idx.msk $0xffff, v39;
	v47 =	vld.idx.msk [tilespmem:v61+s16+$0x0], $0xffff  }
0x286: {  	v37 =	vor.u32 v34, v29;
	v46 =	vor.u32 v14, v20;
	v42 =	vld.idx.msk [tilespmem:v50+s16+$0x0], $0xffff;
	[tilespmem:v51+s26+$0x0] =	vst.idx.msk $0xffff, v40  }
0x287: {  	v34 =	vand.u32 $0x3F, v62;
	v38 =	vor.u32 v35, v29;
	[tilespmem:v63+s26+$0x0] =	vst.idx.msk $0xffff, v53;
	v41 =	vld.idx.msk [tilespmem:v52+s16+$0x0], $0xffff  }
0x288: {  	v35 =	vor.u32 v34, v26;
	v49 =	vor.u32 v9, v25;
	v39 =	vld.idx.msk [tilespmem:v56+s16+$0x0], $0xffff;
	[tilespmem:v57+s26+$0x0] =	vst.idx.msk $0xffff, v54  }
0x289: {  	s10 =	simm.s32 $0x8;
	s11 =	simm.s32 $0x7;
	v45 =	vor.u32 v10, v22;
	v50 =	vor.u32 v24, v30;
	[tilespmem:v58+s26+$0x0] =	vst.idx.msk $0xffff, v55;
	v40 =	vld.idx.msk [tilespmem:v59+s16+$0x0], $0xffff  }
.LBB2_16:
0x28a: {  	v51 =	vadd.s32 s11, v0;
	v48 =	vld.idx.msk [tilespmem:v48+s16+$0x0], $0xffff;
	v52 =	vor.u32 v12, v16  }
0x28b: {  	p1 =	slt.u32 s10, $0x3E;
	[tilespmem:v46+s26+$0x0] =	vst.idx.msk $0xffff, v42;
	v53 =	vmovc v18;
	v18 =	vmovc v24;
	v54 =	vmov v17;
	v17 =	vmov v21;
	v21 =	vmov v34  }
0x28c: {  	v24 =	vand.u32 $0x3F, v51;
	v34 =	vor.u32 v53, v31;
	v37 =	vld.idx.msk [tilespmem:v37+s16+$0x0], $0xffff;
	[tilespmem:v44+s26+$0x0] =	vst.idx.msk $0xffff, v41  }
0x28d: {  	v42 =	vor.u32 v15, v20;
	v41 =	vor.u32 v24, v26;
	[tilespmem:v49+s26+$0x0] =	vst.idx.msk $0xffff, v47;
	v38 =	vld.idx.msk [tilespmem:v38+s16+$0x0], $0xffff  }
0x28e: {  	v23 =	vor.u32 v15, v23;
	v44 =	vor.u32 v17, v33;
	v47 =	vor.u32 v54, v27;
	v46 =	vld.idx.msk [tilespmem:v50+s16+$0x0], $0xffff  }
0x28f: {  	v20 =	vmov v19;
	v49 =	vshll.u32 v21, $0x7;
	v50 =	vor.u32 v10, v25;
	v35 =	vld.idx.msk [tilespmem:v35+s16+$0x0], $0xffff;
	[tilespmem:v43+s26+$0x0] =	vst.idx.msk $0xffff, v39  }
0x290: {  	v39 =	vor.u32 v0, v49;
	v43 =	vor.u32 v18, v33;
	v36 =	vld.idx.msk [tilespmem:v36+s16+$0x0], $0xffff;
	[tilespmem:v52+s26+$0x0] =	vst.idx.msk $0xffff, v40  }
0x291: {  	v40 =	vor.u32 v21, v28;
	[tilespmem:v45+s26+$0x0] =	vst.idx.msk $0xffff, v48;
	v45 =	vor.u32 v13, v20;
	v34 =	vld.idx.msk [tilespmem:v34+s16+$0x0], $0xffff  }
0x292: {  	v19 =	vmov v22;
	v51 =	vor.u32 v13, v16;
	v48 =	vshll.u32 v24, $0x7;
	v41 =	vld.idx.msk [tilespmem:v41+s16+$0x0], $0xffff;
	[tilespmem:v42+s26+$0x0] =	vst.idx.msk $0xffff, v37  }
0x293: {  	v22 =	vmov v49;
	v52 =	vor.u32 v53, v27;
	v37 =	vor.u32 v0, v48;
	[tilespmem:v23+s26+$0x0] =	vst.idx.msk $0xffff, v38  }
0x294: {  	v38 =	vor.u32 v24, v28;
	v23 =	vmov v16;
	v16 =	vmov v25;
	v55 =	vld.idx.msk [tilespmem:v44+s16+$0x0], $0xffff;
	[tilespmem:v50+s26+$0x0] =	vst.idx.msk $0xffff, v46  }
0x295: {  	v49 =	vadd.s32 s10, v0;
	v25 =	vmov v48;
	[tilespmem:v39+s26+$0x0] =	vst.idx.msk $0xffff, v35;
	v35 =	vor.u32 v11, v19;
	v43 =	vld.idx.msk [tilespmem:v43+s16+$0x0], $0xffff  }
0x296: {  	v56 =	vor.u32 v11, v16;
	v39 =	vor.u32 v17, v32;
	v40 =	vld.idx.msk [tilespmem:v40+s16+$0x0], $0xffff;
	[tilespmem:v45+s26+$0x0] =	vst.idx.msk $0xffff, v36  }
0x297: {  	v57 =	vor.u32 v18, v32;
	v45 =	vor.u32 v9, v22;
	v42 =	vld.idx.msk [tilespmem:v47+s16+$0x0], $0xffff;
	[tilespmem:v51+s26+$0x0] =	vst.idx.msk $0xffff, v34  }
.Ltmp11:
0x298: {  	v48 =	vor.u32 v21, v30;
	v46 =	vor.u32 v14, v20;
	[tilespmem:v37+s26+$0x0] =	vst.idx.msk $0xffff, v41;
	v41 =	vld.idx.msk [tilespmem:v52+s16+$0x0], $0xffff;
	(pc) =	sbr.rel @p1 .LBB2_16-.Ltmp11, $4  }
0x299: {  	v44 =	vor.u32 v14, v23;
	v36 =	vor.u32 v17, v31;
	v37 =	vor.u32 v54, v29;
	v47 =	vld.idx.msk [tilespmem:v38+s16+$0x0], $0xffff  }
0x29a: {  	v34 =	vand.u32 $0x3F, v49;
	v49 =	vor.u32 v9, v25;
	v38 =	vor.u32 v53, v29;
	[tilespmem:v35+s26+$0x0] =	vst.idx.msk $0xffff, v55  }
0x29b: {  	v50 =	vor.u32 v24, v30;
	v35 =	vor.u32 v34, v26;
	v39 =	vld.idx.msk [tilespmem:v39+s16+$0x0], $0xffff;
	[tilespmem:v56+s26+$0x0] =	vst.idx.msk $0xffff, v43  }
0x29c: {  	s11 =	sadd.s32 $0x1, s10;
	s10 =	sadd.s32 $0x2, s10;
	v43 =	vor.u32 v12, v19;
	[tilespmem:v45+s26+$0x0] =	vst.idx.msk $0xffff, v40;
	v45 =	vor.u32 v10, v22;
	v40 =	vld.idx.msk [tilespmem:v57+s16+$0x0], $0xffff  }
0x29d: {  	v51 =	vadd.s32 s11, v0  }
0x29e: {  	v51 =	vand.u32 $0x3F, v51  }
0x29f: {  	v52 =	vor.u32 v51, v26;
	_ =	sdelay $0x2  }
0x2a0: {  	v26 =	vshll.u32 v34, $0x7  }
0x2a1: {  	v53 =	vld.idx.msk [tilespmem:v35+s16+$0x0], $0xffff;
	v35 =	vshll.u32 v51, $0x7;
	v54 =	vor.u32 v0, v26  }
0x2a2: {  	v55 =	vor.u32 v34, v28;
	v56 =	vor.u32 v0, v35;
	v52 =	vld.idx.msk [tilespmem:v52+s16+$0x0], $0xffff  }
0x2a3: {  	v62 =	vor.u32 v51, v28;
	_ =	sdelay $0x2  }
0x2a4: {  	[tilespmem:v54+s26+$0x0] =	vst.idx.msk $0xffff, v53  }
0x2a5: {  	v63 =	vor.u32 v9, v26;
	v53 =	vld.idx.msk [tilespmem:v55+s16+$0x0], $0xffff;
	[tilespmem:v56+s26+$0x0] =	vst.idx.msk $0xffff, v52  }
0x2a6: {  	v57 =	vor.u32 v9, v35;
	v52 =	vor.u32 v34, v30;
	v28 =	vld.idx.msk [tilespmem:v62+s16+$0x0], $0xffff  }
0x2a7: {  	v58 =	vor.u32 v51, v30;
	_ =	sdelay $0x1  }
0x2a8: {  	v59 =	vld.idx.msk [tilespmem:v48+s16+$0x0], $0xffff;
	[tilespmem:v49+s26+$0x0] =	vst.idx.msk $0xffff, v47  }
0x2a9: {  	v60 =	vor.u32 v21, v33;
	v61 =	vor.u32 v10, v25;
	v49 =	vld.idx.msk [tilespmem:v50+s16+$0x0], $0xffff;
	[tilespmem:v63+s26+$0x0] =	vst.idx.msk $0xffff, v53  }
0x2aa: {  	v62 =	vor.u32 v24, v33;
	v63 =	vor.u32 v10, v26;
	v52 =	vld.idx.msk [tilespmem:v52+s16+$0x0], $0xffff;
	[tilespmem:v57+s26+$0x0] =	vst.idx.msk $0xffff, v28  }
0x2ab: {  	[tilespmem:v46+s26+$0x0] =	vst.idx.msk $0xffff, v42;
	v54 =	vor.u32 v34, v33;
	v55 =	vor.u32 v10, v35;
	v30 =	vld.idx.msk [tilespmem:v58+s16+$0x0], $0xffff  }
0x2ac: {  	[tilespmem:v44+s26+$0x0] =	vst.idx.msk $0xffff, v41;
	v56 =	vor.u32 v51, v33  }
0x2ad: {  	[tilespmem:v45+s26+$0x0] =	vst.idx.msk $0xffff, v59;
	v57 =	vor.u32 v12, v16  }
0x2ae: {  	v59 =	vor.u32 v11, v22;
	[tilespmem:v61+s26+$0x0] =	vst.idx.msk $0xffff, v49;
	v58 =	vld.idx.msk [tilespmem:v60+s16+$0x0], $0xffff  }
0x2af: {  	v61 =	vor.u32 v11, v25;
	v28 =	vld.idx.msk [tilespmem:v62+s16+$0x0], $0xffff;
	v60 =	vor.u32 v21, v32;
	[tilespmem:v63+s26+$0x0] =	vst.idx.msk $0xffff, v52  }
0x2b0: {  	v62 =	vor.u32 v24, v32;
	v63 =	vor.u32 v11, v26;
	v42 =	vld.idx.msk [tilespmem:v54+s16+$0x0], $0xffff;
	[tilespmem:v55+s26+$0x0] =	vst.idx.msk $0xffff, v30  }
0x2b1: {  	v50 =	vor.u32 v34, v32;
	[tilespmem:v43+s26+$0x0] =	vst.idx.msk $0xffff, v39;
	v52 =	vor.u32 v11, v35;
	v33 =	vld.idx.msk [tilespmem:v56+s16+$0x0], $0xffff  }
0x2b2: {  	v20 =	vor.u32 v15, v20;
	v37 =	vld.idx.msk [tilespmem:v37+s16+$0x0], $0xffff;
	v53 =	vor.u32 v51, v32;
	[tilespmem:v57+s26+$0x0] =	vst.idx.msk $0xffff, v40  }
0x2b3: {  	v23 =	vor.u32 v15, v23;
	v38 =	vld.idx.msk [tilespmem:v38+s16+$0x0], $0xffff;
	[tilespmem:v59+s26+$0x0] =	vst.idx.msk $0xffff, v58  }
0x2b4: {  	v54 =	vor.u32 v18, v31;
	[tilespmem:v61+s26+$0x0] =	vst.idx.msk $0xffff, v28;
	v55 =	vld.idx.msk [tilespmem:v60+s16+$0x0], $0xffff;
	v56 =	vor.u32 v12, v22  }
0x2b5: {  	v57 =	vor.u32 v21, v31;
	v58 =	vld.idx.msk [tilespmem:v62+s16+$0x0], $0xffff;
	v59 =	vor.u32 v12, v25;
	[tilespmem:v63+s26+$0x0] =	vst.idx.msk $0xffff, v42  }
0x2b6: {  	v61 =	vor.u32 v12, v26;
	v60 =	vor.u32 v24, v31;
	v39 =	vld.idx.msk [tilespmem:v50+s16+$0x0], $0xffff;
	[tilespmem:v52+s26+$0x0] =	vst.idx.msk $0xffff, v33  }
0x2b7: {  	[tilespmem:v20+s26+$0x0] =	vst.idx.msk $0xffff, v37;
	v62 =	vor.u32 v34, v31;
	v63 =	vor.u32 v12, v35;
	v32 =	vld.idx.msk [tilespmem:v53+s16+$0x0], $0xffff  }
0x2b8: {  	v48 =	vor.u32 v13, v19;
	v36 =	vld.idx.msk [tilespmem:v36+s16+$0x0], $0xffff;
	[tilespmem:v23+s26+$0x0] =	vst.idx.msk $0xffff, v38;
	v49 =	vor.u32 v51, v31  }
0x2b9: {  	v50 =	vor.u32 v17, v27;
	v52 =	vld.idx.msk [tilespmem:v54+s16+$0x0], $0xffff;
	[tilespmem:v56+s26+$0x0] =	vst.idx.msk $0xffff, v55;
	v53 =	vor.u32 v13, v16  }
0x2ba: {  	[tilespmem:v59+s26+$0x0] =	vst.idx.msk $0xffff, v58;
	v54 =	vor.u32 v18, v27;
	v55 =	vor.u32 v13, v22;
	v41 =	vld.idx.msk [tilespmem:v57+s16+$0x0], $0xffff  }
0x2bb: {  	v56 =	vor.u32 v21, v27;
	v30 =	vld.idx.msk [tilespmem:v60+s16+$0x0], $0xffff;
	v57 =	vor.u32 v13, v25;
	[tilespmem:v61+s26+$0x0] =	vst.idx.msk $0xffff, v39  }
0x2bc: {  	v58 =	vor.u32 v24, v27;
	v59 =	vor.u32 v13, v26;
	v20 =	vld.idx.msk [tilespmem:v62+s16+$0x0], $0xffff;
	[tilespmem:v63+s26+$0x0] =	vst.idx.msk $0xffff, v32  }
0x2bd: {  	[tilespmem:v48+s26+$0x0] =	vst.idx.msk $0xffff, v36;
	v60 =	vor.u32 v34, v27;
	v61 =	vor.u32 v13, v35;
	v23 =	vld.idx.msk [tilespmem:v49+s16+$0x0], $0xffff  }
0x2be: {  	v31 =	vld.idx.msk [tilespmem:v50+s16+$0x0], $0xffff;
	v62 =	vor.u32 v14, v19;
	[tilespmem:v53+s26+$0x0] =	vst.idx.msk $0xffff, v52;
	v63 =	vor.u32 v51, v27  }
0x2bf: {  	v46 =	vor.u32 v14, v16;
	v17 =	vor.u32 v17, v29;
	[tilespmem:v55+s26+$0x0] =	vst.idx.msk $0xffff, v41;
	v28 =	vld.idx.msk [tilespmem:v54+s16+$0x0], $0xffff  }
0x2c0: {  	v47 =	vor.u32 v18, v29;
	[tilespmem:v57+s26+$0x0] =	vst.idx.msk $0xffff, v30;
	v48 =	vld.idx.msk [tilespmem:v56+s16+$0x0], $0xffff;
	v49 =	vor.u32 v14, v22  }
0x2c1: {  	v50 =	vor.u32 v21, v29;
	v52 =	vor.u32 v14, v25;
	v33 =	vld.idx.msk [tilespmem:v58+s16+$0x0], $0xffff;
	[tilespmem:v59+s26+$0x0] =	vst.idx.msk $0xffff, v20  }
0x2c2: {  	v53 =	vor.u32 v24, v29;
	v55 =	vor.u32 v14, v26;
	v54 =	vld.idx.msk [tilespmem:v60+s16+$0x0], $0xffff;
	[tilespmem:v61+s26+$0x0] =	vst.idx.msk $0xffff, v23  }
0x2c3: {  	v57 =	vor.u32 v14, v35;
	v56 =	vor.u32 v34, v29;
	[tilespmem:v62+s26+$0x0] =	vst.idx.msk $0xffff, v31;
	v27 =	vld.idx.msk [tilespmem:v63+s16+$0x0], $0xffff  }
0x2c4: {  	v58 =	vor.u32 v15, v19;
	v59 =	vor.u32 v51, v29;
	v17 =	vld.idx.msk [tilespmem:v17+s16+$0x0], $0xffff;
	[tilespmem:v46+s26+$0x0] =	vst.idx.msk $0xffff, v28  }
0x2c5: {  	v16 =	vor.u32 v15, v16;
	[tilespmem:v49+s26+$0x0] =	vst.idx.msk $0xffff, v48;
	v18 =	vld.idx.msk [tilespmem:v47+s16+$0x0], $0xffff  }
0x2c6: {  	v60 =	vor.u32 v15, v22;
	[tilespmem:v52+s26+$0x0] =	vst.idx.msk $0xffff, v33;
	v21 =	vld.idx.msk [tilespmem:v50+s16+$0x0], $0xffff  }
0x2c7: {  	v61 =	vor.u32 v15, v25;
	v20 =	vld.idx.msk [tilespmem:v53+s16+$0x0], $0xffff;
	[tilespmem:v55+s26+$0x0] =	vst.idx.msk $0xffff, v54  }
0x2c8: {  	v62 =	vor.u32 v15, v26;
	v23 =	vld.idx.msk [tilespmem:v56+s16+$0x0], $0xffff;
	[tilespmem:v57+s26+$0x0] =	vst.idx.msk $0xffff, v27  }
0x2c9: {  	v63 =	vor.u32 v15, v35;
	[tilespmem:v58+s26+$0x0] =	vst.idx.msk $0xffff, v17;
	v17 =	vld.idx.msk [tilespmem:v59+s16+$0x0], $0xffff  }
0x2ca: {  	[tilespmem:v16+s26+$0x0] =	vst.idx.msk $0xffff, v18  }
0x2cb: {  	s4 =	sadd.s32 s3, s4;
	[tilespmem:v60+s26+$0x0] =	vst.idx.msk $0xffff, v21  }
0x2cc: {  	s4 =	sshll.u32 s4, $0x7;
	[tilespmem:v61+s26+$0x0] =	vst.idx.msk $0xffff, v20  }
0x2cd: {  	s4 =	sand.u32 $0x1FFFFF80, s4;
	[tilespmem:v62+s26+$0x0] =	vst.idx.msk $0xffff, v23  }
0x2ce: {  	s4 =	sadd.s32 s2, s4;
	[tilespmem:v63+s26+$0x0] =	vst.idx.msk $0xffff, v17  }
0x2cf: {  	[hbm4b:s4+s23] =	stream.strided.scatter [tilespmem:s26], [sflag:$0x5], $0x2000, s24, s23, $0x38;
	[tilespmem:$0x13F00] =	vst v63  }
0x2d0: {  	s4 =	sadd.s32 $0x6, s19  }
0x2d1: {  	p1 =	sge.u32 s4, s6  }
0x2d2: {  	s4 =	sadd.s32 @!p1 s7, s4  }
0x2d3: {  	s4 =	sshll.u32 @!p1 s4, $0x9  }
0x2d4: {  	s4 =	sshra.s32 @!p1 s4, $0x2  }
0x2d5: {  	v16 =	vld @!p1 [tilespmem:s4+$0x0];
	_ =	sdelay $0x4  }
0x2d6: {  	v16 =	vshra.s32 @!p1 v16, $0x1  }
0x2d7: {  	[tilespmem:$0xC80] =	vst @!p1 v16  }
0x2d8: {  	v16 =	vld @!p1 [tilespmem:s4+$0x10];
	_ =	sdelay $0x4  }
0x2d9: {  	v16 =	vshra.s32 @!p1 v16, $0x1  }
0x2da: {  	[tilespmem:$0xC90] =	vst @!p1 v16  }
0x2db: {  	v16 =	vld @!p1 [tilespmem:s4+$0x20];
	_ =	sdelay $0x4  }
0x2dc: {  	v16 =	vshra.s32 @!p1 v16, $0x1  }
0x2dd: {  	[tilespmem:$0xCA0] =	vst @!p1 v16  }
0x2de: {  	v16 =	vld @!p1 [tilespmem:s4+$0x30];
	_ =	sdelay $0x4  }
0x2df: {  	v16 =	vshra.s32 @!p1 v16, $0x1  }
0x2e0: {  	[tilespmem:$0xCB0] =	vst @!p1 v16  }
0x2e1: {  	v16 =	vld @!p1 [tilespmem:s4+$0x40];
	_ =	sdelay $0x4  }
0x2e2: {  	v16 =	vshra.s32 @!p1 v16, $0x1  }
0x2e3: {  	[tilespmem:$0xCC0] =	vst @!p1 v16  }
0x2e4: {  	v16 =	vld @!p1 [tilespmem:s4+$0x50];
	_ =	sdelay $0x4  }
0x2e5: {  	v16 =	vshra.s32 @!p1 v16, $0x1  }
0x2e6: {  	[tilespmem:$0xCD0] =	vst @!p1 v16  }
0x2e7: {  	v16 =	vld @!p1 [tilespmem:s4+$0x60];
	_ =	sdelay $0x4  }
0x2e8: {  	v16 =	vshra.s32 @!p1 v16, $0x1  }
0x2e9: {  	[tilespmem:$0xCE0] =	vst @!p1 v16  }
0x2ea: {  	v16 =	vld @!p1 [tilespmem:s4+$0x70];
	_ =	sdelay $0x4  }
0x2eb: {  	v16 =	vshra.s32 @!p1 v16, $0x1  }
0x2ec: {  	s10 =	simm.s32 @!p1 $0xC80;
	s11 =	simm.s32 @!p1 $0xE00;
	s4 =	simm.s32 @!p1 $0x80;
	[tilespmem:$0xCF0] =	vst @!p1 v16  }
0x2ed: {  	[tilespmem:s11], [sflag:$0x1] =	stream.indirect.gather @!p1 [hbm4b:s5+s4], $0x80, s10, s4, $0xb8;
	[tilespmem:$0x13F00] =	vst v63  }
.LBB2_18:
0x2ee: {  	s4 =	sadd.s32 $0x4, s19  }
0x2ef: {  	p1 =	sge.u32 s4, s6  }
.Ltmp12:
0x2f0: {  	_ = 	snop;
	(pc) =	sbr.rel @p1 .LBB2_22-.Ltmp12, $1  }
0x2f1: {  	_ =	sdelay $0x3  }
0x2f2: {  	_ =	swait.ge [sflag:s25], $0x4000  }
0x2f3: {  	[sflag:s25] =	ssyncset.done $0x0  }
0x2f4: {  	[sflag:s25] =	ssyncadd.s32 $0xFFFFC000  }
0x2f5: {  	s10 =	sadd.s32 s7, s4;
	_ =	swait.ge [sflag:s29], $0x2000  }
0x2f6: {  	s10 =	sshll.u32 s10, $0x9;
	[sflag:s29] =	ssyncset.done $0x0  }
0x2f7: {  	s10 =	sshra.s32 s10, $0x2;
	[sflag:s29] =	ssyncadd.s32 $0xFFFFE000  }
0x2f8: {  	v16 =	vld [tilespmem:s10+$0x0];
	_ =	sdelay $0x4  }
0x2f9: {  	s11 =	simm.s32 $0x0;
	v16 =	vshll.u32 v16, $0x6  }
0x2fa: {  	v18 =	vadd.s32 s11, v0;
	v17 =	vld [tilespmem:s10+$0x10];
	v16 =	vand.u32 $0x40, v16  }
0x2fb: {  	s11 =	simm.s32 $0x1;
	v34 =	vand.u32 $0x3F, v18;
	v26 =	vor.u32 v1, v16  }
0x2fc: {  	v16 =	vadd.s32 s11, v0;
	v18 =	vor.u32 v34, v26  }
0x2fd: {  	v35 =	vand.u32 $0x3F, v16  }
0x2fe: {  	v16 =	vor.u32 v35, v26  }
0x2ff: {  	v19 =	vld [tilespmem:s10+$0x20];
	v17 =	vshll.u32 v17, $0x6  }
0x300: {  	v20 =	vshll.u32 v34, $0x7;
	v21 =	vld [tilespmem:s10+$0x30];
	v17 =	vand.u32 $0x40, v17  }
0x301: {  	v28 =	vor.u32 v2, v17;
	v17 =	vld.idx.msk [tilespmem:v18+s18+$0x0], $0xffff;
	v18 =	vor.u32 v0, v20  }
0x302: {  	v22 =	vld [tilespmem:s10+$0x40];
	v24 =	vor.u32 v34, v28;
	v23 =	vshll.u32 v35, $0x7  }
0x303: {  	v25 =	vor.u32 v0, v23;
	v16 =	vld.idx.msk [tilespmem:v16+s18+$0x0], $0xffff  }
0x304: {  	v27 =	vld [tilespmem:s10+$0x50];
	v29 =	vor.u32 v35, v28  }
0x305: {  	v31 =	vld [tilespmem:s10+$0x60];
	v19 =	vshll.u32 v19, $0x6  }
0x306: {  	v36 =	vld [tilespmem:s10+$0x70];
	v19 =	vand.u32 $0x40, v19;
	[tilespmem:v18+s22+$0x0] =	vst.idx.msk $0xffff, v17  }
0x307: {  	v30 =	vor.u32 v3, v19;
	v19 =	vld.idx.msk [tilespmem:v24+s18+$0x0], $0xffff;
	v24 =	vor.u32 v9, v20  }
0x308: {  	s11 =	simm.s32 $0x2;
	[tilespmem:v25+s22+$0x0] =	vst.idx.msk $0xffff, v16;
	v16 =	vor.u32 v34, v30  }
0x309: {  	v17 =	vadd.s32 s11, v0;
	s11 =	simm.s32 $0x3;
	v25 =	vld.idx.msk [tilespmem:v29+s18+$0x0], $0xffff;
	v29 =	vor.u32 v9, v23  }
0x30a: {  	v32 =	vor.u32 v35, v30;
	v17 =	vand.u32 $0x3F, v17;
	v18 =	vadd.s32 s11, v0  }
0x30b: {  	v21 =	vshll.u32 v21, $0x6;
	v37 =	vor.u32 v17, v26;
	v18 =	vand.u32 $0x3F, v18  }
0x30c: {  	v22 =	vshll.u32 v22, $0x6;
	v21 =	vand.u32 $0x40, v21;
	[tilespmem:v24+s22+$0x0] =	vst.idx.msk $0xffff, v19;
	v24 =	vor.u32 v18, v26  }
0x30d: {  	v27 =	vshll.u32 v27, $0x6;
	v33 =	vor.u32 v4, v21;
	v21 =	vor.u32 v10, v20;
	v38 =	vld.idx.msk [tilespmem:v16+s18+$0x0], $0xffff  }
0x30e: {  	v31 =	vshll.u32 v31, $0x6;
	v27 =	vand.u32 $0x40, v27;
	[tilespmem:v29+s22+$0x0] =	vst.idx.msk $0xffff, v25;
	v25 =	vor.u32 v34, v33  }
0x30f: {  	v50 =	vand.u32 $0x40, v31;
	v39 =	vor.u32 v10, v23;
	v19 =	vshll.u32 v17, $0x7;
	v29 =	vld.idx.msk [tilespmem:v32+s18+$0x0], $0xffff  }
0x310: {  	v40 =	vor.u32 v35, v33;
	v37 =	vld.idx.msk [tilespmem:v37+s18+$0x0], $0xffff;
	v41 =	vor.u32 v0, v19;
	v16 =	vshll.u32 v18, $0x7  }
0x311: {  	v31 =	vor.u32 v6, v27;
	v42 =	vor.u32 v17, v28;
	v43 =	vor.u32 v0, v16;
	v24 =	vld.idx.msk [tilespmem:v24+s18+$0x0], $0xffff  }
0x312: {  	v22 =	vand.u32 $0x40, v22;
	v27 =	vor.u32 v7, v50;
	[tilespmem:v21+s22+$0x0] =	vst.idx.msk $0xffff, v38;
	v21 =	vor.u32 v18, v28  }
0x313: {  	v53 =	vor.u32 v34, v31;
	v32 =	vor.u32 v5, v22;
	v22 =	vld.idx.msk [tilespmem:v25+s18+$0x0], $0xffff;
	v25 =	vor.u32 v11, v20  }
0x314: {  	v36 =	vshll.u32 v36, $0x6;
	v50 =	vor.u32 v34, v27;
	v54 =	vor.u32 v35, v31;
	[tilespmem:v39+s22+$0x0] =	vst.idx.msk $0xffff, v29  }
0x315: {  	v48 =	vor.u32 v11, v23;
	v63 =	vor.u32 v34, v32;
	[tilespmem:v41+s22+$0x0] =	vst.idx.msk $0xffff, v37;
	v29 =	vld.idx.msk [tilespmem:v40+s18+$0x0], $0xffff  }
0x316: {  	s11 =	simm.s32 $0x4;
	v51 =	vor.u32 v9, v19;
	v49 =	vor.u32 v35, v32;
	v41 =	vld.idx.msk [tilespmem:v42+s18+$0x0], $0xffff;
	[tilespmem:v43+s22+$0x0] =	vst.idx.msk $0xffff, v24  }
0x317: {  	v52 =	vor.u32 v17, v30;
	v45 =	vor.u32 v9, v16;
	v24 =	vadd.s32 s11, v0;
	s11 =	simm.s32 $0x5;
	v44 =	vld.idx.msk [tilespmem:v21+s18+$0x0], $0xffff  }
0x318: {  	v21 =	vand.u32 $0x3F, v24;
	v24 =	vadd.s32 s11, v0;
	[tilespmem:v25+s22+$0x0] =	vst.idx.msk $0xffff, v22;
	v22 =	vor.u32 v18, v30  }
0x319: {  	v46 =	vor.u32 v12, v23;
	v25 =	vor.u32 v21, v26;
	v24 =	vand.u32 $0x3F, v24  }
0x31a: {  	v38 =	vld.idx.msk [tilespmem:v63+s18+$0x0], $0xffff;
	[tilespmem:v48+s22+$0x0] =	vst.idx.msk $0xffff, v29;
	v29 =	vor.u32 v12, v20;
	v56 =	vor.u32 v24, v26  }
0x31b: {  	v57 =	vor.u32 v17, v33;
	v55 =	vor.u32 v10, v19;
	[tilespmem:v51+s22+$0x0] =	vst.idx.msk $0xffff, v41;
	v37 =	vld.idx.msk [tilespmem:v49+s18+$0x0], $0xffff  }
0x31c: {  	v47 =	vor.u32 v10, v16;
	v43 =	vor.u32 v12, v19;
	v42 =	vld.idx.msk [tilespmem:v52+s18+$0x0], $0xffff;
	[tilespmem:v45+s22+$0x0] =	vst.idx.msk $0xffff, v44  }
0x31d: {  	v59 =	vor.u32 v21, v28;
	v51 =	vor.u32 v13, v23;
	v45 =	vld.idx.msk [tilespmem:v22+s18+$0x0], $0xffff;
	v22 =	vshll.u32 v21, $0x7  }
0x31e: {  	s11 =	simm.s32 $0x6;
	v49 =	vor.u32 v18, v33;
	v48 =	vld.idx.msk [tilespmem:v25+s18+$0x0], $0xffff;
	v25 =	vshll.u32 v24, $0x7;
	v58 =	vor.u32 v0, v22  }
0x31f: {  	v36 =	vand.u32 $0x40, v36;
	v62 =	vadd.s32 s11, v0;
	[tilespmem:v29+s22+$0x0] =	vst.idx.msk $0xffff, v38;
	v41 =	vld.idx.msk [tilespmem:v56+s18+$0x0], $0xffff;
	v60 =	vor.u32 v0, v25  }
0x320: {  	v61 =	vor.u32 v24, v28;
	v39 =	vld.idx.msk [tilespmem:v53+s18+$0x0], $0xffff;
	[tilespmem:v46+s22+$0x0] =	vst.idx.msk $0xffff, v37;
	v46 =	vor.u32 v13, v20  }
0x321: {  	v52 =	vor.u32 v35, v27;
	v63 =	vor.u32 v11, v19;
	[tilespmem:v55+s22+$0x0] =	vst.idx.msk $0xffff, v42;
	v40 =	vld.idx.msk [tilespmem:v54+s18+$0x0], $0xffff  }
0x322: {  	v44 =	vor.u32 v14, v23;
	v29 =	vor.u32 v8, v36;
	v53 =	vld.idx.msk [tilespmem:v57+s18+$0x0], $0xffff;
	[tilespmem:v47+s22+$0x0] =	vst.idx.msk $0xffff, v45  }
0x323: {  	v56 =	vor.u32 v17, v32;
	v57 =	vor.u32 v11, v16;
	[tilespmem:v58+s22+$0x0] =	vst.idx.msk $0xffff, v48;
	v54 =	vld.idx.msk [tilespmem:v49+s18+$0x0], $0xffff  }
0x324: {  	v58 =	vor.u32 v9, v22;
	[tilespmem:v60+s22+$0x0] =	vst.idx.msk $0xffff, v41;
	v55 =	vld.idx.msk [tilespmem:v59+s18+$0x0], $0xffff;
	v59 =	vor.u32 v18, v32  }
0x325: {  	v36 =	vor.u32 v17, v31;
	v48 =	vor.u32 v21, v30;
	[tilespmem:v46+s22+$0x0] =	vst.idx.msk $0xffff, v39;
	v47 =	vld.idx.msk [tilespmem:v61+s18+$0x0], $0xffff  }
0x326: {  	v37 =	vor.u32 v34, v29;
	v46 =	vor.u32 v14, v20;
	v42 =	vld.idx.msk [tilespmem:v50+s18+$0x0], $0xffff;
	[tilespmem:v51+s22+$0x0] =	vst.idx.msk $0xffff, v40  }
0x327: {  	v34 =	vand.u32 $0x3F, v62;
	v38 =	vor.u32 v35, v29;
	[tilespmem:v63+s22+$0x0] =	vst.idx.msk $0xffff, v53;
	v41 =	vld.idx.msk [tilespmem:v52+s18+$0x0], $0xffff  }
0x328: {  	v35 =	vor.u32 v34, v26;
	v49 =	vor.u32 v9, v25;
	v39 =	vld.idx.msk [tilespmem:v56+s18+$0x0], $0xffff;
	[tilespmem:v57+s22+$0x0] =	vst.idx.msk $0xffff, v54  }
0x329: {  	s10 =	simm.s32 $0x8;
	s11 =	simm.s32 $0x7;
	v45 =	vor.u32 v10, v22;
	v50 =	vor.u32 v24, v30;
	[tilespmem:v58+s22+$0x0] =	vst.idx.msk $0xffff, v55;
	v40 =	vld.idx.msk [tilespmem:v59+s18+$0x0], $0xffff  }
.LBB2_20:
0x32a: {  	v51 =	vadd.s32 s11, v0;
	v48 =	vld.idx.msk [tilespmem:v48+s18+$0x0], $0xffff;
	v52 =	vor.u32 v12, v16  }
0x32b: {  	p1 =	slt.u32 s10, $0x3E;
	[tilespmem:v46+s22+$0x0] =	vst.idx.msk $0xffff, v42;
	v53 =	vmovc v18;
	v18 =	vmovc v24;
	v54 =	vmov v17;
	v17 =	vmov v21;
	v21 =	vmov v34  }
0x32c: {  	v24 =	vand.u32 $0x3F, v51;
	v34 =	vor.u32 v53, v31;
	v37 =	vld.idx.msk [tilespmem:v37+s18+$0x0], $0xffff;
	[tilespmem:v44+s22+$0x0] =	vst.idx.msk $0xffff, v41  }
0x32d: {  	v42 =	vor.u32 v15, v20;
	v41 =	vor.u32 v24, v26;
	[tilespmem:v49+s22+$0x0] =	vst.idx.msk $0xffff, v47;
	v38 =	vld.idx.msk [tilespmem:v38+s18+$0x0], $0xffff  }
0x32e: {  	v23 =	vor.u32 v15, v23;
	v44 =	vor.u32 v17, v33;
	v47 =	vor.u32 v54, v27;
	v46 =	vld.idx.msk [tilespmem:v50+s18+$0x0], $0xffff  }
0x32f: {  	v20 =	vmov v19;
	v49 =	vshll.u32 v21, $0x7;
	v50 =	vor.u32 v10, v25;
	v35 =	vld.idx.msk [tilespmem:v35+s18+$0x0], $0xffff;
	[tilespmem:v43+s22+$0x0] =	vst.idx.msk $0xffff, v39  }
0x330: {  	v39 =	vor.u32 v0, v49;
	v43 =	vor.u32 v18, v33;
	v36 =	vld.idx.msk [tilespmem:v36+s18+$0x0], $0xffff;
	[tilespmem:v52+s22+$0x0] =	vst.idx.msk $0xffff, v40  }
0x331: {  	v40 =	vor.u32 v21, v28;
	[tilespmem:v45+s22+$0x0] =	vst.idx.msk $0xffff, v48;
	v45 =	vor.u32 v13, v20;
	v34 =	vld.idx.msk [tilespmem:v34+s18+$0x0], $0xffff  }
0x332: {  	v19 =	vmov v22;
	v51 =	vor.u32 v13, v16;
	v48 =	vshll.u32 v24, $0x7;
	v41 =	vld.idx.msk [tilespmem:v41+s18+$0x0], $0xffff;
	[tilespmem:v42+s22+$0x0] =	vst.idx.msk $0xffff, v37  }
0x333: {  	v22 =	vmov v49;
	v52 =	vor.u32 v53, v27;
	v37 =	vor.u32 v0, v48;
	[tilespmem:v23+s22+$0x0] =	vst.idx.msk $0xffff, v38  }
0x334: {  	v38 =	vor.u32 v24, v28;
	v23 =	vmov v16;
	v16 =	vmov v25;
	v55 =	vld.idx.msk [tilespmem:v44+s18+$0x0], $0xffff;
	[tilespmem:v50+s22+$0x0] =	vst.idx.msk $0xffff, v46  }
0x335: {  	v49 =	vadd.s32 s10, v0;
	v25 =	vmov v48;
	[tilespmem:v39+s22+$0x0] =	vst.idx.msk $0xffff, v35;
	v35 =	vor.u32 v11, v19;
	v43 =	vld.idx.msk [tilespmem:v43+s18+$0x0], $0xffff  }
0x336: {  	v56 =	vor.u32 v11, v16;
	v39 =	vor.u32 v17, v32;
	v40 =	vld.idx.msk [tilespmem:v40+s18+$0x0], $0xffff;
	[tilespmem:v45+s22+$0x0] =	vst.idx.msk $0xffff, v36  }
0x337: {  	v57 =	vor.u32 v18, v32;
	v45 =	vor.u32 v9, v22;
	v42 =	vld.idx.msk [tilespmem:v47+s18+$0x0], $0xffff;
	[tilespmem:v51+s22+$0x0] =	vst.idx.msk $0xffff, v34  }
.Ltmp13:
0x338: {  	v48 =	vor.u32 v21, v30;
	v46 =	vor.u32 v14, v20;
	[tilespmem:v37+s22+$0x0] =	vst.idx.msk $0xffff, v41;
	v41 =	vld.idx.msk [tilespmem:v52+s18+$0x0], $0xffff;
	(pc) =	sbr.rel @p1 .LBB2_20-.Ltmp13, $4  }
0x339: {  	v44 =	vor.u32 v14, v23;
	v36 =	vor.u32 v17, v31;
	v37 =	vor.u32 v54, v29;
	v47 =	vld.idx.msk [tilespmem:v38+s18+$0x0], $0xffff  }
0x33a: {  	v34 =	vand.u32 $0x3F, v49;
	v49 =	vor.u32 v9, v25;
	v38 =	vor.u32 v53, v29;
	[tilespmem:v35+s22+$0x0] =	vst.idx.msk $0xffff, v55  }
0x33b: {  	v50 =	vor.u32 v24, v30;
	v35 =	vor.u32 v34, v26;
	v39 =	vld.idx.msk [tilespmem:v39+s18+$0x0], $0xffff;
	[tilespmem:v56+s22+$0x0] =	vst.idx.msk $0xffff, v43  }
0x33c: {  	s11 =	sadd.s32 $0x1, s10;
	s10 =	sadd.s32 $0x2, s10;
	v43 =	vor.u32 v12, v19;
	[tilespmem:v45+s22+$0x0] =	vst.idx.msk $0xffff, v40;
	v45 =	vor.u32 v10, v22;
	v40 =	vld.idx.msk [tilespmem:v57+s18+$0x0], $0xffff  }
0x33d: {  	v51 =	vadd.s32 s11, v0  }
0x33e: {  	v51 =	vand.u32 $0x3F, v51  }
0x33f: {  	v52 =	vor.u32 v51, v26;
	_ =	sdelay $0x2  }
0x340: {  	v26 =	vshll.u32 v34, $0x7  }
0x341: {  	v53 =	vld.idx.msk [tilespmem:v35+s18+$0x0], $0xffff;
	v35 =	vshll.u32 v51, $0x7;
	v54 =	vor.u32 v0, v26  }
0x342: {  	v55 =	vor.u32 v34, v28;
	v56 =	vor.u32 v0, v35;
	v52 =	vld.idx.msk [tilespmem:v52+s18+$0x0], $0xffff  }
0x343: {  	v62 =	vor.u32 v51, v28;
	_ =	sdelay $0x2  }
0x344: {  	[tilespmem:v54+s22+$0x0] =	vst.idx.msk $0xffff, v53  }
0x345: {  	v63 =	vor.u32 v9, v26;
	v53 =	vld.idx.msk [tilespmem:v55+s18+$0x0], $0xffff;
	[tilespmem:v56+s22+$0x0] =	vst.idx.msk $0xffff, v52  }
0x346: {  	v57 =	vor.u32 v9, v35;
	v52 =	vor.u32 v34, v30;
	v28 =	vld.idx.msk [tilespmem:v62+s18+$0x0], $0xffff  }
0x347: {  	v58 =	vor.u32 v51, v30;
	_ =	sdelay $0x1  }
0x348: {  	v59 =	vld.idx.msk [tilespmem:v48+s18+$0x0], $0xffff;
	[tilespmem:v49+s22+$0x0] =	vst.idx.msk $0xffff, v47  }
0x349: {  	v60 =	vor.u32 v21, v33;
	v61 =	vor.u32 v10, v25;
	v49 =	vld.idx.msk [tilespmem:v50+s18+$0x0], $0xffff;
	[tilespmem:v63+s22+$0x0] =	vst.idx.msk $0xffff, v53  }
0x34a: {  	v62 =	vor.u32 v24, v33;
	v63 =	vor.u32 v10, v26;
	v52 =	vld.idx.msk [tilespmem:v52+s18+$0x0], $0xffff;
	[tilespmem:v57+s22+$0x0] =	vst.idx.msk $0xffff, v28  }
0x34b: {  	[tilespmem:v46+s22+$0x0] =	vst.idx.msk $0xffff, v42;
	v54 =	vor.u32 v34, v33;
	v55 =	vor.u32 v10, v35;
	v30 =	vld.idx.msk [tilespmem:v58+s18+$0x0], $0xffff  }
0x34c: {  	[tilespmem:v44+s22+$0x0] =	vst.idx.msk $0xffff, v41;
	v56 =	vor.u32 v51, v33  }
0x34d: {  	[tilespmem:v45+s22+$0x0] =	vst.idx.msk $0xffff, v59;
	v57 =	vor.u32 v12, v16  }
0x34e: {  	v59 =	vor.u32 v11, v22;
	[tilespmem:v61+s22+$0x0] =	vst.idx.msk $0xffff, v49;
	v58 =	vld.idx.msk [tilespmem:v60+s18+$0x0], $0xffff  }
0x34f: {  	v61 =	vor.u32 v11, v25;
	v28 =	vld.idx.msk [tilespmem:v62+s18+$0x0], $0xffff;
	v60 =	vor.u32 v21, v32;
	[tilespmem:v63+s22+$0x0] =	vst.idx.msk $0xffff, v52  }
0x350: {  	v62 =	vor.u32 v24, v32;
	v63 =	vor.u32 v11, v26;
	v42 =	vld.idx.msk [tilespmem:v54+s18+$0x0], $0xffff;
	[tilespmem:v55+s22+$0x0] =	vst.idx.msk $0xffff, v30  }
0x351: {  	v50 =	vor.u32 v34, v32;
	[tilespmem:v43+s22+$0x0] =	vst.idx.msk $0xffff, v39;
	v52 =	vor.u32 v11, v35;
	v33 =	vld.idx.msk [tilespmem:v56+s18+$0x0], $0xffff  }
0x352: {  	v20 =	vor.u32 v15, v20;
	v37 =	vld.idx.msk [tilespmem:v37+s18+$0x0], $0xffff;
	v53 =	vor.u32 v51, v32;
	[tilespmem:v57+s22+$0x0] =	vst.idx.msk $0xffff, v40  }
0x353: {  	v23 =	vor.u32 v15, v23;
	v38 =	vld.idx.msk [tilespmem:v38+s18+$0x0], $0xffff;
	[tilespmem:v59+s22+$0x0] =	vst.idx.msk $0xffff, v58  }
0x354: {  	v54 =	vor.u32 v18, v31;
	[tilespmem:v61+s22+$0x0] =	vst.idx.msk $0xffff, v28;
	v55 =	vld.idx.msk [tilespmem:v60+s18+$0x0], $0xffff;
	v56 =	vor.u32 v12, v22  }
0x355: {  	v57 =	vor.u32 v21, v31;
	v58 =	vld.idx.msk [tilespmem:v62+s18+$0x0], $0xffff;
	v59 =	vor.u32 v12, v25;
	[tilespmem:v63+s22+$0x0] =	vst.idx.msk $0xffff, v42  }
0x356: {  	v61 =	vor.u32 v12, v26;
	v60 =	vor.u32 v24, v31;
	v39 =	vld.idx.msk [tilespmem:v50+s18+$0x0], $0xffff;
	[tilespmem:v52+s22+$0x0] =	vst.idx.msk $0xffff, v33  }
0x357: {  	[tilespmem:v20+s22+$0x0] =	vst.idx.msk $0xffff, v37;
	v62 =	vor.u32 v34, v31;
	v63 =	vor.u32 v12, v35;
	v32 =	vld.idx.msk [tilespmem:v53+s18+$0x0], $0xffff  }
0x358: {  	v48 =	vor.u32 v13, v19;
	v36 =	vld.idx.msk [tilespmem:v36+s18+$0x0], $0xffff;
	[tilespmem:v23+s22+$0x0] =	vst.idx.msk $0xffff, v38;
	v49 =	vor.u32 v51, v31  }
0x359: {  	v50 =	vor.u32 v17, v27;
	v52 =	vld.idx.msk [tilespmem:v54+s18+$0x0], $0xffff;
	[tilespmem:v56+s22+$0x0] =	vst.idx.msk $0xffff, v55;
	v53 =	vor.u32 v13, v16  }
0x35a: {  	[tilespmem:v59+s22+$0x0] =	vst.idx.msk $0xffff, v58;
	v54 =	vor.u32 v18, v27;
	v55 =	vor.u32 v13, v22;
	v41 =	vld.idx.msk [tilespmem:v57+s18+$0x0], $0xffff  }
0x35b: {  	v56 =	vor.u32 v21, v27;
	v30 =	vld.idx.msk [tilespmem:v60+s18+$0x0], $0xffff;
	v57 =	vor.u32 v13, v25;
	[tilespmem:v61+s22+$0x0] =	vst.idx.msk $0xffff, v39  }
0x35c: {  	v58 =	vor.u32 v24, v27;
	v59 =	vor.u32 v13, v26;
	v20 =	vld.idx.msk [tilespmem:v62+s18+$0x0], $0xffff;
	[tilespmem:v63+s22+$0x0] =	vst.idx.msk $0xffff, v32  }
0x35d: {  	[tilespmem:v48+s22+$0x0] =	vst.idx.msk $0xffff, v36;
	v60 =	vor.u32 v34, v27;
	v61 =	vor.u32 v13, v35;
	v23 =	vld.idx.msk [tilespmem:v49+s18+$0x0], $0xffff  }
0x35e: {  	v31 =	vld.idx.msk [tilespmem:v50+s18+$0x0], $0xffff;
	v62 =	vor.u32 v14, v19;
	[tilespmem:v53+s22+$0x0] =	vst.idx.msk $0xffff, v52;
	v63 =	vor.u32 v51, v27  }
0x35f: {  	v46 =	vor.u32 v14, v16;
	v17 =	vor.u32 v17, v29;
	[tilespmem:v55+s22+$0x0] =	vst.idx.msk $0xffff, v41;
	v28 =	vld.idx.msk [tilespmem:v54+s18+$0x0], $0xffff  }
0x360: {  	v47 =	vor.u32 v18, v29;
	[tilespmem:v57+s22+$0x0] =	vst.idx.msk $0xffff, v30;
	v48 =	vld.idx.msk [tilespmem:v56+s18+$0x0], $0xffff;
	v49 =	vor.u32 v14, v22  }
0x361: {  	v50 =	vor.u32 v21, v29;
	v52 =	vor.u32 v14, v25;
	v33 =	vld.idx.msk [tilespmem:v58+s18+$0x0], $0xffff;
	[tilespmem:v59+s22+$0x0] =	vst.idx.msk $0xffff, v20  }
0x362: {  	v53 =	vor.u32 v24, v29;
	v55 =	vor.u32 v14, v26;
	v54 =	vld.idx.msk [tilespmem:v60+s18+$0x0], $0xffff;
	[tilespmem:v61+s22+$0x0] =	vst.idx.msk $0xffff, v23  }
0x363: {  	v57 =	vor.u32 v14, v35;
	v56 =	vor.u32 v34, v29;
	[tilespmem:v62+s22+$0x0] =	vst.idx.msk $0xffff, v31;
	v27 =	vld.idx.msk [tilespmem:v63+s18+$0x0], $0xffff  }
0x364: {  	v58 =	vor.u32 v15, v19;
	v59 =	vor.u32 v51, v29;
	v17 =	vld.idx.msk [tilespmem:v17+s18+$0x0], $0xffff;
	[tilespmem:v46+s22+$0x0] =	vst.idx.msk $0xffff, v28  }
0x365: {  	v16 =	vor.u32 v15, v16;
	[tilespmem:v49+s22+$0x0] =	vst.idx.msk $0xffff, v48;
	v18 =	vld.idx.msk [tilespmem:v47+s18+$0x0], $0xffff  }
0x366: {  	v60 =	vor.u32 v15, v22;
	[tilespmem:v52+s22+$0x0] =	vst.idx.msk $0xffff, v33;
	v21 =	vld.idx.msk [tilespmem:v50+s18+$0x0], $0xffff  }
0x367: {  	v61 =	vor.u32 v15, v25;
	v20 =	vld.idx.msk [tilespmem:v53+s18+$0x0], $0xffff;
	[tilespmem:v55+s22+$0x0] =	vst.idx.msk $0xffff, v54  }
0x368: {  	v62 =	vor.u32 v15, v26;
	v23 =	vld.idx.msk [tilespmem:v56+s18+$0x0], $0xffff;
	[tilespmem:v57+s22+$0x0] =	vst.idx.msk $0xffff, v27  }
0x369: {  	v63 =	vor.u32 v15, v35;
	[tilespmem:v58+s22+$0x0] =	vst.idx.msk $0xffff, v17;
	v17 =	vld.idx.msk [tilespmem:v59+s18+$0x0], $0xffff  }
0x36a: {  	[tilespmem:v16+s22+$0x0] =	vst.idx.msk $0xffff, v18  }
0x36b: {  	s4 =	sadd.s32 s3, s4;
	[tilespmem:v60+s22+$0x0] =	vst.idx.msk $0xffff, v21  }
0x36c: {  	s4 =	sshll.u32 s4, $0x7;
	[tilespmem:v61+s22+$0x0] =	vst.idx.msk $0xffff, v20  }
0x36d: {  	s4 =	sand.u32 $0x1FFFFF80, s4;
	[tilespmem:v62+s22+$0x0] =	vst.idx.msk $0xffff, v23  }
0x36e: {  	s4 =	sadd.s32 s2, s4;
	[tilespmem:v63+s22+$0x0] =	vst.idx.msk $0xffff, v17  }
0x36f: {  	[hbm4b:s4+s23] =	stream.strided.scatter [tilespmem:s22], [sflag:$0x4], $0x2000, s24, s23, $0x38;
	[tilespmem:$0x13F00] =	vst v63  }
0x370: {  	s4 =	sadd.s32 $0x7, s19  }
0x371: {  	p1 =	sge.u32 s4, s6  }
0x372: {  	s4 =	sadd.s32 @!p1 s7, s4  }
0x373: {  	s4 =	sshll.u32 @!p1 s4, $0x9  }
0x374: {  	s4 =	sshra.s32 @!p1 s4, $0x2  }
0x375: {  	v16 =	vld @!p1 [tilespmem:s4+$0x0];
	_ =	sdelay $0x4  }
0x376: {  	v16 =	vshra.s32 @!p1 v16, $0x1  }
0x377: {  	[tilespmem:$0xD00] =	vst @!p1 v16  }
0x378: {  	v16 =	vld @!p1 [tilespmem:s4+$0x10];
	_ =	sdelay $0x4  }
0x379: {  	v16 =	vshra.s32 @!p1 v16, $0x1  }
0x37a: {  	[tilespmem:$0xD10] =	vst @!p1 v16  }
0x37b: {  	v16 =	vld @!p1 [tilespmem:s4+$0x20];
	_ =	sdelay $0x4  }
0x37c: {  	v16 =	vshra.s32 @!p1 v16, $0x1  }
0x37d: {  	[tilespmem:$0xD20] =	vst @!p1 v16  }
0x37e: {  	v16 =	vld @!p1 [tilespmem:s4+$0x30];
	_ =	sdelay $0x4  }
0x37f: {  	v16 =	vshra.s32 @!p1 v16, $0x1  }
0x380: {  	[tilespmem:$0xD30] =	vst @!p1 v16  }
0x381: {  	v16 =	vld @!p1 [tilespmem:s4+$0x40];
	_ =	sdelay $0x4  }
0x382: {  	v16 =	vshra.s32 @!p1 v16, $0x1  }
0x383: {  	[tilespmem:$0xD40] =	vst @!p1 v16  }
0x384: {  	v16 =	vld @!p1 [tilespmem:s4+$0x50];
	_ =	sdelay $0x4  }
0x385: {  	v16 =	vshra.s32 @!p1 v16, $0x1  }
0x386: {  	[tilespmem:$0xD50] =	vst @!p1 v16  }
0x387: {  	v16 =	vld @!p1 [tilespmem:s4+$0x60];
	_ =	sdelay $0x4  }
0x388: {  	v16 =	vshra.s32 @!p1 v16, $0x1  }
0x389: {  	[tilespmem:$0xD60] =	vst @!p1 v16  }
0x38a: {  	v16 =	vld @!p1 [tilespmem:s4+$0x70];
	_ =	sdelay $0x4  }
0x38b: {  	v16 =	vshra.s32 @!p1 v16, $0x1  }
0x38c: {  	s10 =	simm.s32 @!p1 $0xD00;
	s11 =	simm.s32 @!p1 $0x4E00;
	s4 =	simm.s32 @!p1 $0x80;
	[tilespmem:$0xD70] =	vst @!p1 v16  }
0x38d: {  	[tilespmem:s11], [sflag:$0x2] =	stream.indirect.gather @!p1 [hbm4b:s5+s4], $0x80, s10, s4, $0xb8;
	[tilespmem:$0x13F00] =	vst v63  }
.LBB2_22:
0x38e: {  	s4 =	sadd.s32 $0x5, s19  }
0x38f: {  	p1 =	sge.u32 s4, s6  }
.Ltmp14:
0x390: {  	_ = 	snop;
	(pc) =	sbr.rel @p1 .LBB2_26-.Ltmp14, $1  }
0x391: {  	_ =	sdelay $0x3  }
0x392: {  	_ =	swait.ge [sflag:s28], $0x4000  }
0x393: {  	[sflag:s28] =	ssyncset.done $0x0  }
0x394: {  	[sflag:s28] =	ssyncadd.s32 $0xFFFFC000  }
0x395: {  	s10 =	sadd.s32 s7, s4;
	_ =	swait.ge [sflag:s30], $0x2000  }
0x396: {  	s10 =	sshll.u32 s10, $0x9;
	[sflag:s30] =	ssyncset.done $0x0  }
0x397: {  	s10 =	sshra.s32 s10, $0x2;
	[sflag:s30] =	ssyncadd.s32 $0xFFFFE000  }
0x398: {  	v16 =	vld [tilespmem:s10+$0x0];
	_ =	sdelay $0x4  }
0x399: {  	s11 =	simm.s32 $0x0;
	v16 =	vshll.u32 v16, $0x6  }
0x39a: {  	v18 =	vadd.s32 s11, v0;
	v17 =	vld [tilespmem:s10+$0x10];
	v16 =	vand.u32 $0x40, v16  }
0x39b: {  	s11 =	simm.s32 $0x1;
	v34 =	vand.u32 $0x3F, v18;
	v26 =	vor.u32 v1, v16  }
0x39c: {  	v16 =	vadd.s32 s11, v0;
	v18 =	vor.u32 v34, v26  }
0x39d: {  	v35 =	vand.u32 $0x3F, v16  }
0x39e: {  	v16 =	vor.u32 v35, v26  }
0x39f: {  	v19 =	vld [tilespmem:s10+$0x20];
	v17 =	vshll.u32 v17, $0x6  }
0x3a0: {  	v20 =	vshll.u32 v34, $0x7;
	v21 =	vld [tilespmem:s10+$0x30];
	v17 =	vand.u32 $0x40, v17  }
0x3a1: {  	v28 =	vor.u32 v2, v17;
	v17 =	vld.idx.msk [tilespmem:v18+s20+$0x0], $0xffff;
	v18 =	vor.u32 v0, v20  }
0x3a2: {  	v22 =	vld [tilespmem:s10+$0x40];
	v24 =	vor.u32 v34, v28;
	v23 =	vshll.u32 v35, $0x7  }
0x3a3: {  	v25 =	vor.u32 v0, v23;
	v16 =	vld.idx.msk [tilespmem:v16+s20+$0x0], $0xffff  }
0x3a4: {  	v27 =	vld [tilespmem:s10+$0x50];
	v29 =	vor.u32 v35, v28  }
0x3a5: {  	v31 =	vld [tilespmem:s10+$0x60];
	v19 =	vshll.u32 v19, $0x6  }
0x3a6: {  	v36 =	vld [tilespmem:s10+$0x70];
	v19 =	vand.u32 $0x40, v19;
	[tilespmem:v18+s26+$0x0] =	vst.idx.msk $0xffff, v17  }
0x3a7: {  	v30 =	vor.u32 v3, v19;
	v19 =	vld.idx.msk [tilespmem:v24+s20+$0x0], $0xffff;
	v24 =	vor.u32 v9, v20  }
0x3a8: {  	s11 =	simm.s32 $0x2;
	[tilespmem:v25+s26+$0x0] =	vst.idx.msk $0xffff, v16;
	v16 =	vor.u32 v34, v30  }
0x3a9: {  	v17 =	vadd.s32 s11, v0;
	s11 =	simm.s32 $0x3;
	v25 =	vld.idx.msk [tilespmem:v29+s20+$0x0], $0xffff;
	v29 =	vor.u32 v9, v23  }
0x3aa: {  	v32 =	vor.u32 v35, v30;
	v17 =	vand.u32 $0x3F, v17;
	v18 =	vadd.s32 s11, v0  }
0x3ab: {  	v21 =	vshll.u32 v21, $0x6;
	v37 =	vor.u32 v17, v26;
	v18 =	vand.u32 $0x3F, v18  }
0x3ac: {  	v22 =	vshll.u32 v22, $0x6;
	v21 =	vand.u32 $0x40, v21;
	[tilespmem:v24+s26+$0x0] =	vst.idx.msk $0xffff, v19;
	v24 =	vor.u32 v18, v26  }
0x3ad: {  	v27 =	vshll.u32 v27, $0x6;
	v33 =	vor.u32 v4, v21;
	v21 =	vor.u32 v10, v20;
	v38 =	vld.idx.msk [tilespmem:v16+s20+$0x0], $0xffff  }
0x3ae: {  	v31 =	vshll.u32 v31, $0x6;
	v27 =	vand.u32 $0x40, v27;
	[tilespmem:v29+s26+$0x0] =	vst.idx.msk $0xffff, v25;
	v25 =	vor.u32 v34, v33  }
0x3af: {  	v50 =	vand.u32 $0x40, v31;
	v39 =	vor.u32 v10, v23;
	v19 =	vshll.u32 v17, $0x7;
	v29 =	vld.idx.msk [tilespmem:v32+s20+$0x0], $0xffff  }
0x3b0: {  	v40 =	vor.u32 v35, v33;
	v37 =	vld.idx.msk [tilespmem:v37+s20+$0x0], $0xffff;
	v41 =	vor.u32 v0, v19;
	v16 =	vshll.u32 v18, $0x7  }
0x3b1: {  	v31 =	vor.u32 v6, v27;
	v42 =	vor.u32 v17, v28;
	v43 =	vor.u32 v0, v16;
	v24 =	vld.idx.msk [tilespmem:v24+s20+$0x0], $0xffff  }
0x3b2: {  	v22 =	vand.u32 $0x40, v22;
	v27 =	vor.u32 v7, v50;
	[tilespmem:v21+s26+$0x0] =	vst.idx.msk $0xffff, v38;
	v21 =	vor.u32 v18, v28  }
0x3b3: {  	v53 =	vor.u32 v34, v31;
	v32 =	vor.u32 v5, v22;
	v22 =	vld.idx.msk [tilespmem:v25+s20+$0x0], $0xffff;
	v25 =	vor.u32 v11, v20  }
0x3b4: {  	v36 =	vshll.u32 v36, $0x6;
	v50 =	vor.u32 v34, v27;
	v54 =	vor.u32 v35, v31;
	[tilespmem:v39+s26+$0x0] =	vst.idx.msk $0xffff, v29  }
0x3b5: {  	v48 =	vor.u32 v11, v23;
	v63 =	vor.u32 v34, v32;
	[tilespmem:v41+s26+$0x0] =	vst.idx.msk $0xffff, v37;
	v29 =	vld.idx.msk [tilespmem:v40+s20+$0x0], $0xffff  }
0x3b6: {  	s11 =	simm.s32 $0x4;
	v51 =	vor.u32 v9, v19;
	v49 =	vor.u32 v35, v32;
	v41 =	vld.idx.msk [tilespmem:v42+s20+$0x0], $0xffff;
	[tilespmem:v43+s26+$0x0] =	vst.idx.msk $0xffff, v24  }
0x3b7: {  	v52 =	vor.u32 v17, v30;
	v45 =	vor.u32 v9, v16;
	v24 =	vadd.s32 s11, v0;
	s11 =	simm.s32 $0x5;
	v44 =	vld.idx.msk [tilespmem:v21+s20+$0x0], $0xffff  }
0x3b8: {  	v21 =	vand.u32 $0x3F, v24;
	v24 =	vadd.s32 s11, v0;
	[tilespmem:v25+s26+$0x0] =	vst.idx.msk $0xffff, v22;
	v22 =	vor.u32 v18, v30  }
0x3b9: {  	v46 =	vor.u32 v12, v23;
	v25 =	vor.u32 v21, v26;
	v24 =	vand.u32 $0x3F, v24  }
0x3ba: {  	v38 =	vld.idx.msk [tilespmem:v63+s20+$0x0], $0xffff;
	[tilespmem:v48+s26+$0x0] =	vst.idx.msk $0xffff, v29;
	v29 =	vor.u32 v12, v20;
	v56 =	vor.u32 v24, v26  }
0x3bb: {  	v57 =	vor.u32 v17, v33;
	v55 =	vor.u32 v10, v19;
	[tilespmem:v51+s26+$0x0] =	vst.idx.msk $0xffff, v41;
	v37 =	vld.idx.msk [tilespmem:v49+s20+$0x0], $0xffff  }
0x3bc: {  	v47 =	vor.u32 v10, v16;
	v43 =	vor.u32 v12, v19;
	v42 =	vld.idx.msk [tilespmem:v52+s20+$0x0], $0xffff;
	[tilespmem:v45+s26+$0x0] =	vst.idx.msk $0xffff, v44  }
0x3bd: {  	v59 =	vor.u32 v21, v28;
	v51 =	vor.u32 v13, v23;
	v45 =	vld.idx.msk [tilespmem:v22+s20+$0x0], $0xffff;
	v22 =	vshll.u32 v21, $0x7  }
0x3be: {  	s11 =	simm.s32 $0x6;
	v49 =	vor.u32 v18, v33;
	v48 =	vld.idx.msk [tilespmem:v25+s20+$0x0], $0xffff;
	v25 =	vshll.u32 v24, $0x7;
	v58 =	vor.u32 v0, v22  }
0x3bf: {  	v36 =	vand.u32 $0x40, v36;
	v62 =	vadd.s32 s11, v0;
	[tilespmem:v29+s26+$0x0] =	vst.idx.msk $0xffff, v38;
	v41 =	vld.idx.msk [tilespmem:v56+s20+$0x0], $0xffff;
	v60 =	vor.u32 v0, v25  }
0x3c0: {  	v61 =	vor.u32 v24, v28;
	v39 =	vld.idx.msk [tilespmem:v53+s20+$0x0], $0xffff;
	[tilespmem:v46+s26+$0x0] =	vst.idx.msk $0xffff, v37;
	v46 =	vor.u32 v13, v20  }
0x3c1: {  	v52 =	vor.u32 v35, v27;
	v63 =	vor.u32 v11, v19;
	[tilespmem:v55+s26+$0x0] =	vst.idx.msk $0xffff, v42;
	v40 =	vld.idx.msk [tilespmem:v54+s20+$0x0], $0xffff  }
0x3c2: {  	v44 =	vor.u32 v14, v23;
	v29 =	vor.u32 v8, v36;
	v53 =	vld.idx.msk [tilespmem:v57+s20+$0x0], $0xffff;
	[tilespmem:v47+s26+$0x0] =	vst.idx.msk $0xffff, v45  }
0x3c3: {  	v56 =	vor.u32 v17, v32;
	v57 =	vor.u32 v11, v16;
	[tilespmem:v58+s26+$0x0] =	vst.idx.msk $0xffff, v48;
	v54 =	vld.idx.msk [tilespmem:v49+s20+$0x0], $0xffff  }
0x3c4: {  	v58 =	vor.u32 v9, v22;
	[tilespmem:v60+s26+$0x0] =	vst.idx.msk $0xffff, v41;
	v55 =	vld.idx.msk [tilespmem:v59+s20+$0x0], $0xffff;
	v59 =	vor.u32 v18, v32  }
0x3c5: {  	v36 =	vor.u32 v17, v31;
	v48 =	vor.u32 v21, v30;
	[tilespmem:v46+s26+$0x0] =	vst.idx.msk $0xffff, v39;
	v47 =	vld.idx.msk [tilespmem:v61+s20+$0x0], $0xffff  }
0x3c6: {  	v37 =	vor.u32 v34, v29;
	v46 =	vor.u32 v14, v20;
	v42 =	vld.idx.msk [tilespmem:v50+s20+$0x0], $0xffff;
	[tilespmem:v51+s26+$0x0] =	vst.idx.msk $0xffff, v40  }
0x3c7: {  	v34 =	vand.u32 $0x3F, v62;
	v38 =	vor.u32 v35, v29;
	[tilespmem:v63+s26+$0x0] =	vst.idx.msk $0xffff, v53;
	v41 =	vld.idx.msk [tilespmem:v52+s20+$0x0], $0xffff  }
0x3c8: {  	v35 =	vor.u32 v34, v26;
	v49 =	vor.u32 v9, v25;
	v39 =	vld.idx.msk [tilespmem:v56+s20+$0x0], $0xffff;
	[tilespmem:v57+s26+$0x0] =	vst.idx.msk $0xffff, v54  }
0x3c9: {  	s10 =	simm.s32 $0x8;
	s11 =	simm.s32 $0x7;
	v45 =	vor.u32 v10, v22;
	v50 =	vor.u32 v24, v30;
	[tilespmem:v58+s26+$0x0] =	vst.idx.msk $0xffff, v55;
	v40 =	vld.idx.msk [tilespmem:v59+s20+$0x0], $0xffff  }
.LBB2_24:
0x3ca: {  	v51 =	vadd.s32 s11, v0;
	v48 =	vld.idx.msk [tilespmem:v48+s20+$0x0], $0xffff;
	v52 =	vor.u32 v12, v16  }
0x3cb: {  	p1 =	slt.u32 s10, $0x3E;
	[tilespmem:v46+s26+$0x0] =	vst.idx.msk $0xffff, v42;
	v53 =	vmovc v18;
	v18 =	vmovc v24;
	v54 =	vmov v17;
	v17 =	vmov v21;
	v21 =	vmov v34  }
0x3cc: {  	v24 =	vand.u32 $0x3F, v51;
	v34 =	vor.u32 v53, v31;
	v37 =	vld.idx.msk [tilespmem:v37+s20+$0x0], $0xffff;
	[tilespmem:v44+s26+$0x0] =	vst.idx.msk $0xffff, v41  }
0x3cd: {  	v42 =	vor.u32 v15, v20;
	v41 =	vor.u32 v24, v26;
	[tilespmem:v49+s26+$0x0] =	vst.idx.msk $0xffff, v47;
	v38 =	vld.idx.msk [tilespmem:v38+s20+$0x0], $0xffff  }
0x3ce: {  	v23 =	vor.u32 v15, v23;
	v44 =	vor.u32 v17, v33;
	v47 =	vor.u32 v54, v27;
	v46 =	vld.idx.msk [tilespmem:v50+s20+$0x0], $0xffff  }
0x3cf: {  	v20 =	vmov v19;
	v49 =	vshll.u32 v21, $0x7;
	v50 =	vor.u32 v10, v25;
	v35 =	vld.idx.msk [tilespmem:v35+s20+$0x0], $0xffff;
	[tilespmem:v43+s26+$0x0] =	vst.idx.msk $0xffff, v39  }
0x3d0: {  	v39 =	vor.u32 v0, v49;
	v43 =	vor.u32 v18, v33;
	v36 =	vld.idx.msk [tilespmem:v36+s20+$0x0], $0xffff;
	[tilespmem:v52+s26+$0x0] =	vst.idx.msk $0xffff, v40  }
0x3d1: {  	v40 =	vor.u32 v21, v28;
	[tilespmem:v45+s26+$0x0] =	vst.idx.msk $0xffff, v48;
	v45 =	vor.u32 v13, v20;
	v34 =	vld.idx.msk [tilespmem:v34+s20+$0x0], $0xffff  }
0x3d2: {  	v19 =	vmov v22;
	v51 =	vor.u32 v13, v16;
	v48 =	vshll.u32 v24, $0x7;
	v41 =	vld.idx.msk [tilespmem:v41+s20+$0x0], $0xffff;
	[tilespmem:v42+s26+$0x0] =	vst.idx.msk $0xffff, v37  }
0x3d3: {  	v22 =	vmov v49;
	v52 =	vor.u32 v53, v27;
	v37 =	vor.u32 v0, v48;
	[tilespmem:v23+s26+$0x0] =	vst.idx.msk $0xffff, v38  }
0x3d4: {  	v38 =	vor.u32 v24, v28;
	v23 =	vmov v16;
	v16 =	vmov v25;
	v55 =	vld.idx.msk [tilespmem:v44+s20+$0x0], $0xffff;
	[tilespmem:v50+s26+$0x0] =	vst.idx.msk $0xffff, v46  }
0x3d5: {  	v49 =	vadd.s32 s10, v0;
	v25 =	vmov v48;
	[tilespmem:v39+s26+$0x0] =	vst.idx.msk $0xffff, v35;
	v35 =	vor.u32 v11, v19;
	v43 =	vld.idx.msk [tilespmem:v43+s20+$0x0], $0xffff  }
0x3d6: {  	v56 =	vor.u32 v11, v16;
	v39 =	vor.u32 v17, v32;
	v40 =	vld.idx.msk [tilespmem:v40+s20+$0x0], $0xffff;
	[tilespmem:v45+s26+$0x0] =	vst.idx.msk $0xffff, v36  }
0x3d7: {  	v57 =	vor.u32 v18, v32;
	v45 =	vor.u32 v9, v22;
	v42 =	vld.idx.msk [tilespmem:v47+s20+$0x0], $0xffff;
	[tilespmem:v51+s26+$0x0] =	vst.idx.msk $0xffff, v34  }
.Ltmp15:
0x3d8: {  	v48 =	vor.u32 v21, v30;
	v46 =	vor.u32 v14, v20;
	[tilespmem:v37+s26+$0x0] =	vst.idx.msk $0xffff, v41;
	v41 =	vld.idx.msk [tilespmem:v52+s20+$0x0], $0xffff;
	(pc) =	sbr.rel @p1 .LBB2_24-.Ltmp15, $4  }
0x3d9: {  	v44 =	vor.u32 v14, v23;
	v36 =	vor.u32 v17, v31;
	v37 =	vor.u32 v54, v29;
	v47 =	vld.idx.msk [tilespmem:v38+s20+$0x0], $0xffff  }
0x3da: {  	v34 =	vand.u32 $0x3F, v49;
	v49 =	vor.u32 v9, v25;
	v38 =	vor.u32 v53, v29;
	[tilespmem:v35+s26+$0x0] =	vst.idx.msk $0xffff, v55  }
0x3db: {  	v50 =	vor.u32 v24, v30;
	v35 =	vor.u32 v34, v26;
	v39 =	vld.idx.msk [tilespmem:v39+s20+$0x0], $0xffff;
	[tilespmem:v56+s26+$0x0] =	vst.idx.msk $0xffff, v43  }
0x3dc: {  	s11 =	sadd.s32 $0x1, s10;
	s10 =	sadd.s32 $0x2, s10;
	v43 =	vor.u32 v12, v19;
	[tilespmem:v45+s26+$0x0] =	vst.idx.msk $0xffff, v40;
	v45 =	vor.u32 v10, v22;
	v40 =	vld.idx.msk [tilespmem:v57+s20+$0x0], $0xffff  }
0x3dd: {  	v51 =	vadd.s32 s11, v0  }
0x3de: {  	v51 =	vand.u32 $0x3F, v51  }
0x3df: {  	v52 =	vor.u32 v51, v26;
	_ =	sdelay $0x2  }
0x3e0: {  	v26 =	vshll.u32 v34, $0x7  }
0x3e1: {  	v53 =	vld.idx.msk [tilespmem:v35+s20+$0x0], $0xffff;
	v35 =	vshll.u32 v51, $0x7;
	v54 =	vor.u32 v0, v26  }
0x3e2: {  	v55 =	vor.u32 v34, v28;
	v56 =	vor.u32 v0, v35;
	v52 =	vld.idx.msk [tilespmem:v52+s20+$0x0], $0xffff  }
0x3e3: {  	v62 =	vor.u32 v51, v28;
	_ =	sdelay $0x2  }
0x3e4: {  	[tilespmem:v54+s26+$0x0] =	vst.idx.msk $0xffff, v53  }
0x3e5: {  	v63 =	vor.u32 v9, v26;
	v53 =	vld.idx.msk [tilespmem:v55+s20+$0x0], $0xffff;
	[tilespmem:v56+s26+$0x0] =	vst.idx.msk $0xffff, v52  }
0x3e6: {  	v57 =	vor.u32 v9, v35;
	v52 =	vor.u32 v34, v30;
	v28 =	vld.idx.msk [tilespmem:v62+s20+$0x0], $0xffff  }
0x3e7: {  	v58 =	vor.u32 v51, v30;
	_ =	sdelay $0x1  }
0x3e8: {  	v59 =	vld.idx.msk [tilespmem:v48+s20+$0x0], $0xffff;
	[tilespmem:v49+s26+$0x0] =	vst.idx.msk $0xffff, v47  }
0x3e9: {  	v60 =	vor.u32 v21, v33;
	v61 =	vor.u32 v10, v25;
	v49 =	vld.idx.msk [tilespmem:v50+s20+$0x0], $0xffff;
	[tilespmem:v63+s26+$0x0] =	vst.idx.msk $0xffff, v53  }
0x3ea: {  	v62 =	vor.u32 v24, v33;
	v63 =	vor.u32 v10, v26;
	v52 =	vld.idx.msk [tilespmem:v52+s20+$0x0], $0xffff;
	[tilespmem:v57+s26+$0x0] =	vst.idx.msk $0xffff, v28  }
0x3eb: {  	[tilespmem:v46+s26+$0x0] =	vst.idx.msk $0xffff, v42;
	v54 =	vor.u32 v34, v33;
	v55 =	vor.u32 v10, v35;
	v30 =	vld.idx.msk [tilespmem:v58+s20+$0x0], $0xffff  }
0x3ec: {  	[tilespmem:v44+s26+$0x0] =	vst.idx.msk $0xffff, v41;
	v56 =	vor.u32 v51, v33  }
0x3ed: {  	[tilespmem:v45+s26+$0x0] =	vst.idx.msk $0xffff, v59;
	v57 =	vor.u32 v12, v16  }
0x3ee: {  	v59 =	vor.u32 v11, v22;
	[tilespmem:v61+s26+$0x0] =	vst.idx.msk $0xffff, v49;
	v58 =	vld.idx.msk [tilespmem:v60+s20+$0x0], $0xffff  }
0x3ef: {  	v61 =	vor.u32 v11, v25;
	v28 =	vld.idx.msk [tilespmem:v62+s20+$0x0], $0xffff;
	v60 =	vor.u32 v21, v32;
	[tilespmem:v63+s26+$0x0] =	vst.idx.msk $0xffff, v52  }
0x3f0: {  	v62 =	vor.u32 v24, v32;
	v63 =	vor.u32 v11, v26;
	v42 =	vld.idx.msk [tilespmem:v54+s20+$0x0], $0xffff;
	[tilespmem:v55+s26+$0x0] =	vst.idx.msk $0xffff, v30  }
0x3f1: {  	v50 =	vor.u32 v34, v32;
	[tilespmem:v43+s26+$0x0] =	vst.idx.msk $0xffff, v39;
	v52 =	vor.u32 v11, v35;
	v33 =	vld.idx.msk [tilespmem:v56+s20+$0x0], $0xffff  }
0x3f2: {  	v20 =	vor.u32 v15, v20;
	v37 =	vld.idx.msk [tilespmem:v37+s20+$0x0], $0xffff;
	v53 =	vor.u32 v51, v32;
	[tilespmem:v57+s26+$0x0] =	vst.idx.msk $0xffff, v40  }
0x3f3: {  	v23 =	vor.u32 v15, v23;
	v38 =	vld.idx.msk [tilespmem:v38+s20+$0x0], $0xffff;
	[tilespmem:v59+s26+$0x0] =	vst.idx.msk $0xffff, v58  }
0x3f4: {  	v54 =	vor.u32 v18, v31;
	[tilespmem:v61+s26+$0x0] =	vst.idx.msk $0xffff, v28;
	v55 =	vld.idx.msk [tilespmem:v60+s20+$0x0], $0xffff;
	v56 =	vor.u32 v12, v22  }
0x3f5: {  	v57 =	vor.u32 v21, v31;
	v58 =	vld.idx.msk [tilespmem:v62+s20+$0x0], $0xffff;
	v59 =	vor.u32 v12, v25;
	[tilespmem:v63+s26+$0x0] =	vst.idx.msk $0xffff, v42  }
0x3f6: {  	v61 =	vor.u32 v12, v26;
	v60 =	vor.u32 v24, v31;
	v39 =	vld.idx.msk [tilespmem:v50+s20+$0x0], $0xffff;
	[tilespmem:v52+s26+$0x0] =	vst.idx.msk $0xffff, v33  }
0x3f7: {  	[tilespmem:v20+s26+$0x0] =	vst.idx.msk $0xffff, v37;
	v62 =	vor.u32 v34, v31;
	v63 =	vor.u32 v12, v35;
	v32 =	vld.idx.msk [tilespmem:v53+s20+$0x0], $0xffff  }
0x3f8: {  	v48 =	vor.u32 v13, v19;
	v36 =	vld.idx.msk [tilespmem:v36+s20+$0x0], $0xffff;
	[tilespmem:v23+s26+$0x0] =	vst.idx.msk $0xffff, v38;
	v49 =	vor.u32 v51, v31  }
0x3f9: {  	v50 =	vor.u32 v17, v27;
	v52 =	vld.idx.msk [tilespmem:v54+s20+$0x0], $0xffff;
	[tilespmem:v56+s26+$0x0] =	vst.idx.msk $0xffff, v55;
	v53 =	vor.u32 v13, v16  }
0x3fa: {  	[tilespmem:v59+s26+$0x0] =	vst.idx.msk $0xffff, v58;
	v54 =	vor.u32 v18, v27;
	v55 =	vor.u32 v13, v22;
	v41 =	vld.idx.msk [tilespmem:v57+s20+$0x0], $0xffff  }
0x3fb: {  	v56 =	vor.u32 v21, v27;
	v30 =	vld.idx.msk [tilespmem:v60+s20+$0x0], $0xffff;
	v57 =	vor.u32 v13, v25;
	[tilespmem:v61+s26+$0x0] =	vst.idx.msk $0xffff, v39  }
0x3fc: {  	v58 =	vor.u32 v24, v27;
	v59 =	vor.u32 v13, v26;
	v20 =	vld.idx.msk [tilespmem:v62+s20+$0x0], $0xffff;
	[tilespmem:v63+s26+$0x0] =	vst.idx.msk $0xffff, v32  }
0x3fd: {  	[tilespmem:v48+s26+$0x0] =	vst.idx.msk $0xffff, v36;
	v60 =	vor.u32 v34, v27;
	v61 =	vor.u32 v13, v35;
	v23 =	vld.idx.msk [tilespmem:v49+s20+$0x0], $0xffff  }
0x3fe: {  	v31 =	vld.idx.msk [tilespmem:v50+s20+$0x0], $0xffff;
	v62 =	vor.u32 v14, v19;
	[tilespmem:v53+s26+$0x0] =	vst.idx.msk $0xffff, v52;
	v63 =	vor.u32 v51, v27  }
0x3ff: {  	v46 =	vor.u32 v14, v16;
	v17 =	vor.u32 v17, v29;
	[tilespmem:v55+s26+$0x0] =	vst.idx.msk $0xffff, v41;
	v28 =	vld.idx.msk [tilespmem:v54+s20+$0x0], $0xffff  }
0x400: {  	v47 =	vor.u32 v18, v29;
	[tilespmem:v57+s26+$0x0] =	vst.idx.msk $0xffff, v30;
	v48 =	vld.idx.msk [tilespmem:v56+s20+$0x0], $0xffff;
	v49 =	vor.u32 v14, v22  }
0x401: {  	v50 =	vor.u32 v21, v29;
	v52 =	vor.u32 v14, v25;
	v33 =	vld.idx.msk [tilespmem:v58+s20+$0x0], $0xffff;
	[tilespmem:v59+s26+$0x0] =	vst.idx.msk $0xffff, v20  }
0x402: {  	v53 =	vor.u32 v24, v29;
	v55 =	vor.u32 v14, v26;
	v54 =	vld.idx.msk [tilespmem:v60+s20+$0x0], $0xffff;
	[tilespmem:v61+s26+$0x0] =	vst.idx.msk $0xffff, v23  }
0x403: {  	v57 =	vor.u32 v14, v35;
	v56 =	vor.u32 v34, v29;
	[tilespmem:v62+s26+$0x0] =	vst.idx.msk $0xffff, v31;
	v27 =	vld.idx.msk [tilespmem:v63+s20+$0x0], $0xffff  }
0x404: {  	v58 =	vor.u32 v15, v19;
	v59 =	vor.u32 v51, v29;
	v17 =	vld.idx.msk [tilespmem:v17+s20+$0x0], $0xffff;
	[tilespmem:v46+s26+$0x0] =	vst.idx.msk $0xffff, v28  }
0x405: {  	v16 =	vor.u32 v15, v16;
	[tilespmem:v49+s26+$0x0] =	vst.idx.msk $0xffff, v48;
	v18 =	vld.idx.msk [tilespmem:v47+s20+$0x0], $0xffff  }
0x406: {  	v60 =	vor.u32 v15, v22;
	[tilespmem:v52+s26+$0x0] =	vst.idx.msk $0xffff, v33;
	v21 =	vld.idx.msk [tilespmem:v50+s20+$0x0], $0xffff  }
0x407: {  	v61 =	vor.u32 v15, v25;
	v20 =	vld.idx.msk [tilespmem:v53+s20+$0x0], $0xffff;
	[tilespmem:v55+s26+$0x0] =	vst.idx.msk $0xffff, v54  }
0x408: {  	v62 =	vor.u32 v15, v26;
	v23 =	vld.idx.msk [tilespmem:v56+s20+$0x0], $0xffff;
	[tilespmem:v57+s26+$0x0] =	vst.idx.msk $0xffff, v27  }
0x409: {  	v63 =	vor.u32 v15, v35;
	[tilespmem:v58+s26+$0x0] =	vst.idx.msk $0xffff, v17;
	v17 =	vld.idx.msk [tilespmem:v59+s20+$0x0], $0xffff  }
0x40a: {  	[tilespmem:v16+s26+$0x0] =	vst.idx.msk $0xffff, v18  }
0x40b: {  	s4 =	sadd.s32 s3, s4;
	[tilespmem:v60+s26+$0x0] =	vst.idx.msk $0xffff, v21  }
0x40c: {  	s4 =	sshll.u32 s4, $0x7;
	[tilespmem:v61+s26+$0x0] =	vst.idx.msk $0xffff, v20  }
0x40d: {  	s4 =	sand.u32 $0x1FFFFF80, s4;
	[tilespmem:v62+s26+$0x0] =	vst.idx.msk $0xffff, v23  }
0x40e: {  	s4 =	sadd.s32 s2, s4;
	[tilespmem:v63+s26+$0x0] =	vst.idx.msk $0xffff, v17  }
0x40f: {  	[hbm4b:s4+s23] =	stream.strided.scatter [tilespmem:s26], [sflag:$0x5], $0x2000, s24, s23, $0x38;
	[tilespmem:$0x13F00] =	vst v63  }
0x410: {  	s4 =	sadd.s32 $0x8, s19  }
0x411: {  	p1 =	sge.u32 s4, s6  }
0x412: {  	s4 =	sadd.s32 @!p1 s7, s4  }
0x413: {  	s4 =	sshll.u32 @!p1 s4, $0x9  }
0x414: {  	s4 =	sshra.s32 @!p1 s4, $0x2  }
0x415: {  	v16 =	vld @!p1 [tilespmem:s4+$0x0];
	_ =	sdelay $0x4  }
0x416: {  	v16 =	vshra.s32 @!p1 v16, $0x1  }
0x417: {  	[tilespmem:$0xD80] =	vst @!p1 v16  }
0x418: {  	v16 =	vld @!p1 [tilespmem:s4+$0x10];
	_ =	sdelay $0x4  }
0x419: {  	v16 =	vshra.s32 @!p1 v16, $0x1  }
0x41a: {  	[tilespmem:$0xD90] =	vst @!p1 v16  }
0x41b: {  	v16 =	vld @!p1 [tilespmem:s4+$0x20];
	_ =	sdelay $0x4  }
0x41c: {  	v16 =	vshra.s32 @!p1 v16, $0x1  }
0x41d: {  	[tilespmem:$0xDA0] =	vst @!p1 v16  }
0x41e: {  	v16 =	vld @!p1 [tilespmem:s4+$0x30];
	_ =	sdelay $0x4  }
0x41f: {  	v16 =	vshra.s32 @!p1 v16, $0x1  }
0x420: {  	[tilespmem:$0xDB0] =	vst @!p1 v16  }
0x421: {  	v16 =	vld @!p1 [tilespmem:s4+$0x40];
	_ =	sdelay $0x4  }
0x422: {  	v16 =	vshra.s32 @!p1 v16, $0x1  }
0x423: {  	[tilespmem:$0xDC0] =	vst @!p1 v16  }
0x424: {  	v16 =	vld @!p1 [tilespmem:s4+$0x50];
	_ =	sdelay $0x4  }
0x425: {  	v16 =	vshra.s32 @!p1 v16, $0x1  }
0x426: {  	[tilespmem:$0xDD0] =	vst @!p1 v16  }
0x427: {  	v16 =	vld @!p1 [tilespmem:s4+$0x60];
	_ =	sdelay $0x4  }
0x428: {  	v16 =	vshra.s32 @!p1 v16, $0x1  }
0x429: {  	[tilespmem:$0xDE0] =	vst @!p1 v16  }
0x42a: {  	v16 =	vld @!p1 [tilespmem:s4+$0x70];
	_ =	sdelay $0x2  }
.Ltmp16:
0x42b: {  	_ = 	snop;
	(pc) =	sbr.rel .LBB2_26-.Ltmp16, $4  }
0x42c: {  	_ = 	snop  }
0x42d: {  	v16 =	vshra.s32 @!p1 v16, $0x1  }
0x42e: {  	s10 =	simm.s32 @!p1 $0xD80;
	s11 =	simm.s32 @!p1 $0x8E00;
	s4 =	simm.s32 @!p1 $0x80;
	[tilespmem:$0xDF0] =	vst @!p1 v16  }
0x42f: {  	[tilespmem:s11], [sflag:$0x3] =	stream.indirect.gather @!p1 [hbm4b:s5+s4], $0x80, s10, s4, $0xb8;
	[tilespmem:$0x13F00] =	vst v63  }
.LBB2_27:
0x430: {  	_ =	swait.ge [sflag:s29], $0x2000  }
.Ltmp17:
0x431: {  	[sflag:s29] =	ssyncset.done $0x0;
	(pc) =	sbr.rel @p0 .LBB2_31-.Ltmp17, $4  }
0x432: {  	[sflag:s29] =	ssyncadd.s32 $0xFFFFE000  }
0x433: {  	_ =	swait.ge [sflag:s30], $0x2000  }
0x434: {  	[sflag:s30] =	ssyncset.done $0x0  }
0x435: {  	[sflag:s30] =	ssyncadd.s32 $0xFFFFE000  }
0x436: {  	s4 =	simm.s32 $0x0;
	s10 =	rddreg [dreg:$0x3];
	s11 =	simm.s32 $0x10E00  }
0x437: {  	[tilespmem:s11], [sflag:$0x7] =	stream.linear.gather [hbm4b:s10+s4], $0x20, $0x38;
	[tilespmem:$0x13F00] =	vst v63  }
0x438: {  	_ =	swait.ge [sflag:s13], $0x20  }
0x439: {  	[sflag:s13] =	ssyncset.done $0x0  }
0x43a: {  	[sflag:s13] =	ssyncadd.s32 $0xFFFFFFE0  }
0x43b: {  	v16 =	vld [tilespmem:$0x10E00]  }
0x43c: {  	v17 =	vld [tilespmem:$0x10E10];
	_ =	sdelay $0x3  }
0x43d: {  	v16 =	vshra.s32 v16, $0x1  }
0x43e: {  	[tilespmem:$0x10E80] =	vst v16;
	v16 =	vshra.s32 v17, $0x1  }
0x43f: {  	s17 =	simm.s32 $0x10E80;
	s11 =	simm.s32 $0x20;
	[tilespmem:$0x10E90] =	vst v16  }
0x440: {  	[tilespmem:s31], [sflag:$0x6] =	stream.indirect.gather [hbm4b:s5+s11], $0x80, s17, s11, $0xb8;
	[tilespmem:$0x13F00] =	vst v63  }
0x441: {  	_ =	swait.ge [sflag:s1], $0x1000  }
0x442: {  	[sflag:s1] =	ssyncset.done $0x0  }
0x443: {  	[sflag:s1] =	ssyncadd.s32 $0xFFFFF000  }
0x444: {  	v16 =	vld [tilespmem:$0x10E00];
	_ =	sdelay $0x4  }
0x445: {  	v16 =	vshll.u32 v16, $0x6  }
0x446: {  	v18 =	vadd.s32 s4, v0;
	v17 =	vld [tilespmem:$0x10E10];
	v16 =	vand.u32 $0x40, v16  }
0x447: {  	s19 =	simm.s32 $0x1;
	v18 =	vand.u32 $0x3F, v18;
	v16 =	vor.u32 v1, v16  }
0x448: {  	v20 =	vadd.s32 s19, v0;
	v19 =	vor.u32 v18, v16  }
0x449: {  	v20 =	vand.u32 $0x3F, v20  }
0x44a: {  	s10 =	simm.s32 $0x2;
	v22 =	vor.u32 v20, v16  }
0x44b: {  	v21 =	vadd.s32 s10, v0;
	v26 =	vshll.u32 v18, $0x7;
	v17 =	vshll.u32 v17, $0x6  }
0x44c: {  	v23 =	vand.u32 $0x3F, v21;
	v27 =	vor.u32 v0, v26;
	s11 =	simm.s32 $0x3;
	v17 =	vand.u32 $0x40, v17  }
0x44d: {  	v21 =	vadd.s32 s11, v0;
	v17 =	vor.u32 v2, v17;
	v25 =	vor.u32 v23, v16;
	v19 =	vld.idx.msk [tilespmem:v19+s31+$0x0], $0xffff  }
0x44e: {  	v21 =	vand.u32 $0x3F, v21;
	v29 =	vor.u32 v18, v17;
	v18 =	vshll.u32 v20, $0x7  }
0x44f: {  	v31 =	vor.u32 v21, v16;
	v34 =	vor.u32 v0, v18;
	v30 =	vld.idx.msk [tilespmem:v22+s31+$0x0], $0xffff  }
0x450: {  	s17 =	simm.s32 $0x4;
	v35 =	vor.u32 v20, v17  }
0x451: {  	v20 =	vadd.s32 s17, v0  }
0x452: {  	s19 =	simm.s32 $0x5;
	v24 =	vand.u32 $0x3F, v20;
	v20 =	vor.u32 v23, v17;
	v22 =	vld.idx.msk [tilespmem:v25+s31+$0x0], $0xffff;
	[tilespmem:v27+s0+$0x0] =	vst.idx.msk $0xffff, v19;
	v27 =	vshll.u32 v23, $0x7  }
0x453: {  	v28 =	vor.u32 v24, v16;
	v23 =	vadd.s32 s19, v0;
	v19 =	vld.idx.msk [tilespmem:v29+s31+$0x0], $0xffff;
	v29 =	vor.u32 v0, v27  }
0x454: {  	v26 =	vor.u32 v9, v26;
	v32 =	vshll.u32 v21, $0x7;
	v25 =	vld.idx.msk [tilespmem:v31+s31+$0x0], $0xffff;
	[tilespmem:v34+s0+$0x0] =	vst.idx.msk $0xffff, v30;
	v33 =	vand.u32 $0x3F, v23  }
0x455: {  	s4 =	simm.s32 $0x6;
	v30 =	vor.u32 v0, v32;
	v23 =	vld.idx.msk [tilespmem:v35+s31+$0x0], $0xffff;
	v31 =	vor.u32 v33, v16  }
.LBB2_29:
0x456: {  	v34 =	vadd.s32 s4, v0;
	v35 =	vor.u32 v21, v17;
	v36 =	vor.u32 v9, v18;
	v37 =	vmovc v27;
	v21 =	vmovc v33;
	p1 =	slt.u32 s4, $0x3E  }
.Ltmp18:
0x457: {  	v18 =	vmov v32;
	v33 =	vand.u32 $0x3F, v34;
	v34 =	vor.u32 v24, v17;
	(pc) =	sbr.rel @p1 .LBB2_29-.Ltmp18, $4  }
0x458: {  	s10 =	sadd.s32 $0x1, s4;
	s4 =	sadd.s32 $0x2, s4;
	v27 =	vshll.u32 v24, $0x7;
	[tilespmem:v29+s0+$0x0] =	vst.idx.msk $0xffff, v22;
	v22 =	vld.idx.msk [tilespmem:v28+s31+$0x0], $0xffff;
	v28 =	vor.u32 v33, v16;
	v24 =	vmov v33  }
0x459: {  	v32 =	vadd.s32 s10, v0;
	v29 =	vor.u32 v0, v27;
	[tilespmem:v26+s0+$0x0] =	vst.idx.msk $0xffff, v19;
	v19 =	vld.idx.msk [tilespmem:v20+s31+$0x0], $0xffff;
	v20 =	vmov v34  }
0x45a: {  	v33 =	vand.u32 $0x3F, v32;
	v32 =	vshll.u32 v21, $0x7;
	v26 =	vor.u32 v9, v37;
	[tilespmem:v30+s0+$0x0] =	vst.idx.msk $0xffff, v25;
	v25 =	vld.idx.msk [tilespmem:v31+s31+$0x0], $0xffff  }
0x45b: {  	v31 =	vor.u32 v33, v16;
	v30 =	vor.u32 v0, v32;
	[tilespmem:v36+s0+$0x0] =	vst.idx.msk $0xffff, v23;
	v23 =	vld.idx.msk [tilespmem:v35+s31+$0x0], $0xffff  }
0x45c: {  	_ =	sdelay $0x2  }
0x45d: {  	v16 =	vshll.u32 v24, $0x7  }
0x45e: {  	v21 =	vor.u32 v21, v17;
	v28 =	vld.idx.msk [tilespmem:v28+s31+$0x0], $0xffff;
	v35 =	vshll.u32 v33, $0x7;
	v34 =	vor.u32 v0, v16  }
0x45f: {  	v60 =	vor.u32 v24, v17;
	v31 =	vld.idx.msk [tilespmem:v31+s31+$0x0], $0xffff;
	v36 =	vor.u32 v0, v35  }
0x460: {  	v17 =	vor.u32 v33, v17  }
0x461: {  	v18 =	vor.u32 v9, v18;
	[tilespmem:v29+s0+$0x0] =	vst.idx.msk $0xffff, v22  }
0x462: {  	v61 =	vor.u32 v9, v27;
	v20 =	vld.idx.msk [tilespmem:v20+s31+$0x0], $0xffff;
	[tilespmem:v30+s0+$0x0] =	vst.idx.msk $0xffff, v25  }
0x463: {  	v62 =	vor.u32 v9, v32;
	v21 =	vld.idx.msk [tilespmem:v21+s31+$0x0], $0xffff;
	[tilespmem:v34+s0+$0x0] =	vst.idx.msk $0xffff, v28  }
0x464: {  	v16 =	vor.u32 v9, v16;
	[tilespmem:v36+s0+$0x0] =	vst.idx.msk $0xffff, v31;
	v24 =	vld.idx.msk [tilespmem:v60+s31+$0x0], $0xffff  }
0x465: {  	v63 =	vor.u32 v9, v35;
	[tilespmem:v26+s0+$0x0] =	vst.idx.msk $0xffff, v19;
	v17 =	vld.idx.msk [tilespmem:v17+s31+$0x0], $0xffff  }
0x466: {  	[tilespmem:v18+s0+$0x0] =	vst.idx.msk $0xffff, v23  }
0x467: {  	[tilespmem:v61+s0+$0x0] =	vst.idx.msk $0xffff, v20  }
0x468: {  	[tilespmem:v62+s0+$0x0] =	vst.idx.msk $0xffff, v21  }
0x469: {  	[tilespmem:v16+s0+$0x0] =	vst.idx.msk $0xffff, v24  }
0x46a: {  	[tilespmem:v63+s0+$0x0] =	vst.idx.msk $0xffff, v17  }
.Ltmp19:
0x46b: {  	s4 =	rddreg [dreg:$0x4];
	(pc) =	sbr.rel .LBB2_31-.Ltmp19, $4  }
0x46c: {  	[hbm4b:s4+s23] =	stream.strided.scatter [tilespmem:s0], [sflag:$0x7], $0x2000, s24, s23, $0x38;
	[tilespmem:$0x13F00] =	vst v63  }
0x46d: {  	_ =	swait.ge [sflag:s13], $0x2000  }
0x46e: {  	[sflag:s13] =	ssyncset.done $0x0  }
0x46f: {  	[sflag:s13] =	ssyncadd.s32 $0xFFFFE000  }
.LBB2_32:
0x470: {  	_ =	sfence.sel $0x180000  }
0x471: {  	[bflag:$0x0] =	sbarrier.arrive $0xFFFF  }
0x472: {  	_ =	strace $0x9000004A  }
0x473: {  	s0 =	stileid.u32;
	[bflag:$0x2] =	sbarrier.arrive $0xFFFF  }
0x474: {  	p0 =	sne.s32 s0, $0x0;
	s0 =	rddreg [dreg:$0x2]  }
0x475: {  	s0 =	sadd.s32 @!p0 $0x100000, s0  }
0x476: {  	[sflag:s0] =	ssyncadd.tile.s32 @!p0 $0x1;
	_ =	shalt  }
.Lfunc_end2:
_tile_overlayer_lowered:
.L_overlay_start_2:
0x477: {  	(tag) =	ssettag $0x2  }
0x478: {  	s0 =	rddreg [dreg:$0x0];
	s2 =	stileid.u32  }
0x479: {  	s1 =	rddreg [dreg:$0x1];
	p0 =	sne.s32 s2, $0x0  }
0x47a: {  	s3 =	rddreg [dreg:$0x2];
	[bflag:$0x3] =	sbarrier.arrive $0xFFFF;
	s2 =	simm.s32 @!p0 $0x1C07  }
0x47b: {  	[timem:s3], [sflag:s2] =	dma.local @!p0 [hbm:s0], s1  }
0x47c: {  	s0 =	simm.s32 @!p0 $0x7  }
0x47d: {  	_ =	swait.ge @!p0 [sflag:s0], s1  }
0x47e: {  	s1 =	ssub.s32 @!p0 $0x0, s1;
	[sflag:s0] =	ssyncset.done @!p0 $0x0  }
0x47f: {  	[sflag:s0] =	ssyncadd.s32 @!p0 s1  }
0x480: {  	[bflag:$0x3] =	sbarrier.arrive $0xFFFF  }
0x481: {  	_ =	shalt  }

</sc_bundles>
